<compile_context>
chip_gen: v7x
topology: tpu7x:2x2x1
jax: 0.10.2.dev20260603
libtpu: 0.0.44.dev20260713+nightly
codegen_flags: <defaults>
</compile_context>

<pallas_src>
import functools

import jax
import jax.numpy as jnp
from jax import lax
from jax.experimental import pallas as pl
from jax.experimental.pallas import tpu as pltpu
from jax.experimental.pallas import tpu_sc as plsc

N = 10000
E = 160000
NPAD = 10240
NC, NS = 2, 16
NW = NC * NS
BE = 128
EPAD = 163840
NB = EPAD // (NW * BE)
RPT = NPAD // NS

MB = 400
D_X, PE, D_IN, H, OUT = 256, 16, 272, 512, 17
OUTP = 32



def _seg_sum(specs, src3, dst3, tc_tiling=True):
    mesh = plsc.VectorSubcoreMesh(
        core_axis_name="c", subcore_axis_name="s",
        num_cores=NC, num_subcores=NS)
    shapes = [(t.shape[0], t.shape[2]) for t, _ in specs]
    out_type = [jax.ShapeDtypeStruct((nc_, NC, NPAD, w), jnp.float32)
                for nc_, w in shapes]
    scratch = [
        pltpu.VMEM((NB, BE), jnp.int32),
        pltpu.VMEM((NB, BE), jnp.int32),
        pltpu.SemaphoreType.DMA,
        pltpu.SemaphoreType.DMA,
    ]
    for _, w in shapes:
        scratch.append(pltpu.VMEM((BE, w), jnp.float32))
        scratch.append(pltpu.VMEM((BE, w), jnp.float32))
        scratch.append(pltpu.VMEM_SHARED((NPAD, w), jnp.float32))

    @functools.partial(pl.kernel, out_type=out_type, mesh=mesh,
                       scratch_types=scratch,
                       compiler_params=pltpu.CompilerParams(
                           use_tc_tiling_on_sc=tc_tiling))
    def k(*refs):
        nt = len(specs)
        tabs = refs[:nt]
        src_h, dst_h = refs[nt], refs[nt + 1]
        zs = refs[nt + 2:2 * nt + 2]
        outs = refs[2 * nt + 2:3 * nt + 2]
        src_v, dst_v, sem0, sem1 = refs[3 * nt + 2:3 * nt + 6]
        bufs = refs[3 * nt + 6:]
        core = lax.axis_index("c")
        sub = lax.axis_index("s")
        wid = sub * NC + core
        pltpu.sync_copy(src_h.at[wid], src_v)
        pltpu.sync_copy(dst_h.at[wid], dst_v)
        for t, (nchunk, _) in enumerate(shapes):
            rows0, rows1 = bufs[3 * t], bufs[3 * t + 1]
            acc = bufs[3 * t + 2]
            z_h, out_t = zs[t], outs[t]
            for c in range(nchunk):
                tab = tabs[t].at[c]
                pltpu.sync_copy(z_h, acc.at[pl.ds(sub * RPT, RPT)])
                plsc.subcore_barrier()
                pltpu.async_copy(tab.at[src_v.at[0]], rows0, sem0)

                def body(jj, carry):
                    j = jj * 2
                    pltpu.async_copy(tab.at[src_v.at[j + 1]], rows1, sem1)
                    pltpu.make_async_copy(tab.at[src_v.at[j]], rows0,
                                          sem0).wait()
                    pltpu.sync_copy(rows0, acc.at[dst_v.at[j]], add=True)

                    @pl.when(j + 2 < NB)
                    def _():
                        pltpu.async_copy(tab.at[src_v.at[j + 2]], rows0, sem0)

                    pltpu.make_async_copy(tab.at[src_v.at[j + 1]], rows1,
                                          sem1).wait()
                    pltpu.sync_copy(rows1, acc.at[dst_v.at[j + 1]], add=True)
                    return carry

                lax.fori_loop(0, NB // 2, body, 0)
                plsc.subcore_barrier()
                pltpu.sync_copy(acc.at[pl.ds(sub * RPT, RPT)],
                                out_t.at[c].at[core].at[pl.ds(sub * RPT,
                                                              RPT)])

    args = [t for t, _ in specs] + [src3, dst3] + [z for _, z in specs]
    return k(*args)



def _layer0_kernel(a2_ref, a32_ref, x_ref, pe_ref, wl_ref, bl_ref,
                   wr_ref, h1_ref, invd_ref):
    bf = jnp.bfloat16
    deg = a32_ref[0, :, 16:17] + a32_ref[1, :, 16:17]
    invd = 1.0 / jnp.maximum(deg, 1.0)
    agg0 = (a2_ref[0, 0] + a2_ref[0, 1]).astype(bf)
    agg1 = (a2_ref[1, 0] + a2_ref[1, 1]).astype(bf)
    aggpe = (a32_ref[0, :, :16] + a32_ref[1, :, :16]).astype(bf)
    acc = jnp.dot(agg0, wl_ref[0:128], preferred_element_type=jnp.float32)
    acc += jnp.dot(agg1, wl_ref[128:256], preferred_element_type=jnp.float32)
    acc += jnp.dot(aggpe, wl_ref[256:272], preferred_element_type=jnp.float32)
    acc = acc * invd + bl_ref[0]
    acc += jnp.dot(x_ref[...].astype(bf), wr_ref[0:256],
                   preferred_element_type=jnp.float32)
    acc += jnp.dot(pe_ref[...].astype(bf), wr_ref[256:272],
                   preferred_element_type=jnp.float32)
    h = jnp.maximum(acc, 0.0)
    for c in range(4):
        h1_ref[c] = h[:, c * 128:(c + 1) * 128]
    invd_ref[...] = invd


def _layer0(a2, a32, x, pe, wl0t, bl0, wr0t):
    grid = (N // MB,)
    return pl.pallas_call(
        _layer0_kernel,
        grid=grid,
        in_specs=[
            pl.BlockSpec((2, 2, MB, 128), lambda i: (0, 0, i, 0)),
            pl.BlockSpec((2, MB, 32), lambda i: (0, i, 0)),
            pl.BlockSpec((MB, D_X), lambda i: (i, 0)),
            pl.BlockSpec((MB, PE), lambda i: (i, 0)),
            pl.BlockSpec((D_IN, H), lambda i: (0, 0)),
            pl.BlockSpec((1, H), lambda i: (0, 0)),
            pl.BlockSpec((D_IN, H), lambda i: (0, 0)),
        ],
        out_specs=[
            pl.BlockSpec((4, MB, 128), lambda i: (0, i, 0)),
            pl.BlockSpec((MB, 1), lambda i: (i, 0)),
        ],
        out_shape=[
            jax.ShapeDtypeStruct((4, N, 128), jnp.float32),
            jax.ShapeDtypeStruct((N, 1), jnp.float32),
        ],
    )(a2, a32, x, pe, wl0t, bl0, wr0t)


def _layer1_kernel(ah_ref, invd_ref, h1_ref, wl_ref, bl_ref, wr_ref,
                   wl2_ref, wr2_ref, bl2_ref, p2_ref, r2_ref):
    bf = jnp.bfloat16
    invd = invd_ref[...]
    agg = jnp.concatenate([ah_ref[c, 0] + ah_ref[c, 1] for c in range(4)],
                          axis=1) * invd
    h1 = jnp.concatenate([h1_ref[c] for c in range(4)], axis=1)
    h2 = jnp.dot(agg.astype(bf), wl_ref[...], preferred_element_type=jnp.float32)
    h2 += bl_ref[0]
    h2 += jnp.dot(h1.astype(bf), wr_ref[...], preferred_element_type=jnp.float32)
    h2 = jnp.maximum(h2, 0.0).astype(bf)
    p2_ref[...] = jnp.dot(h2, wl2_ref[...], preferred_element_type=jnp.float32)
    r2_ref[...] = jnp.dot(h2, wr2_ref[...],
                          preferred_element_type=jnp.float32) + bl2_ref[0]


def _layer1(ah, invd, h1c, wl1t, bl1, wr1t, wl2pt, wr2pt, bl2p):
    grid = (N // MB,)
    return pl.pallas_call(
        _layer1_kernel,
        grid=grid,
        in_specs=[
            pl.BlockSpec((4, 2, MB, 128), lambda i: (0, 0, i, 0)),
            pl.BlockSpec((MB, 1), lambda i: (i, 0)),
            pl.BlockSpec((4, MB, 128), lambda i: (0, i, 0)),
            pl.BlockSpec((H, H), lambda i: (0, 0)),
            pl.BlockSpec((1, H), lambda i: (0, 0)),
            pl.BlockSpec((H, H), lambda i: (0, 0)),
            pl.BlockSpec((H, OUTP), lambda i: (0, 0)),
            pl.BlockSpec((H, OUTP), lambda i: (0, 0)),
            pl.BlockSpec((1, OUTP), lambda i: (0, 0)),
        ],
        out_specs=[
            pl.BlockSpec((MB, OUTP), lambda i: (i, 0)),
            pl.BlockSpec((MB, OUTP), lambda i: (i, 0)),
        ],
        out_shape=[
            jax.ShapeDtypeStruct((N, OUTP), jnp.float32),
            jax.ShapeDtypeStruct((N, OUTP), jnp.float32),
        ],
    )(ah, invd, h1c, wl1t, bl1, wr1t, wl2pt, wr2pt, bl2p)


def _head_kernel(ap_ref, invd_ref, r2_ref, o1_ref, o2_ref):
    maps = (ap_ref[0] + ap_ref[1]) * invd_ref[...] + r2_ref[...]
    o1_ref[...] = jnp.tanh(maps[:, :16])
    o2_ref[...] = jnp.minimum(jnp.exp(maps[:, 16:17]), 10.0)


def _head(ap, invd, r2):
    grid = (N // MB,)
    return pl.pallas_call(
        _head_kernel,
        grid=grid,
        in_specs=[
            pl.BlockSpec((2, MB, OUTP), lambda i: (0, i, 0)),
            pl.BlockSpec((MB, 1), lambda i: (i, 0)),
            pl.BlockSpec((MB, OUTP), lambda i: (i, 0)),
        ],
        out_specs=[
            pl.BlockSpec((MB, 16), lambda i: (i, 0)),
            pl.BlockSpec((MB, 1), lambda i: (i, 0)),
        ],
        out_shape=[
            jax.ShapeDtypeStruct((N, 16), jnp.float32),
            jax.ShapeDtypeStruct((N, 1), jnp.float32),
        ],
    )(ap, invd, r2)



def kernel(x, pe, edge_index, Wl0, bl0, Wr0, Wl1, bl1, Wr1, Wl2, bl2, Wr2):
    f32 = jnp.float32
    bf = jnp.bfloat16
    src = edge_index[0]
    dst = edge_index[1]
    npe = EPAD - E
    pad_src = jnp.arange(npe, dtype=jnp.int32) % N
    pad_dst = jnp.full((npe,), NPAD - 1, jnp.int32)
    src3 = jnp.concatenate([src, pad_src]).reshape(NW, NB, BE)
    dst3 = jnp.concatenate([dst, pad_dst]).reshape(NW, NB, BE)

    t2 = jnp.stack([x[:, :128], x[:, 128:]])
    t32 = jnp.concatenate([pe, jnp.ones((N, 1), f32),
                           jnp.zeros((N, 15), f32)], axis=1)[None]
    z128 = jnp.zeros((RPT, 128), f32)
    z32 = jnp.zeros((RPT, 32), f32)

    wl0t, wr0t = Wl0.T.astype(bf), Wr0.T.astype(bf)
    wl1t, wr1t = Wl1.T.astype(bf), Wr1.T.astype(bf)
    wl2pt = jnp.zeros((H, OUTP), f32).at[:, :OUT].set(Wl2.T).astype(bf)
    wr2pt = jnp.zeros((H, OUTP), f32).at[:, :OUT].set(Wr2.T).astype(bf)
    bl2p = jnp.zeros((1, OUTP), f32).at[0, :OUT].set(bl2)

    (a32,) = _seg_sum([(t32, z32)], src3, dst3, tc_tiling=False)
    (a2,) = _seg_sum([(t2, z128)], src3, dst3)
    h1c, invd = _layer0(a2, a32[0], x, pe, wl0t, bl0[None], wr0t)

    (ah,) = _seg_sum([(h1c, z128)], src3, dst3)
    p2, r2 = _layer1(ah, invd, h1c, wl1t, bl1[None], wr1t, wl2pt, wr2pt, bl2p)

    (ap,) = _seg_sum([(p2[None], z32)], src3, dst3, tc_tiling=False)
    o1, o2 = _head(ap[0], invd, r2)
    return (o1, o2[:, 0])

# --- scband reference (transcript-rebuilt; emitter-appended) ---
"""Pipeline reference for scband-flat-bundle-learner-variant-12352325943401 (READ-ONLY COPY).

The authoritative reference and input builder live on the scoring server;
editing this copy changes nothing except your own understanding.
"""

import jax, jax.numpy as jnp
import numpy as np

N_NODES = 10000
N_EDGES = 160000
D_X = 256
PE = 16
D_IN = D_X + PE  # 272
H = 512
OUT = 17  # prod((4,4)) + 1


def _glorot(key, shape):
    fan_in = shape[1]
    return jax.random.normal(key, shape, dtype=jnp.float32) * (1.0 / np.sqrt(fan_in))


def setup_inputs(seed: int = 0) -> dict:
    key = jax.random.key(seed)
    ks = jax.random.split(key, 16)
    x = jax.random.normal(ks[0], (N_NODES, D_X), dtype=jnp.float32)
    pe = jax.random.normal(ks[1], (N_NODES, PE), dtype=jnp.float32)
    edge_index = jax.random.randint(ks[2], (2, N_EDGES), 0, N_NODES, dtype=jnp.int32)
    # GraphSAGE params: 3 SAGEConv layers, each with lin_l (W,b) on aggregated neighbors
    # and lin_r (W, no bias) on root features.
    Wl0 = _glorot(ks[3], (H, D_IN)); bl0 = jnp.zeros((H,), jnp.float32); Wr0 = _glorot(ks[4], (H, D_IN))
    Wl1 = _glorot(ks[5], (H, H));    bl1 = jnp.zeros((H,), jnp.float32); Wr1 = _glorot(ks[6], (H, H))
    Wl2 = _glorot(ks[7], (OUT, H));  bl2 = jnp.zeros((OUT,), jnp.float32); Wr2 = _glorot(ks[8], (OUT, H))
    return {"x": x, "pe": pe, "edge_index": edge_index,
            "Wl0": Wl0, "bl0": bl0, "Wr0": Wr0,
            "Wl1": Wl1, "bl1": bl1, "Wr1": Wr1,
            "Wl2": Wl2, "bl2": bl2, "Wr2": Wr2}


def _sage_conv(h, edge_index, Wl, bl, Wr):
    # SAGEConv(aggr='mean'): out = lin_l(mean_{j in N(i)} h_j) + lin_r(h_i)
    src = edge_index[0]
    dst = edge_index[1]
    n = h.shape[0]
    msg = h[src]  # gather
    agg_sum = jax.ops.segment_sum(msg, dst, num_segments=n)  # scatter-add
    deg = jax.ops.segment_sum(jnp.ones((src.shape[0],), h.dtype), dst, num_segments=n)
    agg_mean = agg_sum / jnp.maximum(deg, 1.0)[:, None]
    return agg_mean @ Wl.T + bl + h @ Wr.T


def reference(x, pe, edge_index, Wl0, bl0, Wr0, Wl1, bl1, Wr1, Wl2, bl2, Wr2):
    feat = jnp.concatenate([x, pe], axis=-1)
    h = jax.nn.relu(_sage_conv(feat, edge_index, Wl0, bl0, Wr0))
    h = jax.nn.relu(_sage_conv(h, edge_index, Wl1, bl1, Wr1))
    maps = _sage_conv(h, edge_index, Wl2, bl2, Wr2)
    maps = maps.reshape(-1, OUT)
    c = maps[:, -1]
    return (jnp.tanh(maps[:, :-1]), jnp.minimum(jnp.exp(c), 10.0))

if __name__ == "__main__":
    import jax
    _d = setup_inputs()
    print(jax.jit(kernel)(*tuple(_d.values())))

</pallas_src>

<mosaic_0001>
#map = affine_map<(d0, d1) -> (0, 0, 0)>
#map1 = affine_map<(d0, d1) -> (0, 0)>
#map2 = affine_map<(d0, d1) -> (0, 0, 0, 0)>
module attributes {stable_mosaic.version = 14 : i64} {
  func.func @k(%arg0: i32, %arg1: i32, %arg2: memref<4x10000x128xf32, #tpu.memory_space<hbm>>, %arg3: memref<32x40x128xi32, #tpu.memory_space<hbm>>, %arg4: memref<32x40x128xi32, #tpu.memory_space<hbm>>, %arg5: memref<640x128xf32, #tpu.memory_space<hbm>>, %arg6: memref<4x2x10240x128xf32, #tpu.memory_space<hbm>>, %arg7: memref<40x128xi32, #tpu.memory_space<vmem>>, %arg8: memref<40x128xi32, #tpu.memory_space<vmem>>, %arg9: memref<!tpu.dma_semaphore, #tpu.memory_space<semaphore_mem>>, %arg10: memref<!tpu.dma_semaphore, #tpu.memory_space<semaphore_mem>>, %arg11: memref<128x128xf32, #tpu.memory_space<vmem>>, %arg12: memref<128x128xf32, #tpu.memory_space<vmem>>, %arg13: memref<10240x128xf32, #tpu.memory_space<vmem_shared>>) attributes {dimension_semantics = [#tpu.dimension_semantics<core_parallel>, #tpu.dimension_semantics<subcore_parallel>], iteration_bounds = array<i64: 2, 16>, scalar_prefetch = 0 : i64, scratch_operands = 7 : i64, tpu.core_type = #tpu.core_type<sc_vector_subcore>, window_params = [{transform_indices = #map}, {transform_indices = #map}, {transform_indices = #map}, {transform_indices = #map1}, {transform_indices = #map2}]} {
    %mul3A = arith.constant 2 : i32
    %mul3A_0 = arith.muli %arg1, %mul3A : i32
    %add3A = arith.addi %mul3A_0, %arg0 : i32
    "tpu.region"() ({
      %run_scoped3A_109 = tpu.sem_alloc : memref<!tpu.dma_semaphore, #tpu.memory_space<semaphore_mem>>
      %dma_start3A_110 = arith.constant 0 : i32
      %dma_start3A_111 = arith.constant 0 : i32
      %dma_start3A_112 = tpu.memref_slice %arg3[%add3A, %dma_start3A_110, %dma_start3A_111] : memref<32x40x128xi32, #tpu.memory_space<hbm>> -> memref<1x40x128xi32, #tpu.memory_space<hbm>>
      %dma_start3A_113 = tpu.memref_squeeze %dma_start3A_112 : memref<1x40x128xi32, #tpu.memory_space<hbm>> -> memref<40x128xi32, #tpu.memory_space<hbm>>
      %dma_start3A_114 = arith.constant 0 : i32
      %dma_start3A_115 = arith.constant 0 : i32
      %dma_start3A_116 = tpu.memref_slice %arg3[%add3A, %dma_start3A_114, %dma_start3A_115] : memref<32x40x128xi32, #tpu.memory_space<hbm>> -> memref<1x40x128xi32, #tpu.memory_space<hbm>>
      %dma_start3A_117 = tpu.memref_squeeze %dma_start3A_116 : memref<1x40x128xi32, #tpu.memory_space<hbm>> -> memref<40x128xi32, #tpu.memory_space<hbm>>
      tpu.enqueue_dma source(%dma_start3A_117 : memref<40x128xi32, #tpu.memory_space<hbm>>) target(%arg7 : memref<40x128xi32, #tpu.memory_space<vmem>>) target_semaphore(%run_scoped3A_109 : memref<!tpu.dma_semaphore, #tpu.memory_space<semaphore_mem>>)
      %dma_wait3A = arith.constant 0 : i32
      %dma_wait3A_118 = arith.constant 0 : i32
      %dma_wait3A_119 = tpu.memref_slice %arg3[%add3A, %dma_wait3A, %dma_wait3A_118] : memref<32x40x128xi32, #tpu.memory_space<hbm>> -> memref<1x40x128xi32, #tpu.memory_space<hbm>>
      %dma_wait3A_120 = tpu.memref_squeeze %dma_wait3A_119 : memref<1x40x128xi32, #tpu.memory_space<hbm>> -> memref<40x128xi32, #tpu.memory_space<hbm>>
      %dma_wait3A_121 = arith.constant 0 : i32
      %dma_wait3A_122 = arith.constant 0 : i32
      %dma_wait3A_123 = tpu.memref_slice %arg3[%add3A, %dma_wait3A_121, %dma_wait3A_122] : memref<32x40x128xi32, #tpu.memory_space<hbm>> -> memref<1x40x128xi32, #tpu.memory_space<hbm>>
      %dma_wait3A_124 = tpu.memref_squeeze %dma_wait3A_123 : memref<1x40x128xi32, #tpu.memory_space<hbm>> -> memref<40x128xi32, #tpu.memory_space<hbm>>
      tpu.wait_dma2 semaphore(%run_scoped3A_109 : memref<!tpu.dma_semaphore, #tpu.memory_space<semaphore_mem>>) src(%dma_wait3A_124 : memref<40x128xi32, #tpu.memory_space<hbm>>) dst(%arg7 : memref<40x128xi32, #tpu.memory_space<vmem>>)
      tpu.yield
    }) : () -> ()
    "tpu.region"() ({
      %run_scoped3A_109 = tpu.sem_alloc : memref<!tpu.dma_semaphore, #tpu.memory_space<semaphore_mem>>
      %dma_start3A_110 = arith.constant 0 : i32
      %dma_start3A_111 = arith.constant 0 : i32
      %dma_start3A_112 = tpu.memref_slice %arg4[%add3A, %dma_start3A_110, %dma_start3A_111] : memref<32x40x128xi32, #tpu.memory_space<hbm>> -> memref<1x40x128xi32, #tpu.memory_space<hbm>>
      %dma_start3A_113 = tpu.memref_squeeze %dma_start3A_112 : memref<1x40x128xi32, #tpu.memory_space<hbm>> -> memref<40x128xi32, #tpu.memory_space<hbm>>
      %dma_start3A_114 = arith.constant 0 : i32
      %dma_start3A_115 = arith.constant 0 : i32
      %dma_start3A_116 = tpu.memref_slice %arg4[%add3A, %dma_start3A_114, %dma_start3A_115] : memref<32x40x128xi32, #tpu.memory_space<hbm>> -> memref<1x40x128xi32, #tpu.memory_space<hbm>>
      %dma_start3A_117 = tpu.memref_squeeze %dma_start3A_116 : memref<1x40x128xi32, #tpu.memory_space<hbm>> -> memref<40x128xi32, #tpu.memory_space<hbm>>
      tpu.enqueue_dma source(%dma_start3A_117 : memref<40x128xi32, #tpu.memory_space<hbm>>) target(%arg8 : memref<40x128xi32, #tpu.memory_space<vmem>>) target_semaphore(%run_scoped3A_109 : memref<!tpu.dma_semaphore, #tpu.memory_space<semaphore_mem>>)
      %dma_wait3A = arith.constant 0 : i32
      %dma_wait3A_118 = arith.constant 0 : i32
      %dma_wait3A_119 = tpu.memref_slice %arg4[%add3A, %dma_wait3A, %dma_wait3A_118] : memref<32x40x128xi32, #tpu.memory_space<hbm>> -> memref<1x40x128xi32, #tpu.memory_space<hbm>>
      %dma_wait3A_120 = tpu.memref_squeeze %dma_wait3A_119 : memref<1x40x128xi32, #tpu.memory_space<hbm>> -> memref<40x128xi32, #tpu.memory_space<hbm>>
      %dma_wait3A_121 = arith.constant 0 : i32
      %dma_wait3A_122 = arith.constant 0 : i32
      %dma_wait3A_123 = tpu.memref_slice %arg4[%add3A, %dma_wait3A_121, %dma_wait3A_122] : memref<32x40x128xi32, #tpu.memory_space<hbm>> -> memref<1x40x128xi32, #tpu.memory_space<hbm>>
      %dma_wait3A_124 = tpu.memref_squeeze %dma_wait3A_123 : memref<1x40x128xi32, #tpu.memory_space<hbm>> -> memref<40x128xi32, #tpu.memory_space<hbm>>
      tpu.wait_dma2 semaphore(%run_scoped3A_109 : memref<!tpu.dma_semaphore, #tpu.memory_space<semaphore_mem>>) src(%dma_wait3A_124 : memref<40x128xi32, #tpu.memory_space<hbm>>) dst(%arg8 : memref<40x128xi32, #tpu.memory_space<vmem>>)
      tpu.yield
    }) : () -> ()
    %mul3A_1 = arith.constant 640 : i32
    %mul3A_2 = arith.muli %arg1, %mul3A_1 : i32
    "tpu.region"() ({
      %run_scoped3A_109 = tpu.sem_alloc : memref<!tpu.dma_semaphore, #tpu.memory_space<semaphore_mem>>
      %dma_start3A_110 = arith.constant 0 : i32
      %dma_start3A_111 = tpu.memref_slice %arg13[%mul3A_2, %dma_start3A_110] : memref<10240x128xf32, #tpu.memory_space<vmem_shared>> -> memref<640x128xf32, #tpu.memory_space<vmem_shared>>
      tpu.enqueue_dma source(%arg5 : memref<640x128xf32, #tpu.memory_space<hbm>>) target(%dma_start3A_111 : memref<640x128xf32, #tpu.memory_space<vmem_shared>>) target_semaphore(%run_scoped3A_109 : memref<!tpu.dma_semaphore, #tpu.memory_space<semaphore_mem>>)
      %dma_wait3A = arith.constant 0 : i32
      %dma_wait3A_112 = tpu.memref_slice %arg13[%mul3A_2, %dma_wait3A] : memref<10240x128xf32, #tpu.memory_space<vmem_shared>> -> memref<640x128xf32, #tpu.memory_space<vmem_shared>>
      tpu.wait_dma2 semaphore(%run_scoped3A_109 : memref<!tpu.dma_semaphore, #tpu.memory_space<semaphore_mem>>) src(%arg5 : memref<640x128xf32, #tpu.memory_space<hbm>>) dst(%dma_wait3A_112 : memref<640x128xf32, #tpu.memory_space<vmem_shared>>)
      tpu.yield
    }) : () -> ()
    %barrier3A = arith.constant 0 : index
    tpu.barrier barrier_id(%barrier3A)
    %dma_start3A = arith.constant 0 : i32
    %dma_start3A_3 = arith.constant 0 : i32
    %dma_start3A_4 = arith.constant 0 : i32
    %dma_start3A_5 = tpu.memref_slice %arg7[%dma_start3A_3, %dma_start3A_4] : memref<40x128xi32, #tpu.memory_space<vmem>> -> memref<1x128xi32, #tpu.memory_space<vmem>>
    %dma_start3A_6 = tpu.memref_squeeze %dma_start3A_5 : memref<1x128xi32, #tpu.memory_space<vmem>> -> memref<128xi32, #tpu.memory_space<vmem>>
    %dma_start3A_7 = arith.constant 0 : i32
    %dma_start3A_8 = arith.constant 0 : i32
    %dma_start3A_9 = tpu.memref_slice %arg2[%dma_start3A, %dma_start3A_7, %dma_start3A_8] : memref<4x10000x128xf32, #tpu.memory_space<hbm>> -> memref<1x10000x128xf32, #tpu.memory_space<hbm>>
    %dma_start3A_10 = tpu.memref_squeeze %dma_start3A_9 : memref<1x10000x128xf32, #tpu.memory_space<hbm>> -> memref<10000x128xf32, #tpu.memory_space<hbm>>
    %dma_start3A_11 = arith.constant 0 : i32
    %dma_start3A_12 = arith.constant 0 : i32
    %dma_start3A_13 = tpu.memref_slice %dma_start3A_10[%dma_start3A_11, %dma_start3A_12] : memref<10000x128xf32, #tpu.memory_space<hbm>> -> memref<10000x128xf32, #tpu.memory_space<hbm>>
    tpu.enqueue_indirect_dma source(%dma_start3A_13 : memref<10000x128xf32, #tpu.memory_space<hbm>>) target(%arg11 : memref<128x128xf32, #tpu.memory_space<vmem>>) offsets(%dma_start3A_6 : memref<128xi32, #tpu.memory_space<vmem>>) semaphore(%arg9 : memref<!tpu.dma_semaphore, #tpu.memory_space<semaphore_mem>>)
    %scan3A = arith.constant 0 : i32
    %scan3A_14 = arith.constant 0 : i32
    %scan3A_15 = arith.constant 0 : i32
    %scan3A_16 = arith.constant 20 : i32
    %scan3A_17 = arith.addi %scan3A_15, %scan3A_16 : i32
    %scan3A_18 = arith.constant 1 : i32
    scf.for %scan3A_109 = %scan3A_15 to %scan3A_17 step %scan3A_18  : i32 {
      %mul3A_110 = arith.constant 2 : i32
      %mul3A_111 = arith.muli %scan3A_109, %mul3A_110 : i32
      %add3A_112 = arith.constant 1 : i32
      %add3A_113 = arith.addi %mul3A_111, %add3A_112 : i32
      %dma_start3A_114 = arith.constant 0 : i32
      %dma_start3A_115 = tpu.memref_slice %arg7[%add3A_113, %dma_start3A_114] : memref<40x128xi32, #tpu.memory_space<vmem>> -> memref<1x128xi32, #tpu.memory_space<vmem>>
      %dma_start3A_116 = tpu.memref_squeeze %dma_start3A_115 : memref<1x128xi32, #tpu.memory_space<vmem>> -> memref<128xi32, #tpu.memory_space<vmem>>
      %dma_start3A_117 = arith.constant 0 : i32
      %dma_start3A_118 = arith.constant 0 : i32
      %dma_start3A_119 = tpu.memref_slice %arg2[%scan3A_14, %dma_start3A_117, %dma_start3A_118] : memref<4x10000x128xf32, #tpu.memory_space<hbm>> -> memref<1x10000x128xf32, #tpu.memory_space<hbm>>
      %dma_start3A_120 = tpu.memref_squeeze %dma_start3A_119 : memref<1x10000x128xf32, #tpu.memory_space<hbm>> -> memref<10000x128xf32, #tpu.memory_space<hbm>>
      %dma_start3A_121 = arith.constant 0 : i32
      %dma_start3A_122 = arith.constant 0 : i32
      %dma_start3A_123 = tpu.memref_slice %dma_start3A_120[%dma_start3A_121, %dma_start3A_122] : memref<10000x128xf32, #tpu.memory_space<hbm>> -> memref<10000x128xf32, #tpu.memory_space<hbm>>
      tpu.enqueue_indirect_dma source(%dma_start3A_123 : memref<10000x128xf32, #tpu.memory_space<hbm>>) target(%arg12 : memref<128x128xf32, #tpu.memory_space<vmem>>) offsets(%dma_start3A_116 : memref<128xi32, #tpu.memory_space<vmem>>) semaphore(%arg10 : memref<!tpu.dma_semaphore, #tpu.memory_space<semaphore_mem>>)
      %dma_wait3A = arith.constant 0 : i32
      %dma_wait3A_124 = tpu.memref_slice %arg7[%mul3A_111, %dma_wait3A] : memref<40x128xi32, #tpu.memory_space<vmem>> -> memref<1x128xi32, #tpu.memory_space<vmem>>
      %dma_wait3A_125 = tpu.memref_squeeze %dma_wait3A_124 : memref<1x128xi32, #tpu.memory_space<vmem>> -> memref<128xi32, #tpu.memory_space<vmem>>
      %dma_wait3A_126 = arith.constant 0 : i32
      %dma_wait3A_127 = arith.constant 0 : i32
      %dma_wait3A_128 = tpu.memref_slice %arg2[%scan3A_14, %dma_wait3A_126, %dma_wait3A_127] : memref<4x10000x128xf32, #tpu.memory_space<hbm>> -> memref<1x10000x128xf32, #tpu.memory_space<hbm>>
      %dma_wait3A_129 = tpu.memref_squeeze %dma_wait3A_128 : memref<1x10000x128xf32, #tpu.memory_space<hbm>> -> memref<10000x128xf32, #tpu.memory_space<hbm>>
      %dma_wait3A_130 = arith.constant 0 : i32
      %dma_wait3A_131 = arith.constant 0 : i32
      %dma_wait3A_132 = tpu.memref_slice %dma_wait3A_129[%dma_wait3A_130, %dma_wait3A_131] : memref<10000x128xf32, #tpu.memory_space<hbm>> -> memref<10000x128xf32, #tpu.memory_space<hbm>>
      tpu.wait_indirect_dma semaphore(%arg9 : memref<!tpu.dma_semaphore, #tpu.memory_space<semaphore_mem>>) src(%dma_wait3A_132 : memref<10000x128xf32, #tpu.memory_space<hbm>>) dst(%arg11 : memref<128x128xf32, #tpu.memory_space<vmem>>)
      "tpu.region"() ({
        %run_scoped3A_151 = tpu.sem_alloc : memref<!tpu.dma_semaphore, #tpu.memory_space<semaphore_mem>>
        %dma_start3A_152 = arith.constant 0 : i32
        %dma_start3A_153 = tpu.memref_slice %arg8[%mul3A_111, %dma_start3A_152] : memref<40x128xi32, #tpu.memory_space<vmem>> -> memref<1x128xi32, #tpu.memory_space<vmem>>
        %dma_start3A_154 = tpu.memref_squeeze %dma_start3A_153 : memref<1x128xi32, #tpu.memory_space<vmem>> -> memref<128xi32, #tpu.memory_space<vmem>>
        %dma_start3A_155 = arith.constant 0 : i32
        %dma_start3A_156 = arith.constant 0 : i32
        %dma_start3A_157 = tpu.memref_slice %arg13[%dma_start3A_155, %dma_start3A_156] : memref<10240x128xf32, #tpu.memory_space<vmem_shared>> -> memref<10240x128xf32, #tpu.memory_space<vmem_shared>>
        tpu.enqueue_indirect_dma source(%arg11 : memref<128x128xf32, #tpu.memory_space<vmem>>) target(%dma_start3A_157 : memref<10240x128xf32, #tpu.memory_space<vmem_shared>>) offsets(%dma_start3A_154 : memref<128xi32, #tpu.memory_space<vmem>>) semaphore(%run_scoped3A_151 : memref<!tpu.dma_semaphore, #tpu.memory_space<semaphore_mem>>) {add = true}
        %dma_wait3A_158 = arith.constant 0 : i32
        %dma_wait3A_159 = tpu.memref_slice %arg8[%mul3A_111, %dma_wait3A_158] : memref<40x128xi32, #tpu.memory_space<vmem>> -> memref<1x128xi32, #tpu.memory_space<vmem>>
        %dma_wait3A_160 = tpu.memref_squeeze %dma_wait3A_159 : memref<1x128xi32, #tpu.memory_space<vmem>> -> memref<128xi32, #tpu.memory_space<vmem>>
        %dma_wait3A_161 = arith.constant 0 : i32
        %dma_wait3A_162 = arith.constant 0 : i32
        %dma_wait3A_163 = tpu.memref_slice %arg13[%dma_wait3A_161, %dma_wait3A_162] : memref<10240x128xf32, #tpu.memory_space<vmem_shared>> -> memref<10240x128xf32, #tpu.memory_space<vmem_shared>>
        tpu.wait_indirect_dma semaphore(%run_scoped3A_151 : memref<!tpu.dma_semaphore, #tpu.memory_space<semaphore_mem>>) src(%arg11 : memref<128x128xf32, #tpu.memory_space<vmem>>) dst(%dma_wait3A_163 : memref<10240x128xf32, #tpu.memory_space<vmem_shared>>)
        tpu.yield
      }) : () -> ()
      %add3A_133 = arith.constant 2 : i32
      %add3A_134 = arith.addi %mul3A_111, %add3A_133 : i32
      %lt3A = arith.constant 40 : i32
      %lt3A_135 = arith.cmpi slt, %add3A_134, %lt3A : i32
      %convert_element_type3A = arith.extui %lt3A_135 : i1 to i32
      %cond3A = arith.constant 0 : i32
      %cond3A_136 = arith.cmpi ne, %convert_element_type3A, %cond3A : i32
      scf.if %cond3A_136 {
        %add3A_151 = arith.constant 2 : i32
        %add3A_152 = arith.addi %mul3A_111, %add3A_151 : i32
        %dma_start3A_153 = arith.constant 0 : i32
        %dma_start3A_154 = tpu.memref_slice %arg7[%add3A_152, %dma_start3A_153] : memref<40x128xi32, #tpu.memory_space<vmem>> -> memref<1x128xi32, #tpu.memory_space<vmem>>
        %dma_start3A_155 = tpu.memref_squeeze %dma_start3A_154 : memref<1x128xi32, #tpu.memory_space<vmem>> -> memref<128xi32, #tpu.memory_space<vmem>>
        %dma_start3A_156 = arith.constant 0 : i32
        %dma_start3A_157 = arith.constant 0 : i32
        %dma_start3A_158 = tpu.memref_slice %arg2[%scan3A_14, %dma_start3A_156, %dma_start3A_157] : memref<4x10000x128xf32, #tpu.memory_space<hbm>> -> memref<1x10000x128xf32, #tpu.memory_space<hbm>>
        %dma_start3A_159 = tpu.memref_squeeze %dma_start3A_158 : memref<1x10000x128xf32, #tpu.memory_space<hbm>> -> memref<10000x128xf32, #tpu.memory_space<hbm>>
        %dma_start3A_160 = arith.constant 0 : i32
        %dma_start3A_161 = arith.constant 0 : i32
        %dma_start3A_162 = tpu.memref_slice %dma_start3A_159[%dma_start3A_160, %dma_start3A_161] : memref<10000x128xf32, #tpu.memory_space<hbm>> -> memref<10000x128xf32, #tpu.memory_space<hbm>>
        tpu.enqueue_indirect_dma source(%dma_start3A_162 : memref<10000x128xf32, #tpu.memory_space<hbm>>) target(%arg11 : memref<128x128xf32, #tpu.memory_space<vmem>>) offsets(%dma_start3A_155 : memref<128xi32, #tpu.memory_space<vmem>>) semaphore(%arg9 : memref<!tpu.dma_semaphore, #tpu.memory_space<semaphore_mem>>)
      } else {
      }
      %add3A_137 = arith.constant 1 : i32
      %add3A_138 = arith.addi %mul3A_111, %add3A_137 : i32
      %dma_wait3A_139 = arith.constant 0 : i32
      %dma_wait3A_140 = tpu.memref_slice %arg7[%add3A_138, %dma_wait3A_139] : memref<40x128xi32, #tpu.memory_space<vmem>> -> memref<1x128xi32, #tpu.memory_space<vmem>>
      %dma_wait3A_141 = tpu.memref_squeeze %dma_wait3A_140 : memref<1x128xi32, #tpu.memory_space<vmem>> -> memref<128xi32, #tpu.memory_space<vmem>>
      %dma_wait3A_142 = arith.constant 0 : i32
      %dma_wait3A_143 = arith.constant 0 : i32
      %dma_wait3A_144 = tpu.memref_slice %arg2[%scan3A_14, %dma_wait3A_142, %dma_wait3A_143] : memref<4x10000x128xf32, #tpu.memory_space<hbm>> -> memref<1x10000x128xf32, #tpu.memory_space<hbm>>
      %dma_wait3A_145 = tpu.memref_squeeze %dma_wait3A_144 : memref<1x10000x128xf32, #tpu.memory_space<hbm>> -> memref<10000x128xf32, #tpu.memory_space<hbm>>
      %dma_wait3A_146 = arith.constant 0 : i32
      %dma_wait3A_147 = arith.constant 0 : i32
      %dma_wait3A_148 = tpu.memref_slice %dma_wait3A_145[%dma_wait3A_146, %dma_wait3A_147] : memref<10000x128xf32, #tpu.memory_space<hbm>> -> memref<10000x128xf32, #tpu.memory_space<hbm>>
      tpu.wait_indirect_dma semaphore(%arg10 : memref<!tpu.dma_semaphore, #tpu.memory_space<semaphore_mem>>) src(%dma_wait3A_148 : memref<10000x128xf32, #tpu.memory_space<hbm>>) dst(%arg12 : memref<128x128xf32, #tpu.memory_space<vmem>>)
      %add3A_149 = arith.constant 1 : i32
      %add3A_150 = arith.addi %mul3A_111, %add3A_149 : i32
      "tpu.region"() ({
        %run_scoped3A_151 = tpu.sem_alloc : memref<!tpu.dma_semaphore, #tpu.memory_space<semaphore_mem>>
        %dma_start3A_152 = arith.constant 0 : i32
        %dma_start3A_153 = tpu.memref_slice %arg8[%add3A_150, %dma_start3A_152] : memref<40x128xi32, #tpu.memory_space<vmem>> -> memref<1x128xi32, #tpu.memory_space<vmem>>
        %dma_start3A_154 = tpu.memref_squeeze %dma_start3A_153 : memref<1x128xi32, #tpu.memory_space<vmem>> -> memref<128xi32, #tpu.memory_space<vmem>>
        %dma_start3A_155 = arith.constant 0 : i32
        %dma_start3A_156 = arith.constant 0 : i32
        %dma_start3A_157 = tpu.memref_slice %arg13[%dma_start3A_155, %dma_start3A_156] : memref<10240x128xf32, #tpu.memory_space<vmem_shared>> -> memref<10240x128xf32, #tpu.memory_space<vmem_shared>>
        tpu.enqueue_indirect_dma source(%arg12 : memref<128x128xf32, #tpu.memory_space<vmem>>) target(%dma_start3A_157 : memref<10240x128xf32, #tpu.memory_space<vmem_shared>>) offsets(%dma_start3A_154 : memref<128xi32, #tpu.memory_space<vmem>>) semaphore(%run_scoped3A_151 : memref<!tpu.dma_semaphore, #tpu.memory_space<semaphore_mem>>) {add = true}
        %dma_wait3A_158 = arith.constant 0 : i32
        %dma_wait3A_159 = tpu.memref_slice %arg8[%add3A_150, %dma_wait3A_158] : memref<40x128xi32, #tpu.memory_space<vmem>> -> memref<1x128xi32, #tpu.memory_space<vmem>>
        %dma_wait3A_160 = tpu.memref_squeeze %dma_wait3A_159 : memref<1x128xi32, #tpu.memory_space<vmem>> -> memref<128xi32, #tpu.memory_space<vmem>>
        %dma_wait3A_161 = arith.constant 0 : i32
        %dma_wait3A_162 = arith.constant 0 : i32
        %dma_wait3A_163 = tpu.memref_slice %arg13[%dma_wait3A_161, %dma_wait3A_162] : memref<10240x128xf32, #tpu.memory_space<vmem_shared>> -> memref<10240x128xf32, #tpu.memory_space<vmem_shared>>
        tpu.wait_indirect_dma semaphore(%run_scoped3A_151 : memref<!tpu.dma_semaphore, #tpu.memory_space<semaphore_mem>>) src(%arg12 : memref<128x128xf32, #tpu.memory_space<vmem>>) dst(%dma_wait3A_163 : memref<10240x128xf32, #tpu.memory_space<vmem_shared>>)
        tpu.yield
      }) : () -> ()
    }
    %scan3A_19 = arith.constant 20 : i32
    %barrier3A_20 = arith.constant 0 : index
    tpu.barrier barrier_id(%barrier3A_20)
    %mul3A_21 = arith.constant 640 : i32
    %mul3A_22 = arith.muli %arg1, %mul3A_21 : i32
    %mul3A_23 = arith.constant 640 : i32
    %mul3A_24 = arith.muli %arg1, %mul3A_23 : i32
    %run_scoped3A = arith.constant 0 : i32
    "tpu.region"() ({
      %run_scoped3A_109 = tpu.sem_alloc : memref<!tpu.dma_semaphore, #tpu.memory_space<semaphore_mem>>
      %dma_start3A_110 = arith.constant 0 : i32
      %dma_start3A_111 = arith.constant 0 : i32
      %dma_start3A_112 = arith.constant 0 : i32
      %dma_start3A_113 = tpu.memref_slice %arg6[%run_scoped3A, %dma_start3A_110, %dma_start3A_111, %dma_start3A_112] : memref<4x2x10240x128xf32, #tpu.memory_space<hbm>> -> memref<1x2x10240x128xf32, #tpu.memory_space<hbm>>
      %dma_start3A_114 = tpu.memref_squeeze %dma_start3A_113 : memref<1x2x10240x128xf32, #tpu.memory_space<hbm>> -> memref<2x10240x128xf32, #tpu.memory_space<hbm>>
      %dma_start3A_115 = arith.constant 0 : i32
      %dma_start3A_116 = arith.constant 0 : i32
      %dma_start3A_117 = tpu.memref_slice %dma_start3A_114[%arg0, %dma_start3A_115, %dma_start3A_116] : memref<2x10240x128xf32, #tpu.memory_space<hbm>> -> memref<1x10240x128xf32, #tpu.memory_space<hbm>>
      %dma_start3A_118 = tpu.memref_squeeze %dma_start3A_117 : memref<1x10240x128xf32, #tpu.memory_space<hbm>> -> memref<10240x128xf32, #tpu.memory_space<hbm>>
      %dma_start3A_119 = arith.constant 0 : i32
      %dma_start3A_120 = tpu.memref_slice %dma_start3A_118[%mul3A_24, %dma_start3A_119] : memref<10240x128xf32, #tpu.memory_space<hbm>> -> memref<640x128xf32, #tpu.memory_space<hbm>>
      %dma_start3A_121 = arith.constant 0 : i32
      %dma_start3A_122 = tpu.memref_slice %arg13[%mul3A_22, %dma_start3A_121] : memref<10240x128xf32, #tpu.memory_space<vmem_shared>> -> memref<640x128xf32, #tpu.memory_space<vmem_shared>>
      tpu.enqueue_dma source(%dma_start3A_122 : memref<640x128xf32, #tpu.memory_space<vmem_shared>>) target(%dma_start3A_120 : memref<640x128xf32, #tpu.memory_space<hbm>>) target_semaphore(%run_scoped3A_109 : memref<!tpu.dma_semaphore, #tpu.memory_space<semaphore_mem>>)
      %dma_wait3A = arith.constant 0 : i32
      %dma_wait3A_123 = arith.constant 0 : i32
      %dma_wait3A_124 = arith.constant 0 : i32
      %dma_wait3A_125 = tpu.memref_slice %arg6[%run_scoped3A, %dma_wait3A, %dma_wait3A_123, %dma_wait3A_124] : memref<4x2x10240x128xf32, #tpu.memory_space<hbm>> -> memref<1x2x10240x128xf32, #tpu.memory_space<hbm>>
      %dma_wait3A_126 = tpu.memref_squeeze %dma_wait3A_125 : memref<1x2x10240x128xf32, #tpu.memory_space<hbm>> -> memref<2x10240x128xf32, #tpu.memory_space<hbm>>
      %dma_wait3A_127 = arith.constant 0 : i32
      %dma_wait3A_128 = arith.constant 0 : i32
      %dma_wait3A_129 = tpu.memref_slice %dma_wait3A_126[%arg0, %dma_wait3A_127, %dma_wait3A_128] : memref<2x10240x128xf32, #tpu.memory_space<hbm>> -> memref<1x10240x128xf32, #tpu.memory_space<hbm>>
      %dma_wait3A_130 = tpu.memref_squeeze %dma_wait3A_129 : memref<1x10240x128xf32, #tpu.memory_space<hbm>> -> memref<10240x128xf32, #tpu.memory_space<hbm>>
      %dma_wait3A_131 = arith.constant 0 : i32
      %dma_wait3A_132 = tpu.memref_slice %dma_wait3A_130[%mul3A_24, %dma_wait3A_131] : memref<10240x128xf32, #tpu.memory_space<hbm>> -> memref<640x128xf32, #tpu.memory_space<hbm>>
      %dma_wait3A_133 = arith.constant 0 : i32
      %dma_wait3A_134 = tpu.memref_slice %arg13[%mul3A_22, %dma_wait3A_133] : memref<10240x128xf32, #tpu.memory_space<vmem_shared>> -> memref<640x128xf32, #tpu.memory_space<vmem_shared>>
      tpu.wait_dma2 semaphore(%run_scoped3A_109 : memref<!tpu.dma_semaphore, #tpu.memory_space<semaphore_mem>>) src(%dma_wait3A_134 : memref<640x128xf32, #tpu.memory_space<vmem_shared>>) dst(%dma_wait3A_132 : memref<640x128xf32, #tpu.memory_space<hbm>>)
      tpu.yield
    }) : () -> ()
    %mul3A_25 = arith.constant 640 : i32
    %mul3A_26 = arith.muli %arg1, %mul3A_25 : i32
    "tpu.region"() ({
      %run_scoped3A_109 = tpu.sem_alloc : memref<!tpu.dma_semaphore, #tpu.memory_space<semaphore_mem>>
      %dma_start3A_110 = arith.constant 0 : i32
      %dma_start3A_111 = tpu.memref_slice %arg13[%mul3A_26, %dma_start3A_110] : memref<10240x128xf32, #tpu.memory_space<vmem_shared>> -> memref<640x128xf32, #tpu.memory_space<vmem_shared>>
      tpu.enqueue_dma source(%arg5 : memref<640x128xf32, #tpu.memory_space<hbm>>) target(%dma_start3A_111 : memref<640x128xf32, #tpu.memory_space<vmem_shared>>) target_semaphore(%run_scoped3A_109 : memref<!tpu.dma_semaphore, #tpu.memory_space<semaphore_mem>>)
      %dma_wait3A = arith.constant 0 : i32
      %dma_wait3A_112 = tpu.memref_slice %arg13[%mul3A_26, %dma_wait3A] : memref<10240x128xf32, #tpu.memory_space<vmem_shared>> -> memref<640x128xf32, #tpu.memory_space<vmem_shared>>
      tpu.wait_dma2 semaphore(%run_scoped3A_109 : memref<!tpu.dma_semaphore, #tpu.memory_space<semaphore_mem>>) src(%arg5 : memref<640x128xf32, #tpu.memory_space<hbm>>) dst(%dma_wait3A_112 : memref<640x128xf32, #tpu.memory_space<vmem_shared>>)
      tpu.yield
    }) : () -> ()
    %barrier3A_27 = arith.constant 0 : index
    tpu.barrier barrier_id(%barrier3A_27)
    %dma_start3A_28 = arith.constant 1 : i32
    %dma_start3A_29 = arith.constant 0 : i32
    %dma_start3A_30 = arith.constant 0 : i32
    %dma_start3A_31 = tpu.memref_slice %arg7[%dma_start3A_29, %dma_start3A_30] : memref<40x128xi32, #tpu.memory_space<vmem>> -> memref<1x128xi32, #tpu.memory_space<vmem>>
    %dma_start3A_32 = tpu.memref_squeeze %dma_start3A_31 : memref<1x128xi32, #tpu.memory_space<vmem>> -> memref<128xi32, #tpu.memory_space<vmem>>
    %dma_start3A_33 = arith.constant 0 : i32
    %dma_start3A_34 = arith.constant 0 : i32
    %dma_start3A_35 = tpu.memref_slice %arg2[%dma_start3A_28, %dma_start3A_33, %dma_start3A_34] : memref<4x10000x128xf32, #tpu.memory_space<hbm>> -> memref<1x10000x128xf32, #tpu.memory_space<hbm>>
    %dma_start3A_36 = tpu.memref_squeeze %dma_start3A_35 : memref<1x10000x128xf32, #tpu.memory_space<hbm>> -> memref<10000x128xf32, #tpu.memory_space<hbm>>
    %dma_start3A_37 = arith.constant 0 : i32
    %dma_start3A_38 = arith.constant 0 : i32
    %dma_start3A_39 = tpu.memref_slice %dma_start3A_36[%dma_start3A_37, %dma_start3A_38] : memref<10000x128xf32, #tpu.memory_space<hbm>> -> memref<10000x128xf32, #tpu.memory_space<hbm>>
    tpu.enqueue_indirect_dma source(%dma_start3A_39 : memref<10000x128xf32, #tpu.memory_space<hbm>>) target(%arg11 : memref<128x128xf32, #tpu.memory_space<vmem>>) offsets(%dma_start3A_32 : memref<128xi32, #tpu.memory_space<vmem>>) semaphore(%arg9 : memref<!tpu.dma_semaphore, #tpu.memory_space<semaphore_mem>>)
    %scan3A_40 = arith.constant 0 : i32
    %scan3A_41 = arith.constant 1 : i32
    %scan3A_42 = arith.constant 0 : i32
    %scan3A_43 = arith.constant 20 : i32
    %scan3A_44 = arith.addi %scan3A_42, %scan3A_43 : i32
    %scan3A_45 = arith.constant 1 : i32
    scf.for %scan3A_109 = %scan3A_42 to %scan3A_44 step %scan3A_45  : i32 {
      %mul3A_110 = arith.constant 2 : i32
      %mul3A_111 = arith.muli %scan3A_109, %mul3A_110 : i32
      %add3A_112 = arith.constant 1 : i32
      %add3A_113 = arith.addi %mul3A_111, %add3A_112 : i32
      %dma_start3A_114 = arith.constant 0 : i32
      %dma_start3A_115 = tpu.memref_slice %arg7[%add3A_113, %dma_start3A_114] : memref<40x128xi32, #tpu.memory_space<vmem>> -> memref<1x128xi32, #tpu.memory_space<vmem>>
      %dma_start3A_116 = tpu.memref_squeeze %dma_start3A_115 : memref<1x128xi32, #tpu.memory_space<vmem>> -> memref<128xi32, #tpu.memory_space<vmem>>
      %dma_start3A_117 = arith.constant 0 : i32
      %dma_start3A_118 = arith.constant 0 : i32
      %dma_start3A_119 = tpu.memref_slice %arg2[%scan3A_41, %dma_start3A_117, %dma_start3A_118] : memref<4x10000x128xf32, #tpu.memory_space<hbm>> -> memref<1x10000x128xf32, #tpu.memory_space<hbm>>
      %dma_start3A_120 = tpu.memref_squeeze %dma_start3A_119 : memref<1x10000x128xf32, #tpu.memory_space<hbm>> -> memref<10000x128xf32, #tpu.memory_space<hbm>>
      %dma_start3A_121 = arith.constant 0 : i32
      %dma_start3A_122 = arith.constant 0 : i32
      %dma_start3A_123 = tpu.memref_slice %dma_start3A_120[%dma_start3A_121, %dma_start3A_122] : memref<10000x128xf32, #tpu.memory_space<hbm>> -> memref<10000x128xf32, #tpu.memory_space<hbm>>
      tpu.enqueue_indirect_dma source(%dma_start3A_123 : memref<10000x128xf32, #tpu.memory_space<hbm>>) target(%arg12 : memref<128x128xf32, #tpu.memory_space<vmem>>) offsets(%dma_start3A_116 : memref<128xi32, #tpu.memory_space<vmem>>) semaphore(%arg10 : memref<!tpu.dma_semaphore, #tpu.memory_space<semaphore_mem>>)
      %dma_wait3A = arith.constant 0 : i32
      %dma_wait3A_124 = tpu.memref_slice %arg7[%mul3A_111, %dma_wait3A] : memref<40x128xi32, #tpu.memory_space<vmem>> -> memref<1x128xi32, #tpu.memory_space<vmem>>
      %dma_wait3A_125 = tpu.memref_squeeze %dma_wait3A_124 : memref<1x128xi32, #tpu.memory_space<vmem>> -> memref<128xi32, #tpu.memory_space<vmem>>
      %dma_wait3A_126 = arith.constant 0 : i32
      %dma_wait3A_127 = arith.constant 0 : i32
      %dma_wait3A_128 = tpu.memref_slice %arg2[%scan3A_41, %dma_wait3A_126, %dma_wait3A_127] : memref<4x10000x128xf32, #tpu.memory_space<hbm>> -> memref<1x10000x128xf32, #tpu.memory_space<hbm>>
      %dma_wait3A_129 = tpu.memref_squeeze %dma_wait3A_128 : memref<1x10000x128xf32, #tpu.memory_space<hbm>> -> memref<10000x128xf32, #tpu.memory_space<hbm>>
      %dma_wait3A_130 = arith.constant 0 : i32
      %dma_wait3A_131 = arith.constant 0 : i32
      %dma_wait3A_132 = tpu.memref_slice %dma_wait3A_129[%dma_wait3A_130, %dma_wait3A_131] : memref<10000x128xf32, #tpu.memory_space<hbm>> -> memref<10000x128xf32, #tpu.memory_space<hbm>>
      tpu.wait_indirect_dma semaphore(%arg9 : memref<!tpu.dma_semaphore, #tpu.memory_space<semaphore_mem>>) src(%dma_wait3A_132 : memref<10000x128xf32, #tpu.memory_space<hbm>>) dst(%arg11 : memref<128x128xf32, #tpu.memory_space<vmem>>)
      "tpu.region"() ({
        %run_scoped3A_151 = tpu.sem_alloc : memref<!tpu.dma_semaphore, #tpu.memory_space<semaphore_mem>>
        %dma_start3A_152 = arith.constant 0 : i32
        %dma_start3A_153 = tpu.memref_slice %arg8[%mul3A_111, %dma_start3A_152] : memref<40x128xi32, #tpu.memory_space<vmem>> -> memref<1x128xi32, #tpu.memory_space<vmem>>
        %dma_start3A_154 = tpu.memref_squeeze %dma_start3A_153 : memref<1x128xi32, #tpu.memory_space<vmem>> -> memref<128xi32, #tpu.memory_space<vmem>>
        %dma_start3A_155 = arith.constant 0 : i32
        %dma_start3A_156 = arith.constant 0 : i32
        %dma_start3A_157 = tpu.memref_slice %arg13[%dma_start3A_155, %dma_start3A_156] : memref<10240x128xf32, #tpu.memory_space<vmem_shared>> -> memref<10240x128xf32, #tpu.memory_space<vmem_shared>>
        tpu.enqueue_indirect_dma source(%arg11 : memref<128x128xf32, #tpu.memory_space<vmem>>) target(%dma_start3A_157 : memref<10240x128xf32, #tpu.memory_space<vmem_shared>>) offsets(%dma_start3A_154 : memref<128xi32, #tpu.memory_space<vmem>>) semaphore(%run_scoped3A_151 : memref<!tpu.dma_semaphore, #tpu.memory_space<semaphore_mem>>) {add = true}
        %dma_wait3A_158 = arith.constant 0 : i32
        %dma_wait3A_159 = tpu.memref_slice %arg8[%mul3A_111, %dma_wait3A_158] : memref<40x128xi32, #tpu.memory_space<vmem>> -> memref<1x128xi32, #tpu.memory_space<vmem>>
        %dma_wait3A_160 = tpu.memref_squeeze %dma_wait3A_159 : memref<1x128xi32, #tpu.memory_space<vmem>> -> memref<128xi32, #tpu.memory_space<vmem>>
        %dma_wait3A_161 = arith.constant 0 : i32
        %dma_wait3A_162 = arith.constant 0 : i32
        %dma_wait3A_163 = tpu.memref_slice %arg13[%dma_wait3A_161, %dma_wait3A_162] : memref<10240x128xf32, #tpu.memory_space<vmem_shared>> -> memref<10240x128xf32, #tpu.memory_space<vmem_shared>>
        tpu.wait_indirect_dma semaphore(%run_scoped3A_151 : memref<!tpu.dma_semaphore, #tpu.memory_space<semaphore_mem>>) src(%arg11 : memref<128x128xf32, #tpu.memory_space<vmem>>) dst(%dma_wait3A_163 : memref<10240x128xf32, #tpu.memory_space<vmem_shared>>)
        tpu.yield
      }) : () -> ()
      %add3A_133 = arith.constant 2 : i32
      %add3A_134 = arith.addi %mul3A_111, %add3A_133 : i32
      %lt3A = arith.constant 40 : i32
      %lt3A_135 = arith.cmpi slt, %add3A_134, %lt3A : i32
      %convert_element_type3A = arith.extui %lt3A_135 : i1 to i32
      %cond3A = arith.constant 0 : i32
      %cond3A_136 = arith.cmpi ne, %convert_element_type3A, %cond3A : i32
      scf.if %cond3A_136 {
        %add3A_151 = arith.constant 2 : i32
        %add3A_152 = arith.addi %mul3A_111, %add3A_151 : i32
        %dma_start3A_153 = arith.constant 0 : i32
        %dma_start3A_154 = tpu.memref_slice %arg7[%add3A_152, %dma_start3A_153] : memref<40x128xi32, #tpu.memory_space<vmem>> -> memref<1x128xi32, #tpu.memory_space<vmem>>
        %dma_start3A_155 = tpu.memref_squeeze %dma_start3A_154 : memref<1x128xi32, #tpu.memory_space<vmem>> -> memref<128xi32, #tpu.memory_space<vmem>>
        %dma_start3A_156 = arith.constant 0 : i32
        %dma_start3A_157 = arith.constant 0 : i32
        %dma_start3A_158 = tpu.memref_slice %arg2[%scan3A_41, %dma_start3A_156, %dma_start3A_157] : memref<4x10000x128xf32, #tpu.memory_space<hbm>> -> memref<1x10000x128xf32, #tpu.memory_space<hbm>>
        %dma_start3A_159 = tpu.memref_squeeze %dma_start3A_158 : memref<1x10000x128xf32, #tpu.memory_space<hbm>> -> memref<10000x128xf32, #tpu.memory_space<hbm>>
        %dma_start3A_160 = arith.constant 0 : i32
        %dma_start3A_161 = arith.constant 0 : i32
        %dma_start3A_162 = tpu.memref_slice %dma_start3A_159[%dma_start3A_160, %dma_start3A_161] : memref<10000x128xf32, #tpu.memory_space<hbm>> -> memref<10000x128xf32, #tpu.memory_space<hbm>>
        tpu.enqueue_indirect_dma source(%dma_start3A_162 : memref<10000x128xf32, #tpu.memory_space<hbm>>) target(%arg11 : memref<128x128xf32, #tpu.memory_space<vmem>>) offsets(%dma_start3A_155 : memref<128xi32, #tpu.memory_space<vmem>>) semaphore(%arg9 : memref<!tpu.dma_semaphore, #tpu.memory_space<semaphore_mem>>)
      } else {
      }
      %add3A_137 = arith.constant 1 : i32
      %add3A_138 = arith.addi %mul3A_111, %add3A_137 : i32
      %dma_wait3A_139 = arith.constant 0 : i32
      %dma_wait3A_140 = tpu.memref_slice %arg7[%add3A_138, %dma_wait3A_139] : memref<40x128xi32, #tpu.memory_space<vmem>> -> memref<1x128xi32, #tpu.memory_space<vmem>>
      %dma_wait3A_141 = tpu.memref_squeeze %dma_wait3A_140 : memref<1x128xi32, #tpu.memory_space<vmem>> -> memref<128xi32, #tpu.memory_space<vmem>>
      %dma_wait3A_142 = arith.constant 0 : i32
      %dma_wait3A_143 = arith.constant 0 : i32
      %dma_wait3A_144 = tpu.memref_slice %arg2[%scan3A_41, %dma_wait3A_142, %dma_wait3A_143] : memref<4x10000x128xf32, #tpu.memory_space<hbm>> -> memref<1x10000x128xf32, #tpu.memory_space<hbm>>
      %dma_wait3A_145 = tpu.memref_squeeze %dma_wait3A_144 : memref<1x10000x128xf32, #tpu.memory_space<hbm>> -> memref<10000x128xf32, #tpu.memory_space<hbm>>
      %dma_wait3A_146 = arith.constant 0 : i32
      %dma_wait3A_147 = arith.constant 0 : i32
      %dma_wait3A_148 = tpu.memref_slice %dma_wait3A_145[%dma_wait3A_146, %dma_wait3A_147] : memref<10000x128xf32, #tpu.memory_space<hbm>> -> memref<10000x128xf32, #tpu.memory_space<hbm>>
      tpu.wait_indirect_dma semaphore(%arg10 : memref<!tpu.dma_semaphore, #tpu.memory_space<semaphore_mem>>) src(%dma_wait3A_148 : memref<10000x128xf32, #tpu.memory_space<hbm>>) dst(%arg12 : memref<128x128xf32, #tpu.memory_space<vmem>>)
      %add3A_149 = arith.constant 1 : i32
      %add3A_150 = arith.addi %mul3A_111, %add3A_149 : i32
      "tpu.region"() ({
        %run_scoped3A_151 = tpu.sem_alloc : memref<!tpu.dma_semaphore, #tpu.memory_space<semaphore_mem>>
        %dma_start3A_152 = arith.constant 0 : i32
        %dma_start3A_153 = tpu.memref_slice %arg8[%add3A_150, %dma_start3A_152] : memref<40x128xi32, #tpu.memory_space<vmem>> -> memref<1x128xi32, #tpu.memory_space<vmem>>
        %dma_start3A_154 = tpu.memref_squeeze %dma_start3A_153 : memref<1x128xi32, #tpu.memory_space<vmem>> -> memref<128xi32, #tpu.memory_space<vmem>>
        %dma_start3A_155 = arith.constant 0 : i32
        %dma_start3A_156 = arith.constant 0 : i32
        %dma_start3A_157 = tpu.memref_slice %arg13[%dma_start3A_155, %dma_start3A_156] : memref<10240x128xf32, #tpu.memory_space<vmem_shared>> -> memref<10240x128xf32, #tpu.memory_space<vmem_shared>>
        tpu.enqueue_indirect_dma source(%arg12 : memref<128x128xf32, #tpu.memory_space<vmem>>) target(%dma_start3A_157 : memref<10240x128xf32, #tpu.memory_space<vmem_shared>>) offsets(%dma_start3A_154 : memref<128xi32, #tpu.memory_space<vmem>>) semaphore(%run_scoped3A_151 : memref<!tpu.dma_semaphore, #tpu.memory_space<semaphore_mem>>) {add = true}
        %dma_wait3A_158 = arith.constant 0 : i32
        %dma_wait3A_159 = tpu.memref_slice %arg8[%add3A_150, %dma_wait3A_158] : memref<40x128xi32, #tpu.memory_space<vmem>> -> memref<1x128xi32, #tpu.memory_space<vmem>>
        %dma_wait3A_160 = tpu.memref_squeeze %dma_wait3A_159 : memref<1x128xi32, #tpu.memory_space<vmem>> -> memref<128xi32, #tpu.memory_space<vmem>>
        %dma_wait3A_161 = arith.constant 0 : i32
        %dma_wait3A_162 = arith.constant 0 : i32
        %dma_wait3A_163 = tpu.memref_slice %arg13[%dma_wait3A_161, %dma_wait3A_162] : memref<10240x128xf32, #tpu.memory_space<vmem_shared>> -> memref<10240x128xf32, #tpu.memory_space<vmem_shared>>
        tpu.wait_indirect_dma semaphore(%run_scoped3A_151 : memref<!tpu.dma_semaphore, #tpu.memory_space<semaphore_mem>>) src(%arg12 : memref<128x128xf32, #tpu.memory_space<vmem>>) dst(%dma_wait3A_163 : memref<10240x128xf32, #tpu.memory_space<vmem_shared>>)
        tpu.yield
      }) : () -> ()
    }
    %scan3A_46 = arith.constant 20 : i32
    %barrier3A_47 = arith.constant 0 : index
    tpu.barrier barrier_id(%barrier3A_47)
    %mul3A_48 = arith.constant 640 : i32
    %mul3A_49 = arith.muli %arg1, %mul3A_48 : i32
    %mul3A_50 = arith.constant 640 : i32
    %mul3A_51 = arith.muli %arg1, %mul3A_50 : i32
    %run_scoped3A_52 = arith.constant 1 : i32
    "tpu.region"() ({
      %run_scoped3A_109 = tpu.sem_alloc : memref<!tpu.dma_semaphore, #tpu.memory_space<semaphore_mem>>
      %dma_start3A_110 = arith.constant 0 : i32
      %dma_start3A_111 = arith.constant 0 : i32
      %dma_start3A_112 = arith.constant 0 : i32
      %dma_start3A_113 = tpu.memref_slice %arg6[%run_scoped3A_52, %dma_start3A_110, %dma_start3A_111, %dma_start3A_112] : memref<4x2x10240x128xf32, #tpu.memory_space<hbm>> -> memref<1x2x10240x128xf32, #tpu.memory_space<hbm>>
      %dma_start3A_114 = tpu.memref_squeeze %dma_start3A_113 : memref<1x2x10240x128xf32, #tpu.memory_space<hbm>> -> memref<2x10240x128xf32, #tpu.memory_space<hbm>>
      %dma_start3A_115 = arith.constant 0 : i32
      %dma_start3A_116 = arith.constant 0 : i32
      %dma_start3A_117 = tpu.memref_slice %dma_start3A_114[%arg0, %dma_start3A_115, %dma_start3A_116] : memref<2x10240x128xf32, #tpu.memory_space<hbm>> -> memref<1x10240x128xf32, #tpu.memory_space<hbm>>
      %dma_start3A_118 = tpu.memref_squeeze %dma_start3A_117 : memref<1x10240x128xf32, #tpu.memory_space<hbm>> -> memref<10240x128xf32, #tpu.memory_space<hbm>>
      %dma_start3A_119 = arith.constant 0 : i32
      %dma_start3A_120 = tpu.memref_slice %dma_start3A_118[%mul3A_51, %dma_start3A_119] : memref<10240x128xf32, #tpu.memory_space<hbm>> -> memref<640x128xf32, #tpu.memory_space<hbm>>
      %dma_start3A_121 = arith.constant 0 : i32
      %dma_start3A_122 = tpu.memref_slice %arg13[%mul3A_49, %dma_start3A_121] : memref<10240x128xf32, #tpu.memory_space<vmem_shared>> -> memref<640x128xf32, #tpu.memory_space<vmem_shared>>
      tpu.enqueue_dma source(%dma_start3A_122 : memref<640x128xf32, #tpu.memory_space<vmem_shared>>) target(%dma_start3A_120 : memref<640x128xf32, #tpu.memory_space<hbm>>) target_semaphore(%run_scoped3A_109 : memref<!tpu.dma_semaphore, #tpu.memory_space<semaphore_mem>>)
      %dma_wait3A = arith.constant 0 : i32
      %dma_wait3A_123 = arith.constant 0 : i32
      %dma_wait3A_124 = arith.constant 0 : i32
      %dma_wait3A_125 = tpu.memref_slice %arg6[%run_scoped3A_52, %dma_wait3A, %dma_wait3A_123, %dma_wait3A_124] : memref<4x2x10240x128xf32, #tpu.memory_space<hbm>> -> memref<1x2x10240x128xf32, #tpu.memory_space<hbm>>
      %dma_wait3A_126 = tpu.memref_squeeze %dma_wait3A_125 : memref<1x2x10240x128xf32, #tpu.memory_space<hbm>> -> memref<2x10240x128xf32, #tpu.memory_space<hbm>>
      %dma_wait3A_127 = arith.constant 0 : i32
      %dma_wait3A_128 = arith.constant 0 : i32
      %dma_wait3A_129 = tpu.memref_slice %dma_wait3A_126[%arg0, %dma_wait3A_127, %dma_wait3A_128] : memref<2x10240x128xf32, #tpu.memory_space<hbm>> -> memref<1x10240x128xf32, #tpu.memory_space<hbm>>
      %dma_wait3A_130 = tpu.memref_squeeze %dma_wait3A_129 : memref<1x10240x128xf32, #tpu.memory_space<hbm>> -> memref<10240x128xf32, #tpu.memory_space<hbm>>
      %dma_wait3A_131 = arith.constant 0 : i32
      %dma_wait3A_132 = tpu.memref_slice %dma_wait3A_130[%mul3A_51, %dma_wait3A_131] : memref<10240x128xf32, #tpu.memory_space<hbm>> -> memref<640x128xf32, #tpu.memory_space<hbm>>
      %dma_wait3A_133 = arith.constant 0 : i32
      %dma_wait3A_134 = tpu.memref_slice %arg13[%mul3A_49, %dma_wait3A_133] : memref<10240x128xf32, #tpu.memory_space<vmem_shared>> -> memref<640x128xf32, #tpu.memory_space<vmem_shared>>
      tpu.wait_dma2 semaphore(%run_scoped3A_109 : memref<!tpu.dma_semaphore, #tpu.memory_space<semaphore_mem>>) src(%dma_wait3A_134 : memref<640x128xf32, #tpu.memory_space<vmem_shared>>) dst(%dma_wait3A_132 : memref<640x128xf32, #tpu.memory_space<hbm>>)
      tpu.yield
    }) : () -> ()
    %mul3A_53 = arith.constant 640 : i32
    %mul3A_54 = arith.muli %arg1, %mul3A_53 : i32
    "tpu.region"() ({
      %run_scoped3A_109 = tpu.sem_alloc : memref<!tpu.dma_semaphore, #tpu.memory_space<semaphore_mem>>
      %dma_start3A_110 = arith.constant 0 : i32
      %dma_start3A_111 = tpu.memref_slice %arg13[%mul3A_54, %dma_start3A_110] : memref<10240x128xf32, #tpu.memory_space<vmem_shared>> -> memref<640x128xf32, #tpu.memory_space<vmem_shared>>
      tpu.enqueue_dma source(%arg5 : memref<640x128xf32, #tpu.memory_space<hbm>>) target(%dma_start3A_111 : memref<640x128xf32, #tpu.memory_space<vmem_shared>>) target_semaphore(%run_scoped3A_109 : memref<!tpu.dma_semaphore, #tpu.memory_space<semaphore_mem>>)
      %dma_wait3A = arith.constant 0 : i32
      %dma_wait3A_112 = tpu.memref_slice %arg13[%mul3A_54, %dma_wait3A] : memref<10240x128xf32, #tpu.memory_space<vmem_shared>> -> memref<640x128xf32, #tpu.memory_space<vmem_shared>>
      tpu.wait_dma2 semaphore(%run_scoped3A_109 : memref<!tpu.dma_semaphore, #tpu.memory_space<semaphore_mem>>) src(%arg5 : memref<640x128xf32, #tpu.memory_space<hbm>>) dst(%dma_wait3A_112 : memref<640x128xf32, #tpu.memory_space<vmem_shared>>)
      tpu.yield
    }) : () -> ()
    %barrier3A_55 = arith.constant 0 : index
    tpu.barrier barrier_id(%barrier3A_55)
    %dma_start3A_56 = arith.constant 2 : i32
    %dma_start3A_57 = arith.constant 0 : i32
    %dma_start3A_58 = arith.constant 0 : i32
    %dma_start3A_59 = tpu.memref_slice %arg7[%dma_start3A_57, %dma_start3A_58] : memref<40x128xi32, #tpu.memory_space<vmem>> -> memref<1x128xi32, #tpu.memory_space<vmem>>
    %dma_start3A_60 = tpu.memref_squeeze %dma_start3A_59 : memref<1x128xi32, #tpu.memory_space<vmem>> -> memref<128xi32, #tpu.memory_space<vmem>>
    %dma_start3A_61 = arith.constant 0 : i32
    %dma_start3A_62 = arith.constant 0 : i32
    %dma_start3A_63 = tpu.memref_slice %arg2[%dma_start3A_56, %dma_start3A_61, %dma_start3A_62] : memref<4x10000x128xf32, #tpu.memory_space<hbm>> -> memref<1x10000x128xf32, #tpu.memory_space<hbm>>
    %dma_start3A_64 = tpu.memref_squeeze %dma_start3A_63 : memref<1x10000x128xf32, #tpu.memory_space<hbm>> -> memref<10000x128xf32, #tpu.memory_space<hbm>>
    %dma_start3A_65 = arith.constant 0 : i32
    %dma_start3A_66 = arith.constant 0 : i32
    %dma_start3A_67 = tpu.memref_slice %dma_start3A_64[%dma_start3A_65, %dma_start3A_66] : memref<10000x128xf32, #tpu.memory_space<hbm>> -> memref<10000x128xf32, #tpu.memory_space<hbm>>
    tpu.enqueue_indirect_dma source(%dma_start3A_67 : memref<10000x128xf32, #tpu.memory_space<hbm>>) target(%arg11 : memref<128x128xf32, #tpu.memory_space<vmem>>) offsets(%dma_start3A_60 : memref<128xi32, #tpu.memory_space<vmem>>) semaphore(%arg9 : memref<!tpu.dma_semaphore, #tpu.memory_space<semaphore_mem>>)
    %scan3A_68 = arith.constant 0 : i32
    %scan3A_69 = arith.constant 2 : i32
    %scan3A_70 = arith.constant 0 : i32
    %scan3A_71 = arith.constant 20 : i32
    %scan3A_72 = arith.addi %scan3A_70, %scan3A_71 : i32
    %scan3A_73 = arith.constant 1 : i32
    scf.for %scan3A_109 = %scan3A_70 to %scan3A_72 step %scan3A_73  : i32 {
      %mul3A_110 = arith.constant 2 : i32
      %mul3A_111 = arith.muli %scan3A_109, %mul3A_110 : i32
      %add3A_112 = arith.constant 1 : i32
      %add3A_113 = arith.addi %mul3A_111, %add3A_112 : i32
      %dma_start3A_114 = arith.constant 0 : i32
      %dma_start3A_115 = tpu.memref_slice %arg7[%add3A_113, %dma_start3A_114] : memref<40x128xi32, #tpu.memory_space<vmem>> -> memref<1x128xi32, #tpu.memory_space<vmem>>
      %dma_start3A_116 = tpu.memref_squeeze %dma_start3A_115 : memref<1x128xi32, #tpu.memory_space<vmem>> -> memref<128xi32, #tpu.memory_space<vmem>>
      %dma_start3A_117 = arith.constant 0 : i32
      %dma_start3A_118 = arith.constant 0 : i32
      %dma_start3A_119 = tpu.memref_slice %arg2[%scan3A_69, %dma_start3A_117, %dma_start3A_118] : memref<4x10000x128xf32, #tpu.memory_space<hbm>> -> memref<1x10000x128xf32, #tpu.memory_space<hbm>>
      %dma_start3A_120 = tpu.memref_squeeze %dma_start3A_119 : memref<1x10000x128xf32, #tpu.memory_space<hbm>> -> memref<10000x128xf32, #tpu.memory_space<hbm>>
      %dma_start3A_121 = arith.constant 0 : i32
      %dma_start3A_122 = arith.constant 0 : i32
      %dma_start3A_123 = tpu.memref_slice %dma_start3A_120[%dma_start3A_121, %dma_start3A_122] : memref<10000x128xf32, #tpu.memory_space<hbm>> -> memref<10000x128xf32, #tpu.memory_space<hbm>>
      tpu.enqueue_indirect_dma source(%dma_start3A_123 : memref<10000x128xf32, #tpu.memory_space<hbm>>) target(%arg12 : memref<128x128xf32, #tpu.memory_space<vmem>>) offsets(%dma_start3A_116 : memref<128xi32, #tpu.memory_space<vmem>>) semaphore(%arg10 : memref<!tpu.dma_semaphore, #tpu.memory_space<semaphore_mem>>)
      %dma_wait3A = arith.constant 0 : i32
      %dma_wait3A_124 = tpu.memref_slice %arg7[%mul3A_111, %dma_wait3A] : memref<40x128xi32, #tpu.memory_space<vmem>> -> memref<1x128xi32, #tpu.memory_space<vmem>>
      %dma_wait3A_125 = tpu.memref_squeeze %dma_wait3A_124 : memref<1x128xi32, #tpu.memory_space<vmem>> -> memref<128xi32, #tpu.memory_space<vmem>>
      %dma_wait3A_126 = arith.constant 0 : i32
      %dma_wait3A_127 = arith.constant 0 : i32
      %dma_wait3A_128 = tpu.memref_slice %arg2[%scan3A_69, %dma_wait3A_126, %dma_wait3A_127] : memref<4x10000x128xf32, #tpu.memory_space<hbm>> -> memref<1x10000x128xf32, #tpu.memory_space<hbm>>
      %dma_wait3A_129 = tpu.memref_squeeze %dma_wait3A_128 : memref<1x10000x128xf32, #tpu.memory_space<hbm>> -> memref<10000x128xf32, #tpu.memory_space<hbm>>
      %dma_wait3A_130 = arith.constant 0 : i32
      %dma_wait3A_131 = arith.constant 0 : i32
      %dma_wait3A_132 = tpu.memref_slice %dma_wait3A_129[%dma_wait3A_130, %dma_wait3A_131] : memref<10000x128xf32, #tpu.memory_space<hbm>> -> memref<10000x128xf32, #tpu.memory_space<hbm>>
      tpu.wait_indirect_dma semaphore(%arg9 : memref<!tpu.dma_semaphore, #tpu.memory_space<semaphore_mem>>) src(%dma_wait3A_132 : memref<10000x128xf32, #tpu.memory_space<hbm>>) dst(%arg11 : memref<128x128xf32, #tpu.memory_space<vmem>>)
      "tpu.region"() ({
        %run_scoped3A_151 = tpu.sem_alloc : memref<!tpu.dma_semaphore, #tpu.memory_space<semaphore_mem>>
        %dma_start3A_152 = arith.constant 0 : i32
        %dma_start3A_153 = tpu.memref_slice %arg8[%mul3A_111, %dma_start3A_152] : memref<40x128xi32, #tpu.memory_space<vmem>> -> memref<1x128xi32, #tpu.memory_space<vmem>>
        %dma_start3A_154 = tpu.memref_squeeze %dma_start3A_153 : memref<1x128xi32, #tpu.memory_space<vmem>> -> memref<128xi32, #tpu.memory_space<vmem>>
        %dma_start3A_155 = arith.constant 0 : i32
        %dma_start3A_156 = arith.constant 0 : i32
        %dma_start3A_157 = tpu.memref_slice %arg13[%dma_start3A_155, %dma_start3A_156] : memref<10240x128xf32, #tpu.memory_space<vmem_shared>> -> memref<10240x128xf32, #tpu.memory_space<vmem_shared>>
        tpu.enqueue_indirect_dma source(%arg11 : memref<128x128xf32, #tpu.memory_space<vmem>>) target(%dma_start3A_157 : memref<10240x128xf32, #tpu.memory_space<vmem_shared>>) offsets(%dma_start3A_154 : memref<128xi32, #tpu.memory_space<vmem>>) semaphore(%run_scoped3A_151 : memref<!tpu.dma_semaphore, #tpu.memory_space<semaphore_mem>>) {add = true}
        %dma_wait3A_158 = arith.constant 0 : i32
        %dma_wait3A_159 = tpu.memref_slice %arg8[%mul3A_111, %dma_wait3A_158] : memref<40x128xi32, #tpu.memory_space<vmem>> -> memref<1x128xi32, #tpu.memory_space<vmem>>
        %dma_wait3A_160 = tpu.memref_squeeze %dma_wait3A_159 : memref<1x128xi32, #tpu.memory_space<vmem>> -> memref<128xi32, #tpu.memory_space<vmem>>
        %dma_wait3A_161 = arith.constant 0 : i32
        %dma_wait3A_162 = arith.constant 0 : i32
        %dma_wait3A_163 = tpu.memref_slice %arg13[%dma_wait3A_161, %dma_wait3A_162] : memref<10240x128xf32, #tpu.memory_space<vmem_shared>> -> memref<10240x128xf32, #tpu.memory_space<vmem_shared>>
        tpu.wait_indirect_dma semaphore(%run_scoped3A_151 : memref<!tpu.dma_semaphore, #tpu.memory_space<semaphore_mem>>) src(%arg11 : memref<128x128xf32, #tpu.memory_space<vmem>>) dst(%dma_wait3A_163 : memref<10240x128xf32, #tpu.memory_space<vmem_shared>>)
        tpu.yield
      }) : () -> ()
      %add3A_133 = arith.constant 2 : i32
      %add3A_134 = arith.addi %mul3A_111, %add3A_133 : i32
      %lt3A = arith.constant 40 : i32
      %lt3A_135 = arith.cmpi slt, %add3A_134, %lt3A : i32
      %convert_element_type3A = arith.extui %lt3A_135 : i1 to i32
      %cond3A = arith.constant 0 : i32
      %cond3A_136 = arith.cmpi ne, %convert_element_type3A, %cond3A : i32
      scf.if %cond3A_136 {
        %add3A_151 = arith.constant 2 : i32
        %add3A_152 = arith.addi %mul3A_111, %add3A_151 : i32
        %dma_start3A_153 = arith.constant 0 : i32
        %dma_start3A_154 = tpu.memref_slice %arg7[%add3A_152, %dma_start3A_153] : memref<40x128xi32, #tpu.memory_space<vmem>> -> memref<1x128xi32, #tpu.memory_space<vmem>>
        %dma_start3A_155 = tpu.memref_squeeze %dma_start3A_154 : memref<1x128xi32, #tpu.memory_space<vmem>> -> memref<128xi32, #tpu.memory_space<vmem>>
        %dma_start3A_156 = arith.constant 0 : i32
        %dma_start3A_157 = arith.constant 0 : i32
        %dma_start3A_158 = tpu.memref_slice %arg2[%scan3A_69, %dma_start3A_156, %dma_start3A_157] : memref<4x10000x128xf32, #tpu.memory_space<hbm>> -> memref<1x10000x128xf32, #tpu.memory_space<hbm>>
        %dma_start3A_159 = tpu.memref_squeeze %dma_start3A_158 : memref<1x10000x128xf32, #tpu.memory_space<hbm>> -> memref<10000x128xf32, #tpu.memory_space<hbm>>
        %dma_start3A_160 = arith.constant 0 : i32
        %dma_start3A_161 = arith.constant 0 : i32
        %dma_start3A_162 = tpu.memref_slice %dma_start3A_159[%dma_start3A_160, %dma_start3A_161] : memref<10000x128xf32, #tpu.memory_space<hbm>> -> memref<10000x128xf32, #tpu.memory_space<hbm>>
        tpu.enqueue_indirect_dma source(%dma_start3A_162 : memref<10000x128xf32, #tpu.memory_space<hbm>>) target(%arg11 : memref<128x128xf32, #tpu.memory_space<vmem>>) offsets(%dma_start3A_155 : memref<128xi32, #tpu.memory_space<vmem>>) semaphore(%arg9 : memref<!tpu.dma_semaphore, #tpu.memory_space<semaphore_mem>>)
      } else {
      }
      %add3A_137 = arith.constant 1 : i32
      %add3A_138 = arith.addi %mul3A_111, %add3A_137 : i32
      %dma_wait3A_139 = arith.constant 0 : i32
      %dma_wait3A_140 = tpu.memref_slice %arg7[%add3A_138, %dma_wait3A_139] : memref<40x128xi32, #tpu.memory_space<vmem>> -> memref<1x128xi32, #tpu.memory_space<vmem>>
      %dma_wait3A_141 = tpu.memref_squeeze %dma_wait3A_140 : memref<1x128xi32, #tpu.memory_space<vmem>> -> memref<128xi32, #tpu.memory_space<vmem>>
      %dma_wait3A_142 = arith.constant 0 : i32
      %dma_wait3A_143 = arith.constant 0 : i32
      %dma_wait3A_144 = tpu.memref_slice %arg2[%scan3A_69, %dma_wait3A_142, %dma_wait3A_143] : memref<4x10000x128xf32, #tpu.memory_space<hbm>> -> memref<1x10000x128xf32, #tpu.memory_space<hbm>>
      %dma_wait3A_145 = tpu.memref_squeeze %dma_wait3A_144 : memref<1x10000x128xf32, #tpu.memory_space<hbm>> -> memref<10000x128xf32, #tpu.memory_space<hbm>>
      %dma_wait3A_146 = arith.constant 0 : i32
      %dma_wait3A_147 = arith.constant 0 : i32
      %dma_wait3A_148 = tpu.memref_slice %dma_wait3A_145[%dma_wait3A_146, %dma_wait3A_147] : memref<10000x128xf32, #tpu.memory_space<hbm>> -> memref<10000x128xf32, #tpu.memory_space<hbm>>
      tpu.wait_indirect_dma semaphore(%arg10 : memref<!tpu.dma_semaphore, #tpu.memory_space<semaphore_mem>>) src(%dma_wait3A_148 : memref<10000x128xf32, #tpu.memory_space<hbm>>) dst(%arg12 : memref<128x128xf32, #tpu.memory_space<vmem>>)
      %add3A_149 = arith.constant 1 : i32
      %add3A_150 = arith.addi %mul3A_111, %add3A_149 : i32
      "tpu.region"() ({
        %run_scoped3A_151 = tpu.sem_alloc : memref<!tpu.dma_semaphore, #tpu.memory_space<semaphore_mem>>
        %dma_start3A_152 = arith.constant 0 : i32
        %dma_start3A_153 = tpu.memref_slice %arg8[%add3A_150, %dma_start3A_152] : memref<40x128xi32, #tpu.memory_space<vmem>> -> memref<1x128xi32, #tpu.memory_space<vmem>>
        %dma_start3A_154 = tpu.memref_squeeze %dma_start3A_153 : memref<1x128xi32, #tpu.memory_space<vmem>> -> memref<128xi32, #tpu.memory_space<vmem>>
        %dma_start3A_155 = arith.constant 0 : i32
        %dma_start3A_156 = arith.constant 0 : i32
        %dma_start3A_157 = tpu.memref_slice %arg13[%dma_start3A_155, %dma_start3A_156] : memref<10240x128xf32, #tpu.memory_space<vmem_shared>> -> memref<10240x128xf32, #tpu.memory_space<vmem_shared>>
        tpu.enqueue_indirect_dma source(%arg12 : memref<128x128xf32, #tpu.memory_space<vmem>>) target(%dma_start3A_157 : memref<10240x128xf32, #tpu.memory_space<vmem_shared>>) offsets(%dma_start3A_154 : memref<128xi32, #tpu.memory_space<vmem>>) semaphore(%run_scoped3A_151 : memref<!tpu.dma_semaphore, #tpu.memory_space<semaphore_mem>>) {add = true}
        %dma_wait3A_158 = arith.constant 0 : i32
        %dma_wait3A_159 = tpu.memref_slice %arg8[%add3A_150, %dma_wait3A_158] : memref<40x128xi32, #tpu.memory_space<vmem>> -> memref<1x128xi32, #tpu.memory_space<vmem>>
        %dma_wait3A_160 = tpu.memref_squeeze %dma_wait3A_159 : memref<1x128xi32, #tpu.memory_space<vmem>> -> memref<128xi32, #tpu.memory_space<vmem>>
        %dma_wait3A_161 = arith.constant 0 : i32
        %dma_wait3A_162 = arith.constant 0 : i32
        %dma_wait3A_163 = tpu.memref_slice %arg13[%dma_wait3A_161, %dma_wait3A_162] : memref<10240x128xf32, #tpu.memory_space<vmem_shared>> -> memref<10240x128xf32, #tpu.memory_space<vmem_shared>>
        tpu.wait_indirect_dma semaphore(%run_scoped3A_151 : memref<!tpu.dma_semaphore, #tpu.memory_space<semaphore_mem>>) src(%arg12 : memref<128x128xf32, #tpu.memory_space<vmem>>) dst(%dma_wait3A_163 : memref<10240x128xf32, #tpu.memory_space<vmem_shared>>)
        tpu.yield
      }) : () -> ()
    }
    %scan3A_74 = arith.constant 20 : i32
    %barrier3A_75 = arith.constant 0 : index
    tpu.barrier barrier_id(%barrier3A_75)
    %mul3A_76 = arith.constant 640 : i32
    %mul3A_77 = arith.muli %arg1, %mul3A_76 : i32
    %mul3A_78 = arith.constant 640 : i32
    %mul3A_79 = arith.muli %arg1, %mul3A_78 : i32
    %run_scoped3A_80 = arith.constant 2 : i32
    "tpu.region"() ({
      %run_scoped3A_109 = tpu.sem_alloc : memref<!tpu.dma_semaphore, #tpu.memory_space<semaphore_mem>>
      %dma_start3A_110 = arith.constant 0 : i32
      %dma_start3A_111 = arith.constant 0 : i32
      %dma_start3A_112 = arith.constant 0 : i32
      %dma_start3A_113 = tpu.memref_slice %arg6[%run_scoped3A_80, %dma_start3A_110, %dma_start3A_111, %dma_start3A_112] : memref<4x2x10240x128xf32, #tpu.memory_space<hbm>> -> memref<1x2x10240x128xf32, #tpu.memory_space<hbm>>
      %dma_start3A_114 = tpu.memref_squeeze %dma_start3A_113 : memref<1x2x10240x128xf32, #tpu.memory_space<hbm>> -> memref<2x10240x128xf32, #tpu.memory_space<hbm>>
      %dma_start3A_115 = arith.constant 0 : i32
      %dma_start3A_116 = arith.constant 0 : i32
      %dma_start3A_117 = tpu.memref_slice %dma_start3A_114[%arg0, %dma_start3A_115, %dma_start3A_116] : memref<2x10240x128xf32, #tpu.memory_space<hbm>> -> memref<1x10240x128xf32, #tpu.memory_space<hbm>>
      %dma_start3A_118 = tpu.memref_squeeze %dma_start3A_117 : memref<1x10240x128xf32, #tpu.memory_space<hbm>> -> memref<10240x128xf32, #tpu.memory_space<hbm>>
      %dma_start3A_119 = arith.constant 0 : i32
      %dma_start3A_120 = tpu.memref_slice %dma_start3A_118[%mul3A_79, %dma_start3A_119] : memref<10240x128xf32, #tpu.memory_space<hbm>> -> memref<640x128xf32, #tpu.memory_space<hbm>>
      %dma_start3A_121 = arith.constant 0 : i32
      %dma_start3A_122 = tpu.memref_slice %arg13[%mul3A_77, %dma_start3A_121] : memref<10240x128xf32, #tpu.memory_space<vmem_shared>> -> memref<640x128xf32, #tpu.memory_space<vmem_shared>>
      tpu.enqueue_dma source(%dma_start3A_122 : memref<640x128xf32, #tpu.memory_space<vmem_shared>>) target(%dma_start3A_120 : memref<640x128xf32, #tpu.memory_space<hbm>>) target_semaphore(%run_scoped3A_109 : memref<!tpu.dma_semaphore, #tpu.memory_space<semaphore_mem>>)
      %dma_wait3A = arith.constant 0 : i32
      %dma_wait3A_123 = arith.constant 0 : i32
      %dma_wait3A_124 = arith.constant 0 : i32
      %dma_wait3A_125 = tpu.memref_slice %arg6[%run_scoped3A_80, %dma_wait3A, %dma_wait3A_123, %dma_wait3A_124] : memref<4x2x10240x128xf32, #tpu.memory_space<hbm>> -> memref<1x2x10240x128xf32, #tpu.memory_space<hbm>>
      %dma_wait3A_126 = tpu.memref_squeeze %dma_wait3A_125 : memref<1x2x10240x128xf32, #tpu.memory_space<hbm>> -> memref<2x10240x128xf32, #tpu.memory_space<hbm>>
      %dma_wait3A_127 = arith.constant 0 : i32
      %dma_wait3A_128 = arith.constant 0 : i32
      %dma_wait3A_129 = tpu.memref_slice %dma_wait3A_126[%arg0, %dma_wait3A_127, %dma_wait3A_128] : memref<2x10240x128xf32, #tpu.memory_space<hbm>> -> memref<1x10240x128xf32, #tpu.memory_space<hbm>>
      %dma_wait3A_130 = tpu.memref_squeeze %dma_wait3A_129 : memref<1x10240x128xf32, #tpu.memory_space<hbm>> -> memref<10240x128xf32, #tpu.memory_space<hbm>>
      %dma_wait3A_131 = arith.constant 0 : i32
      %dma_wait3A_132 = tpu.memref_slice %dma_wait3A_130[%mul3A_79, %dma_wait3A_131] : memref<10240x128xf32, #tpu.memory_space<hbm>> -> memref<640x128xf32, #tpu.memory_space<hbm>>
      %dma_wait3A_133 = arith.constant 0 : i32
      %dma_wait3A_134 = tpu.memref_slice %arg13[%mul3A_77, %dma_wait3A_133] : memref<10240x128xf32, #tpu.memory_space<vmem_shared>> -> memref<640x128xf32, #tpu.memory_space<vmem_shared>>
      tpu.wait_dma2 semaphore(%run_scoped3A_109 : memref<!tpu.dma_semaphore, #tpu.memory_space<semaphore_mem>>) src(%dma_wait3A_134 : memref<640x128xf32, #tpu.memory_space<vmem_shared>>) dst(%dma_wait3A_132 : memref<640x128xf32, #tpu.memory_space<hbm>>)
      tpu.yield
    }) : () -> ()
    %mul3A_81 = arith.constant 640 : i32
    %mul3A_82 = arith.muli %arg1, %mul3A_81 : i32
    "tpu.region"() ({
      %run_scoped3A_109 = tpu.sem_alloc : memref<!tpu.dma_semaphore, #tpu.memory_space<semaphore_mem>>
      %dma_start3A_110 = arith.constant 0 : i32
      %dma_start3A_111 = tpu.memref_slice %arg13[%mul3A_82, %dma_start3A_110] : memref<10240x128xf32, #tpu.memory_space<vmem_shared>> -> memref<640x128xf32, #tpu.memory_space<vmem_shared>>
      tpu.enqueue_dma source(%arg5 : memref<640x128xf32, #tpu.memory_space<hbm>>) target(%dma_start3A_111 : memref<640x128xf32, #tpu.memory_space<vmem_shared>>) target_semaphore(%run_scoped3A_109 : memref<!tpu.dma_semaphore, #tpu.memory_space<semaphore_mem>>)
      %dma_wait3A = arith.constant 0 : i32
      %dma_wait3A_112 = tpu.memref_slice %arg13[%mul3A_82, %dma_wait3A] : memref<10240x128xf32, #tpu.memory_space<vmem_shared>> -> memref<640x128xf32, #tpu.memory_space<vmem_shared>>
      tpu.wait_dma2 semaphore(%run_scoped3A_109 : memref<!tpu.dma_semaphore, #tpu.memory_space<semaphore_mem>>) src(%arg5 : memref<640x128xf32, #tpu.memory_space<hbm>>) dst(%dma_wait3A_112 : memref<640x128xf32, #tpu.memory_space<vmem_shared>>)
      tpu.yield
    }) : () -> ()
    %barrier3A_83 = arith.constant 0 : index
    tpu.barrier barrier_id(%barrier3A_83)
    %dma_start3A_84 = arith.constant 3 : i32
    %dma_start3A_85 = arith.constant 0 : i32
    %dma_start3A_86 = arith.constant 0 : i32
    %dma_start3A_87 = tpu.memref_slice %arg7[%dma_start3A_85, %dma_start3A_86] : memref<40x128xi32, #tpu.memory_space<vmem>> -> memref<1x128xi32, #tpu.memory_space<vmem>>
    %dma_start3A_88 = tpu.memref_squeeze %dma_start3A_87 : memref<1x128xi32, #tpu.memory_space<vmem>> -> memref<128xi32, #tpu.memory_space<vmem>>
    %dma_start3A_89 = arith.constant 0 : i32
    %dma_start3A_90 = arith.constant 0 : i32
    %dma_start3A_91 = tpu.memref_slice %arg2[%dma_start3A_84, %dma_start3A_89, %dma_start3A_90] : memref<4x10000x128xf32, #tpu.memory_space<hbm>> -> memref<1x10000x128xf32, #tpu.memory_space<hbm>>
    %dma_start3A_92 = tpu.memref_squeeze %dma_start3A_91 : memref<1x10000x128xf32, #tpu.memory_space<hbm>> -> memref<10000x128xf32, #tpu.memory_space<hbm>>
    %dma_start3A_93 = arith.constant 0 : i32
    %dma_start3A_94 = arith.constant 0 : i32
    %dma_start3A_95 = tpu.memref_slice %dma_start3A_92[%dma_start3A_93, %dma_start3A_94] : memref<10000x128xf32, #tpu.memory_space<hbm>> -> memref<10000x128xf32, #tpu.memory_space<hbm>>
    tpu.enqueue_indirect_dma source(%dma_start3A_95 : memref<10000x128xf32, #tpu.memory_space<hbm>>) target(%arg11 : memref<128x128xf32, #tpu.memory_space<vmem>>) offsets(%dma_start3A_88 : memref<128xi32, #tpu.memory_space<vmem>>) semaphore(%arg9 : memref<!tpu.dma_semaphore, #tpu.memory_space<semaphore_mem>>)
    %scan3A_96 = arith.constant 0 : i32
    %scan3A_97 = arith.constant 3 : i32
    %scan3A_98 = arith.constant 0 : i32
    %scan3A_99 = arith.constant 20 : i32
    %scan3A_100 = arith.addi %scan3A_98, %scan3A_99 : i32
    %scan3A_101 = arith.constant 1 : i32
    scf.for %scan3A_109 = %scan3A_98 to %scan3A_100 step %scan3A_101  : i32 {
      %mul3A_110 = arith.constant 2 : i32
      %mul3A_111 = arith.muli %scan3A_109, %mul3A_110 : i32
      %add3A_112 = arith.constant 1 : i32
      %add3A_113 = arith.addi %mul3A_111, %add3A_112 : i32
      %dma_start3A_114 = arith.constant 0 : i32
      %dma_start3A_115 = tpu.memref_slice %arg7[%add3A_113, %dma_start3A_114] : memref<40x128xi32, #tpu.memory_space<vmem>> -> memref<1x128xi32, #tpu.memory_space<vmem>>
      %dma_start3A_116 = tpu.memref_squeeze %dma_start3A_115 : memref<1x128xi32, #tpu.memory_space<vmem>> -> memref<128xi32, #tpu.memory_space<vmem>>
      %dma_start3A_117 = arith.constant 0 : i32
      %dma_start3A_118 = arith.constant 0 : i32
      %dma_start3A_119 = tpu.memref_slice %arg2[%scan3A_97, %dma_start3A_117, %dma_start3A_118] : memref<4x10000x128xf32, #tpu.memory_space<hbm>> -> memref<1x10000x128xf32, #tpu.memory_space<hbm>>
      %dma_start3A_120 = tpu.memref_squeeze %dma_start3A_119 : memref<1x10000x128xf32, #tpu.memory_space<hbm>> -> memref<10000x128xf32, #tpu.memory_space<hbm>>
      %dma_start3A_121 = arith.constant 0 : i32
      %dma_start3A_122 = arith.constant 0 : i32
      %dma_start3A_123 = tpu.memref_slice %dma_start3A_120[%dma_start3A_121, %dma_start3A_122] : memref<10000x128xf32, #tpu.memory_space<hbm>> -> memref<10000x128xf32, #tpu.memory_space<hbm>>
      tpu.enqueue_indirect_dma source(%dma_start3A_123 : memref<10000x128xf32, #tpu.memory_space<hbm>>) target(%arg12 : memref<128x128xf32, #tpu.memory_space<vmem>>) offsets(%dma_start3A_116 : memref<128xi32, #tpu.memory_space<vmem>>) semaphore(%arg10 : memref<!tpu.dma_semaphore, #tpu.memory_space<semaphore_mem>>)
      %dma_wait3A = arith.constant 0 : i32
      %dma_wait3A_124 = tpu.memref_slice %arg7[%mul3A_111, %dma_wait3A] : memref<40x128xi32, #tpu.memory_space<vmem>> -> memref<1x128xi32, #tpu.memory_space<vmem>>
      %dma_wait3A_125 = tpu.memref_squeeze %dma_wait3A_124 : memref<1x128xi32, #tpu.memory_space<vmem>> -> memref<128xi32, #tpu.memory_space<vmem>>
      %dma_wait3A_126 = arith.constant 0 : i32
      %dma_wait3A_127 = arith.constant 0 : i32
      %dma_wait3A_128 = tpu.memref_slice %arg2[%scan3A_97, %dma_wait3A_126, %dma_wait3A_127] : memref<4x10000x128xf32, #tpu.memory_space<hbm>> -> memref<1x10000x128xf32, #tpu.memory_space<hbm>>
      %dma_wait3A_129 = tpu.memref_squeeze %dma_wait3A_128 : memref<1x10000x128xf32, #tpu.memory_space<hbm>> -> memref<10000x128xf32, #tpu.memory_space<hbm>>
      %dma_wait3A_130 = arith.constant 0 : i32
      %dma_wait3A_131 = arith.constant 0 : i32
      %dma_wait3A_132 = tpu.memref_slice %dma_wait3A_129[%dma_wait3A_130, %dma_wait3A_131] : memref<10000x128xf32, #tpu.memory_space<hbm>> -> memref<10000x128xf32, #tpu.memory_space<hbm>>
      tpu.wait_indirect_dma semaphore(%arg9 : memref<!tpu.dma_semaphore, #tpu.memory_space<semaphore_mem>>) src(%dma_wait3A_132 : memref<10000x128xf32, #tpu.memory_space<hbm>>) dst(%arg11 : memref<128x128xf32, #tpu.memory_space<vmem>>)
      "tpu.region"() ({
        %run_scoped3A_151 = tpu.sem_alloc : memref<!tpu.dma_semaphore, #tpu.memory_space<semaphore_mem>>
        %dma_start3A_152 = arith.constant 0 : i32
        %dma_start3A_153 = tpu.memref_slice %arg8[%mul3A_111, %dma_start3A_152] : memref<40x128xi32, #tpu.memory_space<vmem>> -> memref<1x128xi32, #tpu.memory_space<vmem>>
        %dma_start3A_154 = tpu.memref_squeeze %dma_start3A_153 : memref<1x128xi32, #tpu.memory_space<vmem>> -> memref<128xi32, #tpu.memory_space<vmem>>
        %dma_start3A_155 = arith.constant 0 : i32
        %dma_start3A_156 = arith.constant 0 : i32
        %dma_start3A_157 = tpu.memref_slice %arg13[%dma_start3A_155, %dma_start3A_156] : memref<10240x128xf32, #tpu.memory_space<vmem_shared>> -> memref<10240x128xf32, #tpu.memory_space<vmem_shared>>
        tpu.enqueue_indirect_dma source(%arg11 : memref<128x128xf32, #tpu.memory_space<vmem>>) target(%dma_start3A_157 : memref<10240x128xf32, #tpu.memory_space<vmem_shared>>) offsets(%dma_start3A_154 : memref<128xi32, #tpu.memory_space<vmem>>) semaphore(%run_scoped3A_151 : memref<!tpu.dma_semaphore, #tpu.memory_space<semaphore_mem>>) {add = true}
        %dma_wait3A_158 = arith.constant 0 : i32
        %dma_wait3A_159 = tpu.memref_slice %arg8[%mul3A_111, %dma_wait3A_158] : memref<40x128xi32, #tpu.memory_space<vmem>> -> memref<1x128xi32, #tpu.memory_space<vmem>>
        %dma_wait3A_160 = tpu.memref_squeeze %dma_wait3A_159 : memref<1x128xi32, #tpu.memory_space<vmem>> -> memref<128xi32, #tpu.memory_space<vmem>>
        %dma_wait3A_161 = arith.constant 0 : i32
        %dma_wait3A_162 = arith.constant 0 : i32
        %dma_wait3A_163 = tpu.memref_slice %arg13[%dma_wait3A_161, %dma_wait3A_162] : memref<10240x128xf32, #tpu.memory_space<vmem_shared>> -> memref<10240x128xf32, #tpu.memory_space<vmem_shared>>
        tpu.wait_indirect_dma semaphore(%run_scoped3A_151 : memref<!tpu.dma_semaphore, #tpu.memory_space<semaphore_mem>>) src(%arg11 : memref<128x128xf32, #tpu.memory_space<vmem>>) dst(%dma_wait3A_163 : memref<10240x128xf32, #tpu.memory_space<vmem_shared>>)
        tpu.yield
      }) : () -> ()
      %add3A_133 = arith.constant 2 : i32
      %add3A_134 = arith.addi %mul3A_111, %add3A_133 : i32
      %lt3A = arith.constant 40 : i32
      %lt3A_135 = arith.cmpi slt, %add3A_134, %lt3A : i32
      %convert_element_type3A = arith.extui %lt3A_135 : i1 to i32
      %cond3A = arith.constant 0 : i32
      %cond3A_136 = arith.cmpi ne, %convert_element_type3A, %cond3A : i32
      scf.if %cond3A_136 {
        %add3A_151 = arith.constant 2 : i32
        %add3A_152 = arith.addi %mul3A_111, %add3A_151 : i32
        %dma_start3A_153 = arith.constant 0 : i32
        %dma_start3A_154 = tpu.memref_slice %arg7[%add3A_152, %dma_start3A_153] : memref<40x128xi32, #tpu.memory_space<vmem>> -> memref<1x128xi32, #tpu.memory_space<vmem>>
        %dma_start3A_155 = tpu.memref_squeeze %dma_start3A_154 : memref<1x128xi32, #tpu.memory_space<vmem>> -> memref<128xi32, #tpu.memory_space<vmem>>
        %dma_start3A_156 = arith.constant 0 : i32
        %dma_start3A_157 = arith.constant 0 : i32
        %dma_start3A_158 = tpu.memref_slice %arg2[%scan3A_97, %dma_start3A_156, %dma_start3A_157] : memref<4x10000x128xf32, #tpu.memory_space<hbm>> -> memref<1x10000x128xf32, #tpu.memory_space<hbm>>
        %dma_start3A_159 = tpu.memref_squeeze %dma_start3A_158 : memref<1x10000x128xf32, #tpu.memory_space<hbm>> -> memref<10000x128xf32, #tpu.memory_space<hbm>>
        %dma_start3A_160 = arith.constant 0 : i32
        %dma_start3A_161 = arith.constant 0 : i32
        %dma_start3A_162 = tpu.memref_slice %dma_start3A_159[%dma_start3A_160, %dma_start3A_161] : memref<10000x128xf32, #tpu.memory_space<hbm>> -> memref<10000x128xf32, #tpu.memory_space<hbm>>
        tpu.enqueue_indirect_dma source(%dma_start3A_162 : memref<10000x128xf32, #tpu.memory_space<hbm>>) target(%arg11 : memref<128x128xf32, #tpu.memory_space<vmem>>) offsets(%dma_start3A_155 : memref<128xi32, #tpu.memory_space<vmem>>) semaphore(%arg9 : memref<!tpu.dma_semaphore, #tpu.memory_space<semaphore_mem>>)
      } else {
      }
      %add3A_137 = arith.constant 1 : i32
      %add3A_138 = arith.addi %mul3A_111, %add3A_137 : i32
      %dma_wait3A_139 = arith.constant 0 : i32
      %dma_wait3A_140 = tpu.memref_slice %arg7[%add3A_138, %dma_wait3A_139] : memref<40x128xi32, #tpu.memory_space<vmem>> -> memref<1x128xi32, #tpu.memory_space<vmem>>
      %dma_wait3A_141 = tpu.memref_squeeze %dma_wait3A_140 : memref<1x128xi32, #tpu.memory_space<vmem>> -> memref<128xi32, #tpu.memory_space<vmem>>
      %dma_wait3A_142 = arith.constant 0 : i32
      %dma_wait3A_143 = arith.constant 0 : i32
      %dma_wait3A_144 = tpu.memref_slice %arg2[%scan3A_97, %dma_wait3A_142, %dma_wait3A_143] : memref<4x10000x128xf32, #tpu.memory_space<hbm>> -> memref<1x10000x128xf32, #tpu.memory_space<hbm>>
      %dma_wait3A_145 = tpu.memref_squeeze %dma_wait3A_144 : memref<1x10000x128xf32, #tpu.memory_space<hbm>> -> memref<10000x128xf32, #tpu.memory_space<hbm>>
      %dma_wait3A_146 = arith.constant 0 : i32
      %dma_wait3A_147 = arith.constant 0 : i32
      %dma_wait3A_148 = tpu.memref_slice %dma_wait3A_145[%dma_wait3A_146, %dma_wait3A_147] : memref<10000x128xf32, #tpu.memory_space<hbm>> -> memref<10000x128xf32, #tpu.memory_space<hbm>>
      tpu.wait_indirect_dma semaphore(%arg10 : memref<!tpu.dma_semaphore, #tpu.memory_space<semaphore_mem>>) src(%dma_wait3A_148 : memref<10000x128xf32, #tpu.memory_space<hbm>>) dst(%arg12 : memref<128x128xf32, #tpu.memory_space<vmem>>)
      %add3A_149 = arith.constant 1 : i32
      %add3A_150 = arith.addi %mul3A_111, %add3A_149 : i32
      "tpu.region"() ({
        %run_scoped3A_151 = tpu.sem_alloc : memref<!tpu.dma_semaphore, #tpu.memory_space<semaphore_mem>>
        %dma_start3A_152 = arith.constant 0 : i32
        %dma_start3A_153 = tpu.memref_slice %arg8[%add3A_150, %dma_start3A_152] : memref<40x128xi32, #tpu.memory_space<vmem>> -> memref<1x128xi32, #tpu.memory_space<vmem>>
        %dma_start3A_154 = tpu.memref_squeeze %dma_start3A_153 : memref<1x128xi32, #tpu.memory_space<vmem>> -> memref<128xi32, #tpu.memory_space<vmem>>
        %dma_start3A_155 = arith.constant 0 : i32
        %dma_start3A_156 = arith.constant 0 : i32
        %dma_start3A_157 = tpu.memref_slice %arg13[%dma_start3A_155, %dma_start3A_156] : memref<10240x128xf32, #tpu.memory_space<vmem_shared>> -> memref<10240x128xf32, #tpu.memory_space<vmem_shared>>
        tpu.enqueue_indirect_dma source(%arg12 : memref<128x128xf32, #tpu.memory_space<vmem>>) target(%dma_start3A_157 : memref<10240x128xf32, #tpu.memory_space<vmem_shared>>) offsets(%dma_start3A_154 : memref<128xi32, #tpu.memory_space<vmem>>) semaphore(%run_scoped3A_151 : memref<!tpu.dma_semaphore, #tpu.memory_space<semaphore_mem>>) {add = true}
        %dma_wait3A_158 = arith.constant 0 : i32
        %dma_wait3A_159 = tpu.memref_slice %arg8[%add3A_150, %dma_wait3A_158] : memref<40x128xi32, #tpu.memory_space<vmem>> -> memref<1x128xi32, #tpu.memory_space<vmem>>
        %dma_wait3A_160 = tpu.memref_squeeze %dma_wait3A_159 : memref<1x128xi32, #tpu.memory_space<vmem>> -> memref<128xi32, #tpu.memory_space<vmem>>
        %dma_wait3A_161 = arith.constant 0 : i32
        %dma_wait3A_162 = arith.constant 0 : i32
        %dma_wait3A_163 = tpu.memref_slice %arg13[%dma_wait3A_161, %dma_wait3A_162] : memref<10240x128xf32, #tpu.memory_space<vmem_shared>> -> memref<10240x128xf32, #tpu.memory_space<vmem_shared>>
        tpu.wait_indirect_dma semaphore(%run_scoped3A_151 : memref<!tpu.dma_semaphore, #tpu.memory_space<semaphore_mem>>) src(%arg12 : memref<128x128xf32, #tpu.memory_space<vmem>>) dst(%dma_wait3A_163 : memref<10240x128xf32, #tpu.memory_space<vmem_shared>>)
        tpu.yield
      }) : () -> ()
    }
    %scan3A_102 = arith.constant 20 : i32
    %barrier3A_103 = arith.constant 0 : index
    tpu.barrier barrier_id(%barrier3A_103)
    %mul3A_104 = arith.constant 640 : i32
    %mul3A_105 = arith.muli %arg1, %mul3A_104 : i32
    %mul3A_106 = arith.constant 640 : i32
    %mul3A_107 = arith.muli %arg1, %mul3A_106 : i32
    %run_scoped3A_108 = arith.constant 3 : i32
    "tpu.region"() ({
      %run_scoped3A_109 = tpu.sem_alloc : memref<!tpu.dma_semaphore, #tpu.memory_space<semaphore_mem>>
      %dma_start3A_110 = arith.constant 0 : i32
      %dma_start3A_111 = arith.constant 0 : i32
      %dma_start3A_112 = arith.constant 0 : i32
      %dma_start3A_113 = tpu.memref_slice %arg6[%run_scoped3A_108, %dma_start3A_110, %dma_start3A_111, %dma_start3A_112] : memref<4x2x10240x128xf32, #tpu.memory_space<hbm>> -> memref<1x2x10240x128xf32, #tpu.memory_space<hbm>>
      %dma_start3A_114 = tpu.memref_squeeze %dma_start3A_113 : memref<1x2x10240x128xf32, #tpu.memory_space<hbm>> -> memref<2x10240x128xf32, #tpu.memory_space<hbm>>
      %dma_start3A_115 = arith.constant 0 : i32
      %dma_start3A_116 = arith.constant 0 : i32
      %dma_start3A_117 = tpu.memref_slice %dma_start3A_114[%arg0, %dma_start3A_115, %dma_start3A_116] : memref<2x10240x128xf32, #tpu.memory_space<hbm>> -> memref<1x10240x128xf32, #tpu.memory_space<hbm>>
      %dma_start3A_118 = tpu.memref_squeeze %dma_start3A_117 : memref<1x10240x128xf32, #tpu.memory_space<hbm>> -> memref<10240x128xf32, #tpu.memory_space<hbm>>
      %dma_start3A_119 = arith.constant 0 : i32
      %dma_start3A_120 = tpu.memref_slice %dma_start3A_118[%mul3A_107, %dma_start3A_119] : memref<10240x128xf32, #tpu.memory_space<hbm>> -> memref<640x128xf32, #tpu.memory_space<hbm>>
      %dma_start3A_121 = arith.constant 0 : i32
      %dma_start3A_122 = tpu.memref_slice %arg13[%mul3A_105, %dma_start3A_121] : memref<10240x128xf32, #tpu.memory_space<vmem_shared>> -> memref<640x128xf32, #tpu.memory_space<vmem_shared>>
      tpu.enqueue_dma source(%dma_start3A_122 : memref<640x128xf32, #tpu.memory_space<vmem_shared>>) target(%dma_start3A_120 : memref<640x128xf32, #tpu.memory_space<hbm>>) target_semaphore(%run_scoped3A_109 : memref<!tpu.dma_semaphore, #tpu.memory_space<semaphore_mem>>)
      %dma_wait3A = arith.constant 0 : i32
      %dma_wait3A_123 = arith.constant 0 : i32
      %dma_wait3A_124 = arith.constant 0 : i32
      %dma_wait3A_125 = tpu.memref_slice %arg6[%run_scoped3A_108, %dma_wait3A, %dma_wait3A_123, %dma_wait3A_124] : memref<4x2x10240x128xf32, #tpu.memory_space<hbm>> -> memref<1x2x10240x128xf32, #tpu.memory_space<hbm>>
      %dma_wait3A_126 = tpu.memref_squeeze %dma_wait3A_125 : memref<1x2x10240x128xf32, #tpu.memory_space<hbm>> -> memref<2x10240x128xf32, #tpu.memory_space<hbm>>
      %dma_wait3A_127 = arith.constant 0 : i32
      %dma_wait3A_128 = arith.constant 0 : i32
      %dma_wait3A_129 = tpu.memref_slice %dma_wait3A_126[%arg0, %dma_wait3A_127, %dma_wait3A_128] : memref<2x10240x128xf32, #tpu.memory_space<hbm>> -> memref<1x10240x128xf32, #tpu.memory_space<hbm>>
      %dma_wait3A_130 = tpu.memref_squeeze %dma_wait3A_129 : memref<1x10240x128xf32, #tpu.memory_space<hbm>> -> memref<10240x128xf32, #tpu.memory_space<hbm>>
      %dma_wait3A_131 = arith.constant 0 : i32
      %dma_wait3A_132 = tpu.memref_slice %dma_wait3A_130[%mul3A_107, %dma_wait3A_131] : memref<10240x128xf32, #tpu.memory_space<hbm>> -> memref<640x128xf32, #tpu.memory_space<hbm>>
      %dma_wait3A_133 = arith.constant 0 : i32
      %dma_wait3A_134 = tpu.memref_slice %arg13[%mul3A_105, %dma_wait3A_133] : memref<10240x128xf32, #tpu.memory_space<vmem_shared>> -> memref<640x128xf32, #tpu.memory_space<vmem_shared>>
      tpu.wait_dma2 semaphore(%run_scoped3A_109 : memref<!tpu.dma_semaphore, #tpu.memory_space<semaphore_mem>>) src(%dma_wait3A_134 : memref<640x128xf32, #tpu.memory_space<vmem_shared>>) dst(%dma_wait3A_132 : memref<640x128xf32, #tpu.memory_space<hbm>>)
      tpu.yield
    }) : () -> ()
    return
  }
}

#map = affine_map<(d0, d1) -> (0, 0, 0)>
#map1 = affine_map<(d0, d1) -> (0, 0)>
#map2 = affine_map<(d0, d1) -> (0, 0, 0, 0)>
module attributes {stable_mosaic.version = 14 : i64} {
  func.func @k(%arg0: i32, %arg1: i32, %arg2: memref<1x10000x32xf32, #tpu.memory_space<hbm>>, %arg3: memref<32x40x128xi32, #tpu.memory_space<hbm>>, %arg4: memref<32x40x128xi32, #tpu.memory_space<hbm>>, %arg5: memref<640x32xf32, #tpu.memory_space<hbm>>, %arg6: memref<1x2x10240x32xf32, #tpu.memory_space<hbm>>, %arg7: memref<40x128xi32, #tpu.memory_space<vmem>>, %arg8: memref<40x128xi32, #tpu.memory_space<vmem>>, %arg9: memref<!tpu.dma_semaphore, #tpu.memory_space<semaphore_mem>>, %arg10: memref<!tpu.dma_semaphore, #tpu.memory_space<semaphore_mem>>, %arg11: memref<128x32xf32, #tpu.memory_space<vmem>>, %arg12: memref<128x32xf32, #tpu.memory_space<vmem>>, %arg13: memref<10240x32xf32, #tpu.memory_space<vmem_shared>>) attributes {dimension_semantics = [#tpu.dimension_semantics<core_parallel>, #tpu.dimension_semantics<subcore_parallel>], iteration_bounds = array<i64: 2, 16>, scalar_prefetch = 0 : i64, scratch_operands = 7 : i64, tpu.core_type = #tpu.core_type<sc_vector_subcore>, window_params = [{transform_indices = #map}, {transform_indices = #map}, {transform_indices = #map}, {transform_indices = #map1}, {transform_indices = #map2}]} {
    %mul3A = arith.constant 2 : i32
    %mul3A_0 = arith.muli %arg1, %mul3A : i32
    %add3A = arith.addi %mul3A_0, %arg0 : i32
    "tpu.region"() ({
      %run_scoped3A_25 = tpu.sem_alloc : memref<!tpu.dma_semaphore, #tpu.memory_space<semaphore_mem>>
      %dma_start3A_26 = arith.constant 0 : i32
      %dma_start3A_27 = arith.constant 0 : i32
      %dma_start3A_28 = tpu.memref_slice %arg3[%add3A, %dma_start3A_26, %dma_start3A_27] : memref<32x40x128xi32, #tpu.memory_space<hbm>> -> memref<1x40x128xi32, #tpu.memory_space<hbm>>
      %dma_start3A_29 = tpu.memref_squeeze %dma_start3A_28 : memref<1x40x128xi32, #tpu.memory_space<hbm>> -> memref<40x128xi32, #tpu.memory_space<hbm>>
      %dma_start3A_30 = arith.constant 0 : i32
      %dma_start3A_31 = arith.constant 0 : i32
      %dma_start3A_32 = tpu.memref_slice %arg3[%add3A, %dma_start3A_30, %dma_start3A_31] : memref<32x40x128xi32, #tpu.memory_space<hbm>> -> memref<1x40x128xi32, #tpu.memory_space<hbm>>
      %dma_start3A_33 = tpu.memref_squeeze %dma_start3A_32 : memref<1x40x128xi32, #tpu.memory_space<hbm>> -> memref<40x128xi32, #tpu.memory_space<hbm>>
      tpu.enqueue_dma source(%dma_start3A_33 : memref<40x128xi32, #tpu.memory_space<hbm>>) target(%arg7 : memref<40x128xi32, #tpu.memory_space<vmem>>) target_semaphore(%run_scoped3A_25 : memref<!tpu.dma_semaphore, #tpu.memory_space<semaphore_mem>>)
      %dma_wait3A = arith.constant 0 : i32
      %dma_wait3A_34 = arith.constant 0 : i32
      %dma_wait3A_35 = tpu.memref_slice %arg3[%add3A, %dma_wait3A, %dma_wait3A_34] : memref<32x40x128xi32, #tpu.memory_space<hbm>> -> memref<1x40x128xi32, #tpu.memory_space<hbm>>
      %dma_wait3A_36 = tpu.memref_squeeze %dma_wait3A_35 : memref<1x40x128xi32, #tpu.memory_space<hbm>> -> memref<40x128xi32, #tpu.memory_space<hbm>>
      %dma_wait3A_37 = arith.constant 0 : i32
      %dma_wait3A_38 = arith.constant 0 : i32
      %dma_wait3A_39 = tpu.memref_slice %arg3[%add3A, %dma_wait3A_37, %dma_wait3A_38] : memref<32x40x128xi32, #tpu.memory_space<hbm>> -> memref<1x40x128xi32, #tpu.memory_space<hbm>>
      %dma_wait3A_40 = tpu.memref_squeeze %dma_wait3A_39 : memref<1x40x128xi32, #tpu.memory_space<hbm>> -> memref<40x128xi32, #tpu.memory_space<hbm>>
      tpu.wait_dma2 semaphore(%run_scoped3A_25 : memref<!tpu.dma_semaphore, #tpu.memory_space<semaphore_mem>>) src(%dma_wait3A_40 : memref<40x128xi32, #tpu.memory_space<hbm>>) dst(%arg7 : memref<40x128xi32, #tpu.memory_space<vmem>>)
      tpu.yield
    }) : () -> ()
    "tpu.region"() ({
      %run_scoped3A_25 = tpu.sem_alloc : memref<!tpu.dma_semaphore, #tpu.memory_space<semaphore_mem>>
      %dma_start3A_26 = arith.constant 0 : i32
      %dma_start3A_27 = arith.constant 0 : i32
      %dma_start3A_28 = tpu.memref_slice %arg4[%add3A, %dma_start3A_26, %dma_start3A_27] : memref<32x40x128xi32, #tpu.memory_space<hbm>> -> memref<1x40x128xi32, #tpu.memory_space<hbm>>
      %dma_start3A_29 = tpu.memref_squeeze %dma_start3A_28 : memref<1x40x128xi32, #tpu.memory_space<hbm>> -> memref<40x128xi32, #tpu.memory_space<hbm>>
      %dma_start3A_30 = arith.constant 0 : i32
      %dma_start3A_31 = arith.constant 0 : i32
      %dma_start3A_32 = tpu.memref_slice %arg4[%add3A, %dma_start3A_30, %dma_start3A_31] : memref<32x40x128xi32, #tpu.memory_space<hbm>> -> memref<1x40x128xi32, #tpu.memory_space<hbm>>
      %dma_start3A_33 = tpu.memref_squeeze %dma_start3A_32 : memref<1x40x128xi32, #tpu.memory_space<hbm>> -> memref<40x128xi32, #tpu.memory_space<hbm>>
      tpu.enqueue_dma source(%dma_start3A_33 : memref<40x128xi32, #tpu.memory_space<hbm>>) target(%arg8 : memref<40x128xi32, #tpu.memory_space<vmem>>) target_semaphore(%run_scoped3A_25 : memref<!tpu.dma_semaphore, #tpu.memory_space<semaphore_mem>>)
      %dma_wait3A = arith.constant 0 : i32
      %dma_wait3A_34 = arith.constant 0 : i32
      %dma_wait3A_35 = tpu.memref_slice %arg4[%add3A, %dma_wait3A, %dma_wait3A_34] : memref<32x40x128xi32, #tpu.memory_space<hbm>> -> memref<1x40x128xi32, #tpu.memory_space<hbm>>
      %dma_wait3A_36 = tpu.memref_squeeze %dma_wait3A_35 : memref<1x40x128xi32, #tpu.memory_space<hbm>> -> memref<40x128xi32, #tpu.memory_space<hbm>>
      %dma_wait3A_37 = arith.constant 0 : i32
      %dma_wait3A_38 = arith.constant 0 : i32
      %dma_wait3A_39 = tpu.memref_slice %arg4[%add3A, %dma_wait3A_37, %dma_wait3A_38] : memref<32x40x128xi32, #tpu.memory_space<hbm>> -> memref<1x40x128xi32, #tpu.memory_space<hbm>>
      %dma_wait3A_40 = tpu.memref_squeeze %dma_wait3A_39 : memref<1x40x128xi32, #tpu.memory_space<hbm>> -> memref<40x128xi32, #tpu.memory_space<hbm>>
      tpu.wait_dma2 semaphore(%run_scoped3A_25 : memref<!tpu.dma_semaphore, #tpu.memory_space<semaphore_mem>>) src(%dma_wait3A_40 : memref<40x128xi32, #tpu.memory_space<hbm>>) dst(%arg8 : memref<40x128xi32, #tpu.memory_space<vmem>>)
      tpu.yield
    }) : () -> ()
    %mul3A_1 = arith.constant 640 : i32
    %mul3A_2 = arith.muli %arg1, %mul3A_1 : i32
    "tpu.region"() ({
      %run_scoped3A_25 = tpu.sem_alloc : memref<!tpu.dma_semaphore, #tpu.memory_space<semaphore_mem>>
      %dma_start3A_26 = arith.constant 0 : i32
      %dma_start3A_27 = tpu.memref_slice %arg13[%mul3A_2, %dma_start3A_26] : memref<10240x32xf32, #tpu.memory_space<vmem_shared>> -> memref<640x32xf32, #tpu.memory_space<vmem_shared>>
      tpu.enqueue_dma source(%arg5 : memref<640x32xf32, #tpu.memory_space<hbm>>) target(%dma_start3A_27 : memref<640x32xf32, #tpu.memory_space<vmem_shared>>) target_semaphore(%run_scoped3A_25 : memref<!tpu.dma_semaphore, #tpu.memory_space<semaphore_mem>>)
      %dma_wait3A = arith.constant 0 : i32
      %dma_wait3A_28 = tpu.memref_slice %arg13[%mul3A_2, %dma_wait3A] : memref<10240x32xf32, #tpu.memory_space<vmem_shared>> -> memref<640x32xf32, #tpu.memory_space<vmem_shared>>
      tpu.wait_dma2 semaphore(%run_scoped3A_25 : memref<!tpu.dma_semaphore, #tpu.memory_space<semaphore_mem>>) src(%arg5 : memref<640x32xf32, #tpu.memory_space<hbm>>) dst(%dma_wait3A_28 : memref<640x32xf32, #tpu.memory_space<vmem_shared>>)
      tpu.yield
    }) : () -> ()
    %barrier3A = arith.constant 0 : index
    tpu.barrier barrier_id(%barrier3A)
    %dma_start3A = arith.constant 0 : i32
    %dma_start3A_3 = arith.constant 0 : i32
    %dma_start3A_4 = arith.constant 0 : i32
    %dma_start3A_5 = tpu.memref_slice %arg7[%dma_start3A_3, %dma_start3A_4] : memref<40x128xi32, #tpu.memory_space<vmem>> -> memref<1x128xi32, #tpu.memory_space<vmem>>
    %dma_start3A_6 = tpu.memref_squeeze %dma_start3A_5 : memref<1x128xi32, #tpu.memory_space<vmem>> -> memref<128xi32, #tpu.memory_space<vmem>>
    %dma_start3A_7 = arith.constant 0 : i32
    %dma_start3A_8 = arith.constant 0 : i32
    %dma_start3A_9 = tpu.memref_slice %arg2[%dma_start3A, %dma_start3A_7, %dma_start3A_8] : memref<1x10000x32xf32, #tpu.memory_space<hbm>> -> memref<1x10000x32xf32, #tpu.memory_space<hbm>>
    %dma_start3A_10 = tpu.memref_squeeze %dma_start3A_9 : memref<1x10000x32xf32, #tpu.memory_space<hbm>> -> memref<10000x32xf32, #tpu.memory_space<hbm>>
    %dma_start3A_11 = arith.constant 0 : i32
    %dma_start3A_12 = arith.constant 0 : i32
    %dma_start3A_13 = tpu.memref_slice %dma_start3A_10[%dma_start3A_11, %dma_start3A_12] : memref<10000x32xf32, #tpu.memory_space<hbm>> -> memref<10000x32xf32, #tpu.memory_space<hbm>>
    tpu.enqueue_indirect_dma source(%dma_start3A_13 : memref<10000x32xf32, #tpu.memory_space<hbm>>) target(%arg11 : memref<128x32xf32, #tpu.memory_space<vmem>>) offsets(%dma_start3A_6 : memref<128xi32, #tpu.memory_space<vmem>>) semaphore(%arg9 : memref<!tpu.dma_semaphore, #tpu.memory_space<semaphore_mem>>)
    %scan3A = arith.constant 0 : i32
    %scan3A_14 = arith.constant 0 : i32
    %scan3A_15 = arith.constant 0 : i32
    %scan3A_16 = arith.constant 20 : i32
    %scan3A_17 = arith.addi %scan3A_15, %scan3A_16 : i32
    %scan3A_18 = arith.constant 1 : i32
    scf.for %scan3A_25 = %scan3A_15 to %scan3A_17 step %scan3A_18  : i32 {
      %mul3A_26 = arith.constant 2 : i32
      %mul3A_27 = arith.muli %scan3A_25, %mul3A_26 : i32
      %add3A_28 = arith.constant 1 : i32
      %add3A_29 = arith.addi %mul3A_27, %add3A_28 : i32
      %dma_start3A_30 = arith.constant 0 : i32
      %dma_start3A_31 = tpu.memref_slice %arg7[%add3A_29, %dma_start3A_30] : memref<40x128xi32, #tpu.memory_space<vmem>> -> memref<1x128xi32, #tpu.memory_space<vmem>>
      %dma_start3A_32 = tpu.memref_squeeze %dma_start3A_31 : memref<1x128xi32, #tpu.memory_space<vmem>> -> memref<128xi32, #tpu.memory_space<vmem>>
      %dma_start3A_33 = arith.constant 0 : i32
      %dma_start3A_34 = arith.constant 0 : i32
      %dma_start3A_35 = tpu.memref_slice %arg2[%scan3A_14, %dma_start3A_33, %dma_start3A_34] : memref<1x10000x32xf32, #tpu.memory_space<hbm>> -> memref<1x10000x32xf32, #tpu.memory_space<hbm>>
      %dma_start3A_36 = tpu.memref_squeeze %dma_start3A_35 : memref<1x10000x32xf32, #tpu.memory_space<hbm>> -> memref<10000x32xf32, #tpu.memory_space<hbm>>
      %dma_start3A_37 = arith.constant 0 : i32
      %dma_start3A_38 = arith.constant 0 : i32
      %dma_start3A_39 = tpu.memref_slice %dma_start3A_36[%dma_start3A_37, %dma_start3A_38] : memref<10000x32xf32, #tpu.memory_space<hbm>> -> memref<10000x32xf32, #tpu.memory_space<hbm>>
      tpu.enqueue_indirect_dma source(%dma_start3A_39 : memref<10000x32xf32, #tpu.memory_space<hbm>>) target(%arg12 : memref<128x32xf32, #tpu.memory_space<vmem>>) offsets(%dma_start3A_32 : memref<128xi32, #tpu.memory_space<vmem>>) semaphore(%arg10 : memref<!tpu.dma_semaphore, #tpu.memory_space<semaphore_mem>>)
      %dma_wait3A = arith.constant 0 : i32
      %dma_wait3A_40 = tpu.memref_slice %arg7[%mul3A_27, %dma_wait3A] : memref<40x128xi32, #tpu.memory_space<vmem>> -> memref<1x128xi32, #tpu.memory_space<vmem>>
      %dma_wait3A_41 = tpu.memref_squeeze %dma_wait3A_40 : memref<1x128xi32, #tpu.memory_space<vmem>> -> memref<128xi32, #tpu.memory_space<vmem>>
      %dma_wait3A_42 = arith.constant 0 : i32
      %dma_wait3A_43 = arith.constant 0 : i32
      %dma_wait3A_44 = tpu.memref_slice %arg2[%scan3A_14, %dma_wait3A_42, %dma_wait3A_43] : memref<1x10000x32xf32, #tpu.memory_space<hbm>> -> memref<1x10000x32xf32, #tpu.memory_space<hbm>>
      %dma_wait3A_45 = tpu.memref_squeeze %dma_wait3A_44 : memref<1x10000x32xf32, #tpu.memory_space<hbm>> -> memref<10000x32xf32, #tpu.memory_space<hbm>>
      %dma_wait3A_46 = arith.constant 0 : i32
      %dma_wait3A_47 = arith.constant 0 : i32
      %dma_wait3A_48 = tpu.memref_slice %dma_wait3A_45[%dma_wait3A_46, %dma_wait3A_47] : memref<10000x32xf32, #tpu.memory_space<hbm>> -> memref<10000x32xf32, #tpu.memory_space<hbm>>
      tpu.wait_indirect_dma semaphore(%arg9 : memref<!tpu.dma_semaphore, #tpu.memory_space<semaphore_mem>>) src(%dma_wait3A_48 : memref<10000x32xf32, #tpu.memory_space<hbm>>) dst(%arg11 : memref<128x32xf32, #tpu.memory_space<vmem>>)
      "tpu.region"() ({
        %run_scoped3A_67 = tpu.sem_alloc : memref<!tpu.dma_semaphore, #tpu.memory_space<semaphore_mem>>
        %dma_start3A_68 = arith.constant 0 : i32
        %dma_start3A_69 = tpu.memref_slice %arg8[%mul3A_27, %dma_start3A_68] : memref<40x128xi32, #tpu.memory_space<vmem>> -> memref<1x128xi32, #tpu.memory_space<vmem>>
        %dma_start3A_70 = tpu.memref_squeeze %dma_start3A_69 : memref<1x128xi32, #tpu.memory_space<vmem>> -> memref<128xi32, #tpu.memory_space<vmem>>
        %dma_start3A_71 = arith.constant 0 : i32
        %dma_start3A_72 = arith.constant 0 : i32
        %dma_start3A_73 = tpu.memref_slice %arg13[%dma_start3A_71, %dma_start3A_72] : memref<10240x32xf32, #tpu.memory_space<vmem_shared>> -> memref<10240x32xf32, #tpu.memory_space<vmem_shared>>
        tpu.enqueue_indirect_dma source(%arg11 : memref<128x32xf32, #tpu.memory_space<vmem>>) target(%dma_start3A_73 : memref<10240x32xf32, #tpu.memory_space<vmem_shared>>) offsets(%dma_start3A_70 : memref<128xi32, #tpu.memory_space<vmem>>) semaphore(%run_scoped3A_67 : memref<!tpu.dma_semaphore, #tpu.memory_space<semaphore_mem>>) {add = true}
        %dma_wait3A_74 = arith.constant 0 : i32
        %dma_wait3A_75 = tpu.memref_slice %arg8[%mul3A_27, %dma_wait3A_74] : memref<40x128xi32, #tpu.memory_space<vmem>> -> memref<1x128xi32, #tpu.memory_space<vmem>>
        %dma_wait3A_76 = tpu.memref_squeeze %dma_wait3A_75 : memref<1x128xi32, #tpu.memory_space<vmem>> -> memref<128xi32, #tpu.memory_space<vmem>>
        %dma_wait3A_77 = arith.constant 0 : i32
        %dma_wait3A_78 = arith.constant 0 : i32
        %dma_wait3A_79 = tpu.memref_slice %arg13[%dma_wait3A_77, %dma_wait3A_78] : memref<10240x32xf32, #tpu.memory_space<vmem_shared>> -> memref<10240x32xf32, #tpu.memory_space<vmem_shared>>
        tpu.wait_indirect_dma semaphore(%run_scoped3A_67 : memref<!tpu.dma_semaphore, #tpu.memory_space<semaphore_mem>>) src(%arg11 : memref<128x32xf32, #tpu.memory_space<vmem>>) dst(%dma_wait3A_79 : memref<10240x32xf32, #tpu.memory_space<vmem_shared>>)
        tpu.yield
      }) : () -> ()
      %add3A_49 = arith.constant 2 : i32
      %add3A_50 = arith.addi %mul3A_27, %add3A_49 : i32
      %lt3A = arith.constant 40 : i32
      %lt3A_51 = arith.cmpi slt, %add3A_50, %lt3A : i32
      %convert_element_type3A = arith.extui %lt3A_51 : i1 to i32
      %cond3A = arith.constant 0 : i32
      %cond3A_52 = arith.cmpi ne, %convert_element_type3A, %cond3A : i32
      scf.if %cond3A_52 {
        %add3A_67 = arith.constant 2 : i32
        %add3A_68 = arith.addi %mul3A_27, %add3A_67 : i32
        %dma_start3A_69 = arith.constant 0 : i32
        %dma_start3A_70 = tpu.memref_slice %arg7[%add3A_68, %dma_start3A_69] : memref<40x128xi32, #tpu.memory_space<vmem>> -> memref<1x128xi32, #tpu.memory_space<vmem>>
        %dma_start3A_71 = tpu.memref_squeeze %dma_start3A_70 : memref<1x128xi32, #tpu.memory_space<vmem>> -> memref<128xi32, #tpu.memory_space<vmem>>
        %dma_start3A_72 = arith.constant 0 : i32
        %dma_start3A_73 = arith.constant 0 : i32
        %dma_start3A_74 = tpu.memref_slice %arg2[%scan3A_14, %dma_start3A_72, %dma_start3A_73] : memref<1x10000x32xf32, #tpu.memory_space<hbm>> -> memref<1x10000x32xf32, #tpu.memory_space<hbm>>
        %dma_start3A_75 = tpu.memref_squeeze %dma_start3A_74 : memref<1x10000x32xf32, #tpu.memory_space<hbm>> -> memref<10000x32xf32, #tpu.memory_space<hbm>>
        %dma_start3A_76 = arith.constant 0 : i32
        %dma_start3A_77 = arith.constant 0 : i32
        %dma_start3A_78 = tpu.memref_slice %dma_start3A_75[%dma_start3A_76, %dma_start3A_77] : memref<10000x32xf32, #tpu.memory_space<hbm>> -> memref<10000x32xf32, #tpu.memory_space<hbm>>
        tpu.enqueue_indirect_dma source(%dma_start3A_78 : memref<10000x32xf32, #tpu.memory_space<hbm>>) target(%arg11 : memref<128x32xf32, #tpu.memory_space<vmem>>) offsets(%dma_start3A_71 : memref<128xi32, #tpu.memory_space<vmem>>) semaphore(%arg9 : memref<!tpu.dma_semaphore, #tpu.memory_space<semaphore_mem>>)
      } else {
      }
      %add3A_53 = arith.constant 1 : i32
      %add3A_54 = arith.addi %mul3A_27, %add3A_53 : i32
      %dma_wait3A_55 = arith.constant 0 : i32
      %dma_wait3A_56 = tpu.memref_slice %arg7[%add3A_54, %dma_wait3A_55] : memref<40x128xi32, #tpu.memory_space<vmem>> -> memref<1x128xi32, #tpu.memory_space<vmem>>
      %dma_wait3A_57 = tpu.memref_squeeze %dma_wait3A_56 : memref<1x128xi32, #tpu.memory_space<vmem>> -> memref<128xi32, #tpu.memory_space<vmem>>
      %dma_wait3A_58 = arith.constant 0 : i32
      %dma_wait3A_59 = arith.constant 0 : i32
      %dma_wait3A_60 = tpu.memref_slice %arg2[%scan3A_14, %dma_wait3A_58, %dma_wait3A_59] : memref<1x10000x32xf32, #tpu.memory_space<hbm>> -> memref<1x10000x32xf32, #tpu.memory_space<hbm>>
      %dma_wait3A_61 = tpu.memref_squeeze %dma_wait3A_60 : memref<1x10000x32xf32, #tpu.memory_space<hbm>> -> memref<10000x32xf32, #tpu.memory_space<hbm>>
      %dma_wait3A_62 = arith.constant 0 : i32
      %dma_wait3A_63 = arith.constant 0 : i32
      %dma_wait3A_64 = tpu.memref_slice %dma_wait3A_61[%dma_wait3A_62, %dma_wait3A_63] : memref<10000x32xf32, #tpu.memory_space<hbm>> -> memref<10000x32xf32, #tpu.memory_space<hbm>>
      tpu.wait_indirect_dma semaphore(%arg10 : memref<!tpu.dma_semaphore, #tpu.memory_space<semaphore_mem>>) src(%dma_wait3A_64 : memref<10000x32xf32, #tpu.memory_space<hbm>>) dst(%arg12 : memref<128x32xf32, #tpu.memory_space<vmem>>)
      %add3A_65 = arith.constant 1 : i32
      %add3A_66 = arith.addi %mul3A_27, %add3A_65 : i32
      "tpu.region"() ({
        %run_scoped3A_67 = tpu.sem_alloc : memref<!tpu.dma_semaphore, #tpu.memory_space<semaphore_mem>>
        %dma_start3A_68 = arith.constant 0 : i32
        %dma_start3A_69 = tpu.memref_slice %arg8[%add3A_66, %dma_start3A_68] : memref<40x128xi32, #tpu.memory_space<vmem>> -> memref<1x128xi32, #tpu.memory_space<vmem>>
        %dma_start3A_70 = tpu.memref_squeeze %dma_start3A_69 : memref<1x128xi32, #tpu.memory_space<vmem>> -> memref<128xi32, #tpu.memory_space<vmem>>
        %dma_start3A_71 = arith.constant 0 : i32
        %dma_start3A_72 = arith.constant 0 : i32
        %dma_start3A_73 = tpu.memref_slice %arg13[%dma_start3A_71, %dma_start3A_72] : memref<10240x32xf32, #tpu.memory_space<vmem_shared>> -> memref<10240x32xf32, #tpu.memory_space<vmem_shared>>
        tpu.enqueue_indirect_dma source(%arg12 : memref<128x32xf32, #tpu.memory_space<vmem>>) target(%dma_start3A_73 : memref<10240x32xf32, #tpu.memory_space<vmem_shared>>) offsets(%dma_start3A_70 : memref<128xi32, #tpu.memory_space<vmem>>) semaphore(%run_scoped3A_67 : memref<!tpu.dma_semaphore, #tpu.memory_space<semaphore_mem>>) {add = true}
        %dma_wait3A_74 = arith.constant 0 : i32
        %dma_wait3A_75 = tpu.memref_slice %arg8[%add3A_66, %dma_wait3A_74] : memref<40x128xi32, #tpu.memory_space<vmem>> -> memref<1x128xi32, #tpu.memory_space<vmem>>
        %dma_wait3A_76 = tpu.memref_squeeze %dma_wait3A_75 : memref<1x128xi32, #tpu.memory_space<vmem>> -> memref<128xi32, #tpu.memory_space<vmem>>
        %dma_wait3A_77 = arith.constant 0 : i32
        %dma_wait3A_78 = arith.constant 0 : i32
        %dma_wait3A_79 = tpu.memref_slice %arg13[%dma_wait3A_77, %dma_wait3A_78] : memref<10240x32xf32, #tpu.memory_space<vmem_shared>> -> memref<10240x32xf32, #tpu.memory_space<vmem_shared>>
        tpu.wait_indirect_dma semaphore(%run_scoped3A_67 : memref<!tpu.dma_semaphore, #tpu.memory_space<semaphore_mem>>) src(%arg12 : memref<128x32xf32, #tpu.memory_space<vmem>>) dst(%dma_wait3A_79 : memref<10240x32xf32, #tpu.memory_space<vmem_shared>>)
        tpu.yield
      }) : () -> ()
    }
    %scan3A_19 = arith.constant 20 : i32
    %barrier3A_20 = arith.constant 0 : index
    tpu.barrier barrier_id(%barrier3A_20)
    %mul3A_21 = arith.constant 640 : i32
    %mul3A_22 = arith.muli %arg1, %mul3A_21 : i32
    %mul3A_23 = arith.constant 640 : i32
    %mul3A_24 = arith.muli %arg1, %mul3A_23 : i32
    %run_scoped3A = arith.constant 0 : i32
    "tpu.region"() ({
      %run_scoped3A_25 = tpu.sem_alloc : memref<!tpu.dma_semaphore, #tpu.memory_space<semaphore_mem>>
      %dma_start3A_26 = arith.constant 0 : i32
      %dma_start3A_27 = arith.constant 0 : i32
      %dma_start3A_28 = arith.constant 0 : i32
      %dma_start3A_29 = tpu.memref_slice %arg6[%run_scoped3A, %dma_start3A_26, %dma_start3A_27, %dma_start3A_28] : memref<1x2x10240x32xf32, #tpu.memory_space<hbm>> -> memref<1x2x10240x32xf32, #tpu.memory_space<hbm>>
      %dma_start3A_30 = tpu.memref_squeeze %dma_start3A_29 : memref<1x2x10240x32xf32, #tpu.memory_space<hbm>> -> memref<2x10240x32xf32, #tpu.memory_space<hbm>>
      %dma_start3A_31 = arith.constant 0 : i32
      %dma_start3A_32 = arith.constant 0 : i32
      %dma_start3A_33 = tpu.memref_slice %dma_start3A_30[%arg0, %dma_start3A_31, %dma_start3A_32] : memref<2x10240x32xf32, #tpu.memory_space<hbm>> -> memref<1x10240x32xf32, #tpu.memory_space<hbm>>
      %dma_start3A_34 = tpu.memref_squeeze %dma_start3A_33 : memref<1x10240x32xf32, #tpu.memory_space<hbm>> -> memref<10240x32xf32, #tpu.memory_space<hbm>>
      %dma_start3A_35 = arith.constant 0 : i32
      %dma_start3A_36 = tpu.memref_slice %dma_start3A_34[%mul3A_24, %dma_start3A_35] : memref<10240x32xf32, #tpu.memory_space<hbm>> -> memref<640x32xf32, #tpu.memory_space<hbm>>
      %dma_start3A_37 = arith.constant 0 : i32
      %dma_start3A_38 = tpu.memref_slice %arg13[%mul3A_22, %dma_start3A_37] : memref<10240x32xf32, #tpu.memory_space<vmem_shared>> -> memref<640x32xf32, #tpu.memory_space<vmem_shared>>
      tpu.enqueue_dma source(%dma_start3A_38 : memref<640x32xf32, #tpu.memory_space<vmem_shared>>) target(%dma_start3A_36 : memref<640x32xf32, #tpu.memory_space<hbm>>) target_semaphore(%run_scoped3A_25 : memref<!tpu.dma_semaphore, #tpu.memory_space<semaphore_mem>>)
      %dma_wait3A = arith.constant 0 : i32
      %dma_wait3A_39 = arith.constant 0 : i32
      %dma_wait3A_40 = arith.constant 0 : i32
      %dma_wait3A_41 = tpu.memref_slice %arg6[%run_scoped3A, %dma_wait3A, %dma_wait3A_39, %dma_wait3A_40] : memref<1x2x10240x32xf32, #tpu.memory_space<hbm>> -> memref<1x2x10240x32xf32, #tpu.memory_space<hbm>>
      %dma_wait3A_42 = tpu.memref_squeeze %dma_wait3A_41 : memref<1x2x10240x32xf32, #tpu.memory_space<hbm>> -> memref<2x10240x32xf32, #tpu.memory_space<hbm>>
      %dma_wait3A_43 = arith.constant 0 : i32
      %dma_wait3A_44 = arith.constant 0 : i32
      %dma_wait3A_45 = tpu.memref_slice %dma_wait3A_42[%arg0, %dma_wait3A_43, %dma_wait3A_44] : memref<2x10240x32xf32, #tpu.memory_space<hbm>> -> memref<1x10240x32xf32, #tpu.memory_space<hbm>>
      %dma_wait3A_46 = tpu.memref_squeeze %dma_wait3A_45 : memref<1x10240x32xf32, #tpu.memory_space<hbm>> -> memref<10240x32xf32, #tpu.memory_space<hbm>>
      %dma_wait3A_47 = arith.constant 0 : i32
      %dma_wait3A_48 = tpu.memref_slice %dma_wait3A_46[%mul3A_24, %dma_wait3A_47] : memref<10240x32xf32, #tpu.memory_space<hbm>> -> memref<640x32xf32, #tpu.memory_space<hbm>>
      %dma_wait3A_49 = arith.constant 0 : i32
      %dma_wait3A_50 = tpu.memref_slice %arg13[%mul3A_22, %dma_wait3A_49] : memref<10240x32xf32, #tpu.memory_space<vmem_shared>> -> memref<640x32xf32, #tpu.memory_space<vmem_shared>>
      tpu.wait_dma2 semaphore(%run_scoped3A_25 : memref<!tpu.dma_semaphore, #tpu.memory_space<semaphore_mem>>) src(%dma_wait3A_50 : memref<640x32xf32, #tpu.memory_space<vmem_shared>>) dst(%dma_wait3A_48 : memref<640x32xf32, #tpu.memory_space<hbm>>)
      tpu.yield
    }) : () -> ()
    return
  }
}

#map = affine_map<(d0, d1) -> (0, 0, 0)>
#map1 = affine_map<(d0, d1) -> (0, 0)>
#map2 = affine_map<(d0, d1) -> (0, 0, 0, 0)>
module attributes {stable_mosaic.version = 14 : i64} {
  func.func @k(%arg0: i32, %arg1: i32, %arg2: memref<1x10000x32xf32, #tpu.memory_space<hbm>>, %arg3: memref<32x40x128xi32, #tpu.memory_space<hbm>>, %arg4: memref<32x40x128xi32, #tpu.memory_space<hbm>>, %arg5: memref<640x32xf32, #tpu.memory_space<hbm>>, %arg6: memref<1x2x10240x32xf32, #tpu.memory_space<hbm>>, %arg7: memref<40x128xi32, #tpu.memory_space<vmem>>, %arg8: memref<40x128xi32, #tpu.memory_space<vmem>>, %arg9: memref<!tpu.dma_semaphore, #tpu.memory_space<semaphore_mem>>, %arg10: memref<!tpu.dma_semaphore, #tpu.memory_space<semaphore_mem>>, %arg11: memref<128x32xf32, #tpu.memory_space<vmem>>, %arg12: memref<128x32xf32, #tpu.memory_space<vmem>>, %arg13: memref<10240x32xf32, #tpu.memory_space<vmem_shared>>) attributes {dimension_semantics = [#tpu.dimension_semantics<core_parallel>, #tpu.dimension_semantics<subcore_parallel>], iteration_bounds = array<i64: 2, 16>, scalar_prefetch = 0 : i64, scratch_operands = 7 : i64, tpu.core_type = #tpu.core_type<sc_vector_subcore>, window_params = [{transform_indices = #map}, {transform_indices = #map}, {transform_indices = #map}, {transform_indices = #map1}, {transform_indices = #map2}]} {
    %mul3A = arith.constant 2 : i32
    %mul3A_0 = arith.muli %arg1, %mul3A : i32
    %add3A = arith.addi %mul3A_0, %arg0 : i32
    "tpu.region"() ({
      %run_scoped3A_25 = tpu.sem_alloc : memref<!tpu.dma_semaphore, #tpu.memory_space<semaphore_mem>>
      %dma_start3A_26 = arith.constant 0 : i32
      %dma_start3A_27 = arith.constant 0 : i32
      %dma_start3A_28 = tpu.memref_slice %arg3[%add3A, %dma_start3A_26, %dma_start3A_27] : memref<32x40x128xi32, #tpu.memory_space<hbm>> -> memref<1x40x128xi32, #tpu.memory_space<hbm>>
      %dma_start3A_29 = tpu.memref_squeeze %dma_start3A_28 : memref<1x40x128xi32, #tpu.memory_space<hbm>> -> memref<40x128xi32, #tpu.memory_space<hbm>>
      %dma_start3A_30 = arith.constant 0 : i32
      %dma_start3A_31 = arith.constant 0 : i32
      %dma_start3A_32 = tpu.memref_slice %arg3[%add3A, %dma_start3A_30, %dma_start3A_31] : memref<32x40x128xi32, #tpu.memory_space<hbm>> -> memref<1x40x128xi32, #tpu.memory_space<hbm>>
      %dma_start3A_33 = tpu.memref_squeeze %dma_start3A_32 : memref<1x40x128xi32, #tpu.memory_space<hbm>> -> memref<40x128xi32, #tpu.memory_space<hbm>>
      tpu.enqueue_dma source(%dma_start3A_33 : memref<40x128xi32, #tpu.memory_space<hbm>>) target(%arg7 : memref<40x128xi32, #tpu.memory_space<vmem>>) target_semaphore(%run_scoped3A_25 : memref<!tpu.dma_semaphore, #tpu.memory_space<semaphore_mem>>)
      %dma_wait3A = arith.constant 0 : i32
      %dma_wait3A_34 = arith.constant 0 : i32
      %dma_wait3A_35 = tpu.memref_slice %arg3[%add3A, %dma_wait3A, %dma_wait3A_34] : memref<32x40x128xi32, #tpu.memory_space<hbm>> -> memref<1x40x128xi32, #tpu.memory_space<hbm>>
      %dma_wait3A_36 = tpu.memref_squeeze %dma_wait3A_35 : memref<1x40x128xi32, #tpu.memory_space<hbm>> -> memref<40x128xi32, #tpu.memory_space<hbm>>
      %dma_wait3A_37 = arith.constant 0 : i32
      %dma_wait3A_38 = arith.constant 0 : i32
      %dma_wait3A_39 = tpu.memref_slice %arg3[%add3A, %dma_wait3A_37, %dma_wait3A_38] : memref<32x40x128xi32, #tpu.memory_space<hbm>> -> memref<1x40x128xi32, #tpu.memory_space<hbm>>
      %dma_wait3A_40 = tpu.memref_squeeze %dma_wait3A_39 : memref<1x40x128xi32, #tpu.memory_space<hbm>> -> memref<40x128xi32, #tpu.memory_space<hbm>>
      tpu.wait_dma2 semaphore(%run_scoped3A_25 : memref<!tpu.dma_semaphore, #tpu.memory_space<semaphore_mem>>) src(%dma_wait3A_40 : memref<40x128xi32, #tpu.memory_space<hbm>>) dst(%arg7 : memref<40x128xi32, #tpu.memory_space<vmem>>)
      tpu.yield
    }) : () -> ()
    "tpu.region"() ({
      %run_scoped3A_25 = tpu.sem_alloc : memref<!tpu.dma_semaphore, #tpu.memory_space<semaphore_mem>>
      %dma_start3A_26 = arith.constant 0 : i32
      %dma_start3A_27 = arith.constant 0 : i32
      %dma_start3A_28 = tpu.memref_slice %arg4[%add3A, %dma_start3A_26, %dma_start3A_27] : memref<32x40x128xi32, #tpu.memory_space<hbm>> -> memref<1x40x128xi32, #tpu.memory_space<hbm>>
      %dma_start3A_29 = tpu.memref_squeeze %dma_start3A_28 : memref<1x40x128xi32, #tpu.memory_space<hbm>> -> memref<40x128xi32, #tpu.memory_space<hbm>>
      %dma_start3A_30 = arith.constant 0 : i32
      %dma_start3A_31 = arith.constant 0 : i32
      %dma_start3A_32 = tpu.memref_slice %arg4[%add3A, %dma_start3A_30, %dma_start3A_31] : memref<32x40x128xi32, #tpu.memory_space<hbm>> -> memref<1x40x128xi32, #tpu.memory_space<hbm>>
      %dma_start3A_33 = tpu.memref_squeeze %dma_start3A_32 : memref<1x40x128xi32, #tpu.memory_space<hbm>> -> memref<40x128xi32, #tpu.memory_space<hbm>>
      tpu.enqueue_dma source(%dma_start3A_33 : memref<40x128xi32, #tpu.memory_space<hbm>>) target(%arg8 : memref<40x128xi32, #tpu.memory_space<vmem>>) target_semaphore(%run_scoped3A_25 : memref<!tpu.dma_semaphore, #tpu.memory_space<semaphore_mem>>)
      %dma_wait3A = arith.constant 0 : i32
      %dma_wait3A_34 = arith.constant 0 : i32
      %dma_wait3A_35 = tpu.memref_slice %arg4[%add3A, %dma_wait3A, %dma_wait3A_34] : memref<32x40x128xi32, #tpu.memory_space<hbm>> -> memref<1x40x128xi32, #tpu.memory_space<hbm>>
      %dma_wait3A_36 = tpu.memref_squeeze %dma_wait3A_35 : memref<1x40x128xi32, #tpu.memory_space<hbm>> -> memref<40x128xi32, #tpu.memory_space<hbm>>
      %dma_wait3A_37 = arith.constant 0 : i32
      %dma_wait3A_38 = arith.constant 0 : i32
      %dma_wait3A_39 = tpu.memref_slice %arg4[%add3A, %dma_wait3A_37, %dma_wait3A_38] : memref<32x40x128xi32, #tpu.memory_space<hbm>> -> memref<1x40x128xi32, #tpu.memory_space<hbm>>
      %dma_wait3A_40 = tpu.memref_squeeze %dma_wait3A_39 : memref<1x40x128xi32, #tpu.memory_space<hbm>> -> memref<40x128xi32, #tpu.memory_space<hbm>>
      tpu.wait_dma2 semaphore(%run_scoped3A_25 : memref<!tpu.dma_semaphore, #tpu.memory_space<semaphore_mem>>) src(%dma_wait3A_40 : memref<40x128xi32, #tpu.memory_space<hbm>>) dst(%arg8 : memref<40x128xi32, #tpu.memory_space<vmem>>)
      tpu.yield
    }) : () -> ()
    %mul3A_1 = arith.constant 640 : i32
    %mul3A_2 = arith.muli %arg1, %mul3A_1 : i32
    "tpu.region"() ({
      %run_scoped3A_25 = tpu.sem_alloc : memref<!tpu.dma_semaphore, #tpu.memory_space<semaphore_mem>>
      %dma_start3A_26 = arith.constant 0 : i32
      %dma_start3A_27 = tpu.memref_slice %arg13[%mul3A_2, %dma_start3A_26] : memref<10240x32xf32, #tpu.memory_space<vmem_shared>> -> memref<640x32xf32, #tpu.memory_space<vmem_shared>>
      tpu.enqueue_dma source(%arg5 : memref<640x32xf32, #tpu.memory_space<hbm>>) target(%dma_start3A_27 : memref<640x32xf32, #tpu.memory_space<vmem_shared>>) target_semaphore(%run_scoped3A_25 : memref<!tpu.dma_semaphore, #tpu.memory_space<semaphore_mem>>)
      %dma_wait3A = arith.constant 0 : i32
      %dma_wait3A_28 = tpu.memref_slice %arg13[%mul3A_2, %dma_wait3A] : memref<10240x32xf32, #tpu.memory_space<vmem_shared>> -> memref<640x32xf32, #tpu.memory_space<vmem_shared>>
      tpu.wait_dma2 semaphore(%run_scoped3A_25 : memref<!tpu.dma_semaphore, #tpu.memory_space<semaphore_mem>>) src(%arg5 : memref<640x32xf32, #tpu.memory_space<hbm>>) dst(%dma_wait3A_28 : memref<640x32xf32, #tpu.memory_space<vmem_shared>>)
      tpu.yield
    }) : () -> ()
    %barrier3A = arith.constant 0 : index
    tpu.barrier barrier_id(%barrier3A)
    %dma_start3A = arith.constant 0 : i32
    %dma_start3A_3 = arith.constant 0 : i32
    %dma_start3A_4 = arith.constant 0 : i32
    %dma_start3A_5 = tpu.memref_slice %arg7[%dma_start3A_3, %dma_start3A_4] : memref<40x128xi32, #tpu.memory_space<vmem>> -> memref<1x128xi32, #tpu.memory_space<vmem>>
    %dma_start3A_6 = tpu.memref_squeeze %dma_start3A_5 : memref<1x128xi32, #tpu.memory_space<vmem>> -> memref<128xi32, #tpu.memory_space<vmem>>
    %dma_start3A_7 = arith.constant 0 : i32
    %dma_start3A_8 = arith.constant 0 : i32
    %dma_start3A_9 = tpu.memref_slice %arg2[%dma_start3A, %dma_start3A_7, %dma_start3A_8] : memref<1x10000x32xf32, #tpu.memory_space<hbm>> -> memref<1x10000x32xf32, #tpu.memory_space<hbm>>
    %dma_start3A_10 = tpu.memref_squeeze %dma_start3A_9 : memref<1x10000x32xf32, #tpu.memory_space<hbm>> -> memref<10000x32xf32, #tpu.memory_space<hbm>>
    %dma_start3A_11 = arith.constant 0 : i32
    %dma_start3A_12 = arith.constant 0 : i32
    %dma_start3A_13 = tpu.memref_slice %dma_start3A_10[%dma_start3A_11, %dma_start3A_12] : memref<10000x32xf32, #tpu.memory_space<hbm>> -> memref<10000x32xf32, #tpu.memory_space<hbm>>
    tpu.enqueue_indirect_dma source(%dma_start3A_13 : memref<10000x32xf32, #tpu.memory_space<hbm>>) target(%arg11 : memref<128x32xf32, #tpu.memory_space<vmem>>) offsets(%dma_start3A_6 : memref<128xi32, #tpu.memory_space<vmem>>) semaphore(%arg9 : memref<!tpu.dma_semaphore, #tpu.memory_space<semaphore_mem>>)
    %scan3A = arith.constant 0 : i32
    %scan3A_14 = arith.constant 0 : i32
    %scan3A_15 = arith.constant 0 : i32
    %scan3A_16 = arith.constant 20 : i32
    %scan3A_17 = arith.addi %scan3A_15, %scan3A_16 : i32
    %scan3A_18 = arith.constant 1 : i32
    scf.for %scan3A_25 = %scan3A_15 to %scan3A_17 step %scan3A_18  : i32 {
      %mul3A_26 = arith.constant 2 : i32
      %mul3A_27 = arith.muli %scan3A_25, %mul3A_26 : i32
      %add3A_28 = arith.constant 1 : i32
      %add3A_29 = arith.addi %mul3A_27, %add3A_28 : i32
      %dma_start3A_30 = arith.constant 0 : i32
      %dma_start3A_31 = tpu.memref_slice %arg7[%add3A_29, %dma_start3A_30] : memref<40x128xi32, #tpu.memory_space<vmem>> -> memref<1x128xi32, #tpu.memory_space<vmem>>
      %dma_start3A_32 = tpu.memref_squeeze %dma_start3A_31 : memref<1x128xi32, #tpu.memory_space<vmem>> -> memref<128xi32, #tpu.memory_space<vmem>>
      %dma_start3A_33 = arith.constant 0 : i32
      %dma_start3A_34 = arith.constant 0 : i32
      %dma_start3A_35 = tpu.memref_slice %arg2[%scan3A_14, %dma_start3A_33, %dma_start3A_34] : memref<1x10000x32xf32, #tpu.memory_space<hbm>> -> memref<1x10000x32xf32, #tpu.memory_space<hbm>>
      %dma_start3A_36 = tpu.memref_squeeze %dma_start3A_35 : memref<1x10000x32xf32, #tpu.memory_space<hbm>> -> memref<10000x32xf32, #tpu.memory_space<hbm>>
      %dma_start3A_37 = arith.constant 0 : i32
      %dma_start3A_38 = arith.constant 0 : i32
      %dma_start3A_39 = tpu.memref_slice %dma_start3A_36[%dma_start3A_37, %dma_start3A_38] : memref<10000x32xf32, #tpu.memory_space<hbm>> -> memref<10000x32xf32, #tpu.memory_space<hbm>>
      tpu.enqueue_indirect_dma source(%dma_start3A_39 : memref<10000x32xf32, #tpu.memory_space<hbm>>) target(%arg12 : memref<128x32xf32, #tpu.memory_space<vmem>>) offsets(%dma_start3A_32 : memref<128xi32, #tpu.memory_space<vmem>>) semaphore(%arg10 : memref<!tpu.dma_semaphore, #tpu.memory_space<semaphore_mem>>)
      %dma_wait3A = arith.constant 0 : i32
      %dma_wait3A_40 = tpu.memref_slice %arg7[%mul3A_27, %dma_wait3A] : memref<40x128xi32, #tpu.memory_space<vmem>> -> memref<1x128xi32, #tpu.memory_space<vmem>>
      %dma_wait3A_41 = tpu.memref_squeeze %dma_wait3A_40 : memref<1x128xi32, #tpu.memory_space<vmem>> -> memref<128xi32, #tpu.memory_space<vmem>>
      %dma_wait3A_42 = arith.constant 0 : i32
      %dma_wait3A_43 = arith.constant 0 : i32
      %dma_wait3A_44 = tpu.memref_slice %arg2[%scan3A_14, %dma_wait3A_42, %dma_wait3A_43] : memref<1x10000x32xf32, #tpu.memory_space<hbm>> -> memref<1x10000x32xf32, #tpu.memory_space<hbm>>
      %dma_wait3A_45 = tpu.memref_squeeze %dma_wait3A_44 : memref<1x10000x32xf32, #tpu.memory_space<hbm>> -> memref<10000x32xf32, #tpu.memory_space<hbm>>
      %dma_wait3A_46 = arith.constant 0 : i32
      %dma_wait3A_47 = arith.constant 0 : i32
      %dma_wait3A_48 = tpu.memref_slice %dma_wait3A_45[%dma_wait3A_46, %dma_wait3A_47] : memref<10000x32xf32, #tpu.memory_space<hbm>> -> memref<10000x32xf32, #tpu.memory_space<hbm>>
      tpu.wait_indirect_dma semaphore(%arg9 : memref<!tpu.dma_semaphore, #tpu.memory_space<semaphore_mem>>) src(%dma_wait3A_48 : memref<10000x32xf32, #tpu.memory_space<hbm>>) dst(%arg11 : memref<128x32xf32, #tpu.memory_space<vmem>>)
      "tpu.region"() ({
        %run_scoped3A_67 = tpu.sem_alloc : memref<!tpu.dma_semaphore, #tpu.memory_space<semaphore_mem>>
        %dma_start3A_68 = arith.constant 0 : i32
        %dma_start3A_69 = tpu.memref_slice %arg8[%mul3A_27, %dma_start3A_68] : memref<40x128xi32, #tpu.memory_space<vmem>> -> memref<1x128xi32, #tpu.memory_space<vmem>>
        %dma_start3A_70 = tpu.memref_squeeze %dma_start3A_69 : memref<1x128xi32, #tpu.memory_space<vmem>> -> memref<128xi32, #tpu.memory_space<vmem>>
        %dma_start3A_71 = arith.constant 0 : i32
        %dma_start3A_72 = arith.constant 0 : i32
        %dma_start3A_73 = tpu.memref_slice %arg13[%dma_start3A_71, %dma_start3A_72] : memref<10240x32xf32, #tpu.memory_space<vmem_shared>> -> memref<10240x32xf32, #tpu.memory_space<vmem_shared>>
        tpu.enqueue_indirect_dma source(%arg11 : memref<128x32xf32, #tpu.memory_space<vmem>>) target(%dma_start3A_73 : memref<10240x32xf32, #tpu.memory_space<vmem_shared>>) offsets(%dma_start3A_70 : memref<128xi32, #tpu.memory_space<vmem>>) semaphore(%run_scoped3A_67 : memref<!tpu.dma_semaphore, #tpu.memory_space<semaphore_mem>>) {add = true}
        %dma_wait3A_74 = arith.constant 0 : i32
        %dma_wait3A_75 = tpu.memref_slice %arg8[%mul3A_27, %dma_wait3A_74] : memref<40x128xi32, #tpu.memory_space<vmem>> -> memref<1x128xi32, #tpu.memory_space<vmem>>
        %dma_wait3A_76 = tpu.memref_squeeze %dma_wait3A_75 : memref<1x128xi32, #tpu.memory_space<vmem>> -> memref<128xi32, #tpu.memory_space<vmem>>
        %dma_wait3A_77 = arith.constant 0 : i32
        %dma_wait3A_78 = arith.constant 0 : i32
        %dma_wait3A_79 = tpu.memref_slice %arg13[%dma_wait3A_77, %dma_wait3A_78] : memref<10240x32xf32, #tpu.memory_space<vmem_shared>> -> memref<10240x32xf32, #tpu.memory_space<vmem_shared>>
        tpu.wait_indirect_dma semaphore(%run_scoped3A_67 : memref<!tpu.dma_semaphore, #tpu.memory_space<semaphore_mem>>) src(%arg11 : memref<128x32xf32, #tpu.memory_space<vmem>>) dst(%dma_wait3A_79 : memref<10240x32xf32, #tpu.memory_space<vmem_shared>>)
        tpu.yield
      }) : () -> ()
      %add3A_49 = arith.constant 2 : i32
      %add3A_50 = arith.addi %mul3A_27, %add3A_49 : i32
      %lt3A = arith.constant 40 : i32
      %lt3A_51 = arith.cmpi slt, %add3A_50, %lt3A : i32
      %convert_element_type3A = arith.extui %lt3A_51 : i1 to i32
      %cond3A = arith.constant 0 : i32
      %cond3A_52 = arith.cmpi ne, %convert_element_type3A, %cond3A : i32
      scf.if %cond3A_52 {
        %add3A_67 = arith.constant 2 : i32
        %add3A_68 = arith.addi %mul3A_27, %add3A_67 : i32
        %dma_start3A_69 = arith.constant 0 : i32
        %dma_start3A_70 = tpu.memref_slice %arg7[%add3A_68, %dma_start3A_69] : memref<40x128xi32, #tpu.memory_space<vmem>> -> memref<1x128xi32, #tpu.memory_space<vmem>>
        %dma_start3A_71 = tpu.memref_squeeze %dma_start3A_70 : memref<1x128xi32, #tpu.memory_space<vmem>> -> memref<128xi32, #tpu.memory_space<vmem>>
        %dma_start3A_72 = arith.constant 0 : i32
        %dma_start3A_73 = arith.constant 0 : i32
        %dma_start3A_74 = tpu.memref_slice %arg2[%scan3A_14, %dma_start3A_72, %dma_start3A_73] : memref<1x10000x32xf32, #tpu.memory_space<hbm>> -> memref<1x10000x32xf32, #tpu.memory_space<hbm>>
        %dma_start3A_75 = tpu.memref_squeeze %dma_start3A_74 : memref<1x10000x32xf32, #tpu.memory_space<hbm>> -> memref<10000x32xf32, #tpu.memory_space<hbm>>
        %dma_start3A_76 = arith.constant 0 : i32
        %dma_start3A_77 = arith.constant 0 : i32
        %dma_start3A_78 = tpu.memref_slice %dma_start3A_75[%dma_start3A_76, %dma_start3A_77] : memref<10000x32xf32, #tpu.memory_space<hbm>> -> memref<10000x32xf32, #tpu.memory_space<hbm>>
        tpu.enqueue_indirect_dma source(%dma_start3A_78 : memref<10000x32xf32, #tpu.memory_space<hbm>>) target(%arg11 : memref<128x32xf32, #tpu.memory_space<vmem>>) offsets(%dma_start3A_71 : memref<128xi32, #tpu.memory_space<vmem>>) semaphore(%arg9 : memref<!tpu.dma_semaphore, #tpu.memory_space<semaphore_mem>>)
      } else {
      }
      %add3A_53 = arith.constant 1 : i32
      %add3A_54 = arith.addi %mul3A_27, %add3A_53 : i32
      %dma_wait3A_55 = arith.constant 0 : i32
      %dma_wait3A_56 = tpu.memref_slice %arg7[%add3A_54, %dma_wait3A_55] : memref<40x128xi32, #tpu.memory_space<vmem>> -> memref<1x128xi32, #tpu.memory_space<vmem>>
      %dma_wait3A_57 = tpu.memref_squeeze %dma_wait3A_56 : memref<1x128xi32, #tpu.memory_space<vmem>> -> memref<128xi32, #tpu.memory_space<vmem>>
      %dma_wait3A_58 = arith.constant 0 : i32
      %dma_wait3A_59 = arith.constant 0 : i32
      %dma_wait3A_60 = tpu.memref_slice %arg2[%scan3A_14, %dma_wait3A_58, %dma_wait3A_59] : memref<1x10000x32xf32, #tpu.memory_space<hbm>> -> memref<1x10000x32xf32, #tpu.memory_space<hbm>>
      %dma_wait3A_61 = tpu.memref_squeeze %dma_wait3A_60 : memref<1x10000x32xf32, #tpu.memory_space<hbm>> -> memref<10000x32xf32, #tpu.memory_space<hbm>>
      %dma_wait3A_62 = arith.constant 0 : i32
      %dma_wait3A_63 = arith.constant 0 : i32
      %dma_wait3A_64 = tpu.memref_slice %dma_wait3A_61[%dma_wait3A_62, %dma_wait3A_63] : memref<10000x32xf32, #tpu.memory_space<hbm>> -> memref<10000x32xf32, #tpu.memory_space<hbm>>
      tpu.wait_indirect_dma semaphore(%arg10 : memref<!tpu.dma_semaphore, #tpu.memory_space<semaphore_mem>>) src(%dma_wait3A_64 : memref<10000x32xf32, #tpu.memory_space<hbm>>) dst(%arg12 : memref<128x32xf32, #tpu.memory_space<vmem>>)
      %add3A_65 = arith.constant 1 : i32
      %add3A_66 = arith.addi %mul3A_27, %add3A_65 : i32
      "tpu.region"() ({
        %run_scoped3A_67 = tpu.sem_alloc : memref<!tpu.dma_semaphore, #tpu.memory_space<semaphore_mem>>
        %dma_start3A_68 = arith.constant 0 : i32
        %dma_start3A_69 = tpu.memref_slice %arg8[%add3A_66, %dma_start3A_68] : memref<40x128xi32, #tpu.memory_space<vmem>> -> memref<1x128xi32, #tpu.memory_space<vmem>>
        %dma_start3A_70 = tpu.memref_squeeze %dma_start3A_69 : memref<1x128xi32, #tpu.memory_space<vmem>> -> memref<128xi32, #tpu.memory_space<vmem>>
        %dma_start3A_71 = arith.constant 0 : i32
        %dma_start3A_72 = arith.constant 0 : i32
        %dma_start3A_73 = tpu.memref_slice %arg13[%dma_start3A_71, %dma_start3A_72] : memref<10240x32xf32, #tpu.memory_space<vmem_shared>> -> memref<10240x32xf32, #tpu.memory_space<vmem_shared>>
        tpu.enqueue_indirect_dma source(%arg12 : memref<128x32xf32, #tpu.memory_space<vmem>>) target(%dma_start3A_73 : memref<10240x32xf32, #tpu.memory_space<vmem_shared>>) offsets(%dma_start3A_70 : memref<128xi32, #tpu.memory_space<vmem>>) semaphore(%run_scoped3A_67 : memref<!tpu.dma_semaphore, #tpu.memory_space<semaphore_mem>>) {add = true}
        %dma_wait3A_74 = arith.constant 0 : i32
        %dma_wait3A_75 = tpu.memref_slice %arg8[%add3A_66, %dma_wait3A_74] : memref<40x128xi32, #tpu.memory_space<vmem>> -> memref<1x128xi32, #tpu.memory_space<vmem>>
        %dma_wait3A_76 = tpu.memref_squeeze %dma_wait3A_75 : memref<1x128xi32, #tpu.memory_space<vmem>> -> memref<128xi32, #tpu.memory_space<vmem>>
        %dma_wait3A_77 = arith.constant 0 : i32
        %dma_wait3A_78 = arith.constant 0 : i32
        %dma_wait3A_79 = tpu.memref_slice %arg13[%dma_wait3A_77, %dma_wait3A_78] : memref<10240x32xf32, #tpu.memory_space<vmem_shared>> -> memref<10240x32xf32, #tpu.memory_space<vmem_shared>>
        tpu.wait_indirect_dma semaphore(%run_scoped3A_67 : memref<!tpu.dma_semaphore, #tpu.memory_space<semaphore_mem>>) src(%arg12 : memref<128x32xf32, #tpu.memory_space<vmem>>) dst(%dma_wait3A_79 : memref<10240x32xf32, #tpu.memory_space<vmem_shared>>)
        tpu.yield
      }) : () -> ()
    }
    %scan3A_19 = arith.constant 20 : i32
    %barrier3A_20 = arith.constant 0 : index
    tpu.barrier barrier_id(%barrier3A_20)
    %mul3A_21 = arith.constant 640 : i32
    %mul3A_22 = arith.muli %arg1, %mul3A_21 : i32
    %mul3A_23 = arith.constant 640 : i32
    %mul3A_24 = arith.muli %arg1, %mul3A_23 : i32
    %run_scoped3A = arith.constant 0 : i32
    "tpu.region"() ({
      %run_scoped3A_25 = tpu.sem_alloc : memref<!tpu.dma_semaphore, #tpu.memory_space<semaphore_mem>>
      %dma_start3A_26 = arith.constant 0 : i32
      %dma_start3A_27 = arith.constant 0 : i32
      %dma_start3A_28 = arith.constant 0 : i32
      %dma_start3A_29 = tpu.memref_slice %arg6[%run_scoped3A, %dma_start3A_26, %dma_start3A_27, %dma_start3A_28] : memref<1x2x10240x32xf32, #tpu.memory_space<hbm>> -> memref<1x2x10240x32xf32, #tpu.memory_space<hbm>>
      %dma_start3A_30 = tpu.memref_squeeze %dma_start3A_29 : memref<1x2x10240x32xf32, #tpu.memory_space<hbm>> -> memref<2x10240x32xf32, #tpu.memory_space<hbm>>
      %dma_start3A_31 = arith.constant 0 : i32
      %dma_start3A_32 = arith.constant 0 : i32
      %dma_start3A_33 = tpu.memref_slice %dma_start3A_30[%arg0, %dma_start3A_31, %dma_start3A_32] : memref<2x10240x32xf32, #tpu.memory_space<hbm>> -> memref<1x10240x32xf32, #tpu.memory_space<hbm>>
      %dma_start3A_34 = tpu.memref_squeeze %dma_start3A_33 : memref<1x10240x32xf32, #tpu.memory_space<hbm>> -> memref<10240x32xf32, #tpu.memory_space<hbm>>
      %dma_start3A_35 = arith.constant 0 : i32
      %dma_start3A_36 = tpu.memref_slice %dma_start3A_34[%mul3A_24, %dma_start3A_35] : memref<10240x32xf32, #tpu.memory_space<hbm>> -> memref<640x32xf32, #tpu.memory_space<hbm>>
      %dma_start3A_37 = arith.constant 0 : i32
      %dma_start3A_38 = tpu.memref_slice %arg13[%mul3A_22, %dma_start3A_37] : memref<10240x32xf32, #tpu.memory_space<vmem_shared>> -> memref<640x32xf32, #tpu.memory_space<vmem_shared>>
      tpu.enqueue_dma source(%dma_start3A_38 : memref<640x32xf32, #tpu.memory_space<vmem_shared>>) target(%dma_start3A_36 : memref<640x32xf32, #tpu.memory_space<hbm>>) target_semaphore(%run_scoped3A_25 : memref<!tpu.dma_semaphore, #tpu.memory_space<semaphore_mem>>)
      %dma_wait3A = arith.constant 0 : i32
      %dma_wait3A_39 = arith.constant 0 : i32
      %dma_wait3A_40 = arith.constant 0 : i32
      %dma_wait3A_41 = tpu.memref_slice %arg6[%run_scoped3A, %dma_wait3A, %dma_wait3A_39, %dma_wait3A_40] : memref<1x2x10240x32xf32, #tpu.memory_space<hbm>> -> memref<1x2x10240x32xf32, #tpu.memory_space<hbm>>
      %dma_wait3A_42 = tpu.memref_squeeze %dma_wait3A_41 : memref<1x2x10240x32xf32, #tpu.memory_space<hbm>> -> memref<2x10240x32xf32, #tpu.memory_space<hbm>>
      %dma_wait3A_43 = arith.constant 0 : i32
      %dma_wait3A_44 = arith.constant 0 : i32
      %dma_wait3A_45 = tpu.memref_slice %dma_wait3A_42[%arg0, %dma_wait3A_43, %dma_wait3A_44] : memref<2x10240x32xf32, #tpu.memory_space<hbm>> -> memref<1x10240x32xf32, #tpu.memory_space<hbm>>
      %dma_wait3A_46 = tpu.memref_squeeze %dma_wait3A_45 : memref<1x10240x32xf32, #tpu.memory_space<hbm>> -> memref<10240x32xf32, #tpu.memory_space<hbm>>
      %dma_wait3A_47 = arith.constant 0 : i32
      %dma_wait3A_48 = tpu.memref_slice %dma_wait3A_46[%mul3A_24, %dma_wait3A_47] : memref<10240x32xf32, #tpu.memory_space<hbm>> -> memref<640x32xf32, #tpu.memory_space<hbm>>
      %dma_wait3A_49 = arith.constant 0 : i32
      %dma_wait3A_50 = tpu.memref_slice %arg13[%mul3A_22, %dma_wait3A_49] : memref<10240x32xf32, #tpu.memory_space<vmem_shared>> -> memref<640x32xf32, #tpu.memory_space<vmem_shared>>
      tpu.wait_dma2 semaphore(%run_scoped3A_25 : memref<!tpu.dma_semaphore, #tpu.memory_space<semaphore_mem>>) src(%dma_wait3A_50 : memref<640x32xf32, #tpu.memory_space<vmem_shared>>) dst(%dma_wait3A_48 : memref<640x32xf32, #tpu.memory_space<hbm>>)
      tpu.yield
    }) : () -> ()
    return
  }
}

#map = affine_map<(d0, d1) -> (0, 0, 0)>
#map1 = affine_map<(d0, d1) -> (0, 0)>
#map2 = affine_map<(d0, d1) -> (0, 0, 0, 0)>
module attributes {stable_mosaic.version = 14 : i64} {
  func.func @k(%arg0: i32, %arg1: i32, %arg2: memref<2x10000x128xf32, #tpu.memory_space<hbm>>, %arg3: memref<32x40x128xi32, #tpu.memory_space<hbm>>, %arg4: memref<32x40x128xi32, #tpu.memory_space<hbm>>, %arg5: memref<640x128xf32, #tpu.memory_space<hbm>>, %arg6: memref<2x2x10240x128xf32, #tpu.memory_space<hbm>>, %arg7: memref<40x128xi32, #tpu.memory_space<vmem>>, %arg8: memref<40x128xi32, #tpu.memory_space<vmem>>, %arg9: memref<!tpu.dma_semaphore, #tpu.memory_space<semaphore_mem>>, %arg10: memref<!tpu.dma_semaphore, #tpu.memory_space<semaphore_mem>>, %arg11: memref<128x128xf32, #tpu.memory_space<vmem>>, %arg12: memref<128x128xf32, #tpu.memory_space<vmem>>, %arg13: memref<10240x128xf32, #tpu.memory_space<vmem_shared>>) attributes {dimension_semantics = [#tpu.dimension_semantics<core_parallel>, #tpu.dimension_semantics<subcore_parallel>], iteration_bounds = array<i64: 2, 16>, scalar_prefetch = 0 : i64, scratch_operands = 7 : i64, tpu.core_type = #tpu.core_type<sc_vector_subcore>, window_params = [{transform_indices = #map}, {transform_indices = #map}, {transform_indices = #map}, {transform_indices = #map1}, {transform_indices = #map2}]} {
    %mul3A = arith.constant 2 : i32
    %mul3A_0 = arith.muli %arg1, %mul3A : i32
    %add3A = arith.addi %mul3A_0, %arg0 : i32
    "tpu.region"() ({
      %run_scoped3A_53 = tpu.sem_alloc : memref<!tpu.dma_semaphore, #tpu.memory_space<semaphore_mem>>
      %dma_start3A_54 = arith.constant 0 : i32
      %dma_start3A_55 = arith.constant 0 : i32
      %dma_start3A_56 = tpu.memref_slice %arg3[%add3A, %dma_start3A_54, %dma_start3A_55] : memref<32x40x128xi32, #tpu.memory_space<hbm>> -> memref<1x40x128xi32, #tpu.memory_space<hbm>>
      %dma_start3A_57 = tpu.memref_squeeze %dma_start3A_56 : memref<1x40x128xi32, #tpu.memory_space<hbm>> -> memref<40x128xi32, #tpu.memory_space<hbm>>
      %dma_start3A_58 = arith.constant 0 : i32
      %dma_start3A_59 = arith.constant 0 : i32
      %dma_start3A_60 = tpu.memref_slice %arg3[%add3A, %dma_start3A_58, %dma_start3A_59] : memref<32x40x128xi32, #tpu.memory_space<hbm>> -> memref<1x40x128xi32, #tpu.memory_space<hbm>>
      %dma_start3A_61 = tpu.memref_squeeze %dma_start3A_60 : memref<1x40x128xi32, #tpu.memory_space<hbm>> -> memref<40x128xi32, #tpu.memory_space<hbm>>
      tpu.enqueue_dma source(%dma_start3A_61 : memref<40x128xi32, #tpu.memory_space<hbm>>) target(%arg7 : memref<40x128xi32, #tpu.memory_space<vmem>>) target_semaphore(%run_scoped3A_53 : memref<!tpu.dma_semaphore, #tpu.memory_space<semaphore_mem>>)
      %dma_wait3A = arith.constant 0 : i32
      %dma_wait3A_62 = arith.constant 0 : i32
      %dma_wait3A_63 = tpu.memref_slice %arg3[%add3A, %dma_wait3A, %dma_wait3A_62] : memref<32x40x128xi32, #tpu.memory_space<hbm>> -> memref<1x40x128xi32, #tpu.memory_space<hbm>>
      %dma_wait3A_64 = tpu.memref_squeeze %dma_wait3A_63 : memref<1x40x128xi32, #tpu.memory_space<hbm>> -> memref<40x128xi32, #tpu.memory_space<hbm>>
      %dma_wait3A_65 = arith.constant 0 : i32
      %dma_wait3A_66 = arith.constant 0 : i32
      %dma_wait3A_67 = tpu.memref_slice %arg3[%add3A, %dma_wait3A_65, %dma_wait3A_66] : memref<32x40x128xi32, #tpu.memory_space<hbm>> -> memref<1x40x128xi32, #tpu.memory_space<hbm>>
      %dma_wait3A_68 = tpu.memref_squeeze %dma_wait3A_67 : memref<1x40x128xi32, #tpu.memory_space<hbm>> -> memref<40x128xi32, #tpu.memory_space<hbm>>
      tpu.wait_dma2 semaphore(%run_scoped3A_53 : memref<!tpu.dma_semaphore, #tpu.memory_space<semaphore_mem>>) src(%dma_wait3A_68 : memref<40x128xi32, #tpu.memory_space<hbm>>) dst(%arg7 : memref<40x128xi32, #tpu.memory_space<vmem>>)
      tpu.yield
    }) : () -> ()
    "tpu.region"() ({
      %run_scoped3A_53 = tpu.sem_alloc : memref<!tpu.dma_semaphore, #tpu.memory_space<semaphore_mem>>
      %dma_start3A_54 = arith.constant 0 : i32
      %dma_start3A_55 = arith.constant 0 : i32
      %dma_start3A_56 = tpu.memref_slice %arg4[%add3A, %dma_start3A_54, %dma_start3A_55] : memref<32x40x128xi32, #tpu.memory_space<hbm>> -> memref<1x40x128xi32, #tpu.memory_space<hbm>>
      %dma_start3A_57 = tpu.memref_squeeze %dma_start3A_56 : memref<1x40x128xi32, #tpu.memory_space<hbm>> -> memref<40x128xi32, #tpu.memory_space<hbm>>
      %dma_start3A_58 = arith.constant 0 : i32
      %dma_start3A_59 = arith.constant 0 : i32
      %dma_start3A_60 = tpu.memref_slice %arg4[%add3A, %dma_start3A_58, %dma_start3A_59] : memref<32x40x128xi32, #tpu.memory_space<hbm>> -> memref<1x40x128xi32, #tpu.memory_space<hbm>>
      %dma_start3A_61 = tpu.memref_squeeze %dma_start3A_60 : memref<1x40x128xi32, #tpu.memory_space<hbm>> -> memref<40x128xi32, #tpu.memory_space<hbm>>
      tpu.enqueue_dma source(%dma_start3A_61 : memref<40x128xi32, #tpu.memory_space<hbm>>) target(%arg8 : memref<40x128xi32, #tpu.memory_space<vmem>>) target_semaphore(%run_scoped3A_53 : memref<!tpu.dma_semaphore, #tpu.memory_space<semaphore_mem>>)
      %dma_wait3A = arith.constant 0 : i32
      %dma_wait3A_62 = arith.constant 0 : i32
      %dma_wait3A_63 = tpu.memref_slice %arg4[%add3A, %dma_wait3A, %dma_wait3A_62] : memref<32x40x128xi32, #tpu.memory_space<hbm>> -> memref<1x40x128xi32, #tpu.memory_space<hbm>>
      %dma_wait3A_64 = tpu.memref_squeeze %dma_wait3A_63 : memref<1x40x128xi32, #tpu.memory_space<hbm>> -> memref<40x128xi32, #tpu.memory_space<hbm>>
      %dma_wait3A_65 = arith.constant 0 : i32
      %dma_wait3A_66 = arith.constant 0 : i32
      %dma_wait3A_67 = tpu.memref_slice %arg4[%add3A, %dma_wait3A_65, %dma_wait3A_66] : memref<32x40x128xi32, #tpu.memory_space<hbm>> -> memref<1x40x128xi32, #tpu.memory_space<hbm>>
      %dma_wait3A_68 = tpu.memref_squeeze %dma_wait3A_67 : memref<1x40x128xi32, #tpu.memory_space<hbm>> -> memref<40x128xi32, #tpu.memory_space<hbm>>
      tpu.wait_dma2 semaphore(%run_scoped3A_53 : memref<!tpu.dma_semaphore, #tpu.memory_space<semaphore_mem>>) src(%dma_wait3A_68 : memref<40x128xi32, #tpu.memory_space<hbm>>) dst(%arg8 : memref<40x128xi32, #tpu.memory_space<vmem>>)
      tpu.yield
    }) : () -> ()
    %mul3A_1 = arith.constant 640 : i32
    %mul3A_2 = arith.muli %arg1, %mul3A_1 : i32
    "tpu.region"() ({
      %run_scoped3A_53 = tpu.sem_alloc : memref<!tpu.dma_semaphore, #tpu.memory_space<semaphore_mem>>
      %dma_start3A_54 = arith.constant 0 : i32
      %dma_start3A_55 = tpu.memref_slice %arg13[%mul3A_2, %dma_start3A_54] : memref<10240x128xf32, #tpu.memory_space<vmem_shared>> -> memref<640x128xf32, #tpu.memory_space<vmem_shared>>
      tpu.enqueue_dma source(%arg5 : memref<640x128xf32, #tpu.memory_space<hbm>>) target(%dma_start3A_55 : memref<640x128xf32, #tpu.memory_space<vmem_shared>>) target_semaphore(%run_scoped3A_53 : memref<!tpu.dma_semaphore, #tpu.memory_space<semaphore_mem>>)
      %dma_wait3A = arith.constant 0 : i32
      %dma_wait3A_56 = tpu.memref_slice %arg13[%mul3A_2, %dma_wait3A] : memref<10240x128xf32, #tpu.memory_space<vmem_shared>> -> memref<640x128xf32, #tpu.memory_space<vmem_shared>>
      tpu.wait_dma2 semaphore(%run_scoped3A_53 : memref<!tpu.dma_semaphore, #tpu.memory_space<semaphore_mem>>) src(%arg5 : memref<640x128xf32, #tpu.memory_space<hbm>>) dst(%dma_wait3A_56 : memref<640x128xf32, #tpu.memory_space<vmem_shared>>)
      tpu.yield
    }) : () -> ()
    %barrier3A = arith.constant 0 : index
    tpu.barrier barrier_id(%barrier3A)
    %dma_start3A = arith.constant 0 : i32
    %dma_start3A_3 = arith.constant 0 : i32
    %dma_start3A_4 = arith.constant 0 : i32
    %dma_start3A_5 = tpu.memref_slice %arg7[%dma_start3A_3, %dma_start3A_4] : memref<40x128xi32, #tpu.memory_space<vmem>> -> memref<1x128xi32, #tpu.memory_space<vmem>>
    %dma_start3A_6 = tpu.memref_squeeze %dma_start3A_5 : memref<1x128xi32, #tpu.memory_space<vmem>> -> memref<128xi32, #tpu.memory_space<vmem>>
    %dma_start3A_7 = arith.constant 0 : i32
    %dma_start3A_8 = arith.constant 0 : i32
    %dma_start3A_9 = tpu.memref_slice %arg2[%dma_start3A, %dma_start3A_7, %dma_start3A_8] : memref<2x10000x128xf32, #tpu.memory_space<hbm>> -> memref<1x10000x128xf32, #tpu.memory_space<hbm>>
    %dma_start3A_10 = tpu.memref_squeeze %dma_start3A_9 : memref<1x10000x128xf32, #tpu.memory_space<hbm>> -> memref<10000x128xf32, #tpu.memory_space<hbm>>
    %dma_start3A_11 = arith.constant 0 : i32
    %dma_start3A_12 = arith.constant 0 : i32
    %dma_start3A_13 = tpu.memref_slice %dma_start3A_10[%dma_start3A_11, %dma_start3A_12] : memref<10000x128xf32, #tpu.memory_space<hbm>> -> memref<10000x128xf32, #tpu.memory_space<hbm>>
    tpu.enqueue_indirect_dma source(%dma_start3A_13 : memref<10000x128xf32, #tpu.memory_space<hbm>>) target(%arg11 : memref<128x128xf32, #tpu.memory_space<vmem>>) offsets(%dma_start3A_6 : memref<128xi32, #tpu.memory_space<vmem>>) semaphore(%arg9 : memref<!tpu.dma_semaphore, #tpu.memory_space<semaphore_mem>>)
    %scan3A = arith.constant 0 : i32
    %scan3A_14 = arith.constant 0 : i32
    %scan3A_15 = arith.constant 0 : i32
    %scan3A_16 = arith.constant 20 : i32
    %scan3A_17 = arith.addi %scan3A_15, %scan3A_16 : i32
    %scan3A_18 = arith.constant 1 : i32
    scf.for %scan3A_53 = %scan3A_15 to %scan3A_17 step %scan3A_18  : i32 {
      %mul3A_54 = arith.constant 2 : i32
      %mul3A_55 = arith.muli %scan3A_53, %mul3A_54 : i32
      %add3A_56 = arith.constant 1 : i32
      %add3A_57 = arith.addi %mul3A_55, %add3A_56 : i32
      %dma_start3A_58 = arith.constant 0 : i32
      %dma_start3A_59 = tpu.memref_slice %arg7[%add3A_57, %dma_start3A_58] : memref<40x128xi32, #tpu.memory_space<vmem>> -> memref<1x128xi32, #tpu.memory_space<vmem>>
      %dma_start3A_60 = tpu.memref_squeeze %dma_start3A_59 : memref<1x128xi32, #tpu.memory_space<vmem>> -> memref<128xi32, #tpu.memory_space<vmem>>
      %dma_start3A_61 = arith.constant 0 : i32
      %dma_start3A_62 = arith.constant 0 : i32
      %dma_start3A_63 = tpu.memref_slice %arg2[%scan3A_14, %dma_start3A_61, %dma_start3A_62] : memref<2x10000x128xf32, #tpu.memory_space<hbm>> -> memref<1x10000x128xf32, #tpu.memory_space<hbm>>
      %dma_start3A_64 = tpu.memref_squeeze %dma_start3A_63 : memref<1x10000x128xf32, #tpu.memory_space<hbm>> -> memref<10000x128xf32, #tpu.memory_space<hbm>>
      %dma_start3A_65 = arith.constant 0 : i32
      %dma_start3A_66 = arith.constant 0 : i32
      %dma_start3A_67 = tpu.memref_slice %dma_start3A_64[%dma_start3A_65, %dma_start3A_66] : memref<10000x128xf32, #tpu.memory_space<hbm>> -> memref<10000x128xf32, #tpu.memory_space<hbm>>
      tpu.enqueue_indirect_dma source(%dma_start3A_67 : memref<10000x128xf32, #tpu.memory_space<hbm>>) target(%arg12 : memref<128x128xf32, #tpu.memory_space<vmem>>) offsets(%dma_start3A_60 : memref<128xi32, #tpu.memory_space<vmem>>) semaphore(%arg10 : memref<!tpu.dma_semaphore, #tpu.memory_space<semaphore_mem>>)
      %dma_wait3A = arith.constant 0 : i32
      %dma_wait3A_68 = tpu.memref_slice %arg7[%mul3A_55, %dma_wait3A] : memref<40x128xi32, #tpu.memory_space<vmem>> -> memref<1x128xi32, #tpu.memory_space<vmem>>
      %dma_wait3A_69 = tpu.memref_squeeze %dma_wait3A_68 : memref<1x128xi32, #tpu.memory_space<vmem>> -> memref<128xi32, #tpu.memory_space<vmem>>
      %dma_wait3A_70 = arith.constant 0 : i32
      %dma_wait3A_71 = arith.constant 0 : i32
      %dma_wait3A_72 = tpu.memref_slice %arg2[%scan3A_14, %dma_wait3A_70, %dma_wait3A_71] : memref<2x10000x128xf32, #tpu.memory_space<hbm>> -> memref<1x10000x128xf32, #tpu.memory_space<hbm>>
      %dma_wait3A_73 = tpu.memref_squeeze %dma_wait3A_72 : memref<1x10000x128xf32, #tpu.memory_space<hbm>> -> memref<10000x128xf32, #tpu.memory_space<hbm>>
      %dma_wait3A_74 = arith.constant 0 : i32
      %dma_wait3A_75 = arith.constant 0 : i32
      %dma_wait3A_76 = tpu.memref_slice %dma_wait3A_73[%dma_wait3A_74, %dma_wait3A_75] : memref<10000x128xf32, #tpu.memory_space<hbm>> -> memref<10000x128xf32, #tpu.memory_space<hbm>>
      tpu.wait_indirect_dma semaphore(%arg9 : memref<!tpu.dma_semaphore, #tpu.memory_space<semaphore_mem>>) src(%dma_wait3A_76 : memref<10000x128xf32, #tpu.memory_space<hbm>>) dst(%arg11 : memref<128x128xf32, #tpu.memory_space<vmem>>)
      "tpu.region"() ({
        %run_scoped3A_95 = tpu.sem_alloc : memref<!tpu.dma_semaphore, #tpu.memory_space<semaphore_mem>>
        %dma_start3A_96 = arith.constant 0 : i32
        %dma_start3A_97 = tpu.memref_slice %arg8[%mul3A_55, %dma_start3A_96] : memref<40x128xi32, #tpu.memory_space<vmem>> -> memref<1x128xi32, #tpu.memory_space<vmem>>
        %dma_start3A_98 = tpu.memref_squeeze %dma_start3A_97 : memref<1x128xi32, #tpu.memory_space<vmem>> -> memref<128xi32, #tpu.memory_space<vmem>>
        %dma_start3A_99 = arith.constant 0 : i32
        %dma_start3A_100 = arith.constant 0 : i32
        %dma_start3A_101 = tpu.memref_slice %arg13[%dma_start3A_99, %dma_start3A_100] : memref<10240x128xf32, #tpu.memory_space<vmem_shared>> -> memref<10240x128xf32, #tpu.memory_space<vmem_shared>>
        tpu.enqueue_indirect_dma source(%arg11 : memref<128x128xf32, #tpu.memory_space<vmem>>) target(%dma_start3A_101 : memref<10240x128xf32, #tpu.memory_space<vmem_shared>>) offsets(%dma_start3A_98 : memref<128xi32, #tpu.memory_space<vmem>>) semaphore(%run_scoped3A_95 : memref<!tpu.dma_semaphore, #tpu.memory_space<semaphore_mem>>) {add = true}
        %dma_wait3A_102 = arith.constant 0 : i32
        %dma_wait3A_103 = tpu.memref_slice %arg8[%mul3A_55, %dma_wait3A_102] : memref<40x128xi32, #tpu.memory_space<vmem>> -> memref<1x128xi32, #tpu.memory_space<vmem>>
        %dma_wait3A_104 = tpu.memref_squeeze %dma_wait3A_103 : memref<1x128xi32, #tpu.memory_space<vmem>> -> memref<128xi32, #tpu.memory_space<vmem>>
        %dma_wait3A_105 = arith.constant 0 : i32
        %dma_wait3A_106 = arith.constant 0 : i32
        %dma_wait3A_107 = tpu.memref_slice %arg13[%dma_wait3A_105, %dma_wait3A_106] : memref<10240x128xf32, #tpu.memory_space<vmem_shared>> -> memref<10240x128xf32, #tpu.memory_space<vmem_shared>>
        tpu.wait_indirect_dma semaphore(%run_scoped3A_95 : memref<!tpu.dma_semaphore, #tpu.memory_space<semaphore_mem>>) src(%arg11 : memref<128x128xf32, #tpu.memory_space<vmem>>) dst(%dma_wait3A_107 : memref<10240x128xf32, #tpu.memory_space<vmem_shared>>)
        tpu.yield
      }) : () -> ()
      %add3A_77 = arith.constant 2 : i32
      %add3A_78 = arith.addi %mul3A_55, %add3A_77 : i32
      %lt3A = arith.constant 40 : i32
      %lt3A_79 = arith.cmpi slt, %add3A_78, %lt3A : i32
      %convert_element_type3A = arith.extui %lt3A_79 : i1 to i32
      %cond3A = arith.constant 0 : i32
      %cond3A_80 = arith.cmpi ne, %convert_element_type3A, %cond3A : i32
      scf.if %cond3A_80 {
        %add3A_95 = arith.constant 2 : i32
        %add3A_96 = arith.addi %mul3A_55, %add3A_95 : i32
        %dma_start3A_97 = arith.constant 0 : i32
        %dma_start3A_98 = tpu.memref_slice %arg7[%add3A_96, %dma_start3A_97] : memref<40x128xi32, #tpu.memory_space<vmem>> -> memref<1x128xi32, #tpu.memory_space<vmem>>
        %dma_start3A_99 = tpu.memref_squeeze %dma_start3A_98 : memref<1x128xi32, #tpu.memory_space<vmem>> -> memref<128xi32, #tpu.memory_space<vmem>>
        %dma_start3A_100 = arith.constant 0 : i32
        %dma_start3A_101 = arith.constant 0 : i32
        %dma_start3A_102 = tpu.memref_slice %arg2[%scan3A_14, %dma_start3A_100, %dma_start3A_101] : memref<2x10000x128xf32, #tpu.memory_space<hbm>> -> memref<1x10000x128xf32, #tpu.memory_space<hbm>>
        %dma_start3A_103 = tpu.memref_squeeze %dma_start3A_102 : memref<1x10000x128xf32, #tpu.memory_space<hbm>> -> memref<10000x128xf32, #tpu.memory_space<hbm>>
        %dma_start3A_104 = arith.constant 0 : i32
        %dma_start3A_105 = arith.constant 0 : i32
        %dma_start3A_106 = tpu.memref_slice %dma_start3A_103[%dma_start3A_104, %dma_start3A_105] : memref<10000x128xf32, #tpu.memory_space<hbm>> -> memref<10000x128xf32, #tpu.memory_space<hbm>>
        tpu.enqueue_indirect_dma source(%dma_start3A_106 : memref<10000x128xf32, #tpu.memory_space<hbm>>) target(%arg11 : memref<128x128xf32, #tpu.memory_space<vmem>>) offsets(%dma_start3A_99 : memref<128xi32, #tpu.memory_space<vmem>>) semaphore(%arg9 : memref<!tpu.dma_semaphore, #tpu.memory_space<semaphore_mem>>)
      } else {
      }
      %add3A_81 = arith.constant 1 : i32
      %add3A_82 = arith.addi %mul3A_55, %add3A_81 : i32
      %dma_wait3A_83 = arith.constant 0 : i32
      %dma_wait3A_84 = tpu.memref_slice %arg7[%add3A_82, %dma_wait3A_83] : memref<40x128xi32, #tpu.memory_space<vmem>> -> memref<1x128xi32, #tpu.memory_space<vmem>>
      %dma_wait3A_85 = tpu.memref_squeeze %dma_wait3A_84 : memref<1x128xi32, #tpu.memory_space<vmem>> -> memref<128xi32, #tpu.memory_space<vmem>>
      %dma_wait3A_86 = arith.constant 0 : i32
      %dma_wait3A_87 = arith.constant 0 : i32
      %dma_wait3A_88 = tpu.memref_slice %arg2[%scan3A_14, %dma_wait3A_86, %dma_wait3A_87] : memref<2x10000x128xf32, #tpu.memory_space<hbm>> -> memref<1x10000x128xf32, #tpu.memory_space<hbm>>
      %dma_wait3A_89 = tpu.memref_squeeze %dma_wait3A_88 : memref<1x10000x128xf32, #tpu.memory_space<hbm>> -> memref<10000x128xf32, #tpu.memory_space<hbm>>
      %dma_wait3A_90 = arith.constant 0 : i32
      %dma_wait3A_91 = arith.constant 0 : i32
      %dma_wait3A_92 = tpu.memref_slice %dma_wait3A_89[%dma_wait3A_90, %dma_wait3A_91] : memref<10000x128xf32, #tpu.memory_space<hbm>> -> memref<10000x128xf32, #tpu.memory_space<hbm>>
      tpu.wait_indirect_dma semaphore(%arg10 : memref<!tpu.dma_semaphore, #tpu.memory_space<semaphore_mem>>) src(%dma_wait3A_92 : memref<10000x128xf32, #tpu.memory_space<hbm>>) dst(%arg12 : memref<128x128xf32, #tpu.memory_space<vmem>>)
      %add3A_93 = arith.constant 1 : i32
      %add3A_94 = arith.addi %mul3A_55, %add3A_93 : i32
      "tpu.region"() ({
        %run_scoped3A_95 = tpu.sem_alloc : memref<!tpu.dma_semaphore, #tpu.memory_space<semaphore_mem>>
        %dma_start3A_96 = arith.constant 0 : i32
        %dma_start3A_97 = tpu.memref_slice %arg8[%add3A_94, %dma_start3A_96] : memref<40x128xi32, #tpu.memory_space<vmem>> -> memref<1x128xi32, #tpu.memory_space<vmem>>
        %dma_start3A_98 = tpu.memref_squeeze %dma_start3A_97 : memref<1x128xi32, #tpu.memory_space<vmem>> -> memref<128xi32, #tpu.memory_space<vmem>>
        %dma_start3A_99 = arith.constant 0 : i32
        %dma_start3A_100 = arith.constant 0 : i32
        %dma_start3A_101 = tpu.memref_slice %arg13[%dma_start3A_99, %dma_start3A_100] : memref<10240x128xf32, #tpu.memory_space<vmem_shared>> -> memref<10240x128xf32, #tpu.memory_space<vmem_shared>>
        tpu.enqueue_indirect_dma source(%arg12 : memref<128x128xf32, #tpu.memory_space<vmem>>) target(%dma_start3A_101 : memref<10240x128xf32, #tpu.memory_space<vmem_shared>>) offsets(%dma_start3A_98 : memref<128xi32, #tpu.memory_space<vmem>>) semaphore(%run_scoped3A_95 : memref<!tpu.dma_semaphore, #tpu.memory_space<semaphore_mem>>) {add = true}
        %dma_wait3A_102 = arith.constant 0 : i32
        %dma_wait3A_103 = tpu.memref_slice %arg8[%add3A_94, %dma_wait3A_102] : memref<40x128xi32, #tpu.memory_space<vmem>> -> memref<1x128xi32, #tpu.memory_space<vmem>>
        %dma_wait3A_104 = tpu.memref_squeeze %dma_wait3A_103 : memref<1x128xi32, #tpu.memory_space<vmem>> -> memref<128xi32, #tpu.memory_space<vmem>>
        %dma_wait3A_105 = arith.constant 0 : i32
        %dma_wait3A_106 = arith.constant 0 : i32
        %dma_wait3A_107 = tpu.memref_slice %arg13[%dma_wait3A_105, %dma_wait3A_106] : memref<10240x128xf32, #tpu.memory_space<vmem_shared>> -> memref<10240x128xf32, #tpu.memory_space<vmem_shared>>
        tpu.wait_indirect_dma semaphore(%run_scoped3A_95 : memref<!tpu.dma_semaphore, #tpu.memory_space<semaphore_mem>>) src(%arg12 : memref<128x128xf32, #tpu.memory_space<vmem>>) dst(%dma_wait3A_107 : memref<10240x128xf32, #tpu.memory_space<vmem_shared>>)
        tpu.yield
      }) : () -> ()
    }
    %scan3A_19 = arith.constant 20 : i32
    %barrier3A_20 = arith.constant 0 : index
    tpu.barrier barrier_id(%barrier3A_20)
    %mul3A_21 = arith.constant 640 : i32
    %mul3A_22 = arith.muli %arg1, %mul3A_21 : i32
    %mul3A_23 = arith.constant 640 : i32
    %mul3A_24 = arith.muli %arg1, %mul3A_23 : i32
    %run_scoped3A = arith.constant 0 : i32
    "tpu.region"() ({
      %run_scoped3A_53 = tpu.sem_alloc : memref<!tpu.dma_semaphore, #tpu.memory_space<semaphore_mem>>
      %dma_start3A_54 = arith.constant 0 : i32
      %dma_start3A_55 = arith.constant 0 : i32
      %dma_start3A_56 = arith.constant 0 : i32
      %dma_start3A_57 = tpu.memref_slice %arg6[%run_scoped3A, %dma_start3A_54, %dma_start3A_55, %dma_start3A_56] : memref<2x2x10240x128xf32, #tpu.memory_space<hbm>> -> memref<1x2x10240x128xf32, #tpu.memory_space<hbm>>
      %dma_start3A_58 = tpu.memref_squeeze %dma_start3A_57 : memref<1x2x10240x128xf32, #tpu.memory_space<hbm>> -> memref<2x10240x128xf32, #tpu.memory_space<hbm>>
      %dma_start3A_59 = arith.constant 0 : i32
      %dma_start3A_60 = arith.constant 0 : i32
      %dma_start3A_61 = tpu.memref_slice %dma_start3A_58[%arg0, %dma_start3A_59, %dma_start3A_60] : memref<2x10240x128xf32, #tpu.memory_space<hbm>> -> memref<1x10240x128xf32, #tpu.memory_space<hbm>>
      %dma_start3A_62 = tpu.memref_squeeze %dma_start3A_61 : memref<1x10240x128xf32, #tpu.memory_space<hbm>> -> memref<10240x128xf32, #tpu.memory_space<hbm>>
      %dma_start3A_63 = arith.constant 0 : i32
      %dma_start3A_64 = tpu.memref_slice %dma_start3A_62[%mul3A_24, %dma_start3A_63] : memref<10240x128xf32, #tpu.memory_space<hbm>> -> memref<640x128xf32, #tpu.memory_space<hbm>>
      %dma_start3A_65 = arith.constant 0 : i32
      %dma_start3A_66 = tpu.memref_slice %arg13[%mul3A_22, %dma_start3A_65] : memref<10240x128xf32, #tpu.memory_space<vmem_shared>> -> memref<640x128xf32, #tpu.memory_space<vmem_shared>>
      tpu.enqueue_dma source(%dma_start3A_66 : memref<640x128xf32, #tpu.memory_space<vmem_shared>>) target(%dma_start3A_64 : memref<640x128xf32, #tpu.memory_space<hbm>>) target_semaphore(%run_scoped3A_53 : memref<!tpu.dma_semaphore, #tpu.memory_space<semaphore_mem>>)
      %dma_wait3A = arith.constant 0 : i32
      %dma_wait3A_67 = arith.constant 0 : i32
      %dma_wait3A_68 = arith.constant 0 : i32
      %dma_wait3A_69 = tpu.memref_slice %arg6[%run_scoped3A, %dma_wait3A, %dma_wait3A_67, %dma_wait3A_68] : memref<2x2x10240x128xf32, #tpu.memory_space<hbm>> -> memref<1x2x10240x128xf32, #tpu.memory_space<hbm>>
      %dma_wait3A_70 = tpu.memref_squeeze %dma_wait3A_69 : memref<1x2x10240x128xf32, #tpu.memory_space<hbm>> -> memref<2x10240x128xf32, #tpu.memory_space<hbm>>
      %dma_wait3A_71 = arith.constant 0 : i32
      %dma_wait3A_72 = arith.constant 0 : i32
      %dma_wait3A_73 = tpu.memref_slice %dma_wait3A_70[%arg0, %dma_wait3A_71, %dma_wait3A_72] : memref<2x10240x128xf32, #tpu.memory_space<hbm>> -> memref<1x10240x128xf32, #tpu.memory_space<hbm>>
      %dma_wait3A_74 = tpu.memref_squeeze %dma_wait3A_73 : memref<1x10240x128xf32, #tpu.memory_space<hbm>> -> memref<10240x128xf32, #tpu.memory_space<hbm>>
      %dma_wait3A_75 = arith.constant 0 : i32
      %dma_wait3A_76 = tpu.memref_slice %dma_wait3A_74[%mul3A_24, %dma_wait3A_75] : memref<10240x128xf32, #tpu.memory_space<hbm>> -> memref<640x128xf32, #tpu.memory_space<hbm>>
      %dma_wait3A_77 = arith.constant 0 : i32
      %dma_wait3A_78 = tpu.memref_slice %arg13[%mul3A_22, %dma_wait3A_77] : memref<10240x128xf32, #tpu.memory_space<vmem_shared>> -> memref<640x128xf32, #tpu.memory_space<vmem_shared>>
      tpu.wait_dma2 semaphore(%run_scoped3A_53 : memref<!tpu.dma_semaphore, #tpu.memory_space<semaphore_mem>>) src(%dma_wait3A_78 : memref<640x128xf32, #tpu.memory_space<vmem_shared>>) dst(%dma_wait3A_76 : memref<640x128xf32, #tpu.memory_space<hbm>>)
      tpu.yield
    }) : () -> ()
    %mul3A_25 = arith.constant 640 : i32
    %mul3A_26 = arith.muli %arg1, %mul3A_25 : i32
    "tpu.region"() ({
      %run_scoped3A_53 = tpu.sem_alloc : memref<!tpu.dma_semaphore, #tpu.memory_space<semaphore_mem>>
      %dma_start3A_54 = arith.constant 0 : i32
      %dma_start3A_55 = tpu.memref_slice %arg13[%mul3A_26, %dma_start3A_54] : memref<10240x128xf32, #tpu.memory_space<vmem_shared>> -> memref<640x128xf32, #tpu.memory_space<vmem_shared>>
      tpu.enqueue_dma source(%arg5 : memref<640x128xf32, #tpu.memory_space<hbm>>) target(%dma_start3A_55 : memref<640x128xf32, #tpu.memory_space<vmem_shared>>) target_semaphore(%run_scoped3A_53 : memref<!tpu.dma_semaphore, #tpu.memory_space<semaphore_mem>>)
      %dma_wait3A = arith.constant 0 : i32
      %dma_wait3A_56 = tpu.memref_slice %arg13[%mul3A_26, %dma_wait3A] : memref<10240x128xf32, #tpu.memory_space<vmem_shared>> -> memref<640x128xf32, #tpu.memory_space<vmem_shared>>
      tpu.wait_dma2 semaphore(%run_scoped3A_53 : memref<!tpu.dma_semaphore, #tpu.memory_space<semaphore_mem>>) src(%arg5 : memref<640x128xf32, #tpu.memory_space<hbm>>) dst(%dma_wait3A_56 : memref<640x128xf32, #tpu.memory_space<vmem_shared>>)
      tpu.yield
    }) : () -> ()
    %barrier3A_27 = arith.constant 0 : index
    tpu.barrier barrier_id(%barrier3A_27)
    %dma_start3A_28 = arith.constant 1 : i32
    %dma_start3A_29 = arith.constant 0 : i32
    %dma_start3A_30 = arith.constant 0 : i32
    %dma_start3A_31 = tpu.memref_slice %arg7[%dma_start3A_29, %dma_start3A_30] : memref<40x128xi32, #tpu.memory_space<vmem>> -> memref<1x128xi32, #tpu.memory_space<vmem>>
    %dma_start3A_32 = tpu.memref_squeeze %dma_start3A_31 : memref<1x128xi32, #tpu.memory_space<vmem>> -> memref<128xi32, #tpu.memory_space<vmem>>
    %dma_start3A_33 = arith.constant 0 : i32
    %dma_start3A_34 = arith.constant 0 : i32
    %dma_start3A_35 = tpu.memref_slice %arg2[%dma_start3A_28, %dma_start3A_33, %dma_start3A_34] : memref<2x10000x128xf32, #tpu.memory_space<hbm>> -> memref<1x10000x128xf32, #tpu.memory_space<hbm>>
    %dma_start3A_36 = tpu.memref_squeeze %dma_start3A_35 : memref<1x10000x128xf32, #tpu.memory_space<hbm>> -> memref<10000x128xf32, #tpu.memory_space<hbm>>
    %dma_start3A_37 = arith.constant 0 : i32
    %dma_start3A_38 = arith.constant 0 : i32
    %dma_start3A_39 = tpu.memref_slice %dma_start3A_36[%dma_start3A_37, %dma_start3A_38] : memref<10000x128xf32, #tpu.memory_space<hbm>> -> memref<10000x128xf32, #tpu.memory_space<hbm>>
    tpu.enqueue_indirect_dma source(%dma_start3A_39 : memref<10000x128xf32, #tpu.memory_space<hbm>>) target(%arg11 : memref<128x128xf32, #tpu.memory_space<vmem>>) offsets(%dma_start3A_32 : memref<128xi32, #tpu.memory_space<vmem>>) semaphore(%arg9 : memref<!tpu.dma_semaphore, #tpu.memory_space<semaphore_mem>>)
    %scan3A_40 = arith.constant 0 : i32
    %scan3A_41 = arith.constant 1 : i32
    %scan3A_42 = arith.constant 0 : i32
    %scan3A_43 = arith.constant 20 : i32
    %scan3A_44 = arith.addi %scan3A_42, %scan3A_43 : i32
    %scan3A_45 = arith.constant 1 : i32
    scf.for %scan3A_53 = %scan3A_42 to %scan3A_44 step %scan3A_45  : i32 {
      %mul3A_54 = arith.constant 2 : i32
      %mul3A_55 = arith.muli %scan3A_53, %mul3A_54 : i32
      %add3A_56 = arith.constant 1 : i32
      %add3A_57 = arith.addi %mul3A_55, %add3A_56 : i32
      %dma_start3A_58 = arith.constant 0 : i32
      %dma_start3A_59 = tpu.memref_slice %arg7[%add3A_57, %dma_start3A_58] : memref<40x128xi32, #tpu.memory_space<vmem>> -> memref<1x128xi32, #tpu.memory_space<vmem>>
      %dma_start3A_60 = tpu.memref_squeeze %dma_start3A_59 : memref<1x128xi32, #tpu.memory_space<vmem>> -> memref<128xi32, #tpu.memory_space<vmem>>
      %dma_start3A_61 = arith.constant 0 : i32
      %dma_start3A_62 = arith.constant 0 : i32
      %dma_start3A_63 = tpu.memref_slice %arg2[%scan3A_41, %dma_start3A_61, %dma_start3A_62] : memref<2x10000x128xf32, #tpu.memory_space<hbm>> -> memref<1x10000x128xf32, #tpu.memory_space<hbm>>
      %dma_start3A_64 = tpu.memref_squeeze %dma_start3A_63 : memref<1x10000x128xf32, #tpu.memory_space<hbm>> -> memref<10000x128xf32, #tpu.memory_space<hbm>>
      %dma_start3A_65 = arith.constant 0 : i32
      %dma_start3A_66 = arith.constant 0 : i32
      %dma_start3A_67 = tpu.memref_slice %dma_start3A_64[%dma_start3A_65, %dma_start3A_66] : memref<10000x128xf32, #tpu.memory_space<hbm>> -> memref<10000x128xf32, #tpu.memory_space<hbm>>
      tpu.enqueue_indirect_dma source(%dma_start3A_67 : memref<10000x128xf32, #tpu.memory_space<hbm>>) target(%arg12 : memref<128x128xf32, #tpu.memory_space<vmem>>) offsets(%dma_start3A_60 : memref<128xi32, #tpu.memory_space<vmem>>) semaphore(%arg10 : memref<!tpu.dma_semaphore, #tpu.memory_space<semaphore_mem>>)
      %dma_wait3A = arith.constant 0 : i32
      %dma_wait3A_68 = tpu.memref_slice %arg7[%mul3A_55, %dma_wait3A] : memref<40x128xi32, #tpu.memory_space<vmem>> -> memref<1x128xi32, #tpu.memory_space<vmem>>
      %dma_wait3A_69 = tpu.memref_squeeze %dma_wait3A_68 : memref<1x128xi32, #tpu.memory_space<vmem>> -> memref<128xi32, #tpu.memory_space<vmem>>
      %dma_wait3A_70 = arith.constant 0 : i32
      %dma_wait3A_71 = arith.constant 0 : i32
      %dma_wait3A_72 = tpu.memref_slice %arg2[%scan3A_41, %dma_wait3A_70, %dma_wait3A_71] : memref<2x10000x128xf32, #tpu.memory_space<hbm>> -> memref<1x10000x128xf32, #tpu.memory_space<hbm>>
      %dma_wait3A_73 = tpu.memref_squeeze %dma_wait3A_72 : memref<1x10000x128xf32, #tpu.memory_space<hbm>> -> memref<10000x128xf32, #tpu.memory_space<hbm>>
      %dma_wait3A_74 = arith.constant 0 : i32
      %dma_wait3A_75 = arith.constant 0 : i32
      %dma_wait3A_76 = tpu.memref_slice %dma_wait3A_73[%dma_wait3A_74, %dma_wait3A_75] : memref<10000x128xf32, #tpu.memory_space<hbm>> -> memref<10000x128xf32, #tpu.memory_space<hbm>>
      tpu.wait_indirect_dma semaphore(%arg9 : memref<!tpu.dma_semaphore, #tpu.memory_space<semaphore_mem>>) src(%dma_wait3A_76 : memref<10000x128xf32, #tpu.memory_space<hbm>>) dst(%arg11 : memref<128x128xf32, #tpu.memory_space<vmem>>)
      "tpu.region"() ({
        %run_scoped3A_95 = tpu.sem_alloc : memref<!tpu.dma_semaphore, #tpu.memory_space<semaphore_mem>>
        %dma_start3A_96 = arith.constant 0 : i32
        %dma_start3A_97 = tpu.memref_slice %arg8[%mul3A_55, %dma_start3A_96] : memref<40x128xi32, #tpu.memory_space<vmem>> -> memref<1x128xi32, #tpu.memory_space<vmem>>
        %dma_start3A_98 = tpu.memref_squeeze %dma_start3A_97 : memref<1x128xi32, #tpu.memory_space<vmem>> -> memref<128xi32, #tpu.memory_space<vmem>>
        %dma_start3A_99 = arith.constant 0 : i32
        %dma_start3A_100 = arith.constant 0 : i32
        %dma_start3A_101 = tpu.memref_slice %arg13[%dma_start3A_99, %dma_start3A_100] : memref<10240x128xf32, #tpu.memory_space<vmem_shared>> -> memref<10240x128xf32, #tpu.memory_space<vmem_shared>>
        tpu.enqueue_indirect_dma source(%arg11 : memref<128x128xf32, #tpu.memory_space<vmem>>) target(%dma_start3A_101 : memref<10240x128xf32, #tpu.memory_space<vmem_shared>>) offsets(%dma_start3A_98 : memref<128xi32, #tpu.memory_space<vmem>>) semaphore(%run_scoped3A_95 : memref<!tpu.dma_semaphore, #tpu.memory_space<semaphore_mem>>) {add = true}
        %dma_wait3A_102 = arith.constant 0 : i32
        %dma_wait3A_103 = tpu.memref_slice %arg8[%mul3A_55, %dma_wait3A_102] : memref<40x128xi32, #tpu.memory_space<vmem>> -> memref<1x128xi32, #tpu.memory_space<vmem>>
        %dma_wait3A_104 = tpu.memref_squeeze %dma_wait3A_103 : memref<1x128xi32, #tpu.memory_space<vmem>> -> memref<128xi32, #tpu.memory_space<vmem>>
        %dma_wait3A_105 = arith.constant 0 : i32
        %dma_wait3A_106 = arith.constant 0 : i32
        %dma_wait3A_107 = tpu.memref_slice %arg13[%dma_wait3A_105, %dma_wait3A_106] : memref<10240x128xf32, #tpu.memory_space<vmem_shared>> -> memref<10240x128xf32, #tpu.memory_space<vmem_shared>>
        tpu.wait_indirect_dma semaphore(%run_scoped3A_95 : memref<!tpu.dma_semaphore, #tpu.memory_space<semaphore_mem>>) src(%arg11 : memref<128x128xf32, #tpu.memory_space<vmem>>) dst(%dma_wait3A_107 : memref<10240x128xf32, #tpu.memory_space<vmem_shared>>)
        tpu.yield
      }) : () -> ()
      %add3A_77 = arith.constant 2 : i32
      %add3A_78 = arith.addi %mul3A_55, %add3A_77 : i32
      %lt3A = arith.constant 40 : i32
      %lt3A_79 = arith.cmpi slt, %add3A_78, %lt3A : i32
      %convert_element_type3A = arith.extui %lt3A_79 : i1 to i32
      %cond3A = arith.constant 0 : i32
      %cond3A_80 = arith.cmpi ne, %convert_element_type3A, %cond3A : i32
      scf.if %cond3A_80 {
        %add3A_95 = arith.constant 2 : i32
        %add3A_96 = arith.addi %mul3A_55, %add3A_95 : i32
        %dma_start3A_97 = arith.constant 0 : i32
        %dma_start3A_98 = tpu.memref_slice %arg7[%add3A_96, %dma_start3A_97] : memref<40x128xi32, #tpu.memory_space<vmem>> -> memref<1x128xi32, #tpu.memory_space<vmem>>
        %dma_start3A_99 = tpu.memref_squeeze %dma_start3A_98 : memref<1x128xi32, #tpu.memory_space<vmem>> -> memref<128xi32, #tpu.memory_space<vmem>>
        %dma_start3A_100 = arith.constant 0 : i32
        %dma_start3A_101 = arith.constant 0 : i32
        %dma_start3A_102 = tpu.memref_slice %arg2[%scan3A_41, %dma_start3A_100, %dma_start3A_101] : memref<2x10000x128xf32, #tpu.memory_space<hbm>> -> memref<1x10000x128xf32, #tpu.memory_space<hbm>>
        %dma_start3A_103 = tpu.memref_squeeze %dma_start3A_102 : memref<1x10000x128xf32, #tpu.memory_space<hbm>> -> memref<10000x128xf32, #tpu.memory_space<hbm>>
        %dma_start3A_104 = arith.constant 0 : i32
        %dma_start3A_105 = arith.constant 0 : i32
        %dma_start3A_106 = tpu.memref_slice %dma_start3A_103[%dma_start3A_104, %dma_start3A_105] : memref<10000x128xf32, #tpu.memory_space<hbm>> -> memref<10000x128xf32, #tpu.memory_space<hbm>>
        tpu.enqueue_indirect_dma source(%dma_start3A_106 : memref<10000x128xf32, #tpu.memory_space<hbm>>) target(%arg11 : memref<128x128xf32, #tpu.memory_space<vmem>>) offsets(%dma_start3A_99 : memref<128xi32, #tpu.memory_space<vmem>>) semaphore(%arg9 : memref<!tpu.dma_semaphore, #tpu.memory_space<semaphore_mem>>)
      } else {
      }
      %add3A_81 = arith.constant 1 : i32
      %add3A_82 = arith.addi %mul3A_55, %add3A_81 : i32
      %dma_wait3A_83 = arith.constant 0 : i32
      %dma_wait3A_84 = tpu.memref_slice %arg7[%add3A_82, %dma_wait3A_83] : memref<40x128xi32, #tpu.memory_space<vmem>> -> memref<1x128xi32, #tpu.memory_space<vmem>>
      %dma_wait3A_85 = tpu.memref_squeeze %dma_wait3A_84 : memref<1x128xi32, #tpu.memory_space<vmem>> -> memref<128xi32, #tpu.memory_space<vmem>>
      %dma_wait3A_86 = arith.constant 0 : i32
      %dma_wait3A_87 = arith.constant 0 : i32
      %dma_wait3A_88 = tpu.memref_slice %arg2[%scan3A_41, %dma_wait3A_86, %dma_wait3A_87] : memref<2x10000x128xf32, #tpu.memory_space<hbm>> -> memref<1x10000x128xf32, #tpu.memory_space<hbm>>
      %dma_wait3A_89 = tpu.memref_squeeze %dma_wait3A_88 : memref<1x10000x128xf32, #tpu.memory_space<hbm>> -> memref<10000x128xf32, #tpu.memory_space<hbm>>
      %dma_wait3A_90 = arith.constant 0 : i32
      %dma_wait3A_91 = arith.constant 0 : i32
      %dma_wait3A_92 = tpu.memref_slice %dma_wait3A_89[%dma_wait3A_90, %dma_wait3A_91] : memref<10000x128xf32, #tpu.memory_space<hbm>> -> memref<10000x128xf32, #tpu.memory_space<hbm>>
      tpu.wait_indirect_dma semaphore(%arg10 : memref<!tpu.dma_semaphore, #tpu.memory_space<semaphore_mem>>) src(%dma_wait3A_92 : memref<10000x128xf32, #tpu.memory_space<hbm>>) dst(%arg12 : memref<128x128xf32, #tpu.memory_space<vmem>>)
      %add3A_93 = arith.constant 1 : i32
      %add3A_94 = arith.addi %mul3A_55, %add3A_93 : i32
      "tpu.region"() ({
        %run_scoped3A_95 = tpu.sem_alloc : memref<!tpu.dma_semaphore, #tpu.memory_space<semaphore_mem>>
        %dma_start3A_96 = arith.constant 0 : i32
        %dma_start3A_97 = tpu.memref_slice %arg8[%add3A_94, %dma_start3A_96] : memref<40x128xi32, #tpu.memory_space<vmem>> -> memref<1x128xi32, #tpu.memory_space<vmem>>
        %dma_start3A_98 = tpu.memref_squeeze %dma_start3A_97 : memref<1x128xi32, #tpu.memory_space<vmem>> -> memref<128xi32, #tpu.memory_space<vmem>>
        %dma_start3A_99 = arith.constant 0 : i32
        %dma_start3A_100 = arith.constant 0 : i32
        %dma_start3A_101 = tpu.memref_slice %arg13[%dma_start3A_99, %dma_start3A_100] : memref<10240x128xf32, #tpu.memory_space<vmem_shared>> -> memref<10240x128xf32, #tpu.memory_space<vmem_shared>>
        tpu.enqueue_indirect_dma source(%arg12 : memref<128x128xf32, #tpu.memory_space<vmem>>) target(%dma_start3A_101 : memref<10240x128xf32, #tpu.memory_space<vmem_shared>>) offsets(%dma_start3A_98 : memref<128xi32, #tpu.memory_space<vmem>>) semaphore(%run_scoped3A_95 : memref<!tpu.dma_semaphore, #tpu.memory_space<semaphore_mem>>) {add = true}
        %dma_wait3A_102 = arith.constant 0 : i32
        %dma_wait3A_103 = tpu.memref_slice %arg8[%add3A_94, %dma_wait3A_102] : memref<40x128xi32, #tpu.memory_space<vmem>> -> memref<1x128xi32, #tpu.memory_space<vmem>>
        %dma_wait3A_104 = tpu.memref_squeeze %dma_wait3A_103 : memref<1x128xi32, #tpu.memory_space<vmem>> -> memref<128xi32, #tpu.memory_space<vmem>>
        %dma_wait3A_105 = arith.constant 0 : i32
        %dma_wait3A_106 = arith.constant 0 : i32
        %dma_wait3A_107 = tpu.memref_slice %arg13[%dma_wait3A_105, %dma_wait3A_106] : memref<10240x128xf32, #tpu.memory_space<vmem_shared>> -> memref<10240x128xf32, #tpu.memory_space<vmem_shared>>
        tpu.wait_indirect_dma semaphore(%run_scoped3A_95 : memref<!tpu.dma_semaphore, #tpu.memory_space<semaphore_mem>>) src(%arg12 : memref<128x128xf32, #tpu.memory_space<vmem>>) dst(%dma_wait3A_107 : memref<10240x128xf32, #tpu.memory_space<vmem_shared>>)
        tpu.yield
      }) : () -> ()
    }
    %scan3A_46 = arith.constant 20 : i32
    %barrier3A_47 = arith.constant 0 : index
    tpu.barrier barrier_id(%barrier3A_47)
    %mul3A_48 = arith.constant 640 : i32
    %mul3A_49 = arith.muli %arg1, %mul3A_48 : i32
    %mul3A_50 = arith.constant 640 : i32
    %mul3A_51 = arith.muli %arg1, %mul3A_50 : i32
    %run_scoped3A_52 = arith.constant 1 : i32
    "tpu.region"() ({
      %run_scoped3A_53 = tpu.sem_alloc : memref<!tpu.dma_semaphore, #tpu.memory_space<semaphore_mem>>
      %dma_start3A_54 = arith.constant 0 : i32
      %dma_start3A_55 = arith.constant 0 : i32
      %dma_start3A_56 = arith.constant 0 : i32
      %dma_start3A_57 = tpu.memref_slice %arg6[%run_scoped3A_52, %dma_start3A_54, %dma_start3A_55, %dma_start3A_56] : memref<2x2x10240x128xf32, #tpu.memory_space<hbm>> -> memref<1x2x10240x128xf32, #tpu.memory_space<hbm>>
      %dma_start3A_58 = tpu.memref_squeeze %dma_start3A_57 : memref<1x2x10240x128xf32, #tpu.memory_space<hbm>> -> memref<2x10240x128xf32, #tpu.memory_space<hbm>>
      %dma_start3A_59 = arith.constant 0 : i32
      %dma_start3A_60 = arith.constant 0 : i32
      %dma_start3A_61 = tpu.memref_slice %dma_start3A_58[%arg0, %dma_start3A_59, %dma_start3A_60] : memref<2x10240x128xf32, #tpu.memory_space<hbm>> -> memref<1x10240x128xf32, #tpu.memory_space<hbm>>
      %dma_start3A_62 = tpu.memref_squeeze %dma_start3A_61 : memref<1x10240x128xf32, #tpu.memory_space<hbm>> -> memref<10240x128xf32, #tpu.memory_space<hbm>>
      %dma_start3A_63 = arith.constant 0 : i32
      %dma_start3A_64 = tpu.memref_slice %dma_start3A_62[%mul3A_51, %dma_start3A_63] : memref<10240x128xf32, #tpu.memory_space<hbm>> -> memref<640x128xf32, #tpu.memory_space<hbm>>
      %dma_start3A_65 = arith.constant 0 : i32
      %dma_start3A_66 = tpu.memref_slice %arg13[%mul3A_49, %dma_start3A_65] : memref<10240x128xf32, #tpu.memory_space<vmem_shared>> -> memref<640x128xf32, #tpu.memory_space<vmem_shared>>
      tpu.enqueue_dma source(%dma_start3A_66 : memref<640x128xf32, #tpu.memory_space<vmem_shared>>) target(%dma_start3A_64 : memref<640x128xf32, #tpu.memory_space<hbm>>) target_semaphore(%run_scoped3A_53 : memref<!tpu.dma_semaphore, #tpu.memory_space<semaphore_mem>>)
      %dma_wait3A = arith.constant 0 : i32
      %dma_wait3A_67 = arith.constant 0 : i32
      %dma_wait3A_68 = arith.constant 0 : i32
      %dma_wait3A_69 = tpu.memref_slice %arg6[%run_scoped3A_52, %dma_wait3A, %dma_wait3A_67, %dma_wait3A_68] : memref<2x2x10240x128xf32, #tpu.memory_space<hbm>> -> memref<1x2x10240x128xf32, #tpu.memory_space<hbm>>
      %dma_wait3A_70 = tpu.memref_squeeze %dma_wait3A_69 : memref<1x2x10240x128xf32, #tpu.memory_space<hbm>> -> memref<2x10240x128xf32, #tpu.memory_space<hbm>>
      %dma_wait3A_71 = arith.constant 0 : i32
      %dma_wait3A_72 = arith.constant 0 : i32
      %dma_wait3A_73 = tpu.memref_slice %dma_wait3A_70[%arg0, %dma_wait3A_71, %dma_wait3A_72] : memref<2x10240x128xf32, #tpu.memory_space<hbm>> -> memref<1x10240x128xf32, #tpu.memory_space<hbm>>
      %dma_wait3A_74 = tpu.memref_squeeze %dma_wait3A_73 : memref<1x10240x128xf32, #tpu.memory_space<hbm>> -> memref<10240x128xf32, #tpu.memory_space<hbm>>
      %dma_wait3A_75 = arith.constant 0 : i32
      %dma_wait3A_76 = tpu.memref_slice %dma_wait3A_74[%mul3A_51, %dma_wait3A_75] : memref<10240x128xf32, #tpu.memory_space<hbm>> -> memref<640x128xf32, #tpu.memory_space<hbm>>
      %dma_wait3A_77 = arith.constant 0 : i32
      %dma_wait3A_78 = tpu.memref_slice %arg13[%mul3A_49, %dma_wait3A_77] : memref<10240x128xf32, #tpu.memory_space<vmem_shared>> -> memref<640x128xf32, #tpu.memory_space<vmem_shared>>
      tpu.wait_dma2 semaphore(%run_scoped3A_53 : memref<!tpu.dma_semaphore, #tpu.memory_space<semaphore_mem>>) src(%dma_wait3A_78 : memref<640x128xf32, #tpu.memory_space<vmem_shared>>) dst(%dma_wait3A_76 : memref<640x128xf32, #tpu.memory_space<hbm>>)
      tpu.yield
    }) : () -> ()
    return
  }
}

module attributes {stable_mosaic.version = 14 : i64} {
  func.func @_layer0_kernel(%arg0: i32, %arg1: memref<2x2x400x128xf32, #tpu.memory_space<vmem>>, %arg2: memref<2x400x32xf32, #tpu.memory_space<vmem>>, %arg3: memref<400x256xf32, #tpu.memory_space<vmem>>, %arg4: memref<400x16xf32, #tpu.memory_space<vmem>>, %arg5: memref<272x512xbf16, #tpu.memory_space<vmem>>, %arg6: memref<1x512xf32, #tpu.memory_space<vmem>>, %arg7: memref<272x512xbf16, #tpu.memory_space<vmem>>, %arg8: memref<4x400x128xf32, #tpu.memory_space<vmem>>, %arg9: memref<400x1xf32, #tpu.memory_space<vmem>>) attributes {dimension_semantics = [#tpu.dimension_semantics<arbitrary>], iteration_bounds = array<i64: 25>, scalar_prefetch = 0 : i64, scratch_operands = 0 : i64, tpu.core_type = #tpu.core_type<tc>, window_params = [{transform_indices = @transform_0, window_bounds = array<i64: 2, 2, 400, 128>}, {transform_indices = @transform_1, window_bounds = array<i64: 2, 400, 32>}, {transform_indices = @transform_2, window_bounds = array<i64: 400, 256>}, {transform_indices = @transform_3, window_bounds = array<i64: 400, 16>}, {pipeline_mode = #tpu.pipeline_mode<synchronous>, transform_indices = @transform_4, window_bounds = array<i64: 272, 512>}, {pipeline_mode = #tpu.pipeline_mode<synchronous>, transform_indices = @transform_5, window_bounds = array<i64: 1, 512>}, {pipeline_mode = #tpu.pipeline_mode<synchronous>, transform_indices = @transform_6, window_bounds = array<i64: 272, 512>}, {transform_indices = @transform_7, window_bounds = array<i64: 4, 400, 128>}, {transform_indices = @transform_8, window_bounds = array<i64: 400, 1>}]} {
    %get3A = arith.constant 0 : index
    %get3A_0 = arith.constant 0 : index
    %get3A_1 = arith.constant 16 : index
    %get3A_2 = vector.load %arg2[%get3A, %get3A_0, %get3A_1] : memref<2x400x32xf32, #tpu.memory_space<vmem>>, vector<1x400x1xf32>
    %get3A_3 = vector.shape_cast %get3A_2 : vector<1x400x1xf32> to vector<400x1xf32>
    %get3A_4 = arith.constant 1 : index
    %get3A_5 = arith.constant 0 : index
    %get3A_6 = arith.constant 16 : index
    %get3A_7 = vector.load %arg2[%get3A_4, %get3A_5, %get3A_6] : memref<2x400x32xf32, #tpu.memory_space<vmem>>, vector<1x400x1xf32>
    %get3A_8 = vector.shape_cast %get3A_7 : vector<1x400x1xf32> to vector<400x1xf32>
    %add3A = arith.addf %get3A_3, %get3A_8 : vector<400x1xf32>
    %max3A = arith.constant 1.000000e+00 : f32
    %max3A_9 = vector.broadcast %max3A : f32 to vector<400x1xf32>
    %max3A_10 = arith.maximumf %add3A, %max3A_9 : vector<400x1xf32>
    %div3A = arith.constant 1.000000e+00 : f32
    %div3A_11 = vector.broadcast %div3A : f32 to vector<400x1xf32>
    %div3A_12 = arith.divf %div3A_11, %max3A_10 : vector<400x1xf32>
    %get3A_13 = arith.constant 0 : index
    %get3A_14 = arith.constant 0 : index
    %get3A_15 = arith.constant 0 : index
    %get3A_16 = arith.constant 0 : index
    %get3A_17 = vector.load %arg1[%get3A_13, %get3A_14, %get3A_15, %get3A_16] : memref<2x2x400x128xf32, #tpu.memory_space<vmem>>, vector<1x1x400x128xf32>
    %get3A_18 = vector.shape_cast %get3A_17 : vector<1x1x400x128xf32> to vector<400x128xf32>
    %get3A_19 = arith.constant 0 : index
    %get3A_20 = arith.constant 1 : index
    %get3A_21 = arith.constant 0 : index
    %get3A_22 = arith.constant 0 : index
    %get3A_23 = vector.load %arg1[%get3A_19, %get3A_20, %get3A_21, %get3A_22] : memref<2x2x400x128xf32, #tpu.memory_space<vmem>>, vector<1x1x400x128xf32>
    %get3A_24 = vector.shape_cast %get3A_23 : vector<1x1x400x128xf32> to vector<400x128xf32>
    %add3A_25 = arith.addf %get3A_18, %get3A_24 : vector<400x128xf32>
    %convert_element_type3A = arith.truncf %add3A_25 : vector<400x128xf32> to vector<400x128xbf16>
    %get3A_26 = arith.constant 1 : index
    %get3A_27 = arith.constant 0 : index
    %get3A_28 = arith.constant 0 : index
    %get3A_29 = arith.constant 0 : index
    %get3A_30 = vector.load %arg1[%get3A_26, %get3A_27, %get3A_28, %get3A_29] : memref<2x2x400x128xf32, #tpu.memory_space<vmem>>, vector<1x1x400x128xf32>
    %get3A_31 = vector.shape_cast %get3A_30 : vector<1x1x400x128xf32> to vector<400x128xf32>
    %get3A_32 = arith.constant 1 : index
    %get3A_33 = arith.constant 1 : index
    %get3A_34 = arith.constant 0 : index
    %get3A_35 = arith.constant 0 : index
    %get3A_36 = vector.load %arg1[%get3A_32, %get3A_33, %get3A_34, %get3A_35] : memref<2x2x400x128xf32, #tpu.memory_space<vmem>>, vector<1x1x400x128xf32>
    %get3A_37 = vector.shape_cast %get3A_36 : vector<1x1x400x128xf32> to vector<400x128xf32>
    %add3A_38 = arith.addf %get3A_31, %get3A_37 : vector<400x128xf32>
    %convert_element_type3A_39 = arith.truncf %add3A_38 : vector<400x128xf32> to vector<400x128xbf16>
    %get3A_40 = arith.constant 0 : index
    %get3A_41 = arith.constant 0 : index
    %get3A_42 = arith.constant 0 : index
    %get3A_43 = vector.load %arg2[%get3A_40, %get3A_41, %get3A_42] : memref<2x400x32xf32, #tpu.memory_space<vmem>>, vector<1x400x16xf32>
    %get3A_44 = vector.shape_cast %get3A_43 : vector<1x400x16xf32> to vector<400x16xf32>
    %get3A_45 = arith.constant 1 : index
    %get3A_46 = arith.constant 0 : index
    %get3A_47 = arith.constant 0 : index
    %get3A_48 = vector.load %arg2[%get3A_45, %get3A_46, %get3A_47] : memref<2x400x32xf32, #tpu.memory_space<vmem>>, vector<1x400x16xf32>
    %get3A_49 = vector.shape_cast %get3A_48 : vector<1x400x16xf32> to vector<400x16xf32>
    %add3A_50 = arith.addf %get3A_44, %get3A_49 : vector<400x16xf32>
    %convert_element_type3A_51 = arith.truncf %add3A_50 : vector<400x16xf32> to vector<400x16xbf16>
    %get3A_52 = arith.constant 0 : index
    %get3A_53 = arith.constant 0 : index
    %get3A_54 = vector.load %arg5[%get3A_52, %get3A_53] : memref<272x512xbf16, #tpu.memory_space<vmem>>, vector<128x512xbf16>
    %dot_general3A = arith.constant dense<0.000000e+00> : vector<400x512xf32>
    %dot_general3A_55 = tpu.matmul %convert_element_type3A, %get3A_54, %dot_general3A {dimension_numbers = #tpu.dot_dimension_numbers<[1], [0], [0], [1], [0, 0, 1, 1], [], []>, transpose_lhs_hint = false} : vector<400x128xbf16>, vector<128x512xbf16>, vector<400x512xf32> -> vector<400x512xf32>
    %get3A_56 = arith.constant 128 : index
    %get3A_57 = arith.constant 0 : index
    %get3A_58 = vector.load %arg5[%get3A_56, %get3A_57] : memref<272x512xbf16, #tpu.memory_space<vmem>>, vector<128x512xbf16>
    %dot_general3A_59 = arith.constant dense<0.000000e+00> : vector<400x512xf32>
    %dot_general3A_60 = tpu.matmul %convert_element_type3A_39, %get3A_58, %dot_general3A_59 {dimension_numbers = #tpu.dot_dimension_numbers<[1], [0], [0], [1], [0, 0, 1, 1], [], []>, transpose_lhs_hint = false} : vector<400x128xbf16>, vector<128x512xbf16>, vector<400x512xf32> -> vector<400x512xf32>
    %add3A_61 = arith.addf %dot_general3A_55, %dot_general3A_60 : vector<400x512xf32>
    %get3A_62 = arith.constant 256 : index
    %get3A_63 = arith.constant 0 : index
    %get3A_64 = vector.load %arg5[%get3A_62, %get3A_63] : memref<272x512xbf16, #tpu.memory_space<vmem>>, vector<16x512xbf16>
    %dot_general3A_65 = arith.constant dense<0.000000e+00> : vector<400x512xf32>
    %dot_general3A_66 = tpu.matmul %convert_element_type3A_51, %get3A_64, %dot_general3A_65 {dimension_numbers = #tpu.dot_dimension_numbers<[1], [0], [0], [1], [0, 0, 1, 1], [], []>, transpose_lhs_hint = false} : vector<400x16xbf16>, vector<16x512xbf16>, vector<400x512xf32> -> vector<400x512xf32>
    %add3A_67 = arith.addf %add3A_61, %dot_general3A_66 : vector<400x512xf32>
    %mul3A = vector.broadcast %div3A_12 : vector<400x1xf32> to vector<400x512xf32>
    %mul3A_68 = arith.mulf %add3A_67, %mul3A : vector<400x512xf32>
    %get3A_69 = arith.constant 0 : index
    %get3A_70 = arith.constant 0 : index
    %get3A_71 = vector.load %arg6[%get3A_69, %get3A_70] : memref<1x512xf32, #tpu.memory_space<vmem>>, vector<1x512xf32>
    %get3A_72 = vector.shape_cast %get3A_71 : vector<1x512xf32> to vector<512xf32>
    %broadcast_in_dim3A = vector.shape_cast %get3A_72 : vector<512xf32> to vector<1x512xf32>
    %add3A_73 = vector.broadcast %broadcast_in_dim3A : vector<1x512xf32> to vector<400x512xf32>
    %add3A_74 = arith.addf %mul3A_68, %add3A_73 : vector<400x512xf32>
    %get3A_75 = arith.constant 0 : index
    %get3A_76 = arith.constant 0 : index
    %get3A_77 = vector.load %arg3[%get3A_75, %get3A_76] : memref<400x256xf32, #tpu.memory_space<vmem>>, vector<400x256xf32>
    %convert_element_type3A_78 = arith.truncf %get3A_77 : vector<400x256xf32> to vector<400x256xbf16>
    %get3A_79 = arith.constant 0 : index
    %get3A_80 = arith.constant 0 : index
    %get3A_81 = vector.load %arg7[%get3A_79, %get3A_80] : memref<272x512xbf16, #tpu.memory_space<vmem>>, vector<256x512xbf16>
    %dot_general3A_82 = arith.constant dense<0.000000e+00> : vector<400x512xf32>
    %dot_general3A_83 = tpu.matmul %convert_element_type3A_78, %get3A_81, %dot_general3A_82 {dimension_numbers = #tpu.dot_dimension_numbers<[1], [0], [0], [1], [0, 0, 1, 1], [], []>, transpose_lhs_hint = false} : vector<400x256xbf16>, vector<256x512xbf16>, vector<400x512xf32> -> vector<400x512xf32>
    %add3A_84 = arith.addf %add3A_74, %dot_general3A_83 : vector<400x512xf32>
    %get3A_85 = arith.constant 0 : index
    %get3A_86 = arith.constant 0 : index
    %get3A_87 = vector.load %arg4[%get3A_85, %get3A_86] : memref<400x16xf32, #tpu.memory_space<vmem>>, vector<400x16xf32>
    %convert_element_type3A_88 = arith.truncf %get3A_87 : vector<400x16xf32> to vector<400x16xbf16>
    %get3A_89 = arith.constant 256 : index
    %get3A_90 = arith.constant 0 : index
    %get3A_91 = vector.load %arg7[%get3A_89, %get3A_90] : memref<272x512xbf16, #tpu.memory_space<vmem>>, vector<16x512xbf16>
    %dot_general3A_92 = arith.constant dense<0.000000e+00> : vector<400x512xf32>
    %dot_general3A_93 = tpu.matmul %convert_element_type3A_88, %get3A_91, %dot_general3A_92 {dimension_numbers = #tpu.dot_dimension_numbers<[1], [0], [0], [1], [0, 0, 1, 1], [], []>, transpose_lhs_hint = false} : vector<400x16xbf16>, vector<16x512xbf16>, vector<400x512xf32> -> vector<400x512xf32>
    %add3A_94 = arith.addf %add3A_84, %dot_general3A_93 : vector<400x512xf32>
    %max3A_95 = arith.constant 0.000000e+00 : f32
    %max3A_96 = vector.broadcast %max3A_95 : f32 to vector<400x512xf32>
    %max3A_97 = arith.maximumf %add3A_94, %max3A_96 : vector<400x512xf32>
    %slice3A = vector.extract_strided_slice %max3A_97 {offsets = [0, 0], sizes = [400, 128], strides = [1, 1]} : vector<400x512xf32> to vector<400x128xf32>
    %swap3A = arith.constant 0 : index
    %swap3A_98 = arith.constant 0 : index
    %swap3A_99 = arith.constant 0 : index
    %swap3A_100 = vector.load %arg8[%swap3A, %swap3A_98, %swap3A_99] : memref<4x400x128xf32, #tpu.memory_space<vmem>>, vector<1x400x128xf32>
    %swap3A_101 = vector.shape_cast %swap3A_100 : vector<1x400x128xf32> to vector<400x128xf32>
    %swap3A_102 = vector.shape_cast %slice3A : vector<400x128xf32> to vector<1x400x128xf32>
    tpu.vector_store %arg8[%swap3A, %swap3A_98, %swap3A_99], %swap3A_102 {strides = array<i32>} : memref<4x400x128xf32, #tpu.memory_space<vmem>>, vector<1x400x128xf32>,
    %slice3A_103 = vector.extract_strided_slice %max3A_97 {offsets = [0, 128], sizes = [400, 128], strides = [1, 1]} : vector<400x512xf32> to vector<400x128xf32>
    %swap3A_104 = arith.constant 1 : index
    %swap3A_105 = arith.constant 0 : index
    %swap3A_106 = arith.constant 0 : index
    %swap3A_107 = vector.load %arg8[%swap3A_104, %swap3A_105, %swap3A_106] : memref<4x400x128xf32, #tpu.memory_space<vmem>>, vector<1x400x128xf32>
    %swap3A_108 = vector.shape_cast %swap3A_107 : vector<1x400x128xf32> to vector<400x128xf32>
    %swap3A_109 = vector.shape_cast %slice3A_103 : vector<400x128xf32> to vector<1x400x128xf32>
    tpu.vector_store %arg8[%swap3A_104, %swap3A_105, %swap3A_106], %swap3A_109 {strides = array<i32>} : memref<4x400x128xf32, #tpu.memory_space<vmem>>, vector<1x400x128xf32>,
    %slice3A_110 = vector.extract_strided_slice %max3A_97 {offsets = [0, 256], sizes = [400, 128], strides = [1, 1]} : vector<400x512xf32> to vector<400x128xf32>
    %swap3A_111 = arith.constant 2 : index
    %swap3A_112 = arith.constant 0 : index
    %swap3A_113 = arith.constant 0 : index
    %swap3A_114 = vector.load %arg8[%swap3A_111, %swap3A_112, %swap3A_113] : memref<4x400x128xf32, #tpu.memory_space<vmem>>, vector<1x400x128xf32>
    %swap3A_115 = vector.shape_cast %swap3A_114 : vector<1x400x128xf32> to vector<400x128xf32>
    %swap3A_116 = vector.shape_cast %slice3A_110 : vector<400x128xf32> to vector<1x400x128xf32>
    tpu.vector_store %arg8[%swap3A_111, %swap3A_112, %swap3A_113], %swap3A_116 {strides = array<i32>} : memref<4x400x128xf32, #tpu.memory_space<vmem>>, vector<1x400x128xf32>,
    %slice3A_117 = vector.extract_strided_slice %max3A_97 {offsets = [0, 384], sizes = [400, 128], strides = [1, 1]} : vector<400x512xf32> to vector<400x128xf32>
    %swap3A_118 = arith.constant 3 : index
    %swap3A_119 = arith.constant 0 : index
    %swap3A_120 = arith.constant 0 : index
    %swap3A_121 = vector.load %arg8[%swap3A_118, %swap3A_119, %swap3A_120] : memref<4x400x128xf32, #tpu.memory_space<vmem>>, vector<1x400x128xf32>
    %swap3A_122 = vector.shape_cast %swap3A_121 : vector<1x400x128xf32> to vector<400x128xf32>
    %swap3A_123 = vector.shape_cast %slice3A_117 : vector<400x128xf32> to vector<1x400x128xf32>
    tpu.vector_store %arg8[%swap3A_118, %swap3A_119, %swap3A_120], %swap3A_123 {strides = array<i32>} : memref<4x400x128xf32, #tpu.memory_space<vmem>>, vector<1x400x128xf32>,
    %swap3A_124 = arith.constant 0 : index
    %swap3A_125 = arith.constant 0 : index
    %swap3A_126 = vector.load %arg9[%swap3A_124, %swap3A_125] : memref<400x1xf32, #tpu.memory_space<vmem>>, vector<400x1xf32>
    tpu.vector_store %arg9[%swap3A_124, %swap3A_125], %div3A_12 {strides = array<i32>} : memref<400x1xf32, #tpu.memory_space<vmem>>, vector<400x1xf32>,
    return
  }
  func.func @transform_0(%arg0: i32) -> (i32, i32, i32, i32) {
    %c0_i32 = arith.constant 0 : i32
    %c0_i32_0 = arith.constant 0 : i32
    %c0_i32_1 = arith.constant 0 : i32
    %c0_i32_2 = arith.constant 0 : i32
    return %c0_i32, %c0_i32_0, %arg0, %c0_i32_1 : i32, i32, i32, i32
  }
  func.func @transform_1(%arg0: i32) -> (i32, i32, i32) {
    %c0_i32 = arith.constant 0 : i32
    %c0_i32_0 = arith.constant 0 : i32
    %c0_i32_1 = arith.constant 0 : i32
    return %c0_i32, %arg0, %c0_i32_0 : i32, i32, i32
  }
  func.func @transform_2(%arg0: i32) -> (i32, i32) {
    %c0_i32 = arith.constant 0 : i32
    %c0_i32_0 = arith.constant 0 : i32
    return %arg0, %c0_i32 : i32, i32
  }
  func.func @transform_3(%arg0: i32) -> (i32, i32) {
    %c0_i32 = arith.constant 0 : i32
    %c0_i32_0 = arith.constant 0 : i32
    return %arg0, %c0_i32 : i32, i32
  }
  func.func @transform_4(%arg0: i32) -> (i32, i32) {
    %c0_i32 = arith.constant 0 : i32
    %c0_i32_0 = arith.constant 0 : i32
    %c0_i32_1 = arith.constant 0 : i32
    return %c0_i32, %c0_i32_0 : i32, i32
  }
  func.func @transform_5(%arg0: i32) -> (i32, i32) {
    %c0_i32 = arith.constant 0 : i32
    %c0_i32_0 = arith.constant 0 : i32
    %c0_i32_1 = arith.constant 0 : i32
    return %c0_i32, %c0_i32_0 : i32, i32
  }
  func.func @transform_6(%arg0: i32) -> (i32, i32) {
    %c0_i32 = arith.constant 0 : i32
    %c0_i32_0 = arith.constant 0 : i32
    %c0_i32_1 = arith.constant 0 : i32
    return %c0_i32, %c0_i32_0 : i32, i32
  }
  func.func @transform_7(%arg0: i32) -> (i32, i32, i32) {
    %c0_i32 = arith.constant 0 : i32
    %c0_i32_0 = arith.constant 0 : i32
    %c0_i32_1 = arith.constant 0 : i32
    return %c0_i32, %arg0, %c0_i32_0 : i32, i32, i32
  }
  func.func @transform_8(%arg0: i32) -> (i32, i32) {
    %c0_i32 = arith.constant 0 : i32
    %c0_i32_0 = arith.constant 0 : i32
    return %arg0, %c0_i32 : i32, i32
  }
}

module attributes {stable_mosaic.version = 14 : i64} {
  func.func @_layer1_kernel(%arg0: i32, %arg1: memref<4x2x400x128xf32, #tpu.memory_space<vmem>>, %arg2: memref<400x1xf32, #tpu.memory_space<vmem>>, %arg3: memref<4x400x128xf32, #tpu.memory_space<vmem>>, %arg4: memref<512x512xbf16, #tpu.memory_space<vmem>>, %arg5: memref<1x512xf32, #tpu.memory_space<vmem>>, %arg6: memref<512x512xbf16, #tpu.memory_space<vmem>>, %arg7: memref<512x32xbf16, #tpu.memory_space<vmem>>, %arg8: memref<512x32xbf16, #tpu.memory_space<vmem>>, %arg9: memref<1x32xf32, #tpu.memory_space<vmem>>, %arg10: memref<400x32xf32, #tpu.memory_space<vmem>>, %arg11: memref<400x32xf32, #tpu.memory_space<vmem>>) attributes {dimension_semantics = [#tpu.dimension_semantics<arbitrary>], iteration_bounds = array<i64: 25>, scalar_prefetch = 0 : i64, scratch_operands = 0 : i64, tpu.core_type = #tpu.core_type<tc>, window_params = [{transform_indices = @transform_0, window_bounds = array<i64: 4, 2, 400, 128>}, {transform_indices = @transform_1, window_bounds = array<i64: 400, 1>}, {transform_indices = @transform_2, window_bounds = array<i64: 4, 400, 128>}, {pipeline_mode = #tpu.pipeline_mode<synchronous>, transform_indices = @transform_3, window_bounds = array<i64: 512, 512>}, {pipeline_mode = #tpu.pipeline_mode<synchronous>, transform_indices = @transform_4, window_bounds = array<i64: 1, 512>}, {pipeline_mode = #tpu.pipeline_mode<synchronous>, transform_indices = @transform_5, window_bounds = array<i64: 512, 512>}, {pipeline_mode = #tpu.pipeline_mode<synchronous>, transform_indices = @transform_6, window_bounds = array<i64: 512, 32>}, {pipeline_mode = #tpu.pipeline_mode<synchronous>, transform_indices = @transform_7, window_bounds = array<i64: 512, 32>}, {pipeline_mode = #tpu.pipeline_mode<synchronous>, transform_indices = @transform_8, window_bounds = array<i64: 1, 32>}, {transform_indices = @transform_9, window_bounds = array<i64: 400, 32>}, {transform_indices = @transform_10, window_bounds = array<i64: 400, 32>}]} {
    %get3A = arith.constant 0 : index
    %get3A_0 = arith.constant 0 : index
    %get3A_1 = vector.load %arg2[%get3A, %get3A_0] : memref<400x1xf32, #tpu.memory_space<vmem>>, vector<400x1xf32>
    %get3A_2 = arith.constant 0 : index
    %get3A_3 = arith.constant 0 : index
    %get3A_4 = arith.constant 0 : index
    %get3A_5 = arith.constant 0 : index
    %get3A_6 = vector.load %arg1[%get3A_2, %get3A_3, %get3A_4, %get3A_5] : memref<4x2x400x128xf32, #tpu.memory_space<vmem>>, vector<1x1x400x128xf32>
    %get3A_7 = vector.shape_cast %get3A_6 : vector<1x1x400x128xf32> to vector<400x128xf32>
    %get3A_8 = arith.constant 0 : index
    %get3A_9 = arith.constant 1 : index
    %get3A_10 = arith.constant 0 : index
    %get3A_11 = arith.constant 0 : index
    %get3A_12 = vector.load %arg1[%get3A_8, %get3A_9, %get3A_10, %get3A_11] : memref<4x2x400x128xf32, #tpu.memory_space<vmem>>, vector<1x1x400x128xf32>
    %get3A_13 = vector.shape_cast %get3A_12 : vector<1x1x400x128xf32> to vector<400x128xf32>
    %add3A = arith.addf %get3A_7, %get3A_13 : vector<400x128xf32>
    %get3A_14 = arith.constant 1 : index
    %get3A_15 = arith.constant 0 : index
    %get3A_16 = arith.constant 0 : index
    %get3A_17 = arith.constant 0 : index
    %get3A_18 = vector.load %arg1[%get3A_14, %get3A_15, %get3A_16, %get3A_17] : memref<4x2x400x128xf32, #tpu.memory_space<vmem>>, vector<1x1x400x128xf32>
    %get3A_19 = vector.shape_cast %get3A_18 : vector<1x1x400x128xf32> to vector<400x128xf32>
    %get3A_20 = arith.constant 1 : index
    %get3A_21 = arith.constant 1 : index
    %get3A_22 = arith.constant 0 : index
    %get3A_23 = arith.constant 0 : index
    %get3A_24 = vector.load %arg1[%get3A_20, %get3A_21, %get3A_22, %get3A_23] : memref<4x2x400x128xf32, #tpu.memory_space<vmem>>, vector<1x1x400x128xf32>
    %get3A_25 = vector.shape_cast %get3A_24 : vector<1x1x400x128xf32> to vector<400x128xf32>
    %add3A_26 = arith.addf %get3A_19, %get3A_25 : vector<400x128xf32>
    %get3A_27 = arith.constant 2 : index
    %get3A_28 = arith.constant 0 : index
    %get3A_29 = arith.constant 0 : index
    %get3A_30 = arith.constant 0 : index
    %get3A_31 = vector.load %arg1[%get3A_27, %get3A_28, %get3A_29, %get3A_30] : memref<4x2x400x128xf32, #tpu.memory_space<vmem>>, vector<1x1x400x128xf32>
    %get3A_32 = vector.shape_cast %get3A_31 : vector<1x1x400x128xf32> to vector<400x128xf32>
    %get3A_33 = arith.constant 2 : index
    %get3A_34 = arith.constant 1 : index
    %get3A_35 = arith.constant 0 : index
    %get3A_36 = arith.constant 0 : index
    %get3A_37 = vector.load %arg1[%get3A_33, %get3A_34, %get3A_35, %get3A_36] : memref<4x2x400x128xf32, #tpu.memory_space<vmem>>, vector<1x1x400x128xf32>
    %get3A_38 = vector.shape_cast %get3A_37 : vector<1x1x400x128xf32> to vector<400x128xf32>
    %add3A_39 = arith.addf %get3A_32, %get3A_38 : vector<400x128xf32>
    %get3A_40 = arith.constant 3 : index
    %get3A_41 = arith.constant 0 : index
    %get3A_42 = arith.constant 0 : index
    %get3A_43 = arith.constant 0 : index
    %get3A_44 = vector.load %arg1[%get3A_40, %get3A_41, %get3A_42, %get3A_43] : memref<4x2x400x128xf32, #tpu.memory_space<vmem>>, vector<1x1x400x128xf32>
    %get3A_45 = vector.shape_cast %get3A_44 : vector<1x1x400x128xf32> to vector<400x128xf32>
    %get3A_46 = arith.constant 3 : index
    %get3A_47 = arith.constant 1 : index
    %get3A_48 = arith.constant 0 : index
    %get3A_49 = arith.constant 0 : index
    %get3A_50 = vector.load %arg1[%get3A_46, %get3A_47, %get3A_48, %get3A_49] : memref<4x2x400x128xf32, #tpu.memory_space<vmem>>, vector<1x1x400x128xf32>
    %get3A_51 = vector.shape_cast %get3A_50 : vector<1x1x400x128xf32> to vector<400x128xf32>
    %add3A_52 = arith.addf %get3A_45, %get3A_51 : vector<400x128xf32>
    %concatenate3A = tpu.concatenate %add3A, %add3A_26, %add3A_39, %add3A_52 in 1 : vector<400x128xf32>, vector<400x128xf32>, vector<400x128xf32>, vector<400x128xf32> -> vector<400x512xf32>
    %mul3A = vector.broadcast %get3A_1 : vector<400x1xf32> to vector<400x512xf32>
    %mul3A_53 = arith.mulf %concatenate3A, %mul3A : vector<400x512xf32>
    %get3A_54 = arith.constant 0 : index
    %get3A_55 = arith.constant 0 : index
    %get3A_56 = arith.constant 0 : index
    %get3A_57 = vector.load %arg3[%get3A_54, %get3A_55, %get3A_56] : memref<4x400x128xf32, #tpu.memory_space<vmem>>, vector<1x400x128xf32>
    %get3A_58 = vector.shape_cast %get3A_57 : vector<1x400x128xf32> to vector<400x128xf32>
    %get3A_59 = arith.constant 1 : index
    %get3A_60 = arith.constant 0 : index
    %get3A_61 = arith.constant 0 : index
    %get3A_62 = vector.load %arg3[%get3A_59, %get3A_60, %get3A_61] : memref<4x400x128xf32, #tpu.memory_space<vmem>>, vector<1x400x128xf32>
    %get3A_63 = vector.shape_cast %get3A_62 : vector<1x400x128xf32> to vector<400x128xf32>
    %get3A_64 = arith.constant 2 : index
    %get3A_65 = arith.constant 0 : index
    %get3A_66 = arith.constant 0 : index
    %get3A_67 = vector.load %arg3[%get3A_64, %get3A_65, %get3A_66] : memref<4x400x128xf32, #tpu.memory_space<vmem>>, vector<1x400x128xf32>
    %get3A_68 = vector.shape_cast %get3A_67 : vector<1x400x128xf32> to vector<400x128xf32>
    %get3A_69 = arith.constant 3 : index
    %get3A_70 = arith.constant 0 : index
    %get3A_71 = arith.constant 0 : index
    %get3A_72 = vector.load %arg3[%get3A_69, %get3A_70, %get3A_71] : memref<4x400x128xf32, #tpu.memory_space<vmem>>, vector<1x400x128xf32>
    %get3A_73 = vector.shape_cast %get3A_72 : vector<1x400x128xf32> to vector<400x128xf32>
    %concatenate3A_74 = tpu.concatenate %get3A_58, %get3A_63, %get3A_68, %get3A_73 in 1 : vector<400x128xf32>, vector<400x128xf32>, vector<400x128xf32>, vector<400x128xf32> -> vector<400x512xf32>
    %convert_element_type3A = arith.truncf %mul3A_53 : vector<400x512xf32> to vector<400x512xbf16>
    %get3A_75 = arith.constant 0 : index
    %get3A_76 = arith.constant 0 : index
    %get3A_77 = vector.load %arg4[%get3A_75, %get3A_76] : memref<512x512xbf16, #tpu.memory_space<vmem>>, vector<512x512xbf16>
    %dot_general3A = arith.constant dense<0.000000e+00> : vector<400x512xf32>
    %dot_general3A_78 = tpu.matmul %convert_element_type3A, %get3A_77, %dot_general3A {dimension_numbers = #tpu.dot_dimension_numbers<[1], [0], [0], [1], [0, 0, 1, 1], [], []>, transpose_lhs_hint = false} : vector<400x512xbf16>, vector<512x512xbf16>, vector<400x512xf32> -> vector<400x512xf32>
    %get3A_79 = arith.constant 0 : index
    %get3A_80 = arith.constant 0 : index
    %get3A_81 = vector.load %arg5[%get3A_79, %get3A_80] : memref<1x512xf32, #tpu.memory_space<vmem>>, vector<1x512xf32>
    %get3A_82 = vector.shape_cast %get3A_81 : vector<1x512xf32> to vector<512xf32>
    %broadcast_in_dim3A = vector.shape_cast %get3A_82 : vector<512xf32> to vector<1x512xf32>
    %add3A_83 = vector.broadcast %broadcast_in_dim3A : vector<1x512xf32> to vector<400x512xf32>
    %add3A_84 = arith.addf %dot_general3A_78, %add3A_83 : vector<400x512xf32>
    %convert_element_type3A_85 = arith.truncf %concatenate3A_74 : vector<400x512xf32> to vector<400x512xbf16>
    %get3A_86 = arith.constant 0 : index
    %get3A_87 = arith.constant 0 : index
    %get3A_88 = vector.load %arg6[%get3A_86, %get3A_87] : memref<512x512xbf16, #tpu.memory_space<vmem>>, vector<512x512xbf16>
    %dot_general3A_89 = arith.constant dense<0.000000e+00> : vector<400x512xf32>
    %dot_general3A_90 = tpu.matmul %convert_element_type3A_85, %get3A_88, %dot_general3A_89 {dimension_numbers = #tpu.dot_dimension_numbers<[1], [0], [0], [1], [0, 0, 1, 1], [], []>, transpose_lhs_hint = false} : vector<400x512xbf16>, vector<512x512xbf16>, vector<400x512xf32> -> vector<400x512xf32>
    %add3A_91 = arith.addf %add3A_84, %dot_general3A_90 : vector<400x512xf32>
    %max3A = arith.constant 0.000000e+00 : f32
    %max3A_92 = vector.broadcast %max3A : f32 to vector<400x512xf32>
    %max3A_93 = arith.maximumf %add3A_91, %max3A_92 : vector<400x512xf32>
    %convert_element_type3A_94 = arith.truncf %max3A_93 : vector<400x512xf32> to vector<400x512xbf16>
    %get3A_95 = arith.constant 0 : index
    %get3A_96 = arith.constant 0 : index
    %get3A_97 = vector.load %arg7[%get3A_95, %get3A_96] : memref<512x32xbf16, #tpu.memory_space<vmem>>, vector<512x32xbf16>
    %dot_general3A_98 = arith.constant dense<0.000000e+00> : vector<400x32xf32>
    %dot_general3A_99 = tpu.matmul %convert_element_type3A_94, %get3A_97, %dot_general3A_98 {dimension_numbers = #tpu.dot_dimension_numbers<[1], [0], [0], [1], [0, 0, 1, 1], [], []>, transpose_lhs_hint = false} : vector<400x512xbf16>, vector<512x32xbf16>, vector<400x32xf32> -> vector<400x32xf32>
    %swap3A = arith.constant 0 : index
    %swap3A_100 = arith.constant 0 : index
    %swap3A_101 = vector.load %arg10[%swap3A, %swap3A_100] : memref<400x32xf32, #tpu.memory_space<vmem>>, vector<400x32xf32>
    tpu.vector_store %arg10[%swap3A, %swap3A_100], %dot_general3A_99 {strides = array<i32>} : memref<400x32xf32, #tpu.memory_space<vmem>>, vector<400x32xf32>,
    %get3A_102 = arith.constant 0 : index
    %get3A_103 = arith.constant 0 : index
    %get3A_104 = vector.load %arg8[%get3A_102, %get3A_103] : memref<512x32xbf16, #tpu.memory_space<vmem>>, vector<512x32xbf16>
    %dot_general3A_105 = arith.constant dense<0.000000e+00> : vector<400x32xf32>
    %dot_general3A_106 = tpu.matmul %convert_element_type3A_94, %get3A_104, %dot_general3A_105 {dimension_numbers = #tpu.dot_dimension_numbers<[1], [0], [0], [1], [0, 0, 1, 1], [], []>, transpose_lhs_hint = false} : vector<400x512xbf16>, vector<512x32xbf16>, vector<400x32xf32> -> vector<400x32xf32>
    %get3A_107 = arith.constant 0 : index
    %get3A_108 = arith.constant 0 : index
    %get3A_109 = vector.load %arg9[%get3A_107, %get3A_108] : memref<1x32xf32, #tpu.memory_space<vmem>>, vector<1x32xf32>
    %get3A_110 = vector.shape_cast %get3A_109 : vector<1x32xf32> to vector<32xf32>
    %broadcast_in_dim3A_111 = vector.shape_cast %get3A_110 : vector<32xf32> to vector<1x32xf32>
    %add3A_112 = vector.broadcast %broadcast_in_dim3A_111 : vector<1x32xf32> to vector<400x32xf32>
    %add3A_113 = arith.addf %dot_general3A_106, %add3A_112 : vector<400x32xf32>
    %swap3A_114 = arith.constant 0 : index
    %swap3A_115 = arith.constant 0 : index
    %swap3A_116 = vector.load %arg11[%swap3A_114, %swap3A_115] : memref<400x32xf32, #tpu.memory_space<vmem>>, vector<400x32xf32>
    tpu.vector_store %arg11[%swap3A_114, %swap3A_115], %add3A_113 {strides = array<i32>} : memref<400x32xf32, #tpu.memory_space<vmem>>, vector<400x32xf32>,
    return
  }
  func.func @transform_0(%arg0: i32) -> (i32, i32, i32, i32) {
    %c0_i32 = arith.constant 0 : i32
    %c0_i32_0 = arith.constant 0 : i32
    %c0_i32_1 = arith.constant 0 : i32
    %c0_i32_2 = arith.constant 0 : i32
    return %c0_i32, %c0_i32_0, %arg0, %c0_i32_1 : i32, i32, i32, i32
  }
  func.func @transform_1(%arg0: i32) -> (i32, i32) {
    %c0_i32 = arith.constant 0 : i32
    %c0_i32_0 = arith.constant 0 : i32
    return %arg0, %c0_i32 : i32, i32
  }
  func.func @transform_2(%arg0: i32) -> (i32, i32, i32) {
    %c0_i32 = arith.constant 0 : i32
    %c0_i32_0 = arith.constant 0 : i32
    %c0_i32_1 = arith.constant 0 : i32
    return %c0_i32, %arg0, %c0_i32_0 : i32, i32, i32
  }
  func.func @transform_3(%arg0: i32) -> (i32, i32) {
    %c0_i32 = arith.constant 0 : i32
    %c0_i32_0 = arith.constant 0 : i32
    %c0_i32_1 = arith.constant 0 : i32
    return %c0_i32, %c0_i32_0 : i32, i32
  }
  func.func @transform_4(%arg0: i32) -> (i32, i32) {
    %c0_i32 = arith.constant 0 : i32
    %c0_i32_0 = arith.constant 0 : i32
    %c0_i32_1 = arith.constant 0 : i32
    return %c0_i32, %c0_i32_0 : i32, i32
  }
  func.func @transform_5(%arg0: i32) -> (i32, i32) {
    %c0_i32 = arith.constant 0 : i32
    %c0_i32_0 = arith.constant 0 : i32
    %c0_i32_1 = arith.constant 0 : i32
    return %c0_i32, %c0_i32_0 : i32, i32
  }
  func.func @transform_6(%arg0: i32) -> (i32, i32) {
    %c0_i32 = arith.constant 0 : i32
    %c0_i32_0 = arith.constant 0 : i32
    %c0_i32_1 = arith.constant 0 : i32
    return %c0_i32, %c0_i32_0 : i32, i32
  }
  func.func @transform_7(%arg0: i32) -> (i32, i32) {
    %c0_i32 = arith.constant 0 : i32
    %c0_i32_0 = arith.constant 0 : i32
    %c0_i32_1 = arith.constant 0 : i32
    return %c0_i32, %c0_i32_0 : i32, i32
  }
  func.func @transform_8(%arg0: i32) -> (i32, i32) {
    %c0_i32 = arith.constant 0 : i32
    %c0_i32_0 = arith.constant 0 : i32
    %c0_i32_1 = arith.constant 0 : i32
    return %c0_i32, %c0_i32_0 : i32, i32
  }
  func.func @transform_9(%arg0: i32) -> (i32, i32) {
    %c0_i32 = arith.constant 0 : i32
    %c0_i32_0 = arith.constant 0 : i32
    return %arg0, %c0_i32 : i32, i32
  }
  func.func @transform_10(%arg0: i32) -> (i32, i32) {
    %c0_i32 = arith.constant 0 : i32
    %c0_i32_0 = arith.constant 0 : i32
    return %arg0, %c0_i32 : i32, i32
  }
}

module attributes {stable_mosaic.version = 14 : i64} {
  func.func @_head_kernel(%arg0: i32, %arg1: memref<2x400x32xf32, #tpu.memory_space<vmem>>, %arg2: memref<400x1xf32, #tpu.memory_space<vmem>>, %arg3: memref<400x32xf32, #tpu.memory_space<vmem>>, %arg4: memref<400x16xf32, #tpu.memory_space<vmem>>, %arg5: memref<400x1xf32, #tpu.memory_space<vmem>>) attributes {dimension_semantics = [#tpu.dimension_semantics<arbitrary>], iteration_bounds = array<i64: 25>, scalar_prefetch = 0 : i64, scratch_operands = 0 : i64, tpu.core_type = #tpu.core_type<tc>, window_params = [{transform_indices = @transform_0, window_bounds = array<i64: 2, 400, 32>}, {transform_indices = @transform_1, window_bounds = array<i64: 400, 1>}, {transform_indices = @transform_2, window_bounds = array<i64: 400, 32>}, {transform_indices = @transform_3, window_bounds = array<i64: 400, 16>}, {transform_indices = @transform_4, window_bounds = array<i64: 400, 1>}]} {
    %get3A = arith.constant 0 : index
    %get3A_0 = arith.constant 0 : index
    %get3A_1 = arith.constant 0 : index
    %get3A_2 = vector.load %arg1[%get3A, %get3A_0, %get3A_1] : memref<2x400x32xf32, #tpu.memory_space<vmem>>, vector<1x400x32xf32>
    %get3A_3 = vector.shape_cast %get3A_2 : vector<1x400x32xf32> to vector<400x32xf32>
    %get3A_4 = arith.constant 1 : index
    %get3A_5 = arith.constant 0 : index
    %get3A_6 = arith.constant 0 : index
    %get3A_7 = vector.load %arg1[%get3A_4, %get3A_5, %get3A_6] : memref<2x400x32xf32, #tpu.memory_space<vmem>>, vector<1x400x32xf32>
    %get3A_8 = vector.shape_cast %get3A_7 : vector<1x400x32xf32> to vector<400x32xf32>
    %add3A = arith.addf %get3A_3, %get3A_8 : vector<400x32xf32>
    %get3A_9 = arith.constant 0 : index
    %get3A_10 = arith.constant 0 : index
    %get3A_11 = vector.load %arg2[%get3A_9, %get3A_10] : memref<400x1xf32, #tpu.memory_space<vmem>>, vector<400x1xf32>
    %mul3A = vector.broadcast %get3A_11 : vector<400x1xf32> to vector<400x32xf32>
    %mul3A_12 = arith.mulf %add3A, %mul3A : vector<400x32xf32>
    %get3A_13 = arith.constant 0 : index
    %get3A_14 = arith.constant 0 : index
    %get3A_15 = vector.load %arg3[%get3A_13, %get3A_14] : memref<400x32xf32, #tpu.memory_space<vmem>>, vector<400x32xf32>
    %add3A_16 = arith.addf %mul3A_12, %get3A_15 : vector<400x32xf32>
    %slice3A = vector.extract_strided_slice %add3A_16 {offsets = [0, 0], sizes = [400, 16], strides = [1, 1]} : vector<400x32xf32> to vector<400x16xf32>
    %tanh3A = math.tanh %slice3A : vector<400x16xf32>
    %swap3A = arith.constant 0 : index
    %swap3A_17 = arith.constant 0 : index
    %swap3A_18 = vector.load %arg4[%swap3A, %swap3A_17] : memref<400x16xf32, #tpu.memory_space<vmem>>, vector<400x16xf32>
    tpu.vector_store %arg4[%swap3A, %swap3A_17], %tanh3A {strides = array<i32>} : memref<400x16xf32, #tpu.memory_space<vmem>>, vector<400x16xf32>,
    %slice3A_19 = vector.extract_strided_slice %add3A_16 {offsets = [0, 16], sizes = [400, 1], strides = [1, 1]} : vector<400x32xf32> to vector<400x1xf32>
    %exp3A = math.exp %slice3A_19 : vector<400x1xf32>
    %min3A = arith.constant 1.000000e+01 : f32
    %min3A_20 = vector.broadcast %min3A : f32 to vector<400x1xf32>
    %min3A_21 = arith.minimumf %exp3A, %min3A_20 : vector<400x1xf32>
    %swap3A_22 = arith.constant 0 : index
    %swap3A_23 = arith.constant 0 : index
    %swap3A_24 = vector.load %arg5[%swap3A_22, %swap3A_23] : memref<400x1xf32, #tpu.memory_space<vmem>>, vector<400x1xf32>
    tpu.vector_store %arg5[%swap3A_22, %swap3A_23], %min3A_21 {strides = array<i32>} : memref<400x1xf32, #tpu.memory_space<vmem>>, vector<400x1xf32>,
    return
  }
  func.func @transform_0(%arg0: i32) -> (i32, i32, i32) {
    %c0_i32 = arith.constant 0 : i32
    %c0_i32_0 = arith.constant 0 : i32
    %c0_i32_1 = arith.constant 0 : i32
    return %c0_i32, %arg0, %c0_i32_0 : i32, i32, i32
  }
  func.func @transform_1(%arg0: i32) -> (i32, i32) {
    %c0_i32 = arith.constant 0 : i32
    %c0_i32_0 = arith.constant 0 : i32
    return %arg0, %c0_i32 : i32, i32
  }
  func.func @transform_2(%arg0: i32) -> (i32, i32) {
    %c0_i32 = arith.constant 0 : i32
    %c0_i32_0 = arith.constant 0 : i32
    return %arg0, %c0_i32 : i32, i32
  }
  func.func @transform_3(%arg0: i32) -> (i32, i32) {
    %c0_i32 = arith.constant 0 : i32
    %c0_i32_0 = arith.constant 0 : i32
    return %arg0, %c0_i32 : i32, i32
  }
  func.func @transform_4(%arg0: i32) -> (i32, i32) {
    %c0_i32 = arith.constant 0 : i32
    %c0_i32_0 = arith.constant 0 : i32
    return %arg0, %c0_i32 : i32, i32
  }
}

</mosaic_0001>

<sc_bundles>
// kernel: kernel.12.cloned.1.call-start
scs
__scs_entry_jumppad:
0x0: {  	(pc) =	sbr.rel $0x88, $3  }
0x1: {  	(tag) =	ssettag $0x0;
	lr =	simm.s32 $0x1  }
0x2: {  	[smem:$0x3F95] =	sst lr;
	_ =	strace $0xD0000000  }
0x3: {  	_ = 	snop  }
0x4: {  	_ = 	snop  }
0x5: {  	_ = 	snop  }
0x6: {  	_ = 	snop  }
0x7: {  	_ = 	snop  }
__scs_overlays_trampoline_lowered:
0x8: {  	[smem:$0x3FA4] =	sst s0  }
0x9: {  	[smem:$0x3FA5] =	sst s1  }
0xa: {  	[smem:$0x3FA6] =	sst s2  }
0xb: {  	[smem:$0x3FA7] =	sst s3  }
0xc: {  	[smem:$0x3FA8] =	sst s4  }
0xd: {  	[smem:$0x3FA9] =	sst s5  }
0xe: {  	[smem:$0x3FAA] =	sst s6  }
0xf: {  	[smem:$0x3FAB] =	sst s7  }
0x10: {  	[smem:$0x3FAC] =	sst s8  }
0x11: {  	[smem:$0x3FAD] =	sst s9;
	s0 =	simm.s32 @!p0 $0x0  }
0x12: {  	s1 =	sld [smem:$0x3F93];
	s0 =	simm.s32 @p0 $0x1  }
0x13: {  	[smem:$0x3FAE] =	sst s0;
	s0 =	simm.s32 @!p1 $0x0  }
0x14: {  	s2 =	sld [smem:$0x3F92];
	s0 =	simm.s32 @p1 $0x1  }
0x15: {  	[smem:$0x3FAF] =	sst s0;
	s0 =	simm.s32 @!p2 $0x0  }
0x16: {  	s3 =	sld [smem:$0x3FDB];
	s0 =	simm.s32 @p2 $0x1  }
0x17: {  	s4 =	simm.s32 $0x1BF5;
	[smem:$0x3FB1] =	sst s0  }
0x18: {  	s0 =	sld [smem:$0x3F94];
	_ =	swait.ge [sflag:s4], $0x0  }
0x19: {  	s7 =	sld [smem:$0x3F95]  }
0x1a: {  	s8 =	sadd.s32 $0xFFFFE003, lr  }
0x1b: {  	s9 =	sadd.s32 $0xFFFFFEF7, lr;
	s5 =	simm.s32 $0xFFFFFFFF;
	p2 =	slt.u32 s8, $0xFFFFF086  }
0x1c: {  	p1 =	slt.u32 s9, $0xF7A;
	s5 =	simm.s32 @!p2 $0x0  }
0x1d: {  	s5 =	simm.s32 @p1 $0x1;
	p0 =	seq.s32 s7, s2  }
0x1e: {  	s7 =	smul.u32 @!p0 $0xF7A, s2;
	p2 =	seq.s32 @!p0 s5, $0x0  }
0x1f: {  	s9 =	smul.u32 $0xF7A, s1;
	s8 =	simm.s32 @!p0 $0x1BF5;
	p2 =	por !p2, p0  }
0x20: {  	[sflag:s8] =	ssyncset.s32 @!p0 $0xFFFFF086;
	s6 =	sadd.s32 @!p0 s3, s7;
	s7 =	simm.s32 @!p0 $0x108  }
0x21: {  	s3 =	sadd.s32 s3, s9;
	s6 =	sadd.s32 @!p0 $0x88, s6;
	s7 =	simm.s32 @p2 $0x1082  }
0x22: {  	[simem:s7], [sflag:s8] =	dma.local @!p0 [hbm:s6], $0xF7A  }
0x23: {  	s9 =	sor.u32 $0xD0000000, s2;
	s6 =	simm.s32 $0x108;
	_ =	swait.ge @!p0 [sflag:s8], $0x0  }
0x24: {  	s3 =	sadd.s32 $0x88, s3;
	s6 =	simm.s32 @!p1 $0x1082;
	[sflag:s4] =	ssyncset.s32 $0xFFFFF086  }
0x25: {  	[simem:s6], [sflag:s4] =	dma.local [hbm:s3], $0xF7A  }
0x26: {  	[smem:$0x3F95] =	sst s1;
	(tag) =	ssettag s2;
	_ =	strace s9  }
0x27: {  	s1 =	sld [smem:$0x3FA5]  }
0x28: {  	s2 =	sld [smem:$0x3FA6]  }
0x29: {  	s4 =	sld [smem:$0x3FA8]  }
0x2a: {  	p0 =	seq.s32 s5, $0x0;
	s5 =	sld [smem:$0x3FA9]  }
0x2b: {  	s6 =	sld [smem:$0x3FAA]  }
0x2c: {  	s7 =	sld [smem:$0x3FAB]  }
0x2d: {  	s3 =	simm.s32 $0x108;
	s8 =	sld [smem:$0x3FAC]  }
0x2e: {  	s3 =	simm.s32 @!p0 $0x1082;
	s9 =	sld [smem:$0x3FAD]  }
0x2f: {  	lr =	sadd.s32 s0, s3;
	s0 =	sld [smem:$0x3FA4]  }
0x30: {  	s3 =	sld [smem:$0x3FA7]  }
0x31: {  	[smem:$0x3FB0] =	sst s10  }
0x32: {  	s10 =	sld [smem:$0x3FAE];
	_ =	sdelay $0x3  }
0x33: {  	p0 =	seq.s32 s10, $0x1;
	s10 =	sld [smem:$0x3FB0];
	_ =	sdelay $0x3  }
0x34: {  	[smem:$0x3FB0] =	sst s10  }
0x35: {  	s10 =	sld [smem:$0x3FAF];
	_ =	sdelay $0x3  }
0x36: {  	p1 =	seq.s32 s10, $0x1;
	s10 =	sld [smem:$0x3FB0];
	_ =	sdelay $0x3  }
0x37: {  	[smem:$0x3FB0] =	sst s10  }
0x38: {  	s10 =	sld [smem:$0x3FB1]  }
0x39: {  	_ = 	snop;
	(pc) =	sbr.ind lr, $3  }
0x3a: {  	_ = 	snop  }
0x3b: {  	_ = 	snop  }
0x3c: {  	p2 =	seq.s32 s10, $0x1;
	s10 =	sld [smem:$0x3FB0]  }
0x3d: {  	_ =	shalt  }
0x3e: {  	_ =	shalt  }
0x3f: {  	_ =	shalt  }
0x40: {  	_ =	shalt  }
0x41: {  	_ =	shalt  }
0x42: {  	_ =	shalt  }
0x43: {  	_ =	shalt  }
0x44: {  	_ =	shalt  }
0x45: {  	_ =	shalt  }
0x46: {  	_ =	shalt  }
0x47: {  	_ =	shalt  }
0x48: {  	_ =	shalt  }
0x49: {  	_ =	shalt  }
0x4a: {  	_ =	shalt  }
0x4b: {  	_ =	shalt  }
0x4c: {  	_ =	shalt  }
0x4d: {  	_ =	shalt  }
0x4e: {  	_ =	shalt  }
0x4f: {  	_ =	shalt  }
0x50: {  	_ =	shalt  }
0x51: {  	_ =	shalt  }
0x52: {  	_ =	shalt  }
0x53: {  	_ =	shalt  }
0x54: {  	_ =	shalt  }
0x55: {  	_ =	shalt  }
0x56: {  	_ =	shalt  }
0x57: {  	_ =	shalt  }
0x58: {  	_ =	shalt  }
0x59: {  	_ =	shalt  }
0x5a: {  	_ =	shalt  }
0x5b: {  	_ =	shalt  }
0x5c: {  	_ =	shalt  }
0x5d: {  	_ =	shalt  }
0x5e: {  	_ =	shalt  }
0x5f: {  	_ =	shalt  }
0x60: {  	_ =	shalt  }
0x61: {  	_ =	shalt  }
0x62: {  	_ =	shalt  }
0x63: {  	_ =	shalt  }
0x64: {  	_ =	shalt  }
0x65: {  	_ =	shalt  }
0x66: {  	_ =	shalt  }
0x67: {  	_ =	shalt  }
0x68: {  	_ =	shalt  }
0x69: {  	_ =	shalt  }
0x6a: {  	_ =	shalt  }
0x6b: {  	_ =	shalt  }
0x6c: {  	_ =	shalt  }
0x6d: {  	_ =	shalt  }
0x6e: {  	_ =	shalt  }
0x6f: {  	_ =	shalt  }
0x70: {  	_ =	shalt  }
0x71: {  	_ =	shalt  }
0x72: {  	_ =	shalt  }
0x73: {  	_ =	shalt  }
0x74: {  	_ =	shalt  }
0x75: {  	_ =	shalt  }
0x76: {  	_ =	shalt  }
0x77: {  	_ =	shalt  }
0x78: {  	_ =	shalt  }
0x79: {  	_ =	shalt  }
0x7a: {  	_ =	shalt  }
0x7b: {  	_ =	shalt  }
0x7c: {  	_ =	shalt  }
0x7d: {  	_ =	shalt  }
0x7e: {  	_ =	shalt  }
0x7f: {  	_ =	shalt  }
0x80: {  	_ =	shalt  }
0x81: {  	_ =	shalt  }
0x82: {  	_ =	shalt  }
0x83: {  	_ =	shalt  }
0x84: {  	_ =	shalt  }
0x85: {  	_ =	shalt  }
0x86: {  	_ =	shalt  }
0x87: {  	_ =	shalt  }
.Lfunc_end0:
.L_simem_size_0:
called_computation.1_lowered:
.L_overlay_start_0:
0x88: {  	s2 =	sld [smem:$0x3FD9]  }
0x89: {  	s3 =	sld [smem:$0x3FFE];
	_ =	sdelay $0x1  }
0x8a: {  	s1 =	srdreg.scid  }
0x8b: {  	s0 =	sand.u32 $0x1, s1  }
0x8c: {  	s15 =	sshll.u32 s0, $0xA;
	s2 =	sadd.s32 s3, s2  }
0x8d: {  	s2 =	sadd.s32 s2, s15  }
0x8e: {  	[smem:$0x3FBC] =	sst s2  }
0x8f: {  	_ = 	snop  }
0x90: {  	s2 =	sld [smem:$0x3FD0];
	_ =	sdelay $0x2  }
0x91: {  	s16 =	simm.s32 $0xB;
	s4 =	simm.s32 $0x10  }
0x92: {  	[smem:s4], [sflag:s16] =	dma.local [hbm:s2], $0x1  }
0x93: {  	_ =	swait.eq [sflag:s16], $0x1  }
0x94: {  	[sflag:s16] =	ssyncset.done $0x0  }
0x95: {  	[sflag:s16] =	ssyncadd.s32 $0xFFFFFFFF  }
0x96: {  	s17 =	sld [smem:$0x10];
	(tm) =	ssettm $0x1  }
0x97: {  	s18 =	sld [smem:$0x3FFB];
	_ =	sdelay $0x3  }
0x98: {  	_ =	strace s18  }
0x99: {  	s2 =	sld [smem:$0x3FFC];
	_ =	sdelay $0x3  }
0x9a: {  	_ =	strace s2  }
0x9b: {  	s2 =	sld [smem:$0x3FFD];
	_ =	sdelay $0x3  }
0x9c: {  	_ =	strace s2  }
0x9d: {  	_ =	strace $0x8FFFFFFF  }
0x9e: {  	s19 =	sld [smem:$0x3FDB];
	_ =	sdelay $0x1  }
0x9f: {  	s20 =	simm.s32 $_scs_section_size  }
0xa0: {  	s5 =	simm.s32 $_size__tile_overlayer_lowered;
	s6 =	simm.s32 $_tile_overlayer_lowered  }
0xa1: {  	s7 =	simm.s32 $0x1BFF;
	s21 =	sshll.u32 s6, $0x1;
	s4 =	sadd.s32 s20, s19  }
0xa2: {  	s22 =	simm.s32 $0x0;
	s5 =	sshll.u32 s5, $0x1;
	s6 =	sadd.s32 s21, s4  }
0xa3: {  	[timem:s22], [sflag:s7] =	dma.local [hbm:s6], s5  }
0xa4: {  	_ =	swait.ge [sflag:s7], s5  }
0xa5: {  	s5 =	ssub.s32 $0x0, s5;
	[sflag:s7] =	ssyncset.done $0x0  }
0xa6: {  	[sflag:s7] =	ssyncadd.s32 s5;
	_ =	sdelay $0x1  }
0xa7: {  	s23 =	simm.s32 $0x1B8B  }
0xa8: {  	_ =	swait.ge [sflag:s23], $0x1  }
0xa9: {  	[sflag:s23] =	ssyncset.done $0x0  }
0xaa: {  	[sflag:s23] =	ssyncadd.s32 $0xFFFFFFFF  }
0xab: {  	s5 =	sld [smem:$0x0]  }
0xac: {  	s6 =	sand.u32 $0xFFFFFFFE, s1  }
0xad: {  	p0 =	sne.s32 s1, s6  }
0xae: {  	s6 =	sshll.u32 @p0 s6, $0xE  }
0xaf: {  	s6 =	sadd.s32 @p0 $0x11B8D, s6;
	s7 =	sshll.u32 @p0 s5, $0x11  }
0xb0: {  	s6 =	sor.u32 @p0 s7, s6  }
0xb1: {  	[sflag:s6] =	ssyncadd.remote.s32 @p0 $0x1;
	_ =	sdelay $0x1  }
0xb2: {  	s6 =	simm.s32 @p0 $0x1B8D  }
0xb3: {  	_ =	swait.eq @p0 [sflag:s6], $0x1  }
0xb4: {  	[sflag:s6] =	ssyncadd.s32 @p0 $0xFFFFFFFF  }
0xb5: {  	s7 =	sshll.u32 @!p0 s1, $0xE  }
0xb6: {  	s7 =	sor.u32 @!p0 $0x4000, s7;
	s6 =	simm.s32 @!p0 $0x1B8D  }
0xb7: {  	s5 =	sshll.u32 @!p0 s5, $0x11;
	s7 =	sadd.s32 @!p0 $0x11B8D, s7;
	_ =	swait.eq @!p0 [sflag:s6], $0x1  }
0xb8: {  	s5 =	sor.u32 @!p0 s5, s7;
	[sflag:s6] =	ssyncadd.s32 @!p0 $0xFFFFFFFF  }
0xb9: {  	s25 =	simm.s32 $0x1B8E;
	s24 =	sld [smem:$0x3FFE];
	[sflag:s5] =	ssyncadd.remote.s32 @!p0 $0x1  }
0xba: {  	s26 =	simm.s32 $execute0_lowered;
	[smem:$0x3FD2] =	sst s25  }
0xbb: {  	s6 =	sshll.u32 s26, $0x1;
	_ =	strace $0x80000049;
	[dreg:$0x1] =	wrdreg $0xFFFFFFFF  }
0xbc: {  	s28 =	simm.s32 $_size_execute0_lowered;
	s4 =	sadd.s32 s4, s6;
	[dreg:$0x0] =	wrdreg $0x0  }
0xbd: {  	s6 =	sshll.u32 s28, $0x1;
	[dreg:$0x2] =	wrdreg s4  }
0xbe: {  	[dreg:$0x3] =	wrdreg s6  }
0xbf: {  	[dreg:$0x4] =	wrdreg $0xC0  }
0xc0: {  	_ =	task [dreg:s22], $0x5FFFF  }
0xc1: {  	[dreg:$0x1] =	wrdreg $0xFFFFFFFF  }
0xc2: {  	[dreg:$0x0] =	wrdreg $0x60  }
0xc3: {  	[dreg:$0x2] =	wrdreg s24  }
0xc4: {  	[dreg:$0x3] =	wrdreg s17  }
0xc5: {  	[dreg:$0x4] =	wrdreg $0xA8000  }
0xc6: {  	[dreg:$0x5] =	wrdreg $0xA  }
0xc7: {  	_ =	task.clear_ibuf [dreg:s22], $0x6FFFF;
	_ =	strace $0x90000049  }
0xc8: {  	s29 =	simm.s32 $0xA;
	_ =	strace $0x8000004B  }
0xc9: {  	_ =	swait.ge [sflag:s29], $0x1  }
0xca: {  	[sflag:s29] =	ssyncadd.s32 $0xFFFFFFFF  }
0xcb: {  	_ =	strace $0x9000004B  }
0xcc: {  	_ =	sfence  }
0xcd: {  	s30 =	sld [smem:$0x0];
	_ =	sdelay $0x2  }
0xce: {  	s31 =	sshll.u32 s1, $0xD;
	s1 =	sshrl.u32 s1, $0x2  }
0xcf: {  	s4 =	sand.u32 $0x4000, s31;
	s1 =	sadd.s32 s1, s30  }
0xd0: {  	s0 =	sor.u32 s4, s0;
	s1 =	sshll.u32 s1, $0x11  }
0xd1: {  	s0 =	sor.u32 s1, s0  }
0xd2: {  	s0 =	sadd.s32 $0x8F2B, s0  }
0xd3: {  	[sflag:s0] =	ssyncadd.remote.s32 $0x1  }
0xd4: {  	_ =	sfence.sel $0xFFFF  }
0xd5: {  	[dreg:$0x0] =	wrdreg $0xFFFFFFFF;
	(pc) =	sbr.abs _section_cstart, $3  }
0xd6: {  	[dreg:$0x1] =	wrdreg $0xFFFFFFFF  }
0xd7: {  	_ =	task.clear_ibuf [dreg:s22], $0x2FFFF;
	_ =	strace $0x9FFFFFFF  }
0xd8: {  	(tm) =	ssettm $0x7FFFFFFF  }
0xd9: {  	_ =	shalt  }
tec
execute0_lowered:
.L_overlay_start_1:
0x0: {  	(tag) =	ssettag $0x1  }
0x1: {  	s9 =	rddreg [dreg:$0x0]  }
0x2: {  	s2 =	rddreg [dreg:$0x1];
	s1 =	srdreg.scid  }
0x3: {  	s0 =	stileid.u32;
	s3 =	rddreg [dreg:$0x2]  }
0x4: {  	s4 =	simm.s32 $0x0;
	s14 =	simm.s32 $0x80;
	s15 =	simm.s32 $0x2800  }
0x5: {  	s16 =	simm.s32 $0x6800;
	s17 =	simm.s32 $0x1;
	s18 =	simm.s32 $0x2  }
0x6: {  	s19 =	simm.s32 $0x1380;
	s20 =	simm.s32 $0x2700;
	s21 =	simm.s32 $0x2780  }
0x7: {  	s6 =	sand.u32 $0x1, s1;
	s1 =	rddreg [dreg:$0x3];
	s8 =	smul.u32 $0x50000, s0  }
0x8: {  	s5 =	sshll.u32 s0, $0x1;
	[smem:$0x7FF] =	sst s4;
	s24 =	smul.u32 $0x2800, s0  }
0x9: {  	s25 =	sadd.s32 $0xC9200, s9;
	s12 =	sshll.u32 s0, $0x6;
	s5 =	sor.u32 s6, s5  }
0xa: {  	_ =	strace $0x8000004A;
	s22 =	smul.u32 $0x28000, s6;
	s6 =	ssub.s32 $0x2, s6  }
0xb: {  	s12 =	sor.u32 $0x1C03, s12;
	s7 =	smul.u32 $0x280, s5;
	s5 =	sadd.s32 $0x2B000, s9  }
0xc: {  	s11 =	sshrl.u32 s6, $0x1;
	s8 =	sshrl.u32 s8, $0x2;
	s10 =	sadd.s32 s22, s9  }
0xd: {  	s11 =	ssub.s32 s6, s11;
	s13 =	sadd.s32 s8, s3;
	s8 =	sadd.s32 $0x52100, s9  }
0xe: {  	s25 =	sadd.s32 s22, s25;
	s7 =	sadd.s32 s7, s9;
	s23 =	sadd.s32 $0x79200, s10  }
0xf: {  	s9 =	smax.u32 s11, $0x1;
	s10 =	simm.s32 $0x3;
	s11 =	simm.s32 $0x1400  }
0x10: {  	s13 =	sshrl.u32 s13, $0x3;
	s6 =	sadd.s32 $0x11600, s7;
	s7 =	sadd.s32 $0xC600, s7  }
0x11: {  	s22 =	sadd.s32 s24, s23;
	s23 =	sadd.s32 s24, s25;
	s24 =	simm.s32 $0x0  }
.LBB2_1:
0x12: {  	[tilespmem:s4], [sflag:$0x3] =	stream.linear.gather [hbm4b:s6+s4], $0x1400, $0x38;
	[tilespmem:$0x1E800] =	vst v63  }
0x13: {  	_ =	swait.ge [sflag:s10], $0x1400  }
0x14: {  	[sflag:s10] =	ssyncset.done $0x0  }
0x15: {  	[sflag:s10] =	ssyncadd.s32 $0xFFFFEC00  }
0x16: {  	[tilespmem:s11], [sflag:$0x3] =	stream.linear.gather [hbm4b:s7+s4], $0x1400, $0x38;
	[tilespmem:$0x1E800] =	vst v63  }
0x17: {  	_ =	swait.ge [sflag:s10], $0x1400  }
0x18: {  	[sflag:s10] =	ssyncset.done $0x0  }
0x19: {  	[sflag:s10] =	ssyncadd.s32 $0xFFFFEC00  }
0x1a: {  	[spmem:s13], [sflag:s12] =	dma.local [hbm:s2], $0x2800  }
0x1b: {  	_ =	swait.ge [sflag:s10], $0x2800  }
0x1c: {  	[sflag:s10] =	ssyncset.done $0x0  }
0x1d: {  	[sflag:s10] =	ssyncadd.s32 $0xFFFFD800  }
0x1e: {  	[bflag:$0x0] =	sbarrier.arrive $0xFFFF  }
0x1f: {  	[tilespmem:s15], [sflag:$0x1] =	stream.indirect.gather [hbm4b:s5+s14], $0x80, s4, s14, $0xb8;
	[tilespmem:$0x1E800] =	vst v63  }
0x20: {  	s25 =	simm.s32 $0x80  }
0x21: {  	[tilespmem:s16], [sflag:$0x2] =	stream.indirect.gather [hbm4b:s5+s14], $0x80, s25, s14, $0xb8;
	[tilespmem:$0x1E800] =	vst v63  }
0x22: {  	_ =	swait.ge [sflag:s17], $0x4000  }
0x23: {  	[sflag:s17] =	ssyncset.done $0x0  }
0x24: {  	s29 =	simm.s32 $0x1400;
	[sflag:s17] =	ssyncadd.s32 $0xFFFFC000  }
0x25: {  	[spmem:s3] =	stream.indirect.scatter.add.f32 [tilespmem:s15], [sflag:$0x3], $0x80, s29, s14, $0xb8;
	[tilespmem:$0x1E800] =	vst v63  }
0x26: {  	_ =	swait.ge [sflag:s10], $0x4000  }
0x27: {  	[sflag:s10] =	ssyncset.done $0x0  }
0x28: {  	s30 =	simm.s32 $0x100;
	[sflag:s10] =	ssyncadd.s32 $0xFFFFC000  }
0x29: {  	[tilespmem:s15], [sflag:$0x1] =	stream.indirect.gather [hbm4b:s5+s14], $0x80, s30, s14, $0xb8;
	[tilespmem:$0x1E800] =	vst v63  }
0x2a: {  	_ =	swait.ge [sflag:s18], $0x4000  }
0x2b: {  	[sflag:s18] =	ssyncset.done $0x0  }
0x2c: {  	s31 =	simm.s32 $0x1480;
	[sflag:s18] =	ssyncadd.s32 $0xFFFFC000  }
0x2d: {  	[spmem:s3] =	stream.indirect.scatter.add.f32 [tilespmem:s16], [sflag:$0x3], $0x80, s31, s14, $0xb8;
	[tilespmem:$0x1E800] =	vst v63  }
0x2e: {  	_ =	swait.ge [sflag:s10], $0x4000  }
0x2f: {  	s26 =	simm.s32 $0x800;
	s25 =	simm.s32 $0x100;
	[sflag:s10] =	ssyncset.done $0x0  }
.LBB2_2:
0x30: {  	s28 =	sadd.s32 $0x80, s25  }
0x31: {  	[sflag:s10] =	ssyncadd.s32 $0xFFFFC000;
	s29 =	smov.u32 s26;
	s30 =	sadd.s32 $0x400, s26  }
0x32: {  	[tilespmem:s16], [sflag:$0x2] =	stream.indirect.gather [hbm4b:s5+s14], $0x80, s28, s14, $0xb8;
	[tilespmem:$0x1E800] =	vst v63  }
0x33: {  	p0 =	sne.s32 s26, $0x4800;
	_ =	swait.ge [sflag:s17], $0x4000  }
0x34: {  	[sflag:s17] =	ssyncset.done $0x0  }
0x35: {  	s26 =	sadd.s32 $0x1400, s25;
	[sflag:s17] =	ssyncadd.s32 $0xFFFFC000  }
0x36: {  	[spmem:s3] =	stream.indirect.scatter.add.f32 [tilespmem:s15], [sflag:$0x3], $0x80, s26, s14, $0xb8;
	[tilespmem:$0x1E800] =	vst v63  }
0x37: {  	_ =	swait.ge [sflag:s10], $0x4000  }
0x38: {  	[sflag:s10] =	ssyncset.done $0x0  }
0x39: {  	s26 =	sadd.s32 $0x100, s25;
	[sflag:s10] =	ssyncadd.s32 $0xFFFFC000  }
0x3a: {  	[tilespmem:s15], [sflag:$0x1] =	stream.indirect.gather [hbm4b:s5+s14], $0x80, s26, s14, $0xb8;
	[tilespmem:$0x1E800] =	vst v63  }
0x3b: {  	_ =	swait.ge [sflag:s18], $0x4000  }
.Ltmp0:
0x3c: {  	[sflag:s18] =	ssyncset.done $0x0;
	(pc) =	sbr.rel @p0 .LBB2_2-.Ltmp0, $4  }
0x3d: {  	s25 =	sadd.s32 $0x1480, s25;
	[sflag:s18] =	ssyncadd.s32 $0xFFFFC000  }
0x3e: {  	[spmem:s3] =	stream.indirect.scatter.add.f32 [tilespmem:s16], [sflag:$0x3], $0x80, s25, s14, $0xb8;
	[tilespmem:$0x1E800] =	vst v63  }
0x3f: {  	_ =	swait.ge [sflag:s10], $0x4000  }
0x40: {  	s26 =	smov.u32 s30;
	s25 =	sshra.s32 s29, $0x2;
	[sflag:s10] =	ssyncset.done $0x0  }
0x41: {  	s26 =	sadd.s32 $0x80, s25;
	[sflag:s10] =	ssyncadd.s32 $0xFFFFC000  }
0x42: {  	[tilespmem:s16], [sflag:$0x2] =	stream.indirect.gather [hbm4b:s5+s14], $0x80, s26, s14, $0xb8;
	[tilespmem:$0x1E800] =	vst v63  }
0x43: {  	_ =	swait.ge [sflag:s17], $0x4000  }
0x44: {  	[sflag:s17] =	ssyncset.done $0x0  }
0x45: {  	s29 =	sadd.s32 $0x1400, s25;
	[sflag:s17] =	ssyncadd.s32 $0xFFFFC000  }
0x46: {  	[spmem:s3] =	stream.indirect.scatter.add.f32 [tilespmem:s15], [sflag:$0x3], $0x80, s29, s14, $0xb8;
	[tilespmem:$0x1E800] =	vst v63  }
0x47: {  	_ =	swait.ge [sflag:s10], $0x4000  }
0x48: {  	[sflag:s10] =	ssyncset.done $0x0  }
0x49: {  	s30 =	sadd.s32 $0x100, s25;
	[sflag:s10] =	ssyncadd.s32 $0xFFFFC000  }
0x4a: {  	[tilespmem:s15], [sflag:$0x1] =	stream.indirect.gather [hbm4b:s5+s14], $0x80, s30, s14, $0xb8;
	[tilespmem:$0x1E800] =	vst v63  }
0x4b: {  	_ =	swait.ge [sflag:s18], $0x4000  }
0x4c: {  	[sflag:s18] =	ssyncset.done $0x0  }
0x4d: {  	s31 =	sadd.s32 $0x1480, s25;
	[sflag:s18] =	ssyncadd.s32 $0xFFFFC000  }
0x4e: {  	[spmem:s3] =	stream.indirect.scatter.add.f32 [tilespmem:s16], [sflag:$0x3], $0x80, s31, s14, $0xb8;
	[tilespmem:$0x1E800] =	vst v63  }
0x4f: {  	_ =	swait.ge [sflag:s10], $0x4000  }
0x50: {  	[sflag:s10] =	ssyncset.done $0x0  }
0x51: {  	[sflag:s10] =	ssyncadd.s32 $0xFFFFC000  }
0x52: {  	[tilespmem:s16], [sflag:$0x2] =	stream.indirect.gather [hbm4b:s5+s14], $0x80, s19, s14, $0xb8;
	[tilespmem:$0x1E800] =	vst v63  }
0x53: {  	_ =	swait.ge [sflag:s17], $0x4000  }
0x54: {  	[sflag:s17] =	ssyncset.done $0x0  }
0x55: {  	[sflag:s17] =	ssyncadd.s32 $0xFFFFC000  }
0x56: {  	[spmem:s3] =	stream.indirect.scatter.add.f32 [tilespmem:s15], [sflag:$0x3], $0x80, s20, s14, $0xb8;
	[tilespmem:$0x1E800] =	vst v63  }
0x57: {  	_ =	swait.ge [sflag:s10], $0x4000  }
0x58: {  	[sflag:s10] =	ssyncset.done $0x0  }
0x59: {  	[sflag:s10] =	ssyncadd.s32 $0xFFFFC000  }
0x5a: {  	_ =	swait.ge [sflag:s18], $0x4000  }
0x5b: {  	[sflag:s18] =	ssyncset.done $0x0  }
0x5c: {  	[sflag:s18] =	ssyncadd.s32 $0xFFFFC000  }
0x5d: {  	[spmem:s3] =	stream.indirect.scatter.add.f32 [tilespmem:s16], [sflag:$0x3], $0x80, s21, s14, $0xb8;
	[tilespmem:$0x1E800] =	vst v63  }
0x5e: {  	_ =	swait.ge [sflag:s10], $0x4000  }
0x5f: {  	[sflag:s10] =	ssyncset.done $0x0  }
0x60: {  	[sflag:s10] =	ssyncadd.s32 $0xFFFFC000  }
0x61: {  	[bflag:$0x0] =	sbarrier.arrive $0xFFFF  }
0x62: {  	[hbm:s22], [sflag:s12] =	dma.local [spmem:s13], $0x2800  }
0x63: {  	_ =	swait.ge [sflag:s10], $0x2800  }
0x64: {  	[sflag:s10] =	ssyncset.done $0x0  }
0x65: {  	[sflag:s10] =	ssyncadd.s32 $0xFFFFD800  }
0x66: {  	[spmem:s13], [sflag:s12] =	dma.local [hbm:s2], $0x2800  }
0x67: {  	_ =	swait.ge [sflag:s10], $0x2800  }
0x68: {  	[sflag:s10] =	ssyncset.done $0x0  }
0x69: {  	[sflag:s10] =	ssyncadd.s32 $0xFFFFD800  }
0x6a: {  	s26 =	simm.s32 $0x0;
	[bflag:$0x0] =	sbarrier.arrive $0xFFFF  }
0x6b: {  	[tilespmem:s15], [sflag:$0x1] =	stream.indirect.gather [hbm4b:s8+s14], $0x80, s26, s14, $0xb8;
	[tilespmem:$0x1E800] =	vst v63  }
0x6c: {  	s28 =	simm.s32 $0x80  }
0x6d: {  	[tilespmem:s16], [sflag:$0x2] =	stream.indirect.gather [hbm4b:s8+s14], $0x80, s28, s14, $0xb8;
	[tilespmem:$0x1E800] =	vst v63  }
0x6e: {  	_ =	swait.ge [sflag:s17], $0x4000  }
0x6f: {  	[sflag:s17] =	ssyncset.done $0x0  }
0x70: {  	s29 =	simm.s32 $0x1400;
	[sflag:s17] =	ssyncadd.s32 $0xFFFFC000  }
0x71: {  	[spmem:s3] =	stream.indirect.scatter.add.f32 [tilespmem:s15], [sflag:$0x3], $0x80, s29, s14, $0xb8;
	[tilespmem:$0x1E800] =	vst v63  }
0x72: {  	_ =	swait.ge [sflag:s10], $0x4000  }
0x73: {  	[sflag:s10] =	ssyncset.done $0x0  }
0x74: {  	s30 =	simm.s32 $0x100;
	[sflag:s10] =	ssyncadd.s32 $0xFFFFC000  }
0x75: {  	[tilespmem:s15], [sflag:$0x1] =	stream.indirect.gather [hbm4b:s8+s14], $0x80, s30, s14, $0xb8;
	[tilespmem:$0x1E800] =	vst v63  }
0x76: {  	_ =	swait.ge [sflag:s18], $0x4000  }
0x77: {  	[sflag:s18] =	ssyncset.done $0x0  }
0x78: {  	s31 =	simm.s32 $0x1480;
	[sflag:s18] =	ssyncadd.s32 $0xFFFFC000  }
0x79: {  	[spmem:s3] =	stream.indirect.scatter.add.f32 [tilespmem:s16], [sflag:$0x3], $0x80, s31, s14, $0xb8;
	[tilespmem:$0x1E800] =	vst v63  }
0x7a: {  	_ =	swait.ge [sflag:s10], $0x4000  }
0x7b: {  	s25 =	simm.s32 $0x100;
	s26 =	simm.s32 $0x800;
	[sflag:s10] =	ssyncset.done $0x0  }
.LBB2_4:
0x7c: {  	s28 =	sadd.s32 $0x80, s25  }
0x7d: {  	[sflag:s10] =	ssyncadd.s32 $0xFFFFC000;
	s29 =	smov.u32 s26;
	s30 =	sadd.s32 $0x400, s26  }
0x7e: {  	[tilespmem:s16], [sflag:$0x2] =	stream.indirect.gather [hbm4b:s8+s14], $0x80, s28, s14, $0xb8;
	[tilespmem:$0x1E800] =	vst v63  }
0x7f: {  	p0 =	sne.s32 s26, $0x4800;
	_ =	swait.ge [sflag:s17], $0x4000  }
0x80: {  	[sflag:s17] =	ssyncset.done $0x0  }
0x81: {  	s26 =	sadd.s32 $0x1400, s25;
	[sflag:s17] =	ssyncadd.s32 $0xFFFFC000  }
0x82: {  	[spmem:s3] =	stream.indirect.scatter.add.f32 [tilespmem:s15], [sflag:$0x3], $0x80, s26, s14, $0xb8;
	[tilespmem:$0x1E800] =	vst v63  }
0x83: {  	_ =	swait.ge [sflag:s10], $0x4000  }
0x84: {  	[sflag:s10] =	ssyncset.done $0x0  }
0x85: {  	s26 =	sadd.s32 $0x100, s25;
	[sflag:s10] =	ssyncadd.s32 $0xFFFFC000  }
0x86: {  	[tilespmem:s15], [sflag:$0x1] =	stream.indirect.gather [hbm4b:s8+s14], $0x80, s26, s14, $0xb8;
	[tilespmem:$0x1E800] =	vst v63  }
0x87: {  	_ =	swait.ge [sflag:s18], $0x4000  }
.Ltmp1:
0x88: {  	[sflag:s18] =	ssyncset.done $0x0;
	(pc) =	sbr.rel @p0 .LBB2_4-.Ltmp1, $4  }
0x89: {  	s25 =	sadd.s32 $0x1480, s25;
	[sflag:s18] =	ssyncadd.s32 $0xFFFFC000  }
0x8a: {  	[spmem:s3] =	stream.indirect.scatter.add.f32 [tilespmem:s16], [sflag:$0x3], $0x80, s25, s14, $0xb8;
	[tilespmem:$0x1E800] =	vst v63  }
0x8b: {  	_ =	swait.ge [sflag:s10], $0x4000  }
0x8c: {  	s26 =	smov.u32 s30;
	s25 =	sshra.s32 s29, $0x2;
	[sflag:s10] =	ssyncset.done $0x0  }
0x8d: {  	s26 =	sadd.s32 $0x80, s25;
	[sflag:s10] =	ssyncadd.s32 $0xFFFFC000  }
0x8e: {  	[tilespmem:s16], [sflag:$0x2] =	stream.indirect.gather [hbm4b:s8+s14], $0x80, s26, s14, $0xb8;
	[tilespmem:$0x1E800] =	vst v63  }
0x8f: {  	_ =	swait.ge [sflag:s17], $0x4000  }
0x90: {  	[sflag:s17] =	ssyncset.done $0x0  }
0x91: {  	s29 =	sadd.s32 $0x1400, s25;
	[sflag:s17] =	ssyncadd.s32 $0xFFFFC000  }
0x92: {  	[spmem:s3] =	stream.indirect.scatter.add.f32 [tilespmem:s15], [sflag:$0x3], $0x80, s29, s14, $0xb8;
	[tilespmem:$0x1E800] =	vst v63  }
0x93: {  	_ =	swait.ge [sflag:s10], $0x4000  }
0x94: {  	[sflag:s10] =	ssyncset.done $0x0  }
0x95: {  	s30 =	sadd.s32 $0x100, s25;
	[sflag:s10] =	ssyncadd.s32 $0xFFFFC000  }
0x96: {  	[tilespmem:s15], [sflag:$0x1] =	stream.indirect.gather [hbm4b:s8+s14], $0x80, s30, s14, $0xb8;
	[tilespmem:$0x1E800] =	vst v63  }
0x97: {  	_ =	swait.ge [sflag:s18], $0x4000  }
0x98: {  	[sflag:s18] =	ssyncset.done $0x0  }
0x99: {  	s31 =	sadd.s32 $0x1480, s25;
	[sflag:s18] =	ssyncadd.s32 $0xFFFFC000  }
0x9a: {  	[spmem:s3] =	stream.indirect.scatter.add.f32 [tilespmem:s16], [sflag:$0x3], $0x80, s31, s14, $0xb8;
	[tilespmem:$0x1E800] =	vst v63  }
0x9b: {  	_ =	swait.ge [sflag:s10], $0x4000  }
0x9c: {  	[sflag:s10] =	ssyncset.done $0x0  }
0x9d: {  	[sflag:s10] =	ssyncadd.s32 $0xFFFFC000  }
0x9e: {  	[tilespmem:s16], [sflag:$0x2] =	stream.indirect.gather [hbm4b:s8+s14], $0x80, s19, s14, $0xb8;
	[tilespmem:$0x1E800] =	vst v63  }
0x9f: {  	_ =	swait.ge [sflag:s17], $0x4000  }
0xa0: {  	[sflag:s17] =	ssyncset.done $0x0  }
0xa1: {  	[sflag:s17] =	ssyncadd.s32 $0xFFFFC000  }
0xa2: {  	[spmem:s3] =	stream.indirect.scatter.add.f32 [tilespmem:s15], [sflag:$0x3], $0x80, s20, s14, $0xb8;
	[tilespmem:$0x1E800] =	vst v63  }
0xa3: {  	_ =	swait.ge [sflag:s10], $0x4000  }
0xa4: {  	[sflag:s10] =	ssyncset.done $0x0  }
0xa5: {  	[sflag:s10] =	ssyncadd.s32 $0xFFFFC000  }
0xa6: {  	_ =	swait.ge [sflag:s18], $0x4000  }
0xa7: {  	[sflag:s18] =	ssyncset.done $0x0  }
0xa8: {  	[sflag:s18] =	ssyncadd.s32 $0xFFFFC000  }
0xa9: {  	[spmem:s3] =	stream.indirect.scatter.add.f32 [tilespmem:s16], [sflag:$0x3], $0x80, s21, s14, $0xb8;
	[tilespmem:$0x1E800] =	vst v63  }
0xaa: {  	_ =	swait.ge [sflag:s10], $0x4000  }
0xab: {  	s24 =	sadd.s32 $0x1, s24;
	[sflag:s10] =	ssyncset.done $0x0  }
0xac: {  	p0 =	sne.s32 s24, s9;
	[sflag:s10] =	ssyncadd.s32 $0xFFFFC000  }
.Ltmp2:
0xad: {  	[bflag:$0x0] =	sbarrier.arrive $0xFFFF;
	(pc) =	sbr.rel @p0 .LBB2_1-.Ltmp2, $4  }
0xae: {  	[hbm:s23], [sflag:s12] =	dma.local [spmem:s13], $0x2800  }
0xaf: {  	_ =	swait.ge [sflag:s10], $0x2800  }
0xb0: {  	[sflag:s10] =	ssyncset.done $0x0  }
0xb1: {  	[sflag:s10] =	ssyncadd.s32 $0xFFFFD800  }
0xb2: {  	_ =	sfence.sel $0x180000  }
0xb3: {  	[bflag:$0x0] =	sbarrier.arrive $0xFFFF  }
0xb4: {  	p0 =	sne.s32 s0, $0x0;
	_ =	strace $0x9000004A  }
0xb5: {  	s0 =	sadd.s32 @!p0 $0x100000, s1;
	[bflag:$0x2] =	sbarrier.arrive $0xFFFF  }
0xb6: {  	[sflag:s0] =	ssyncadd.tile.s32 @!p0 $0x1;
	_ =	shalt  }
.Lfunc_end2:
_tile_overlayer_lowered:
.L_overlay_start_2:
0xb7: {  	(tag) =	ssettag $0x2  }
0xb8: {  	s0 =	rddreg [dreg:$0x0];
	s2 =	stileid.u32  }
0xb9: {  	s1 =	rddreg [dreg:$0x1];
	p0 =	sne.s32 s2, $0x0  }
0xba: {  	s3 =	rddreg [dreg:$0x2];
	[bflag:$0x3] =	sbarrier.arrive $0xFFFF;
	s2 =	simm.s32 @!p0 $0x1C03  }
0xbb: {  	[timem:s3], [sflag:s2] =	dma.local @!p0 [hbm:s0], s1  }
0xbc: {  	s0 =	simm.s32 @!p0 $0x3  }
0xbd: {  	_ =	swait.ge @!p0 [sflag:s0], s1  }
0xbe: {  	s1 =	ssub.s32 @!p0 $0x0, s1;
	[sflag:s0] =	ssyncset.done @!p0 $0x0  }
0xbf: {  	[sflag:s0] =	ssyncadd.s32 @!p0 s1  }
0xc0: {  	[bflag:$0x3] =	sbarrier.arrive $0xFFFF  }
0xc1: {  	_ =	shalt  }

// kernel: kernel.15.cloned.1.call-start
scs
__scs_entry_jumppad:
0x0: {  	(pc) =	sbr.rel $0x88, $3  }
0x1: {  	(tag) =	ssettag $0x0;
	lr =	simm.s32 $0x1  }
0x2: {  	[smem:$0x3F95] =	sst lr;
	_ =	strace $0xD0000000  }
0x3: {  	_ = 	snop  }
0x4: {  	_ = 	snop  }
0x5: {  	_ = 	snop  }
0x6: {  	_ = 	snop  }
0x7: {  	_ = 	snop  }
__scs_overlays_trampoline_lowered:
0x8: {  	[smem:$0x3FA4] =	sst s0  }
0x9: {  	[smem:$0x3FA5] =	sst s1  }
0xa: {  	[smem:$0x3FA6] =	sst s2  }
0xb: {  	[smem:$0x3FA7] =	sst s3  }
0xc: {  	[smem:$0x3FA8] =	sst s4  }
0xd: {  	[smem:$0x3FA9] =	sst s5  }
0xe: {  	[smem:$0x3FAA] =	sst s6  }
0xf: {  	[smem:$0x3FAB] =	sst s7  }
0x10: {  	[smem:$0x3FAC] =	sst s8  }
0x11: {  	[smem:$0x3FAD] =	sst s9;
	s0 =	simm.s32 @!p0 $0x0  }
0x12: {  	s1 =	sld [smem:$0x3F93];
	s0 =	simm.s32 @p0 $0x1  }
0x13: {  	[smem:$0x3FAE] =	sst s0;
	s0 =	simm.s32 @!p1 $0x0  }
0x14: {  	s2 =	sld [smem:$0x3F92];
	s0 =	simm.s32 @p1 $0x1  }
0x15: {  	[smem:$0x3FAF] =	sst s0;
	s0 =	simm.s32 @!p2 $0x0  }
0x16: {  	s3 =	sld [smem:$0x3FDB];
	s0 =	simm.s32 @p2 $0x1  }
0x17: {  	s4 =	simm.s32 $0x1BF5;
	[smem:$0x3FB1] =	sst s0  }
0x18: {  	s0 =	sld [smem:$0x3F94];
	_ =	swait.ge [sflag:s4], $0x0  }
0x19: {  	s7 =	sld [smem:$0x3F95]  }
0x1a: {  	s8 =	sadd.s32 $0xFFFFE003, lr  }
0x1b: {  	s9 =	sadd.s32 $0xFFFFFEF7, lr;
	s5 =	simm.s32 $0xFFFFFFFF;
	p2 =	slt.u32 s8, $0xFFFFF086  }
0x1c: {  	p1 =	slt.u32 s9, $0xF7A;
	s5 =	simm.s32 @!p2 $0x0  }
0x1d: {  	s5 =	simm.s32 @p1 $0x1;
	p0 =	seq.s32 s7, s2  }
0x1e: {  	s7 =	smul.u32 @!p0 $0xF7A, s2;
	p2 =	seq.s32 @!p0 s5, $0x0  }
0x1f: {  	s9 =	smul.u32 $0xF7A, s1;
	s8 =	simm.s32 @!p0 $0x1BF5;
	p2 =	por !p2, p0  }
0x20: {  	[sflag:s8] =	ssyncset.s32 @!p0 $0xFFFFF086;
	s6 =	sadd.s32 @!p0 s3, s7;
	s7 =	simm.s32 @!p0 $0x108  }
0x21: {  	s3 =	sadd.s32 s3, s9;
	s6 =	sadd.s32 @!p0 $0x88, s6;
	s7 =	simm.s32 @p2 $0x1082  }
0x22: {  	[simem:s7], [sflag:s8] =	dma.local @!p0 [hbm:s6], $0xF7A  }
0x23: {  	s9 =	sor.u32 $0xD0000000, s2;
	s6 =	simm.s32 $0x108;
	_ =	swait.ge @!p0 [sflag:s8], $0x0  }
0x24: {  	s3 =	sadd.s32 $0x88, s3;
	s6 =	simm.s32 @!p1 $0x1082;
	[sflag:s4] =	ssyncset.s32 $0xFFFFF086  }
0x25: {  	[simem:s6], [sflag:s4] =	dma.local [hbm:s3], $0xF7A  }
0x26: {  	[smem:$0x3F95] =	sst s1;
	(tag) =	ssettag s2;
	_ =	strace s9  }
0x27: {  	s1 =	sld [smem:$0x3FA5]  }
0x28: {  	s2 =	sld [smem:$0x3FA6]  }
0x29: {  	s4 =	sld [smem:$0x3FA8]  }
0x2a: {  	p0 =	seq.s32 s5, $0x0;
	s5 =	sld [smem:$0x3FA9]  }
0x2b: {  	s6 =	sld [smem:$0x3FAA]  }
0x2c: {  	s7 =	sld [smem:$0x3FAB]  }
0x2d: {  	s3 =	simm.s32 $0x108;
	s8 =	sld [smem:$0x3FAC]  }
0x2e: {  	s3 =	simm.s32 @!p0 $0x1082;
	s9 =	sld [smem:$0x3FAD]  }
0x2f: {  	lr =	sadd.s32 s0, s3;
	s0 =	sld [smem:$0x3FA4]  }
0x30: {  	s3 =	sld [smem:$0x3FA7]  }
0x31: {  	[smem:$0x3FB0] =	sst s10  }
0x32: {  	s10 =	sld [smem:$0x3FAE];
	_ =	sdelay $0x3  }
0x33: {  	p0 =	seq.s32 s10, $0x1;
	s10 =	sld [smem:$0x3FB0];
	_ =	sdelay $0x3  }
0x34: {  	[smem:$0x3FB0] =	sst s10  }
0x35: {  	s10 =	sld [smem:$0x3FAF];
	_ =	sdelay $0x3  }
0x36: {  	p1 =	seq.s32 s10, $0x1;
	s10 =	sld [smem:$0x3FB0];
	_ =	sdelay $0x3  }
0x37: {  	[smem:$0x3FB0] =	sst s10  }
0x38: {  	s10 =	sld [smem:$0x3FB1]  }
0x39: {  	_ = 	snop;
	(pc) =	sbr.ind lr, $3  }
0x3a: {  	_ = 	snop  }
0x3b: {  	_ = 	snop  }
0x3c: {  	p2 =	seq.s32 s10, $0x1;
	s10 =	sld [smem:$0x3FB0]  }
0x3d: {  	_ =	shalt  }
0x3e: {  	_ =	shalt  }
0x3f: {  	_ =	shalt  }
0x40: {  	_ =	shalt  }
0x41: {  	_ =	shalt  }
0x42: {  	_ =	shalt  }
0x43: {  	_ =	shalt  }
0x44: {  	_ =	shalt  }
0x45: {  	_ =	shalt  }
0x46: {  	_ =	shalt  }
0x47: {  	_ =	shalt  }
0x48: {  	_ =	shalt  }
0x49: {  	_ =	shalt  }
0x4a: {  	_ =	shalt  }
0x4b: {  	_ =	shalt  }
0x4c: {  	_ =	shalt  }
0x4d: {  	_ =	shalt  }
0x4e: {  	_ =	shalt  }
0x4f: {  	_ =	shalt  }
0x50: {  	_ =	shalt  }
0x51: {  	_ =	shalt  }
0x52: {  	_ =	shalt  }
0x53: {  	_ =	shalt  }
0x54: {  	_ =	shalt  }
0x55: {  	_ =	shalt  }
0x56: {  	_ =	shalt  }
0x57: {  	_ =	shalt  }
0x58: {  	_ =	shalt  }
0x59: {  	_ =	shalt  }
0x5a: {  	_ =	shalt  }
0x5b: {  	_ =	shalt  }
0x5c: {  	_ =	shalt  }
0x5d: {  	_ =	shalt  }
0x5e: {  	_ =	shalt  }
0x5f: {  	_ =	shalt  }
0x60: {  	_ =	shalt  }
0x61: {  	_ =	shalt  }
0x62: {  	_ =	shalt  }
0x63: {  	_ =	shalt  }
0x64: {  	_ =	shalt  }
0x65: {  	_ =	shalt  }
0x66: {  	_ =	shalt  }
0x67: {  	_ =	shalt  }
0x68: {  	_ =	shalt  }
0x69: {  	_ =	shalt  }
0x6a: {  	_ =	shalt  }
0x6b: {  	_ =	shalt  }
0x6c: {  	_ =	shalt  }
0x6d: {  	_ =	shalt  }
0x6e: {  	_ =	shalt  }
0x6f: {  	_ =	shalt  }
0x70: {  	_ =	shalt  }
0x71: {  	_ =	shalt  }
0x72: {  	_ =	shalt  }
0x73: {  	_ =	shalt  }
0x74: {  	_ =	shalt  }
0x75: {  	_ =	shalt  }
0x76: {  	_ =	shalt  }
0x77: {  	_ =	shalt  }
0x78: {  	_ =	shalt  }
0x79: {  	_ =	shalt  }
0x7a: {  	_ =	shalt  }
0x7b: {  	_ =	shalt  }
0x7c: {  	_ =	shalt  }
0x7d: {  	_ =	shalt  }
0x7e: {  	_ =	shalt  }
0x7f: {  	_ =	shalt  }
0x80: {  	_ =	shalt  }
0x81: {  	_ =	shalt  }
0x82: {  	_ =	shalt  }
0x83: {  	_ =	shalt  }
0x84: {  	_ =	shalt  }
0x85: {  	_ =	shalt  }
0x86: {  	_ =	shalt  }
0x87: {  	_ =	shalt  }
.Lfunc_end0:
.L_simem_size_0:
called_computation.2_lowered:
.L_overlay_start_0:
0x88: {  	s2 =	sld [smem:$0x3FD9]  }
0x89: {  	s3 =	sld [smem:$0x3FFE];
	_ =	sdelay $0x1  }
0x8a: {  	s1 =	srdreg.scid  }
0x8b: {  	s0 =	sand.u32 $0x1, s1  }
0x8c: {  	s14 =	sshll.u32 s0, $0xA;
	s2 =	sadd.s32 s3, s2  }
0x8d: {  	s2 =	sadd.s32 s2, s14  }
0x8e: {  	[smem:$0x3FBC] =	sst s2  }
0x8f: {  	_ = 	snop  }
0x90: {  	s2 =	sld [smem:$0x3FD0];
	_ =	sdelay $0x2  }
0x91: {  	s15 =	simm.s32 $0xB;
	s4 =	simm.s32 $0x10  }
0x92: {  	[smem:s4], [sflag:s15] =	dma.local [hbm:s2], $0x1  }
0x93: {  	_ =	swait.eq [sflag:s15], $0x1  }
0x94: {  	[sflag:s15] =	ssyncset.done $0x0  }
0x95: {  	[sflag:s15] =	ssyncadd.s32 $0xFFFFFFFF  }
0x96: {  	s16 =	sld [smem:$0x10];
	(tm) =	ssettm $0x1  }
0x97: {  	s17 =	sld [smem:$0x3FFB];
	_ =	sdelay $0x3  }
0x98: {  	_ =	strace s17  }
0x99: {  	s3 =	sld [smem:$0x3FFC];
	_ =	sdelay $0x3  }
0x9a: {  	_ =	strace s3  }
0x9b: {  	s3 =	sld [smem:$0x3FFD];
	_ =	sdelay $0x3  }
0x9c: {  	_ =	strace s3  }
0x9d: {  	_ =	strace $0x8FFFFFFF  }
0x9e: {  	s18 =	sld [smem:$0x3FDB];
	_ =	sdelay $0x1  }
0x9f: {  	s19 =	simm.s32 $_scs_section_size  }
0xa0: {  	s5 =	simm.s32 $_size__tile_overlayer_lowered;
	s6 =	simm.s32 $_tile_overlayer_lowered  }
0xa1: {  	s22 =	simm.s32 $0x1BFF;
	s21 =	sshll.u32 s6, $0x1;
	s3 =	sadd.s32 s19, s18  }
0xa2: {  	s7 =	simm.s32 $0x0;
	s20 =	sshll.u32 s5, $0x1;
	s5 =	sadd.s32 s21, s3  }
0xa3: {  	[timem:s7], [sflag:s22] =	dma.local [hbm:s5], s20  }
0xa4: {  	_ =	swait.ge [sflag:s22], s20  }
0xa5: {  	s4 =	ssub.s32 $0x0, s20;
	[sflag:s22] =	ssyncset.done $0x0  }
0xa6: {  	[sflag:s22] =	ssyncadd.s32 s4;
	_ =	sdelay $0x1  }
0xa7: {  	s23 =	simm.s32 $0x1B8B  }
0xa8: {  	_ =	swait.ge [sflag:s23], $0x1  }
0xa9: {  	[sflag:s23] =	ssyncset.done $0x0  }
0xaa: {  	s25 =	simm.s32 $0x1B8E;
	s24 =	sld [smem:$0x3FFE];
	[sflag:s23] =	ssyncadd.s32 $0xFFFFFFFF  }
0xab: {  	s26 =	simm.s32 $execute0_lowered;
	[smem:$0x3FD2] =	sst s25  }
0xac: {  	s5 =	sshll.u32 s26, $0x1;
	_ =	strace $0x8000004C;
	[dreg:$0x1] =	wrdreg $0xFFFFFFFF  }
0xad: {  	s28 =	simm.s32 $_size_execute0_lowered;
	s3 =	sadd.s32 s3, s5;
	[dreg:$0x0] =	wrdreg $0x0  }
0xae: {  	s5 =	sshll.u32 s28, $0x1;
	[dreg:$0x2] =	wrdreg s3  }
0xaf: {  	[dreg:$0x3] =	wrdreg s5  }
0xb0: {  	[dreg:$0x4] =	wrdreg $0xC0  }
0xb1: {  	_ =	task [dreg:s7], $0x5FFFF  }
0xb2: {  	[dreg:$0x1] =	wrdreg $0xFFFFFFFF  }
0xb3: {  	[dreg:$0x0] =	wrdreg $0x60  }
0xb4: {  	[dreg:$0x2] =	wrdreg s24  }
0xb5: {  	[dreg:$0x3] =	wrdreg s16  }
0xb6: {  	[dreg:$0x4] =	wrdreg $0xA8000  }
0xb7: {  	[dreg:$0x5] =	wrdreg $0x9  }
0xb8: {  	_ =	task.clear_ibuf [dreg:s7], $0x6FFFF;
	_ =	strace $0x9000004C  }
0xb9: {  	s29 =	simm.s32 $0x9;
	_ =	strace $0x8000004E  }
0xba: {  	_ =	swait.ge [sflag:s29], $0x1  }
0xbb: {  	[sflag:s29] =	ssyncadd.s32 $0xFFFFFFFF  }
0xbc: {  	_ =	strace $0x9000004E  }
0xbd: {  	_ =	sfence  }
0xbe: {  	s30 =	sld [smem:$0x0];
	_ =	sdelay $0x2  }
0xbf: {  	s31 =	sshll.u32 s1, $0xD;
	s1 =	sshrl.u32 s1, $0x2  }
0xc0: {  	s3 =	sand.u32 $0x4000, s31;
	s1 =	sadd.s32 s1, s30  }
0xc1: {  	s0 =	sor.u32 s3, s0;
	s1 =	sshll.u32 s1, $0x11  }
0xc2: {  	s0 =	sor.u32 s1, s0  }
0xc3: {  	s0 =	sadd.s32 $0x8F2B, s0  }
0xc4: {  	[sflag:s0] =	ssyncadd.remote.s32 $0x1  }
0xc5: {  	_ =	sfence.sel $0xFFFF  }
0xc6: {  	[dreg:$0x0] =	wrdreg $0xFFFFFFFF;
	(pc) =	sbr.abs _section_cstart, $3  }
0xc7: {  	[dreg:$0x1] =	wrdreg $0xFFFFFFFF  }
0xc8: {  	_ =	task.clear_ibuf [dreg:s7], $0x2FFFF;
	_ =	strace $0x9FFFFFFF  }
0xc9: {  	(tm) =	ssettm $0x7FFFFFFF  }
tec
execute0_lowered:
.L_overlay_start_1:
0x0: {  	(tag) =	ssettag $0x1  }
0x1: {  	s11 =	rddreg [dreg:$0x0]  }
0x2: {  	s1 =	srdreg.scid;
	s2 =	rddreg [dreg:$0x1]  }
0x3: {  	s0 =	stileid.u32;
	s3 =	rddreg [dreg:$0x2]  }
0x4: {  	s4 =	simm.s32 $0x0;
	s16 =	simm.s32 $0x80;
	s17 =	simm.s32 $0x2800  }
0x5: {  	s18 =	simm.s32 $0x6800;
	s19 =	simm.s32 $0x1;
	s26 =	simm.s32 $0x2700  }
0x6: {  	s28 =	simm.s32 $0x2780;
	s29 =	simm.s32 $0x0;
	s5 =	sand.u32 $0x1, s1  }
0x7: {  	s30 =	sshll.u32 s0, $0x1;
	[smem:$0x7FF] =	sst s4;
	s8 =	smul.u32 $0x50000, s0  }
0x8: {  	s24 =	smul.u32 $0x2800, s0;
	s22 =	sadd.s32 $0x67000, s11;
	s23 =	sadd.s32 $0xB7000, s11  }
0x9: {  	s25 =	sadd.s32 $0x107000, s11;
	s14 =	sshll.u32 s0, $0x6;
	s6 =	sor.u32 s5, s30  }
0xa: {  	s20 =	smul.u32 $0x28000, s5;
	_ =	strace $0x8000004D;
	s7 =	ssub.s32 $0x2, s5  }
0xb: {  	s5 =	sadd.s32 $0x169200, s11;
	s14 =	sor.u32 $0x1C03, s14;
	s6 =	smul.u32 $0x280, s6  }
0xc: {  	s31 =	sshrl.u32 s7, $0x1;
	s8 =	sshrl.u32 s8, $0x2;
	s10 =	sadd.s32 s20, s11  }
0xd: {  	s12 =	ssub.s32 s7, s31;
	s15 =	sadd.s32 s8, s3;
	s8 =	sadd.s32 $0x190300, s11  }
0xe: {  	s22 =	sadd.s32 s20, s22;
	s23 =	sadd.s32 s20, s23;
	s25 =	sadd.s32 s20, s25  }
0xf: {  	s20 =	simm.s32 $0x2;
	s9 =	sadd.s32 s6, s11;
	s21 =	sadd.s32 $0x17000, s10  }
0x10: {  	s10 =	sadd.s32 $0x1DE500, s11;
	s15 =	sshrl.u32 s15, $0x3;
	s22 =	sadd.s32 s24, s22  }
0x11: {  	s23 =	sadd.s32 s24, s23;
	s6 =	sadd.s32 $0x11600, s9;
	s7 =	sadd.s32 $0xC600, s9  }
0x12: {  	s9 =	sadd.s32 $0x1B7400, s11;
	s11 =	smax.u32 s12, $0x1;
	s12 =	simm.s32 $0x3  }
0x13: {  	s21 =	sadd.s32 s24, s21;
	s24 =	sadd.s32 s24, s25;
	s25 =	simm.s32 $0x1380  }
.LBB2_1:
0x14: {  	[tilespmem:s4], [sflag:$0x3] =	stream.linear.gather [hbm4b:s6+s4], $0x1400, $0x38;
	[tilespmem:$0x1E800] =	vst v63  }
0x15: {  	_ =	swait.ge [sflag:s12], $0x1400  }
0x16: {  	[sflag:s12] =	ssyncset.done $0x0  }
0x17: {  	s0 =	simm.s32 $0x1400;
	[sflag:s12] =	ssyncadd.s32 $0xFFFFEC00  }
0x18: {  	[tilespmem:s0], [sflag:$0x3] =	stream.linear.gather [hbm4b:s7+s4], $0x1400, $0x38;
	[tilespmem:$0x1E800] =	vst v63  }
0x19: {  	_ =	swait.ge [sflag:s12], $0x1400  }
0x1a: {  	[sflag:s12] =	ssyncset.done $0x0  }
0x1b: {  	[sflag:s12] =	ssyncadd.s32 $0xFFFFEC00  }
0x1c: {  	[spmem:s15], [sflag:s14] =	dma.local [hbm:s2], $0x2800  }
0x1d: {  	_ =	swait.ge [sflag:s12], $0x2800  }
0x1e: {  	[sflag:s12] =	ssyncset.done $0x0  }
0x1f: {  	[sflag:s12] =	ssyncadd.s32 $0xFFFFD800  }
0x20: {  	[bflag:$0x0] =	sbarrier.arrive $0xFFFF  }
0x21: {  	[tilespmem:s17], [sflag:$0x1] =	stream.indirect.gather [hbm4b:s5+s16], $0x80, s4, s16, $0xb8;
	[tilespmem:$0x1E800] =	vst v63  }
0x22: {  	s30 =	simm.s32 $0x80  }
0x23: {  	[tilespmem:s18], [sflag:$0x2] =	stream.indirect.gather [hbm4b:s5+s16], $0x80, s30, s16, $0xb8;
	[tilespmem:$0x1E800] =	vst v63  }
0x24: {  	_ =	swait.ge [sflag:s19], $0x4000  }
0x25: {  	[sflag:s19] =	ssyncset.done $0x0  }
0x26: {  	s30 =	simm.s32 $0x1400;
	[sflag:s19] =	ssyncadd.s32 $0xFFFFC000  }
0x27: {  	[spmem:s3] =	stream.indirect.scatter.add.f32 [tilespmem:s17], [sflag:$0x3], $0x80, s30, s16, $0xb8;
	[tilespmem:$0x1E800] =	vst v63  }
0x28: {  	_ =	swait.ge [sflag:s12], $0x4000  }
0x29: {  	[sflag:s12] =	ssyncset.done $0x0  }
0x2a: {  	s30 =	simm.s32 $0x100;
	[sflag:s12] =	ssyncadd.s32 $0xFFFFC000  }
0x2b: {  	[tilespmem:s17], [sflag:$0x1] =	stream.indirect.gather [hbm4b:s5+s16], $0x80, s30, s16, $0xb8;
	[tilespmem:$0x1E800] =	vst v63  }
0x2c: {  	_ =	swait.ge [sflag:s20], $0x4000  }
0x2d: {  	[sflag:s20] =	ssyncset.done $0x0  }
0x2e: {  	s30 =	simm.s32 $0x1480;
	[sflag:s20] =	ssyncadd.s32 $0xFFFFC000  }
0x2f: {  	[spmem:s3] =	stream.indirect.scatter.add.f32 [tilespmem:s18], [sflag:$0x3], $0x80, s30, s16, $0xb8;
	[tilespmem:$0x1E800] =	vst v63  }
0x30: {  	_ =	swait.ge [sflag:s12], $0x4000  }
0x31: {  	s31 =	simm.s32 $0x800;
	s30 =	simm.s32 $0x100;
	[sflag:s12] =	ssyncset.done $0x0  }
.LBB2_2:
0x32: {  	s1 =	sadd.s32 $0x80, s30  }
0x33: {  	[sflag:s12] =	ssyncadd.s32 $0xFFFFC000;
	s0 =	smov.u32 s31;
	s13 =	sadd.s32 $0x400, s31  }
0x34: {  	[tilespmem:s18], [sflag:$0x2] =	stream.indirect.gather [hbm4b:s5+s16], $0x80, s1, s16, $0xb8;
	[tilespmem:$0x1E800] =	vst v63  }
0x35: {  	p0 =	sne.s32 s31, $0x4800;
	_ =	swait.ge [sflag:s19], $0x4000  }
0x36: {  	[sflag:s19] =	ssyncset.done $0x0  }
0x37: {  	s1 =	sadd.s32 $0x1400, s30;
	[sflag:s19] =	ssyncadd.s32 $0xFFFFC000  }
0x38: {  	[spmem:s3] =	stream.indirect.scatter.add.f32 [tilespmem:s17], [sflag:$0x3], $0x80, s1, s16, $0xb8;
	[tilespmem:$0x1E800] =	vst v63  }
0x39: {  	_ =	swait.ge [sflag:s12], $0x4000  }
0x3a: {  	[sflag:s12] =	ssyncset.done $0x0  }
0x3b: {  	s1 =	sadd.s32 $0x100, s30;
	[sflag:s12] =	ssyncadd.s32 $0xFFFFC000  }
0x3c: {  	[tilespmem:s17], [sflag:$0x1] =	stream.indirect.gather [hbm4b:s5+s16], $0x80, s1, s16, $0xb8;
	[tilespmem:$0x1E800] =	vst v63  }
0x3d: {  	_ =	swait.ge [sflag:s20], $0x4000  }
.Ltmp0:
0x3e: {  	[sflag:s20] =	ssyncset.done $0x0;
	(pc) =	sbr.rel @p0 .LBB2_2-.Ltmp0, $4  }
0x3f: {  	s1 =	sadd.s32 $0x1480, s30;
	[sflag:s20] =	ssyncadd.s32 $0xFFFFC000  }
0x40: {  	[spmem:s3] =	stream.indirect.scatter.add.f32 [tilespmem:s18], [sflag:$0x3], $0x80, s1, s16, $0xb8;
	[tilespmem:$0x1E800] =	vst v63  }
0x41: {  	_ =	swait.ge [sflag:s12], $0x4000  }
0x42: {  	s31 =	smov.u32 s13;
	s30 =	sshra.s32 s0, $0x2;
	[sflag:s12] =	ssyncset.done $0x0  }
0x43: {  	s0 =	sadd.s32 $0x80, s30;
	[sflag:s12] =	ssyncadd.s32 $0xFFFFC000  }
0x44: {  	[tilespmem:s18], [sflag:$0x2] =	stream.indirect.gather [hbm4b:s5+s16], $0x80, s0, s16, $0xb8;
	[tilespmem:$0x1E800] =	vst v63  }
0x45: {  	_ =	swait.ge [sflag:s19], $0x4000  }
0x46: {  	[sflag:s19] =	ssyncset.done $0x0  }
0x47: {  	s1 =	sadd.s32 $0x1400, s30;
	[sflag:s19] =	ssyncadd.s32 $0xFFFFC000  }
0x48: {  	[spmem:s3] =	stream.indirect.scatter.add.f32 [tilespmem:s17], [sflag:$0x3], $0x80, s1, s16, $0xb8;
	[tilespmem:$0x1E800] =	vst v63  }
0x49: {  	_ =	swait.ge [sflag:s12], $0x4000  }
0x4a: {  	[sflag:s12] =	ssyncset.done $0x0  }
0x4b: {  	s13 =	sadd.s32 $0x100, s30;
	[sflag:s12] =	ssyncadd.s32 $0xFFFFC000  }
0x4c: {  	[tilespmem:s17], [sflag:$0x1] =	stream.indirect.gather [hbm4b:s5+s16], $0x80, s13, s16, $0xb8;
	[tilespmem:$0x1E800] =	vst v63  }
0x4d: {  	_ =	swait.ge [sflag:s20], $0x4000  }
0x4e: {  	[sflag:s20] =	ssyncset.done $0x0  }
0x4f: {  	s1 =	sadd.s32 $0x1480, s30;
	[sflag:s20] =	ssyncadd.s32 $0xFFFFC000  }
0x50: {  	[spmem:s3] =	stream.indirect.scatter.add.f32 [tilespmem:s18], [sflag:$0x3], $0x80, s1, s16, $0xb8;
	[tilespmem:$0x1E800] =	vst v63  }
0x51: {  	_ =	swait.ge [sflag:s12], $0x4000  }
0x52: {  	[sflag:s12] =	ssyncset.done $0x0  }
0x53: {  	[sflag:s12] =	ssyncadd.s32 $0xFFFFC000  }
0x54: {  	[tilespmem:s18], [sflag:$0x2] =	stream.indirect.gather [hbm4b:s5+s16], $0x80, s25, s16, $0xb8;
	[tilespmem:$0x1E800] =	vst v63  }
0x55: {  	_ =	swait.ge [sflag:s19], $0x4000  }
0x56: {  	[sflag:s19] =	ssyncset.done $0x0  }
0x57: {  	[sflag:s19] =	ssyncadd.s32 $0xFFFFC000  }
0x58: {  	[spmem:s3] =	stream.indirect.scatter.add.f32 [tilespmem:s17], [sflag:$0x3], $0x80, s26, s16, $0xb8;
	[tilespmem:$0x1E800] =	vst v63  }
0x59: {  	_ =	swait.ge [sflag:s12], $0x4000  }
0x5a: {  	[sflag:s12] =	ssyncset.done $0x0  }
0x5b: {  	[sflag:s12] =	ssyncadd.s32 $0xFFFFC000  }
0x5c: {  	_ =	swait.ge [sflag:s20], $0x4000  }
0x5d: {  	[sflag:s20] =	ssyncset.done $0x0  }
0x5e: {  	[sflag:s20] =	ssyncadd.s32 $0xFFFFC000  }
0x5f: {  	[spmem:s3] =	stream.indirect.scatter.add.f32 [tilespmem:s18], [sflag:$0x3], $0x80, s28, s16, $0xb8;
	[tilespmem:$0x1E800] =	vst v63  }
0x60: {  	_ =	swait.ge [sflag:s12], $0x4000  }
0x61: {  	[sflag:s12] =	ssyncset.done $0x0  }
0x62: {  	[sflag:s12] =	ssyncadd.s32 $0xFFFFC000  }
0x63: {  	[bflag:$0x0] =	sbarrier.arrive $0xFFFF  }
0x64: {  	[hbm:s21], [sflag:s14] =	dma.local [spmem:s15], $0x2800  }
0x65: {  	_ =	swait.ge [sflag:s12], $0x2800  }
0x66: {  	[sflag:s12] =	ssyncset.done $0x0  }
0x67: {  	[sflag:s12] =	ssyncadd.s32 $0xFFFFD800  }
0x68: {  	[spmem:s15], [sflag:s14] =	dma.local [hbm:s2], $0x2800  }
0x69: {  	_ =	swait.ge [sflag:s12], $0x2800  }
0x6a: {  	[sflag:s12] =	ssyncset.done $0x0  }
0x6b: {  	[sflag:s12] =	ssyncadd.s32 $0xFFFFD800  }
0x6c: {  	s13 =	simm.s32 $0x0;
	[bflag:$0x0] =	sbarrier.arrive $0xFFFF  }
0x6d: {  	[tilespmem:s17], [sflag:$0x1] =	stream.indirect.gather [hbm4b:s8+s16], $0x80, s13, s16, $0xb8;
	[tilespmem:$0x1E800] =	vst v63  }
0x6e: {  	s1 =	simm.s32 $0x80  }
0x6f: {  	[tilespmem:s18], [sflag:$0x2] =	stream.indirect.gather [hbm4b:s8+s16], $0x80, s1, s16, $0xb8;
	[tilespmem:$0x1E800] =	vst v63  }
0x70: {  	_ =	swait.ge [sflag:s19], $0x4000  }
0x71: {  	[sflag:s19] =	ssyncset.done $0x0  }
0x72: {  	s13 =	simm.s32 $0x1400;
	[sflag:s19] =	ssyncadd.s32 $0xFFFFC000  }
0x73: {  	[spmem:s3] =	stream.indirect.scatter.add.f32 [tilespmem:s17], [sflag:$0x3], $0x80, s13, s16, $0xb8;
	[tilespmem:$0x1E800] =	vst v63  }
0x74: {  	_ =	swait.ge [sflag:s12], $0x4000  }
0x75: {  	[sflag:s12] =	ssyncset.done $0x0  }
0x76: {  	s1 =	simm.s32 $0x100;
	[sflag:s12] =	ssyncadd.s32 $0xFFFFC000  }
0x77: {  	[tilespmem:s17], [sflag:$0x1] =	stream.indirect.gather [hbm4b:s8+s16], $0x80, s1, s16, $0xb8;
	[tilespmem:$0x1E800] =	vst v63  }
0x78: {  	_ =	swait.ge [sflag:s20], $0x4000  }
0x79: {  	[sflag:s20] =	ssyncset.done $0x0  }
0x7a: {  	s13 =	simm.s32 $0x1480;
	[sflag:s20] =	ssyncadd.s32 $0xFFFFC000  }
0x7b: {  	[spmem:s3] =	stream.indirect.scatter.add.f32 [tilespmem:s18], [sflag:$0x3], $0x80, s13, s16, $0xb8;
	[tilespmem:$0x1E800] =	vst v63  }
0x7c: {  	_ =	swait.ge [sflag:s12], $0x4000  }
0x7d: {  	s31 =	simm.s32 $0x800;
	s30 =	simm.s32 $0x100;
	[sflag:s12] =	ssyncset.done $0x0  }
.LBB2_4:
0x7e: {  	s0 =	sadd.s32 $0x80, s30  }
0x7f: {  	[sflag:s12] =	ssyncadd.s32 $0xFFFFC000;
	s1 =	smov.u32 s31;
	s13 =	sadd.s32 $0x400, s31  }
0x80: {  	[tilespmem:s18], [sflag:$0x2] =	stream.indirect.gather [hbm4b:s8+s16], $0x80, s0, s16, $0xb8;
	[tilespmem:$0x1E800] =	vst v63  }
0x81: {  	p0 =	sne.s32 s31, $0x4800;
	_ =	swait.ge [sflag:s19], $0x4000  }
0x82: {  	[sflag:s19] =	ssyncset.done $0x0  }
0x83: {  	s0 =	sadd.s32 $0x1400, s30;
	[sflag:s19] =	ssyncadd.s32 $0xFFFFC000  }
0x84: {  	[spmem:s3] =	stream.indirect.scatter.add.f32 [tilespmem:s17], [sflag:$0x3], $0x80, s0, s16, $0xb8;
	[tilespmem:$0x1E800] =	vst v63  }
0x85: {  	_ =	swait.ge [sflag:s12], $0x4000  }
0x86: {  	[sflag:s12] =	ssyncset.done $0x0  }
0x87: {  	s0 =	sadd.s32 $0x100, s30;
	[sflag:s12] =	ssyncadd.s32 $0xFFFFC000  }
0x88: {  	[tilespmem:s17], [sflag:$0x1] =	stream.indirect.gather [hbm4b:s8+s16], $0x80, s0, s16, $0xb8;
	[tilespmem:$0x1E800] =	vst v63  }
0x89: {  	_ =	swait.ge [sflag:s20], $0x4000  }
.Ltmp1:
0x8a: {  	[sflag:s20] =	ssyncset.done $0x0;
	(pc) =	sbr.rel @p0 .LBB2_4-.Ltmp1, $4  }
0x8b: {  	s0 =	sadd.s32 $0x1480, s30;
	[sflag:s20] =	ssyncadd.s32 $0xFFFFC000  }
0x8c: {  	[spmem:s3] =	stream.indirect.scatter.add.f32 [tilespmem:s18], [sflag:$0x3], $0x80, s0, s16, $0xb8;
	[tilespmem:$0x1E800] =	vst v63  }
0x8d: {  	_ =	swait.ge [sflag:s12], $0x4000  }
0x8e: {  	s31 =	smov.u32 s13;
	s30 =	sshra.s32 s1, $0x2;
	[sflag:s12] =	ssyncset.done $0x0  }
0x8f: {  	s0 =	sadd.s32 $0x80, s30;
	[sflag:s12] =	ssyncadd.s32 $0xFFFFC000  }
0x90: {  	[tilespmem:s18], [sflag:$0x2] =	stream.indirect.gather [hbm4b:s8+s16], $0x80, s0, s16, $0xb8;
	[tilespmem:$0x1E800] =	vst v63  }
0x91: {  	_ =	swait.ge [sflag:s19], $0x4000  }
0x92: {  	[sflag:s19] =	ssyncset.done $0x0  }
0x93: {  	s1 =	sadd.s32 $0x1400, s30;
	[sflag:s19] =	ssyncadd.s32 $0xFFFFC000  }
0x94: {  	[spmem:s3] =	stream.indirect.scatter.add.f32 [tilespmem:s17], [sflag:$0x3], $0x80, s1, s16, $0xb8;
	[tilespmem:$0x1E800] =	vst v63  }
0x95: {  	_ =	swait.ge [sflag:s12], $0x4000  }
0x96: {  	[sflag:s12] =	ssyncset.done $0x0  }
0x97: {  	s13 =	sadd.s32 $0x100, s30;
	[sflag:s12] =	ssyncadd.s32 $0xFFFFC000  }
0x98: {  	[tilespmem:s17], [sflag:$0x1] =	stream.indirect.gather [hbm4b:s8+s16], $0x80, s13, s16, $0xb8;
	[tilespmem:$0x1E800] =	vst v63  }
0x99: {  	_ =	swait.ge [sflag:s20], $0x4000  }
0x9a: {  	[sflag:s20] =	ssyncset.done $0x0  }
0x9b: {  	s1 =	sadd.s32 $0x1480, s30;
	[sflag:s20] =	ssyncadd.s32 $0xFFFFC000  }
0x9c: {  	[spmem:s3] =	stream.indirect.scatter.add.f32 [tilespmem:s18], [sflag:$0x3], $0x80, s1, s16, $0xb8;
	[tilespmem:$0x1E800] =	vst v63  }
0x9d: {  	_ =	swait.ge [sflag:s12], $0x4000  }
0x9e: {  	[sflag:s12] =	ssyncset.done $0x0  }
0x9f: {  	[sflag:s12] =	ssyncadd.s32 $0xFFFFC000  }
0xa0: {  	[tilespmem:s18], [sflag:$0x2] =	stream.indirect.gather [hbm4b:s8+s16], $0x80, s25, s16, $0xb8;
	[tilespmem:$0x1E800] =	vst v63  }
0xa1: {  	_ =	swait.ge [sflag:s19], $0x4000  }
0xa2: {  	[sflag:s19] =	ssyncset.done $0x0  }
0xa3: {  	[sflag:s19] =	ssyncadd.s32 $0xFFFFC000  }
0xa4: {  	[spmem:s3] =	stream.indirect.scatter.add.f32 [tilespmem:s17], [sflag:$0x3], $0x80, s26, s16, $0xb8;
	[tilespmem:$0x1E800] =	vst v63  }
0xa5: {  	_ =	swait.ge [sflag:s12], $0x4000  }
0xa6: {  	[sflag:s12] =	ssyncset.done $0x0  }
0xa7: {  	[sflag:s12] =	ssyncadd.s32 $0xFFFFC000  }
0xa8: {  	_ =	swait.ge [sflag:s20], $0x4000  }
0xa9: {  	[sflag:s20] =	ssyncset.done $0x0  }
0xaa: {  	[sflag:s20] =	ssyncadd.s32 $0xFFFFC000  }
0xab: {  	[spmem:s3] =	stream.indirect.scatter.add.f32 [tilespmem:s18], [sflag:$0x3], $0x80, s28, s16, $0xb8;
	[tilespmem:$0x1E800] =	vst v63  }
0xac: {  	_ =	swait.ge [sflag:s12], $0x4000  }
0xad: {  	[sflag:s12] =	ssyncset.done $0x0  }
0xae: {  	[sflag:s12] =	ssyncadd.s32 $0xFFFFC000  }
0xaf: {  	[bflag:$0x0] =	sbarrier.arrive $0xFFFF  }
0xb0: {  	[hbm:s22], [sflag:s14] =	dma.local [spmem:s15], $0x2800  }
0xb1: {  	_ =	swait.ge [sflag:s12], $0x2800  }
0xb2: {  	[sflag:s12] =	ssyncset.done $0x0  }
0xb3: {  	[sflag:s12] =	ssyncadd.s32 $0xFFFFD800  }
0xb4: {  	[spmem:s15], [sflag:s14] =	dma.local [hbm:s2], $0x2800  }
0xb5: {  	_ =	swait.ge [sflag:s12], $0x2800  }
0xb6: {  	[sflag:s12] =	ssyncset.done $0x0  }
0xb7: {  	[sflag:s12] =	ssyncadd.s32 $0xFFFFD800  }
0xb8: {  	s13 =	simm.s32 $0x0;
	[bflag:$0x0] =	sbarrier.arrive $0xFFFF  }
0xb9: {  	[tilespmem:s17], [sflag:$0x1] =	stream.indirect.gather [hbm4b:s9+s16], $0x80, s13, s16, $0xb8;
	[tilespmem:$0x1E800] =	vst v63  }
0xba: {  	s1 =	simm.s32 $0x80  }
0xbb: {  	[tilespmem:s18], [sflag:$0x2] =	stream.indirect.gather [hbm4b:s9+s16], $0x80, s1, s16, $0xb8;
	[tilespmem:$0x1E800] =	vst v63  }
0xbc: {  	_ =	swait.ge [sflag:s19], $0x4000  }
0xbd: {  	[sflag:s19] =	ssyncset.done $0x0  }
0xbe: {  	s13 =	simm.s32 $0x1400;
	[sflag:s19] =	ssyncadd.s32 $0xFFFFC000  }
0xbf: {  	[spmem:s3] =	stream.indirect.scatter.add.f32 [tilespmem:s17], [sflag:$0x3], $0x80, s13, s16, $0xb8;
	[tilespmem:$0x1E800] =	vst v63  }
0xc0: {  	_ =	swait.ge [sflag:s12], $0x4000  }
0xc1: {  	[sflag:s12] =	ssyncset.done $0x0  }
0xc2: {  	s1 =	simm.s32 $0x100;
	[sflag:s12] =	ssyncadd.s32 $0xFFFFC000  }
0xc3: {  	[tilespmem:s17], [sflag:$0x1] =	stream.indirect.gather [hbm4b:s9+s16], $0x80, s1, s16, $0xb8;
	[tilespmem:$0x1E800] =	vst v63  }
0xc4: {  	_ =	swait.ge [sflag:s20], $0x4000  }
0xc5: {  	[sflag:s20] =	ssyncset.done $0x0  }
0xc6: {  	s13 =	simm.s32 $0x1480;
	[sflag:s20] =	ssyncadd.s32 $0xFFFFC000  }
0xc7: {  	[spmem:s3] =	stream.indirect.scatter.add.f32 [tilespmem:s18], [sflag:$0x3], $0x80, s13, s16, $0xb8;
	[tilespmem:$0x1E800] =	vst v63  }
0xc8: {  	_ =	swait.ge [sflag:s12], $0x4000  }
0xc9: {  	s31 =	simm.s32 $0x800;
	s30 =	simm.s32 $0x100;
	[sflag:s12] =	ssyncset.done $0x0  }
.LBB2_6:
0xca: {  	s0 =	sadd.s32 $0x80, s30  }
0xcb: {  	[sflag:s12] =	ssyncadd.s32 $0xFFFFC000;
	s1 =	smov.u32 s31;
	s13 =	sadd.s32 $0x400, s31  }
0xcc: {  	[tilespmem:s18], [sflag:$0x2] =	stream.indirect.gather [hbm4b:s9+s16], $0x80, s0, s16, $0xb8;
	[tilespmem:$0x1E800] =	vst v63  }
0xcd: {  	p0 =	sne.s32 s31, $0x4800;
	_ =	swait.ge [sflag:s19], $0x4000  }
0xce: {  	[sflag:s19] =	ssyncset.done $0x0  }
0xcf: {  	s0 =	sadd.s32 $0x1400, s30;
	[sflag:s19] =	ssyncadd.s32 $0xFFFFC000  }
0xd0: {  	[spmem:s3] =	stream.indirect.scatter.add.f32 [tilespmem:s17], [sflag:$0x3], $0x80, s0, s16, $0xb8;
	[tilespmem:$0x1E800] =	vst v63  }
0xd1: {  	_ =	swait.ge [sflag:s12], $0x4000  }
0xd2: {  	[sflag:s12] =	ssyncset.done $0x0  }
0xd3: {  	s0 =	sadd.s32 $0x100, s30;
	[sflag:s12] =	ssyncadd.s32 $0xFFFFC000  }
0xd4: {  	[tilespmem:s17], [sflag:$0x1] =	stream.indirect.gather [hbm4b:s9+s16], $0x80, s0, s16, $0xb8;
	[tilespmem:$0x1E800] =	vst v63  }
0xd5: {  	_ =	swait.ge [sflag:s20], $0x4000  }
.Ltmp2:
0xd6: {  	[sflag:s20] =	ssyncset.done $0x0;
	(pc) =	sbr.rel @p0 .LBB2_6-.Ltmp2, $4  }
0xd7: {  	s0 =	sadd.s32 $0x1480, s30;
	[sflag:s20] =	ssyncadd.s32 $0xFFFFC000  }
0xd8: {  	[spmem:s3] =	stream.indirect.scatter.add.f32 [tilespmem:s18], [sflag:$0x3], $0x80, s0, s16, $0xb8;
	[tilespmem:$0x1E800] =	vst v63  }
0xd9: {  	_ =	swait.ge [sflag:s12], $0x4000  }
0xda: {  	s31 =	smov.u32 s13;
	s30 =	sshra.s32 s1, $0x2;
	[sflag:s12] =	ssyncset.done $0x0  }
0xdb: {  	s0 =	sadd.s32 $0x80, s30;
	[sflag:s12] =	ssyncadd.s32 $0xFFFFC000  }
0xdc: {  	[tilespmem:s18], [sflag:$0x2] =	stream.indirect.gather [hbm4b:s9+s16], $0x80, s0, s16, $0xb8;
	[tilespmem:$0x1E800] =	vst v63  }
0xdd: {  	_ =	swait.ge [sflag:s19], $0x4000  }
0xde: {  	[sflag:s19] =	ssyncset.done $0x0  }
0xdf: {  	s1 =	sadd.s32 $0x1400, s30;
	[sflag:s19] =	ssyncadd.s32 $0xFFFFC000  }
0xe0: {  	[spmem:s3] =	stream.indirect.scatter.add.f32 [tilespmem:s17], [sflag:$0x3], $0x80, s1, s16, $0xb8;
	[tilespmem:$0x1E800] =	vst v63  }
0xe1: {  	_ =	swait.ge [sflag:s12], $0x4000  }
0xe2: {  	[sflag:s12] =	ssyncset.done $0x0  }
0xe3: {  	s13 =	sadd.s32 $0x100, s30;
	[sflag:s12] =	ssyncadd.s32 $0xFFFFC000  }
0xe4: {  	[tilespmem:s17], [sflag:$0x1] =	stream.indirect.gather [hbm4b:s9+s16], $0x80, s13, s16, $0xb8;
	[tilespmem:$0x1E800] =	vst v63  }
0xe5: {  	_ =	swait.ge [sflag:s20], $0x4000  }
0xe6: {  	[sflag:s20] =	ssyncset.done $0x0  }
0xe7: {  	s1 =	sadd.s32 $0x1480, s30;
	[sflag:s20] =	ssyncadd.s32 $0xFFFFC000  }
0xe8: {  	[spmem:s3] =	stream.indirect.scatter.add.f32 [tilespmem:s18], [sflag:$0x3], $0x80, s1, s16, $0xb8;
	[tilespmem:$0x1E800] =	vst v63  }
0xe9: {  	_ =	swait.ge [sflag:s12], $0x4000  }
0xea: {  	[sflag:s12] =	ssyncset.done $0x0  }
0xeb: {  	[sflag:s12] =	ssyncadd.s32 $0xFFFFC000  }
0xec: {  	[tilespmem:s18], [sflag:$0x2] =	stream.indirect.gather [hbm4b:s9+s16], $0x80, s25, s16, $0xb8;
	[tilespmem:$0x1E800] =	vst v63  }
0xed: {  	_ =	swait.ge [sflag:s19], $0x4000  }
0xee: {  	[sflag:s19] =	ssyncset.done $0x0  }
0xef: {  	[sflag:s19] =	ssyncadd.s32 $0xFFFFC000  }
0xf0: {  	[spmem:s3] =	stream.indirect.scatter.add.f32 [tilespmem:s17], [sflag:$0x3], $0x80, s26, s16, $0xb8;
	[tilespmem:$0x1E800] =	vst v63  }
0xf1: {  	_ =	swait.ge [sflag:s12], $0x4000  }
0xf2: {  	[sflag:s12] =	ssyncset.done $0x0  }
0xf3: {  	[sflag:s12] =	ssyncadd.s32 $0xFFFFC000  }
0xf4: {  	_ =	swait.ge [sflag:s20], $0x4000  }
0xf5: {  	[sflag:s20] =	ssyncset.done $0x0  }
0xf6: {  	[sflag:s20] =	ssyncadd.s32 $0xFFFFC000  }
0xf7: {  	[spmem:s3] =	stream.indirect.scatter.add.f32 [tilespmem:s18], [sflag:$0x3], $0x80, s28, s16, $0xb8;
	[tilespmem:$0x1E800] =	vst v63  }
0xf8: {  	_ =	swait.ge [sflag:s12], $0x4000  }
0xf9: {  	[sflag:s12] =	ssyncset.done $0x0  }
0xfa: {  	[sflag:s12] =	ssyncadd.s32 $0xFFFFC000  }
0xfb: {  	[bflag:$0x0] =	sbarrier.arrive $0xFFFF  }
0xfc: {  	[hbm:s23], [sflag:s14] =	dma.local [spmem:s15], $0x2800  }
0xfd: {  	_ =	swait.ge [sflag:s12], $0x2800  }
0xfe: {  	[sflag:s12] =	ssyncset.done $0x0  }
0xff: {  	[sflag:s12] =	ssyncadd.s32 $0xFFFFD800  }
0x100: {  	[spmem:s15], [sflag:s14] =	dma.local [hbm:s2], $0x2800  }
0x101: {  	_ =	swait.ge [sflag:s12], $0x2800  }
0x102: {  	[sflag:s12] =	ssyncset.done $0x0  }
0x103: {  	[sflag:s12] =	ssyncadd.s32 $0xFFFFD800  }
0x104: {  	s13 =	simm.s32 $0x0;
	[bflag:$0x0] =	sbarrier.arrive $0xFFFF  }
0x105: {  	[tilespmem:s17], [sflag:$0x1] =	stream.indirect.gather [hbm4b:s10+s16], $0x80, s13, s16, $0xb8;
	[tilespmem:$0x1E800] =	vst v63  }
0x106: {  	s1 =	simm.s32 $0x80  }
0x107: {  	[tilespmem:s18], [sflag:$0x2] =	stream.indirect.gather [hbm4b:s10+s16], $0x80, s1, s16, $0xb8;
	[tilespmem:$0x1E800] =	vst v63  }
0x108: {  	_ =	swait.ge [sflag:s19], $0x4000  }
0x109: {  	[sflag:s19] =	ssyncset.done $0x0  }
0x10a: {  	s13 =	simm.s32 $0x1400;
	[sflag:s19] =	ssyncadd.s32 $0xFFFFC000  }
0x10b: {  	[spmem:s3] =	stream.indirect.scatter.add.f32 [tilespmem:s17], [sflag:$0x3], $0x80, s13, s16, $0xb8;
	[tilespmem:$0x1E800] =	vst v63  }
0x10c: {  	_ =	swait.ge [sflag:s12], $0x4000  }
0x10d: {  	[sflag:s12] =	ssyncset.done $0x0  }
0x10e: {  	s1 =	simm.s32 $0x100;
	[sflag:s12] =	ssyncadd.s32 $0xFFFFC000  }
0x10f: {  	[tilespmem:s17], [sflag:$0x1] =	stream.indirect.gather [hbm4b:s10+s16], $0x80, s1, s16, $0xb8;
	[tilespmem:$0x1E800] =	vst v63  }
0x110: {  	_ =	swait.ge [sflag:s20], $0x4000  }
0x111: {  	[sflag:s20] =	ssyncset.done $0x0  }
0x112: {  	s13 =	simm.s32 $0x1480;
	[sflag:s20] =	ssyncadd.s32 $0xFFFFC000  }
0x113: {  	[spmem:s3] =	stream.indirect.scatter.add.f32 [tilespmem:s18], [sflag:$0x3], $0x80, s13, s16, $0xb8;
	[tilespmem:$0x1E800] =	vst v63  }
0x114: {  	_ =	swait.ge [sflag:s12], $0x4000  }
0x115: {  	s31 =	simm.s32 $0x800;
	s30 =	simm.s32 $0x100;
	[sflag:s12] =	ssyncset.done $0x0  }
.LBB2_8:
0x116: {  	s0 =	sadd.s32 $0x80, s30  }
0x117: {  	[sflag:s12] =	ssyncadd.s32 $0xFFFFC000;
	s1 =	smov.u32 s31;
	s13 =	sadd.s32 $0x400, s31  }
0x118: {  	[tilespmem:s18], [sflag:$0x2] =	stream.indirect.gather [hbm4b:s10+s16], $0x80, s0, s16, $0xb8;
	[tilespmem:$0x1E800] =	vst v63  }
0x119: {  	p0 =	sne.s32 s31, $0x4800;
	_ =	swait.ge [sflag:s19], $0x4000  }
0x11a: {  	[sflag:s19] =	ssyncset.done $0x0  }
0x11b: {  	s0 =	sadd.s32 $0x1400, s30;
	[sflag:s19] =	ssyncadd.s32 $0xFFFFC000  }
0x11c: {  	[spmem:s3] =	stream.indirect.scatter.add.f32 [tilespmem:s17], [sflag:$0x3], $0x80, s0, s16, $0xb8;
	[tilespmem:$0x1E800] =	vst v63  }
0x11d: {  	_ =	swait.ge [sflag:s12], $0x4000  }
0x11e: {  	[sflag:s12] =	ssyncset.done $0x0  }
0x11f: {  	s0 =	sadd.s32 $0x100, s30;
	[sflag:s12] =	ssyncadd.s32 $0xFFFFC000  }
0x120: {  	[tilespmem:s17], [sflag:$0x1] =	stream.indirect.gather [hbm4b:s10+s16], $0x80, s0, s16, $0xb8;
	[tilespmem:$0x1E800] =	vst v63  }
0x121: {  	_ =	swait.ge [sflag:s20], $0x4000  }
.Ltmp3:
0x122: {  	[sflag:s20] =	ssyncset.done $0x0;
	(pc) =	sbr.rel @p0 .LBB2_8-.Ltmp3, $4  }
0x123: {  	s0 =	sadd.s32 $0x1480, s30;
	[sflag:s20] =	ssyncadd.s32 $0xFFFFC000  }
0x124: {  	[spmem:s3] =	stream.indirect.scatter.add.f32 [tilespmem:s18], [sflag:$0x3], $0x80, s0, s16, $0xb8;
	[tilespmem:$0x1E800] =	vst v63  }
0x125: {  	_ =	swait.ge [sflag:s12], $0x4000  }
0x126: {  	s31 =	smov.u32 s13;
	s30 =	sshra.s32 s1, $0x2;
	[sflag:s12] =	ssyncset.done $0x0  }
0x127: {  	s0 =	sadd.s32 $0x80, s30;
	[sflag:s12] =	ssyncadd.s32 $0xFFFFC000  }
0x128: {  	[tilespmem:s18], [sflag:$0x2] =	stream.indirect.gather [hbm4b:s10+s16], $0x80, s0, s16, $0xb8;
	[tilespmem:$0x1E800] =	vst v63  }
0x129: {  	_ =	swait.ge [sflag:s19], $0x4000  }
0x12a: {  	[sflag:s19] =	ssyncset.done $0x0  }
0x12b: {  	s1 =	sadd.s32 $0x1400, s30;
	[sflag:s19] =	ssyncadd.s32 $0xFFFFC000  }
0x12c: {  	[spmem:s3] =	stream.indirect.scatter.add.f32 [tilespmem:s17], [sflag:$0x3], $0x80, s1, s16, $0xb8;
	[tilespmem:$0x1E800] =	vst v63  }
0x12d: {  	_ =	swait.ge [sflag:s12], $0x4000  }
0x12e: {  	[sflag:s12] =	ssyncset.done $0x0  }
0x12f: {  	s13 =	sadd.s32 $0x100, s30;
	[sflag:s12] =	ssyncadd.s32 $0xFFFFC000  }
0x130: {  	[tilespmem:s17], [sflag:$0x1] =	stream.indirect.gather [hbm4b:s10+s16], $0x80, s13, s16, $0xb8;
	[tilespmem:$0x1E800] =	vst v63  }
0x131: {  	_ =	swait.ge [sflag:s20], $0x4000  }
0x132: {  	[sflag:s20] =	ssyncset.done $0x0  }
0x133: {  	s31 =	sadd.s32 $0x1480, s30;
	[sflag:s20] =	ssyncadd.s32 $0xFFFFC000  }
0x134: {  	[spmem:s3] =	stream.indirect.scatter.add.f32 [tilespmem:s18], [sflag:$0x3], $0x80, s31, s16, $0xb8;
	[tilespmem:$0x1E800] =	vst v63  }
0x135: {  	_ =	swait.ge [sflag:s12], $0x4000  }
0x136: {  	[sflag:s12] =	ssyncset.done $0x0  }
0x137: {  	[sflag:s12] =	ssyncadd.s32 $0xFFFFC000  }
0x138: {  	[tilespmem:s18], [sflag:$0x2] =	stream.indirect.gather [hbm4b:s10+s16], $0x80, s25, s16, $0xb8;
	[tilespmem:$0x1E800] =	vst v63  }
0x139: {  	_ =	swait.ge [sflag:s19], $0x4000  }
0x13a: {  	[sflag:s19] =	ssyncset.done $0x0  }
0x13b: {  	[sflag:s19] =	ssyncadd.s32 $0xFFFFC000  }
0x13c: {  	[spmem:s3] =	stream.indirect.scatter.add.f32 [tilespmem:s17], [sflag:$0x3], $0x80, s26, s16, $0xb8;
	[tilespmem:$0x1E800] =	vst v63  }
0x13d: {  	_ =	swait.ge [sflag:s12], $0x4000  }
0x13e: {  	[sflag:s12] =	ssyncset.done $0x0  }
0x13f: {  	[sflag:s12] =	ssyncadd.s32 $0xFFFFC000  }
0x140: {  	_ =	swait.ge [sflag:s20], $0x4000  }
0x141: {  	[sflag:s20] =	ssyncset.done $0x0  }
0x142: {  	[sflag:s20] =	ssyncadd.s32 $0xFFFFC000  }
0x143: {  	[spmem:s3] =	stream.indirect.scatter.add.f32 [tilespmem:s18], [sflag:$0x3], $0x80, s28, s16, $0xb8;
	[tilespmem:$0x1E800] =	vst v63  }
0x144: {  	_ =	swait.ge [sflag:s12], $0x4000  }
0x145: {  	s29 =	sadd.s32 $0x1, s29;
	[sflag:s12] =	ssyncset.done $0x0  }
0x146: {  	p0 =	sne.s32 s29, s11;
	[sflag:s12] =	ssyncadd.s32 $0xFFFFC000  }
.Ltmp4:
0x147: {  	[bflag:$0x0] =	sbarrier.arrive $0xFFFF;
	(pc) =	sbr.rel @p0 .LBB2_1-.Ltmp4, $4  }
0x148: {  	[hbm:s24], [sflag:s14] =	dma.local [spmem:s15], $0x2800  }
0x149: {  	_ =	swait.ge [sflag:s12], $0x2800  }
0x14a: {  	[sflag:s12] =	ssyncset.done $0x0  }
0x14b: {  	[sflag:s12] =	ssyncadd.s32 $0xFFFFD800  }
0x14c: {  	_ =	sfence.sel $0x180000  }
0x14d: {  	[bflag:$0x0] =	sbarrier.arrive $0xFFFF  }
0x14e: {  	_ =	strace $0x9000004D  }
0x14f: {  	s0 =	stileid.u32;
	[bflag:$0x2] =	sbarrier.arrive $0xFFFF  }
0x150: {  	p0 =	sne.s32 s0, $0x0;
	s0 =	rddreg [dreg:$0x3]  }
0x151: {  	s0 =	sadd.s32 @!p0 $0x100000, s0  }
0x152: {  	[sflag:s0] =	ssyncadd.tile.s32 @!p0 $0x1;
	_ =	shalt  }
.Lfunc_end2:
_tile_overlayer_lowered:
.L_overlay_start_2:
0x153: {  	(tag) =	ssettag $0x2  }
0x154: {  	s0 =	rddreg [dreg:$0x0];
	s2 =	stileid.u32  }
0x155: {  	s1 =	rddreg [dreg:$0x1];
	p0 =	sne.s32 s2, $0x0  }
0x156: {  	s3 =	rddreg [dreg:$0x2];
	[bflag:$0x3] =	sbarrier.arrive $0xFFFF;
	s2 =	simm.s32 @!p0 $0x1C03  }
0x157: {  	[timem:s3], [sflag:s2] =	dma.local @!p0 [hbm:s0], s1  }
0x158: {  	s0 =	simm.s32 @!p0 $0x3  }
0x159: {  	_ =	swait.ge @!p0 [sflag:s0], s1  }
0x15a: {  	s1 =	ssub.s32 @!p0 $0x0, s1;
	[sflag:s0] =	ssyncset.done @!p0 $0x0  }
0x15b: {  	[sflag:s0] =	ssyncadd.s32 @!p0 s1  }
0x15c: {  	[bflag:$0x3] =	sbarrier.arrive $0xFFFF  }
0x15d: {  	_ =	shalt  }

// kernel: kernel.18.cloned.1.call-start
scs
__scs_entry_jumppad:
0x0: {  	(pc) =	sbr.rel $0x88, $3  }
0x1: {  	(tag) =	ssettag $0x0;
	lr =	simm.s32 $0x1  }
0x2: {  	[smem:$0x3F95] =	sst lr;
	_ =	strace $0xD0000000  }
0x3: {  	_ = 	snop  }
0x4: {  	_ = 	snop  }
0x5: {  	_ = 	snop  }
0x6: {  	_ = 	snop  }
0x7: {  	_ = 	snop  }
__scs_overlays_trampoline_lowered:
0x8: {  	[smem:$0x3FA4] =	sst s0  }
0x9: {  	[smem:$0x3FA5] =	sst s1  }
0xa: {  	[smem:$0x3FA6] =	sst s2  }
0xb: {  	[smem:$0x3FA7] =	sst s3  }
0xc: {  	[smem:$0x3FA8] =	sst s4  }
0xd: {  	[smem:$0x3FA9] =	sst s5  }
0xe: {  	[smem:$0x3FAA] =	sst s6  }
0xf: {  	[smem:$0x3FAB] =	sst s7  }
0x10: {  	[smem:$0x3FAC] =	sst s8  }
0x11: {  	[smem:$0x3FAD] =	sst s9;
	s0 =	simm.s32 @!p0 $0x0  }
0x12: {  	s1 =	sld [smem:$0x3F93];
	s0 =	simm.s32 @p0 $0x1  }
0x13: {  	[smem:$0x3FAE] =	sst s0;
	s0 =	simm.s32 @!p1 $0x0  }
0x14: {  	s2 =	sld [smem:$0x3F92];
	s0 =	simm.s32 @p1 $0x1  }
0x15: {  	[smem:$0x3FAF] =	sst s0;
	s0 =	simm.s32 @!p2 $0x0  }
0x16: {  	s3 =	sld [smem:$0x3FDB];
	s0 =	simm.s32 @p2 $0x1  }
0x17: {  	s4 =	simm.s32 $0x1BF5;
	[smem:$0x3FB1] =	sst s0  }
0x18: {  	s0 =	sld [smem:$0x3F94];
	_ =	swait.ge [sflag:s4], $0x0  }
0x19: {  	s7 =	sld [smem:$0x3F95]  }
0x1a: {  	s8 =	sadd.s32 $0xFFFFE003, lr  }
0x1b: {  	s9 =	sadd.s32 $0xFFFFFEF7, lr;
	s5 =	simm.s32 $0xFFFFFFFF;
	p2 =	slt.u32 s8, $0xFFFFF086  }
0x1c: {  	p1 =	slt.u32 s9, $0xF7A;
	s5 =	simm.s32 @!p2 $0x0  }
0x1d: {  	s5 =	simm.s32 @p1 $0x1;
	p0 =	seq.s32 s7, s2  }
0x1e: {  	s7 =	smul.u32 @!p0 $0xF7A, s2;
	p2 =	seq.s32 @!p0 s5, $0x0  }
0x1f: {  	s9 =	smul.u32 $0xF7A, s1;
	s8 =	simm.s32 @!p0 $0x1BF5;
	p2 =	por !p2, p0  }
0x20: {  	[sflag:s8] =	ssyncset.s32 @!p0 $0xFFFFF086;
	s6 =	sadd.s32 @!p0 s3, s7;
	s7 =	simm.s32 @!p0 $0x108  }
0x21: {  	s3 =	sadd.s32 s3, s9;
	s6 =	sadd.s32 @!p0 $0x88, s6;
	s7 =	simm.s32 @p2 $0x1082  }
0x22: {  	[simem:s7], [sflag:s8] =	dma.local @!p0 [hbm:s6], $0xF7A  }
0x23: {  	s9 =	sor.u32 $0xD0000000, s2;
	s6 =	simm.s32 $0x108;
	_ =	swait.ge @!p0 [sflag:s8], $0x0  }
0x24: {  	s3 =	sadd.s32 $0x88, s3;
	s6 =	simm.s32 @!p1 $0x1082;
	[sflag:s4] =	ssyncset.s32 $0xFFFFF086  }
0x25: {  	[simem:s6], [sflag:s4] =	dma.local [hbm:s3], $0xF7A  }
0x26: {  	[smem:$0x3F95] =	sst s1;
	(tag) =	ssettag s2;
	_ =	strace s9  }
0x27: {  	s1 =	sld [smem:$0x3FA5]  }
0x28: {  	s2 =	sld [smem:$0x3FA6]  }
0x29: {  	s4 =	sld [smem:$0x3FA8]  }
0x2a: {  	p0 =	seq.s32 s5, $0x0;
	s5 =	sld [smem:$0x3FA9]  }
0x2b: {  	s6 =	sld [smem:$0x3FAA]  }
0x2c: {  	s7 =	sld [smem:$0x3FAB]  }
0x2d: {  	s3 =	simm.s32 $0x108;
	s8 =	sld [smem:$0x3FAC]  }
0x2e: {  	s3 =	simm.s32 @!p0 $0x1082;
	s9 =	sld [smem:$0x3FAD]  }
0x2f: {  	lr =	sadd.s32 s0, s3;
	s0 =	sld [smem:$0x3FA4]  }
0x30: {  	s3 =	sld [smem:$0x3FA7]  }
0x31: {  	[smem:$0x3FB0] =	sst s10  }
0x32: {  	s10 =	sld [smem:$0x3FAE];
	_ =	sdelay $0x3  }
0x33: {  	p0 =	seq.s32 s10, $0x1;
	s10 =	sld [smem:$0x3FB0];
	_ =	sdelay $0x3  }
0x34: {  	[smem:$0x3FB0] =	sst s10  }
0x35: {  	s10 =	sld [smem:$0x3FAF];
	_ =	sdelay $0x3  }
0x36: {  	p1 =	seq.s32 s10, $0x1;
	s10 =	sld [smem:$0x3FB0];
	_ =	sdelay $0x3  }
0x37: {  	[smem:$0x3FB0] =	sst s10  }
0x38: {  	s10 =	sld [smem:$0x3FB1]  }
0x39: {  	_ = 	snop;
	(pc) =	sbr.ind lr, $3  }
0x3a: {  	_ = 	snop  }
0x3b: {  	_ = 	snop  }
0x3c: {  	p2 =	seq.s32 s10, $0x1;
	s10 =	sld [smem:$0x3FB0]  }
0x3d: {  	_ =	shalt  }
0x3e: {  	_ =	shalt  }
0x3f: {  	_ =	shalt  }
0x40: {  	_ =	shalt  }
0x41: {  	_ =	shalt  }
0x42: {  	_ =	shalt  }
0x43: {  	_ =	shalt  }
0x44: {  	_ =	shalt  }
0x45: {  	_ =	shalt  }
0x46: {  	_ =	shalt  }
0x47: {  	_ =	shalt  }
0x48: {  	_ =	shalt  }
0x49: {  	_ =	shalt  }
0x4a: {  	_ =	shalt  }
0x4b: {  	_ =	shalt  }
0x4c: {  	_ =	shalt  }
0x4d: {  	_ =	shalt  }
0x4e: {  	_ =	shalt  }
0x4f: {  	_ =	shalt  }
0x50: {  	_ =	shalt  }
0x51: {  	_ =	shalt  }
0x52: {  	_ =	shalt  }
0x53: {  	_ =	shalt  }
0x54: {  	_ =	shalt  }
0x55: {  	_ =	shalt  }
0x56: {  	_ =	shalt  }
0x57: {  	_ =	shalt  }
0x58: {  	_ =	shalt  }
0x59: {  	_ =	shalt  }
0x5a: {  	_ =	shalt  }
0x5b: {  	_ =	shalt  }
0x5c: {  	_ =	shalt  }
0x5d: {  	_ =	shalt  }
0x5e: {  	_ =	shalt  }
0x5f: {  	_ =	shalt  }
0x60: {  	_ =	shalt  }
0x61: {  	_ =	shalt  }
0x62: {  	_ =	shalt  }
0x63: {  	_ =	shalt  }
0x64: {  	_ =	shalt  }
0x65: {  	_ =	shalt  }
0x66: {  	_ =	shalt  }
0x67: {  	_ =	shalt  }
0x68: {  	_ =	shalt  }
0x69: {  	_ =	shalt  }
0x6a: {  	_ =	shalt  }
0x6b: {  	_ =	shalt  }
0x6c: {  	_ =	shalt  }
0x6d: {  	_ =	shalt  }
0x6e: {  	_ =	shalt  }
0x6f: {  	_ =	shalt  }
0x70: {  	_ =	shalt  }
0x71: {  	_ =	shalt  }
0x72: {  	_ =	shalt  }
0x73: {  	_ =	shalt  }
0x74: {  	_ =	shalt  }
0x75: {  	_ =	shalt  }
0x76: {  	_ =	shalt  }
0x77: {  	_ =	shalt  }
0x78: {  	_ =	shalt  }
0x79: {  	_ =	shalt  }
0x7a: {  	_ =	shalt  }
0x7b: {  	_ =	shalt  }
0x7c: {  	_ =	shalt  }
0x7d: {  	_ =	shalt  }
0x7e: {  	_ =	shalt  }
0x7f: {  	_ =	shalt  }
0x80: {  	_ =	shalt  }
0x81: {  	_ =	shalt  }
0x82: {  	_ =	shalt  }
0x83: {  	_ =	shalt  }
0x84: {  	_ =	shalt  }
0x85: {  	_ =	shalt  }
0x86: {  	_ =	shalt  }
0x87: {  	_ =	shalt  }
.Lfunc_end0:
.L_simem_size_0:
called_computation.3_lowered:
.L_overlay_start_0:
0x88: {  	s2 =	sld [smem:$0x3FD9]  }
0x89: {  	s3 =	sld [smem:$0x3FFE];
	_ =	sdelay $0x1  }
0x8a: {  	s1 =	srdreg.scid  }
0x8b: {  	s0 =	sand.u32 $0x1, s1  }
0x8c: {  	s16 =	sshll.u32 s0, $0xA;
	s2 =	sadd.s32 s3, s2  }
0x8d: {  	s2 =	sadd.s32 s2, s16  }
0x8e: {  	[smem:$0x3FBC] =	sst s2  }
0x8f: {  	_ = 	snop  }
0x90: {  	(tm) =	ssettm $0x1  }
0x91: {  	s17 =	sld [smem:$0x3FFB];
	_ =	sdelay $0x3  }
0x92: {  	_ =	strace s17  }
0x93: {  	s2 =	sld [smem:$0x3FFC];
	_ =	sdelay $0x3  }
0x94: {  	_ =	strace s2  }
0x95: {  	s2 =	sld [smem:$0x3FFD];
	_ =	sdelay $0x3  }
0x96: {  	_ =	strace s2  }
0x97: {  	_ =	strace $0x8FFFFFFF  }
0x98: {  	s18 =	sld [smem:$0x3FDB];
	_ =	sdelay $0x1  }
0x99: {  	s19 =	simm.s32 $_scs_section_size  }
0x9a: {  	s4 =	simm.s32 $_size__tile_overlayer_lowered;
	s5 =	simm.s32 $_tile_overlayer_lowered  }
0x9b: {  	s22 =	simm.s32 $0x1BFF;
	s21 =	sshll.u32 s5, $0x1;
	s2 =	sadd.s32 s19, s18  }
0x9c: {  	s6 =	simm.s32 $0x0;
	s20 =	sshll.u32 s4, $0x1;
	s4 =	sadd.s32 s21, s2  }
0x9d: {  	[timem:s6], [sflag:s22] =	dma.local [hbm:s4], s20  }
0x9e: {  	_ =	swait.ge [sflag:s22], s20  }
0x9f: {  	s3 =	ssub.s32 $0x0, s20;
	[sflag:s22] =	ssyncset.done $0x0  }
0xa0: {  	[sflag:s22] =	ssyncadd.s32 s3;
	_ =	sdelay $0x1  }
0xa1: {  	s23 =	simm.s32 $0x1B8B  }
0xa2: {  	_ =	swait.ge [sflag:s23], $0x1  }
0xa3: {  	[sflag:s23] =	ssyncset.done $0x0  }
0xa4: {  	s25 =	simm.s32 $0x1B8E;
	s24 =	sld [smem:$0x3FFE];
	[sflag:s23] =	ssyncadd.s32 $0xFFFFFFFF  }
0xa5: {  	s26 =	simm.s32 $execute0_lowered;
	[smem:$0x3FD2] =	sst s25  }
0xa6: {  	s4 =	sshll.u32 s26, $0x1;
	_ =	strace $0x8000004F;
	[dreg:$0x1] =	wrdreg $0xFFFFFFFF  }
0xa7: {  	s28 =	simm.s32 $_size_execute0_lowered;
	s2 =	sadd.s32 s2, s4;
	[dreg:$0x0] =	wrdreg $0x0  }
0xa8: {  	s4 =	sshll.u32 s28, $0x1;
	[dreg:$0x2] =	wrdreg s2  }
0xa9: {  	[dreg:$0x3] =	wrdreg s4  }
0xaa: {  	[dreg:$0x4] =	wrdreg $0xC0  }
0xab: {  	_ =	task [dreg:s6], $0x5FFFF  }
0xac: {  	[dreg:$0x1] =	wrdreg $0xFFFFFFFF  }
0xad: {  	[dreg:$0x0] =	wrdreg $0x60  }
0xae: {  	[dreg:$0x2] =	wrdreg s24  }
0xaf: {  	[dreg:$0x3] =	wrdreg $0x48000  }
0xb0: {  	[dreg:$0x4] =	wrdreg $0x9  }
0xb1: {  	_ =	task.clear_ibuf [dreg:s6], $0x5FFFF;
	_ =	strace $0x9000004F  }
0xb2: {  	s29 =	simm.s32 $0x9;
	_ =	strace $0x80000051  }
0xb3: {  	_ =	swait.ge [sflag:s29], $0x1  }
0xb4: {  	[sflag:s29] =	ssyncadd.s32 $0xFFFFFFFF  }
0xb5: {  	_ =	strace $0x90000051  }
0xb6: {  	_ =	sfence  }
0xb7: {  	s30 =	sld [smem:$0x0];
	_ =	sdelay $0x2  }
0xb8: {  	s31 =	sshll.u32 s1, $0xD;
	s1 =	sshrl.u32 s1, $0x2  }
0xb9: {  	s3 =	sand.u32 $0x4000, s31;
	s1 =	sadd.s32 s1, s30  }
0xba: {  	s0 =	sor.u32 s3, s0;
	s1 =	sshll.u32 s1, $0x11  }
0xbb: {  	s0 =	sor.u32 s1, s0  }
0xbc: {  	s0 =	sadd.s32 $0x8F2B, s0  }
0xbd: {  	[sflag:s0] =	ssyncadd.remote.s32 $0x1  }
0xbe: {  	_ =	sfence.sel $0xFFFF  }
0xbf: {  	[dreg:$0x0] =	wrdreg $0xFFFFFFFF;
	(pc) =	sbr.abs _section_cstart, $3  }
0xc0: {  	[dreg:$0x1] =	wrdreg $0xFFFFFFFF  }
0xc1: {  	_ =	task.clear_ibuf [dreg:s6], $0x2FFFF;
	_ =	strace $0x9FFFFFFF  }
0xc2: {  	(tm) =	ssettm $0x7FFFFFFF  }
0xc3: {  	_ =	shalt  }
tec
execute0_lowered:
.L_overlay_start_1:
0x0: {  	(tag) =	ssettag $0x1  }
0x1: {  	s6 =	rddreg [dreg:$0x0]  }
0x2: {  	s2 =	rddreg [dreg:$0x1]  }
0x3: {  	s0 =	rddreg [dreg:$0x2]  }
0x4: {  	s4 =	srdreg.scid;
	s1 =	stileid.u32;
	s3 =	simm.s32 $0x0  }
0x5: {  	s13 =	simm.s32 $0x80;
	s14 =	simm.s32 $0x2800;
	s15 =	simm.s32 $0x3800  }
0x6: {  	s16 =	simm.s32 $0x1;
	s17 =	simm.s32 $0x2;
	s18 =	simm.s32 $0x1380  }
0x7: {  	s19 =	simm.s32 $0x2700;
	s20 =	simm.s32 $0x2780;
	s5 =	sand.u32 $0x1, s4  }
0x8: {  	s30 =	sshll.u32 s1, $0x1;
	[smem:$0x7FF] =	sst s3;
	s11 =	smul.u32 $0x5000, s1  }
0x9: {  	s31 =	sshll.u32 s1, $0x6;
	s4 =	sor.u32 s5, s30;
	_ =	strace $0x80000050  }
0xa: {  	s8 =	smul.u32 $0xA000, s5;
	s9 =	ssub.s32 $0x2, s5;
	s5 =	sadd.s32 $0x16600, s6  }
0xb: {  	s7 =	smul.u32 $0x280, s4;
	s4 =	sadd.s32 $0x2800, s6;
	s10 =	sshrl.u32 s9, $0x1  }
0xc: {  	s12 =	sadd.s32 s11, s2;
	s22 =	sshrl.u32 s11, $0x3;
	s11 =	sor.u32 $0x1C03, s31  }
0xd: {  	s8 =	sadd.s32 s8, s6;
	s9 =	ssub.s32 s9, s10;
	s10 =	simm.s32 $0x1400  }
0xe: {  	s12 =	sshrl.u32 s12, $0x3;
	s7 =	sadd.s32 s7, s6;
	s21 =	sadd.s32 $0x17000, s8  }
0xf: {  	s8 =	smax.u32 s9, $0x1;
	s9 =	simm.s32 $0x3;
	s6 =	sadd.s32 $0x11600, s7  }
0x10: {  	s7 =	sadd.s32 $0xC600, s7;
	s21 =	sadd.s32 s22, s21;
	s22 =	simm.s32 $0x0  }
.LBB2_1:
0x11: {  	[tilespmem:s3], [sflag:$0x3] =	stream.linear.gather [hbm4b:s6+s3], $0x1400, $0x38;
	[tilespmem:$0x9800] =	vst v63  }
0x12: {  	_ =	swait.ge [sflag:s9], $0x1400  }
0x13: {  	[sflag:s9] =	ssyncset.done $0x0  }
0x14: {  	[sflag:s9] =	ssyncadd.s32 $0xFFFFEC00  }
0x15: {  	[tilespmem:s10], [sflag:$0x3] =	stream.linear.gather [hbm4b:s7+s3], $0x1400, $0x38;
	[tilespmem:$0x9800] =	vst v63  }
0x16: {  	_ =	swait.ge [sflag:s9], $0x1400  }
0x17: {  	[sflag:s9] =	ssyncset.done $0x0  }
0x18: {  	[sflag:s9] =	ssyncadd.s32 $0xFFFFEC00  }
0x19: {  	[spmem:s12], [sflag:s11] =	dma.local [hbm:s5], $0xA00  }
0x1a: {  	_ =	swait.ge [sflag:s9], $0xA00  }
0x1b: {  	[sflag:s9] =	ssyncset.done $0x0  }
0x1c: {  	[sflag:s9] =	ssyncadd.s32 $0xFFFFF600  }
0x1d: {  	[bflag:$0x0] =	sbarrier.arrive $0xFFFF  }
0x1e: {  	[tilespmem:s14], [sflag:$0x1] =	stream.indirect.gather [hbm4b:s4+s13], $0x20, s3, s13, $0xb8;
	[tilespmem:$0x9800] =	vst v63  }
0x1f: {  	s23 =	simm.s32 $0x80  }
0x20: {  	[tilespmem:s15], [sflag:$0x2] =	stream.indirect.gather [hbm4b:s4+s13], $0x20, s23, s13, $0xb8;
	[tilespmem:$0x9800] =	vst v63  }
0x21: {  	_ =	swait.ge [sflag:s16], $0x1000  }
0x22: {  	[sflag:s16] =	ssyncset.done $0x0  }
0x23: {  	s29 =	simm.s32 $0x1400;
	[sflag:s16] =	ssyncadd.s32 $0xFFFFF000  }
0x24: {  	[spmem:s2] =	stream.indirect.scatter.add.f32 [tilespmem:s14], [sflag:$0x3], $0x20, s29, s13, $0xb8;
	[tilespmem:$0x9800] =	vst v63  }
0x25: {  	_ =	swait.ge [sflag:s9], $0x1000  }
0x26: {  	[sflag:s9] =	ssyncset.done $0x0  }
0x27: {  	s30 =	simm.s32 $0x100;
	[sflag:s9] =	ssyncadd.s32 $0xFFFFF000  }
0x28: {  	[tilespmem:s14], [sflag:$0x1] =	stream.indirect.gather [hbm4b:s4+s13], $0x20, s30, s13, $0xb8;
	[tilespmem:$0x9800] =	vst v63  }
0x29: {  	_ =	swait.ge [sflag:s17], $0x1000  }
0x2a: {  	[sflag:s17] =	ssyncset.done $0x0  }
0x2b: {  	s31 =	simm.s32 $0x1480;
	[sflag:s17] =	ssyncadd.s32 $0xFFFFF000  }
0x2c: {  	[spmem:s2] =	stream.indirect.scatter.add.f32 [tilespmem:s15], [sflag:$0x3], $0x20, s31, s13, $0xb8;
	[tilespmem:$0x9800] =	vst v63  }
0x2d: {  	_ =	swait.ge [sflag:s9], $0x1000  }
0x2e: {  	s24 =	simm.s32 $0x800;
	s23 =	simm.s32 $0x100;
	[sflag:s9] =	ssyncset.done $0x0  }
.LBB2_2:
0x2f: {  	s25 =	sadd.s32 $0x80, s23  }
0x30: {  	[sflag:s9] =	ssyncadd.s32 $0xFFFFF000;
	s26 =	smov.u32 s24;
	s28 =	sadd.s32 $0x400, s24  }
0x31: {  	[tilespmem:s15], [sflag:$0x2] =	stream.indirect.gather [hbm4b:s4+s13], $0x20, s25, s13, $0xb8;
	[tilespmem:$0x9800] =	vst v63  }
0x32: {  	p0 =	sne.s32 s24, $0x4800;
	_ =	swait.ge [sflag:s16], $0x1000  }
0x33: {  	[sflag:s16] =	ssyncset.done $0x0  }
0x34: {  	s24 =	sadd.s32 $0x1400, s23;
	[sflag:s16] =	ssyncadd.s32 $0xFFFFF000  }
0x35: {  	[spmem:s2] =	stream.indirect.scatter.add.f32 [tilespmem:s14], [sflag:$0x3], $0x20, s24, s13, $0xb8;
	[tilespmem:$0x9800] =	vst v63  }
0x36: {  	_ =	swait.ge [sflag:s9], $0x1000  }
0x37: {  	[sflag:s9] =	ssyncset.done $0x0  }
0x38: {  	s24 =	sadd.s32 $0x100, s23;
	[sflag:s9] =	ssyncadd.s32 $0xFFFFF000  }
0x39: {  	[tilespmem:s14], [sflag:$0x1] =	stream.indirect.gather [hbm4b:s4+s13], $0x20, s24, s13, $0xb8;
	[tilespmem:$0x9800] =	vst v63  }
0x3a: {  	_ =	swait.ge [sflag:s17], $0x1000  }
.Ltmp0:
0x3b: {  	[sflag:s17] =	ssyncset.done $0x0;
	(pc) =	sbr.rel @p0 .LBB2_2-.Ltmp0, $4  }
0x3c: {  	s23 =	sadd.s32 $0x1480, s23;
	[sflag:s17] =	ssyncadd.s32 $0xFFFFF000  }
0x3d: {  	[spmem:s2] =	stream.indirect.scatter.add.f32 [tilespmem:s15], [sflag:$0x3], $0x20, s23, s13, $0xb8;
	[tilespmem:$0x9800] =	vst v63  }
0x3e: {  	_ =	swait.ge [sflag:s9], $0x1000  }
0x3f: {  	s24 =	smov.u32 s28;
	s23 =	sshra.s32 s26, $0x2;
	[sflag:s9] =	ssyncset.done $0x0  }
0x40: {  	s24 =	sadd.s32 $0x80, s23;
	[sflag:s9] =	ssyncadd.s32 $0xFFFFF000  }
0x41: {  	[tilespmem:s15], [sflag:$0x2] =	stream.indirect.gather [hbm4b:s4+s13], $0x20, s24, s13, $0xb8;
	[tilespmem:$0x9800] =	vst v63  }
0x42: {  	_ =	swait.ge [sflag:s16], $0x1000  }
0x43: {  	[sflag:s16] =	ssyncset.done $0x0  }
0x44: {  	s29 =	sadd.s32 $0x1400, s23;
	[sflag:s16] =	ssyncadd.s32 $0xFFFFF000  }
0x45: {  	[spmem:s2] =	stream.indirect.scatter.add.f32 [tilespmem:s14], [sflag:$0x3], $0x20, s29, s13, $0xb8;
	[tilespmem:$0x9800] =	vst v63  }
0x46: {  	_ =	swait.ge [sflag:s9], $0x1000  }
0x47: {  	[sflag:s9] =	ssyncset.done $0x0  }
0x48: {  	s30 =	sadd.s32 $0x100, s23;
	[sflag:s9] =	ssyncadd.s32 $0xFFFFF000  }
0x49: {  	[tilespmem:s14], [sflag:$0x1] =	stream.indirect.gather [hbm4b:s4+s13], $0x20, s30, s13, $0xb8;
	[tilespmem:$0x9800] =	vst v63  }
0x4a: {  	_ =	swait.ge [sflag:s17], $0x1000  }
0x4b: {  	[sflag:s17] =	ssyncset.done $0x0  }
0x4c: {  	s31 =	sadd.s32 $0x1480, s23;
	[sflag:s17] =	ssyncadd.s32 $0xFFFFF000  }
0x4d: {  	[spmem:s2] =	stream.indirect.scatter.add.f32 [tilespmem:s15], [sflag:$0x3], $0x20, s31, s13, $0xb8;
	[tilespmem:$0x9800] =	vst v63  }
0x4e: {  	_ =	swait.ge [sflag:s9], $0x1000  }
0x4f: {  	[sflag:s9] =	ssyncset.done $0x0  }
0x50: {  	[sflag:s9] =	ssyncadd.s32 $0xFFFFF000  }
0x51: {  	[tilespmem:s15], [sflag:$0x2] =	stream.indirect.gather [hbm4b:s4+s13], $0x20, s18, s13, $0xb8;
	[tilespmem:$0x9800] =	vst v63  }
0x52: {  	_ =	swait.ge [sflag:s16], $0x1000  }
0x53: {  	[sflag:s16] =	ssyncset.done $0x0  }
0x54: {  	[sflag:s16] =	ssyncadd.s32 $0xFFFFF000  }
0x55: {  	[spmem:s2] =	stream.indirect.scatter.add.f32 [tilespmem:s14], [sflag:$0x3], $0x20, s19, s13, $0xb8;
	[tilespmem:$0x9800] =	vst v63  }
0x56: {  	_ =	swait.ge [sflag:s9], $0x1000  }
0x57: {  	[sflag:s9] =	ssyncset.done $0x0  }
0x58: {  	[sflag:s9] =	ssyncadd.s32 $0xFFFFF000  }
0x59: {  	_ =	swait.ge [sflag:s17], $0x1000  }
0x5a: {  	[sflag:s17] =	ssyncset.done $0x0  }
0x5b: {  	[sflag:s17] =	ssyncadd.s32 $0xFFFFF000  }
0x5c: {  	[spmem:s2] =	stream.indirect.scatter.add.f32 [tilespmem:s15], [sflag:$0x3], $0x20, s20, s13, $0xb8;
	[tilespmem:$0x9800] =	vst v63  }
0x5d: {  	_ =	swait.ge [sflag:s9], $0x1000  }
0x5e: {  	s22 =	sadd.s32 $0x1, s22;
	[sflag:s9] =	ssyncset.done $0x0  }
0x5f: {  	p0 =	sne.s32 s22, s8;
	[sflag:s9] =	ssyncadd.s32 $0xFFFFF000  }
.Ltmp1:
0x60: {  	[bflag:$0x0] =	sbarrier.arrive $0xFFFF;
	(pc) =	sbr.rel @p0 .LBB2_1-.Ltmp1, $4  }
0x61: {  	[hbm:s21], [sflag:s11] =	dma.local [spmem:s12], $0xA00  }
0x62: {  	_ =	swait.ge [sflag:s9], $0xA00  }
0x63: {  	[sflag:s9] =	ssyncset.done $0x0  }
0x64: {  	[sflag:s9] =	ssyncadd.s32 $0xFFFFF600  }
0x65: {  	_ =	sfence.sel $0x180000  }
0x66: {  	[bflag:$0x0] =	sbarrier.arrive $0xFFFF  }
0x67: {  	p0 =	sne.s32 s1, $0x0;
	_ =	strace $0x90000050  }
0x68: {  	s0 =	sadd.s32 @!p0 $0x100000, s0;
	[bflag:$0x2] =	sbarrier.arrive $0xFFFF  }
0x69: {  	[sflag:s0] =	ssyncadd.tile.s32 @!p0 $0x1;
	_ =	shalt  }
.Lfunc_end2:
_tile_overlayer_lowered:
.L_overlay_start_2:
0x6a: {  	(tag) =	ssettag $0x2  }
0x6b: {  	s0 =	rddreg [dreg:$0x0];
	s2 =	stileid.u32  }
0x6c: {  	s1 =	rddreg [dreg:$0x1];
	p0 =	sne.s32 s2, $0x0  }
0x6d: {  	s3 =	rddreg [dreg:$0x2];
	[bflag:$0x3] =	sbarrier.arrive $0xFFFF;
	s2 =	simm.s32 @!p0 $0x1C03  }
0x6e: {  	[timem:s3], [sflag:s2] =	dma.local @!p0 [hbm:s0], s1  }
0x6f: {  	s0 =	simm.s32 @!p0 $0x3  }
0x70: {  	_ =	swait.ge @!p0 [sflag:s0], s1  }
0x71: {  	s1 =	ssub.s32 @!p0 $0x0, s1;
	[sflag:s0] =	ssyncset.done @!p0 $0x0  }
0x72: {  	[sflag:s0] =	ssyncadd.s32 @!p0 s1  }
0x73: {  	[bflag:$0x3] =	sbarrier.arrive $0xFFFF  }
0x74: {  	_ =	shalt  }

// kernel: kernel.9.cloned.1.call-start
scs
__scs_entry_jumppad:
0x0: {  	(pc) =	sbr.rel $0x88, $3  }
0x1: {  	(tag) =	ssettag $0x0;
	lr =	simm.s32 $0x1  }
0x2: {  	[smem:$0x3F95] =	sst lr;
	_ =	strace $0xD0000000  }
0x3: {  	_ = 	snop  }
0x4: {  	_ = 	snop  }
0x5: {  	_ = 	snop  }
0x6: {  	_ = 	snop  }
0x7: {  	_ = 	snop  }
__scs_overlays_trampoline_lowered:
0x8: {  	[smem:$0x3FA4] =	sst s0  }
0x9: {  	[smem:$0x3FA5] =	sst s1  }
0xa: {  	[smem:$0x3FA6] =	sst s2  }
0xb: {  	[smem:$0x3FA7] =	sst s3  }
0xc: {  	[smem:$0x3FA8] =	sst s4  }
0xd: {  	[smem:$0x3FA9] =	sst s5  }
0xe: {  	[smem:$0x3FAA] =	sst s6  }
0xf: {  	[smem:$0x3FAB] =	sst s7  }
0x10: {  	[smem:$0x3FAC] =	sst s8  }
0x11: {  	[smem:$0x3FAD] =	sst s9;
	s0 =	simm.s32 @!p0 $0x0  }
0x12: {  	s1 =	sld [smem:$0x3F93];
	s0 =	simm.s32 @p0 $0x1  }
0x13: {  	[smem:$0x3FAE] =	sst s0;
	s0 =	simm.s32 @!p1 $0x0  }
0x14: {  	s2 =	sld [smem:$0x3F92];
	s0 =	simm.s32 @p1 $0x1  }
0x15: {  	[smem:$0x3FAF] =	sst s0;
	s0 =	simm.s32 @!p2 $0x0  }
0x16: {  	s3 =	sld [smem:$0x3FDB];
	s0 =	simm.s32 @p2 $0x1  }
0x17: {  	s4 =	simm.s32 $0x1BF5;
	[smem:$0x3FB1] =	sst s0  }
0x18: {  	s0 =	sld [smem:$0x3F94];
	_ =	swait.ge [sflag:s4], $0x0  }
0x19: {  	s7 =	sld [smem:$0x3F95]  }
0x1a: {  	s8 =	sadd.s32 $0xFFFFE003, lr  }
0x1b: {  	s9 =	sadd.s32 $0xFFFFFEF7, lr;
	s5 =	simm.s32 $0xFFFFFFFF;
	p2 =	slt.u32 s8, $0xFFFFF086  }
0x1c: {  	p1 =	slt.u32 s9, $0xF7A;
	s5 =	simm.s32 @!p2 $0x0  }
0x1d: {  	s5 =	simm.s32 @p1 $0x1;
	p0 =	seq.s32 s7, s2  }
0x1e: {  	s7 =	smul.u32 @!p0 $0xF7A, s2;
	p2 =	seq.s32 @!p0 s5, $0x0  }
0x1f: {  	s9 =	smul.u32 $0xF7A, s1;
	s8 =	simm.s32 @!p0 $0x1BF5;
	p2 =	por !p2, p0  }
0x20: {  	[sflag:s8] =	ssyncset.s32 @!p0 $0xFFFFF086;
	s6 =	sadd.s32 @!p0 s3, s7;
	s7 =	simm.s32 @!p0 $0x108  }
0x21: {  	s3 =	sadd.s32 s3, s9;
	s6 =	sadd.s32 @!p0 $0x88, s6;
	s7 =	simm.s32 @p2 $0x1082  }
0x22: {  	[simem:s7], [sflag:s8] =	dma.local @!p0 [hbm:s6], $0xF7A  }
0x23: {  	s9 =	sor.u32 $0xD0000000, s2;
	s6 =	simm.s32 $0x108;
	_ =	swait.ge @!p0 [sflag:s8], $0x0  }
0x24: {  	s3 =	sadd.s32 $0x88, s3;
	s6 =	simm.s32 @!p1 $0x1082;
	[sflag:s4] =	ssyncset.s32 $0xFFFFF086  }
0x25: {  	[simem:s6], [sflag:s4] =	dma.local [hbm:s3], $0xF7A  }
0x26: {  	[smem:$0x3F95] =	sst s1;
	(tag) =	ssettag s2;
	_ =	strace s9  }
0x27: {  	s1 =	sld [smem:$0x3FA5]  }
0x28: {  	s2 =	sld [smem:$0x3FA6]  }
0x29: {  	s4 =	sld [smem:$0x3FA8]  }
0x2a: {  	p0 =	seq.s32 s5, $0x0;
	s5 =	sld [smem:$0x3FA9]  }
0x2b: {  	s6 =	sld [smem:$0x3FAA]  }
0x2c: {  	s7 =	sld [smem:$0x3FAB]  }
0x2d: {  	s3 =	simm.s32 $0x108;
	s8 =	sld [smem:$0x3FAC]  }
0x2e: {  	s3 =	simm.s32 @!p0 $0x1082;
	s9 =	sld [smem:$0x3FAD]  }
0x2f: {  	lr =	sadd.s32 s0, s3;
	s0 =	sld [smem:$0x3FA4]  }
0x30: {  	s3 =	sld [smem:$0x3FA7]  }
0x31: {  	[smem:$0x3FB0] =	sst s10  }
0x32: {  	s10 =	sld [smem:$0x3FAE];
	_ =	sdelay $0x3  }
0x33: {  	p0 =	seq.s32 s10, $0x1;
	s10 =	sld [smem:$0x3FB0];
	_ =	sdelay $0x3  }
0x34: {  	[smem:$0x3FB0] =	sst s10  }
0x35: {  	s10 =	sld [smem:$0x3FAF];
	_ =	sdelay $0x3  }
0x36: {  	p1 =	seq.s32 s10, $0x1;
	s10 =	sld [smem:$0x3FB0];
	_ =	sdelay $0x3  }
0x37: {  	[smem:$0x3FB0] =	sst s10  }
0x38: {  	s10 =	sld [smem:$0x3FB1]  }
0x39: {  	_ = 	snop;
	(pc) =	sbr.ind lr, $3  }
0x3a: {  	_ = 	snop  }
0x3b: {  	_ = 	snop  }
0x3c: {  	p2 =	seq.s32 s10, $0x1;
	s10 =	sld [smem:$0x3FB0]  }
0x3d: {  	_ =	shalt  }
0x3e: {  	_ =	shalt  }
0x3f: {  	_ =	shalt  }
0x40: {  	_ =	shalt  }
0x41: {  	_ =	shalt  }
0x42: {  	_ =	shalt  }
0x43: {  	_ =	shalt  }
0x44: {  	_ =	shalt  }
0x45: {  	_ =	shalt  }
0x46: {  	_ =	shalt  }
0x47: {  	_ =	shalt  }
0x48: {  	_ =	shalt  }
0x49: {  	_ =	shalt  }
0x4a: {  	_ =	shalt  }
0x4b: {  	_ =	shalt  }
0x4c: {  	_ =	shalt  }
0x4d: {  	_ =	shalt  }
0x4e: {  	_ =	shalt  }
0x4f: {  	_ =	shalt  }
0x50: {  	_ =	shalt  }
0x51: {  	_ =	shalt  }
0x52: {  	_ =	shalt  }
0x53: {  	_ =	shalt  }
0x54: {  	_ =	shalt  }
0x55: {  	_ =	shalt  }
0x56: {  	_ =	shalt  }
0x57: {  	_ =	shalt  }
0x58: {  	_ =	shalt  }
0x59: {  	_ =	shalt  }
0x5a: {  	_ =	shalt  }
0x5b: {  	_ =	shalt  }
0x5c: {  	_ =	shalt  }
0x5d: {  	_ =	shalt  }
0x5e: {  	_ =	shalt  }
0x5f: {  	_ =	shalt  }
0x60: {  	_ =	shalt  }
0x61: {  	_ =	shalt  }
0x62: {  	_ =	shalt  }
0x63: {  	_ =	shalt  }
0x64: {  	_ =	shalt  }
0x65: {  	_ =	shalt  }
0x66: {  	_ =	shalt  }
0x67: {  	_ =	shalt  }
0x68: {  	_ =	shalt  }
0x69: {  	_ =	shalt  }
0x6a: {  	_ =	shalt  }
0x6b: {  	_ =	shalt  }
0x6c: {  	_ =	shalt  }
0x6d: {  	_ =	shalt  }
0x6e: {  	_ =	shalt  }
0x6f: {  	_ =	shalt  }
0x70: {  	_ =	shalt  }
0x71: {  	_ =	shalt  }
0x72: {  	_ =	shalt  }
0x73: {  	_ =	shalt  }
0x74: {  	_ =	shalt  }
0x75: {  	_ =	shalt  }
0x76: {  	_ =	shalt  }
0x77: {  	_ =	shalt  }
0x78: {  	_ =	shalt  }
0x79: {  	_ =	shalt  }
0x7a: {  	_ =	shalt  }
0x7b: {  	_ =	shalt  }
0x7c: {  	_ =	shalt  }
0x7d: {  	_ =	shalt  }
0x7e: {  	_ =	shalt  }
0x7f: {  	_ =	shalt  }
0x80: {  	_ =	shalt  }
0x81: {  	_ =	shalt  }
0x82: {  	_ =	shalt  }
0x83: {  	_ =	shalt  }
0x84: {  	_ =	shalt  }
0x85: {  	_ =	shalt  }
0x86: {  	_ =	shalt  }
0x87: {  	_ =	shalt  }
.Lfunc_end0:
.L_simem_size_0:
called_computation_lowered:
.L_overlay_start_0:
0x88: {  	s2 =	sld [smem:$0x3FD9]  }
0x89: {  	s3 =	sld [smem:$0x3FFE];
	_ =	sdelay $0x1  }
0x8a: {  	s1 =	srdreg.scid  }
0x8b: {  	s0 =	sand.u32 $0x1, s1  }
0x8c: {  	s16 =	sshll.u32 s0, $0xA;
	s2 =	sadd.s32 s3, s2  }
0x8d: {  	s2 =	sadd.s32 s2, s16  }
0x8e: {  	[smem:$0x3FBC] =	sst s2  }
0x8f: {  	_ = 	snop  }
0x90: {  	(tm) =	ssettm $0x1  }
0x91: {  	s17 =	sld [smem:$0x3FFB];
	_ =	sdelay $0x3  }
0x92: {  	_ =	strace s17  }
0x93: {  	s2 =	sld [smem:$0x3FFC];
	_ =	sdelay $0x3  }
0x94: {  	_ =	strace s2  }
0x95: {  	s2 =	sld [smem:$0x3FFD];
	_ =	sdelay $0x3  }
0x96: {  	_ =	strace s2  }
0x97: {  	_ =	strace $0x8FFFFFFF  }
0x98: {  	s18 =	sld [smem:$0x3FDB];
	_ =	sdelay $0x1  }
0x99: {  	s19 =	simm.s32 $_scs_section_size  }
0x9a: {  	s4 =	simm.s32 $_size__tile_overlayer_lowered;
	s5 =	simm.s32 $_tile_overlayer_lowered  }
0x9b: {  	s22 =	simm.s32 $0x1BFF;
	s21 =	sshll.u32 s5, $0x1;
	s2 =	sadd.s32 s19, s18  }
0x9c: {  	s6 =	simm.s32 $0x0;
	s20 =	sshll.u32 s4, $0x1;
	s4 =	sadd.s32 s21, s2  }
0x9d: {  	[timem:s6], [sflag:s22] =	dma.local [hbm:s4], s20  }
0x9e: {  	_ =	swait.ge [sflag:s22], s20  }
0x9f: {  	s3 =	ssub.s32 $0x0, s20;
	[sflag:s22] =	ssyncset.done $0x0  }
0xa0: {  	[sflag:s22] =	ssyncadd.s32 s3;
	_ =	sdelay $0x1  }
0xa1: {  	s23 =	simm.s32 $0x1B8B  }
0xa2: {  	_ =	swait.ge [sflag:s23], $0x1  }
0xa3: {  	[sflag:s23] =	ssyncset.done $0x0  }
0xa4: {  	s25 =	simm.s32 $0x1B8E;
	s24 =	sld [smem:$0x3FFE];
	[sflag:s23] =	ssyncadd.s32 $0xFFFFFFFF  }
0xa5: {  	s26 =	simm.s32 $execute0_lowered;
	[smem:$0x3FD2] =	sst s25  }
0xa6: {  	s4 =	sshll.u32 s26, $0x1;
	_ =	strace $0x80000046;
	[dreg:$0x1] =	wrdreg $0xFFFFFFFF  }
0xa7: {  	s28 =	simm.s32 $_size_execute0_lowered;
	s2 =	sadd.s32 s2, s4;
	[dreg:$0x0] =	wrdreg $0x0  }
0xa8: {  	s4 =	sshll.u32 s28, $0x1;
	[dreg:$0x2] =	wrdreg s2  }
0xa9: {  	[dreg:$0x3] =	wrdreg s4  }
0xaa: {  	[dreg:$0x4] =	wrdreg $0xC0  }
0xab: {  	_ =	task [dreg:s6], $0x5FFFF  }
0xac: {  	[dreg:$0x1] =	wrdreg $0xFFFFFFFF  }
0xad: {  	[dreg:$0x0] =	wrdreg $0x60  }
0xae: {  	[dreg:$0x2] =	wrdreg s24  }
0xaf: {  	[dreg:$0x3] =	wrdreg $0x48000  }
0xb0: {  	[dreg:$0x4] =	wrdreg $0x9  }
0xb1: {  	_ =	task.clear_ibuf [dreg:s6], $0x5FFFF;
	_ =	strace $0x90000046  }
0xb2: {  	s29 =	simm.s32 $0x9;
	_ =	strace $0x80000048  }
0xb3: {  	_ =	swait.ge [sflag:s29], $0x1  }
0xb4: {  	[sflag:s29] =	ssyncadd.s32 $0xFFFFFFFF  }
0xb5: {  	_ =	strace $0x90000048  }
0xb6: {  	_ =	sfence  }
0xb7: {  	s30 =	sld [smem:$0x0];
	_ =	sdelay $0x2  }
0xb8: {  	s31 =	sshll.u32 s1, $0xD;
	s1 =	sshrl.u32 s1, $0x2  }
0xb9: {  	s3 =	sand.u32 $0x4000, s31;
	s1 =	sadd.s32 s1, s30  }
0xba: {  	s0 =	sor.u32 s3, s0;
	s1 =	sshll.u32 s1, $0x11  }
0xbb: {  	s0 =	sor.u32 s1, s0  }
0xbc: {  	s0 =	sadd.s32 $0x8F2B, s0  }
0xbd: {  	[sflag:s0] =	ssyncadd.remote.s32 $0x1  }
0xbe: {  	_ =	sfence.sel $0xFFFF  }
0xbf: {  	[dreg:$0x0] =	wrdreg $0xFFFFFFFF;
	(pc) =	sbr.abs _section_cstart, $3  }
0xc0: {  	[dreg:$0x1] =	wrdreg $0xFFFFFFFF  }
0xc1: {  	_ =	task.clear_ibuf [dreg:s6], $0x2FFFF;
	_ =	strace $0x9FFFFFFF  }
0xc2: {  	(tm) =	ssettm $0x7FFFFFFF  }
0xc3: {  	_ =	shalt  }
tec
execute0_lowered:
.L_overlay_start_1:
0x0: {  	(tag) =	ssettag $0x1  }
0x1: {  	s6 =	rddreg [dreg:$0x0]  }
0x2: {  	s2 =	rddreg [dreg:$0x1]  }
0x3: {  	s0 =	rddreg [dreg:$0x2]  }
0x4: {  	s4 =	srdreg.scid;
	s1 =	stileid.u32;
	s3 =	simm.s32 $0x0  }
0x5: {  	s13 =	simm.s32 $0x80;
	s14 =	simm.s32 $0x2800;
	s15 =	simm.s32 $0x3800  }
0x6: {  	s16 =	simm.s32 $0x1;
	s17 =	simm.s32 $0x2;
	s18 =	simm.s32 $0x1380  }
0x7: {  	s19 =	simm.s32 $0x2700;
	s20 =	simm.s32 $0x2780;
	s5 =	sand.u32 $0x1, s4  }
0x8: {  	s30 =	sshll.u32 s1, $0x1;
	[smem:$0x7FF] =	sst s3;
	s11 =	smul.u32 $0x5000, s1  }
0x9: {  	s31 =	sshll.u32 s1, $0x6;
	s4 =	sor.u32 s5, s30;
	_ =	strace $0x80000047  }
0xa: {  	s8 =	smul.u32 $0xA000, s5;
	s9 =	ssub.s32 $0x2, s5;
	s5 =	sadd.s32 $0x16600, s6  }
0xb: {  	s7 =	smul.u32 $0x280, s4;
	s4 =	sadd.s32 $0x2800, s6;
	s10 =	sshrl.u32 s9, $0x1  }
0xc: {  	s12 =	sadd.s32 s11, s2;
	s22 =	sshrl.u32 s11, $0x3;
	s11 =	sor.u32 $0x1C03, s31  }
0xd: {  	s8 =	sadd.s32 s8, s6;
	s9 =	ssub.s32 s9, s10;
	s10 =	simm.s32 $0x1400  }
0xe: {  	s12 =	sshrl.u32 s12, $0x3;
	s7 =	sadd.s32 s7, s6;
	s21 =	sadd.s32 $0x17000, s8  }
0xf: {  	s8 =	smax.u32 s9, $0x1;
	s9 =	simm.s32 $0x3;
	s6 =	sadd.s32 $0x11600, s7  }
0x10: {  	s7 =	sadd.s32 $0xC600, s7;
	s21 =	sadd.s32 s22, s21;
	s22 =	simm.s32 $0x0  }
.LBB2_1:
0x11: {  	[tilespmem:s3], [sflag:$0x3] =	stream.linear.gather [hbm4b:s6+s3], $0x1400, $0x38;
	[tilespmem:$0x9800] =	vst v63  }
0x12: {  	_ =	swait.ge [sflag:s9], $0x1400  }
0x13: {  	[sflag:s9] =	ssyncset.done $0x0  }
0x14: {  	[sflag:s9] =	ssyncadd.s32 $0xFFFFEC00  }
0x15: {  	[tilespmem:s10], [sflag:$0x3] =	stream.linear.gather [hbm4b:s7+s3], $0x1400, $0x38;
	[tilespmem:$0x9800] =	vst v63  }
0x16: {  	_ =	swait.ge [sflag:s9], $0x1400  }
0x17: {  	[sflag:s9] =	ssyncset.done $0x0  }
0x18: {  	[sflag:s9] =	ssyncadd.s32 $0xFFFFEC00  }
0x19: {  	[spmem:s12], [sflag:s11] =	dma.local [hbm:s5], $0xA00  }
0x1a: {  	_ =	swait.ge [sflag:s9], $0xA00  }
0x1b: {  	[sflag:s9] =	ssyncset.done $0x0  }
0x1c: {  	[sflag:s9] =	ssyncadd.s32 $0xFFFFF600  }
0x1d: {  	[bflag:$0x0] =	sbarrier.arrive $0xFFFF  }
0x1e: {  	[tilespmem:s14], [sflag:$0x1] =	stream.indirect.gather [hbm4b:s4+s13], $0x20, s3, s13, $0xb8;
	[tilespmem:$0x9800] =	vst v63  }
0x1f: {  	s23 =	simm.s32 $0x80  }
0x20: {  	[tilespmem:s15], [sflag:$0x2] =	stream.indirect.gather [hbm4b:s4+s13], $0x20, s23, s13, $0xb8;
	[tilespmem:$0x9800] =	vst v63  }
0x21: {  	_ =	swait.ge [sflag:s16], $0x1000  }
0x22: {  	[sflag:s16] =	ssyncset.done $0x0  }
0x23: {  	s29 =	simm.s32 $0x1400;
	[sflag:s16] =	ssyncadd.s32 $0xFFFFF000  }
0x24: {  	[spmem:s2] =	stream.indirect.scatter.add.f32 [tilespmem:s14], [sflag:$0x3], $0x20, s29, s13, $0xb8;
	[tilespmem:$0x9800] =	vst v63  }
0x25: {  	_ =	swait.ge [sflag:s9], $0x1000  }
0x26: {  	[sflag:s9] =	ssyncset.done $0x0  }
0x27: {  	s30 =	simm.s32 $0x100;
	[sflag:s9] =	ssyncadd.s32 $0xFFFFF000  }
0x28: {  	[tilespmem:s14], [sflag:$0x1] =	stream.indirect.gather [hbm4b:s4+s13], $0x20, s30, s13, $0xb8;
	[tilespmem:$0x9800] =	vst v63  }
0x29: {  	_ =	swait.ge [sflag:s17], $0x1000  }
0x2a: {  	[sflag:s17] =	ssyncset.done $0x0  }
0x2b: {  	s31 =	simm.s32 $0x1480;
	[sflag:s17] =	ssyncadd.s32 $0xFFFFF000  }
0x2c: {  	[spmem:s2] =	stream.indirect.scatter.add.f32 [tilespmem:s15], [sflag:$0x3], $0x20, s31, s13, $0xb8;
	[tilespmem:$0x9800] =	vst v63  }
0x2d: {  	_ =	swait.ge [sflag:s9], $0x1000  }
0x2e: {  	s24 =	simm.s32 $0x800;
	s23 =	simm.s32 $0x100;
	[sflag:s9] =	ssyncset.done $0x0  }
.LBB2_2:
0x2f: {  	s25 =	sadd.s32 $0x80, s23  }
0x30: {  	[sflag:s9] =	ssyncadd.s32 $0xFFFFF000;
	s26 =	smov.u32 s24;
	s28 =	sadd.s32 $0x400, s24  }
0x31: {  	[tilespmem:s15], [sflag:$0x2] =	stream.indirect.gather [hbm4b:s4+s13], $0x20, s25, s13, $0xb8;
	[tilespmem:$0x9800] =	vst v63  }
0x32: {  	p0 =	sne.s32 s24, $0x4800;
	_ =	swait.ge [sflag:s16], $0x1000  }
0x33: {  	[sflag:s16] =	ssyncset.done $0x0  }
0x34: {  	s24 =	sadd.s32 $0x1400, s23;
	[sflag:s16] =	ssyncadd.s32 $0xFFFFF000  }
0x35: {  	[spmem:s2] =	stream.indirect.scatter.add.f32 [tilespmem:s14], [sflag:$0x3], $0x20, s24, s13, $0xb8;
	[tilespmem:$0x9800] =	vst v63  }
0x36: {  	_ =	swait.ge [sflag:s9], $0x1000  }
0x37: {  	[sflag:s9] =	ssyncset.done $0x0  }
0x38: {  	s24 =	sadd.s32 $0x100, s23;
	[sflag:s9] =	ssyncadd.s32 $0xFFFFF000  }
0x39: {  	[tilespmem:s14], [sflag:$0x1] =	stream.indirect.gather [hbm4b:s4+s13], $0x20, s24, s13, $0xb8;
	[tilespmem:$0x9800] =	vst v63  }
0x3a: {  	_ =	swait.ge [sflag:s17], $0x1000  }
.Ltmp0:
0x3b: {  	[sflag:s17] =	ssyncset.done $0x0;
	(pc) =	sbr.rel @p0 .LBB2_2-.Ltmp0, $4  }
0x3c: {  	s23 =	sadd.s32 $0x1480, s23;
	[sflag:s17] =	ssyncadd.s32 $0xFFFFF000  }
0x3d: {  	[spmem:s2] =	stream.indirect.scatter.add.f32 [tilespmem:s15], [sflag:$0x3], $0x20, s23, s13, $0xb8;
	[tilespmem:$0x9800] =	vst v63  }
0x3e: {  	_ =	swait.ge [sflag:s9], $0x1000  }
0x3f: {  	s24 =	smov.u32 s28;
	s23 =	sshra.s32 s26, $0x2;
	[sflag:s9] =	ssyncset.done $0x0  }
0x40: {  	s24 =	sadd.s32 $0x80, s23;
	[sflag:s9] =	ssyncadd.s32 $0xFFFFF000  }
0x41: {  	[tilespmem:s15], [sflag:$0x2] =	stream.indirect.gather [hbm4b:s4+s13], $0x20, s24, s13, $0xb8;
	[tilespmem:$0x9800] =	vst v63  }
0x42: {  	_ =	swait.ge [sflag:s16], $0x1000  }
0x43: {  	[sflag:s16] =	ssyncset.done $0x0  }
0x44: {  	s29 =	sadd.s32 $0x1400, s23;
	[sflag:s16] =	ssyncadd.s32 $0xFFFFF000  }
0x45: {  	[spmem:s2] =	stream.indirect.scatter.add.f32 [tilespmem:s14], [sflag:$0x3], $0x20, s29, s13, $0xb8;
	[tilespmem:$0x9800] =	vst v63  }
0x46: {  	_ =	swait.ge [sflag:s9], $0x1000  }
0x47: {  	[sflag:s9] =	ssyncset.done $0x0  }
0x48: {  	s30 =	sadd.s32 $0x100, s23;
	[sflag:s9] =	ssyncadd.s32 $0xFFFFF000  }
0x49: {  	[tilespmem:s14], [sflag:$0x1] =	stream.indirect.gather [hbm4b:s4+s13], $0x20, s30, s13, $0xb8;
	[tilespmem:$0x9800] =	vst v63  }
0x4a: {  	_ =	swait.ge [sflag:s17], $0x1000  }
0x4b: {  	[sflag:s17] =	ssyncset.done $0x0  }
0x4c: {  	s31 =	sadd.s32 $0x1480, s23;
	[sflag:s17] =	ssyncadd.s32 $0xFFFFF000  }
0x4d: {  	[spmem:s2] =	stream.indirect.scatter.add.f32 [tilespmem:s15], [sflag:$0x3], $0x20, s31, s13, $0xb8;
	[tilespmem:$0x9800] =	vst v63  }
0x4e: {  	_ =	swait.ge [sflag:s9], $0x1000  }
0x4f: {  	[sflag:s9] =	ssyncset.done $0x0  }
0x50: {  	[sflag:s9] =	ssyncadd.s32 $0xFFFFF000  }
0x51: {  	[tilespmem:s15], [sflag:$0x2] =	stream.indirect.gather [hbm4b:s4+s13], $0x20, s18, s13, $0xb8;
	[tilespmem:$0x9800] =	vst v63  }
0x52: {  	_ =	swait.ge [sflag:s16], $0x1000  }
0x53: {  	[sflag:s16] =	ssyncset.done $0x0  }
0x54: {  	[sflag:s16] =	ssyncadd.s32 $0xFFFFF000  }
0x55: {  	[spmem:s2] =	stream.indirect.scatter.add.f32 [tilespmem:s14], [sflag:$0x3], $0x20, s19, s13, $0xb8;
	[tilespmem:$0x9800] =	vst v63  }
0x56: {  	_ =	swait.ge [sflag:s9], $0x1000  }
0x57: {  	[sflag:s9] =	ssyncset.done $0x0  }
0x58: {  	[sflag:s9] =	ssyncadd.s32 $0xFFFFF000  }
0x59: {  	_ =	swait.ge [sflag:s17], $0x1000  }
0x5a: {  	[sflag:s17] =	ssyncset.done $0x0  }
0x5b: {  	[sflag:s17] =	ssyncadd.s32 $0xFFFFF000  }
0x5c: {  	[spmem:s2] =	stream.indirect.scatter.add.f32 [tilespmem:s15], [sflag:$0x3], $0x20, s20, s13, $0xb8;
	[tilespmem:$0x9800] =	vst v63  }
0x5d: {  	_ =	swait.ge [sflag:s9], $0x1000  }
0x5e: {  	s22 =	sadd.s32 $0x1, s22;
	[sflag:s9] =	ssyncset.done $0x0  }
0x5f: {  	p0 =	sne.s32 s22, s8;
	[sflag:s9] =	ssyncadd.s32 $0xFFFFF000  }
.Ltmp1:
0x60: {  	[bflag:$0x0] =	sbarrier.arrive $0xFFFF;
	(pc) =	sbr.rel @p0 .LBB2_1-.Ltmp1, $4  }
0x61: {  	[hbm:s21], [sflag:s11] =	dma.local [spmem:s12], $0xA00  }
0x62: {  	_ =	swait.ge [sflag:s9], $0xA00  }
0x63: {  	[sflag:s9] =	ssyncset.done $0x0  }
0x64: {  	[sflag:s9] =	ssyncadd.s32 $0xFFFFF600  }
0x65: {  	_ =	sfence.sel $0x180000  }
0x66: {  	[bflag:$0x0] =	sbarrier.arrive $0xFFFF  }
0x67: {  	p0 =	sne.s32 s1, $0x0;
	_ =	strace $0x90000047  }
0x68: {  	s0 =	sadd.s32 @!p0 $0x100000, s0;
	[bflag:$0x2] =	sbarrier.arrive $0xFFFF  }
0x69: {  	[sflag:s0] =	ssyncadd.tile.s32 @!p0 $0x1;
	_ =	shalt  }
.Lfunc_end2:
_tile_overlayer_lowered:
.L_overlay_start_2:
0x6a: {  	(tag) =	ssettag $0x2  }
0x6b: {  	s0 =	rddreg [dreg:$0x0];
	s2 =	stileid.u32  }
0x6c: {  	s1 =	rddreg [dreg:$0x1];
	p0 =	sne.s32 s2, $0x0  }
0x6d: {  	s3 =	rddreg [dreg:$0x2];
	[bflag:$0x3] =	sbarrier.arrive $0xFFFF;
	s2 =	simm.s32 @!p0 $0x1C03  }
0x6e: {  	[timem:s3], [sflag:s2] =	dma.local @!p0 [hbm:s0], s1  }
0x6f: {  	s0 =	simm.s32 @!p0 $0x3  }
0x70: {  	_ =	swait.ge @!p0 [sflag:s0], s1  }
0x71: {  	s1 =	ssub.s32 @!p0 $0x0, s1;
	[sflag:s0] =	ssyncset.done @!p0 $0x0  }
0x72: {  	[sflag:s0] =	ssyncadd.s32 @!p0 s1  }
0x73: {  	[bflag:$0x3] =	sbarrier.arrive $0xFFFF  }
0x74: {  	_ =	shalt  }

</sc_bundles>
